<compile_context>
chip_gen: v7x
topology: tpu7x:2x2x1
jax: 0.10.2.dev20260603
libtpu: 0.0.44.dev20260713+nightly
codegen_flags: <defaults>
</compile_context>

<pallas_src>
import functools

import jax
import jax.numpy as jnp
from jax import lax
from jax.experimental import pallas as pl
from jax.experimental.pallas import tpu as pltpu
from jax.experimental.pallas import tpu_sc as plsc

D = 1024
H = 16
DH = 64
NHASH = 4
NBKT = 32
HB = 16
BS = 64
EPS = 1e-5
_OW = DH + 64


def _qkv_body(x_ref, g_ref, b_ref, wqk_ref, wv_ref, qk_ref, v_ref):
    x = x_ref[...]
    mu = jnp.mean(x, -1, keepdims=True)
    var = jnp.mean((x - mu) ** 2, -1, keepdims=True)
    h = (x - mu) / jnp.sqrt(var + EPS) * g_ref[...] + b_ref[...]
    qk_ref[...] = jnp.dot(h, wqk_ref[...], preferred_element_type=jnp.float32)
    v_ref[...] = jnp.dot(h, wv_ref[...], preferred_element_type=jnp.float32)


def _qkv_proj(x2, g, b, Wqk, Wv, S, blk=256):
    grid = (S // blk,)
    return pl.pallas_call(
        _qkv_body,
        grid=grid,
        in_specs=[
            pl.BlockSpec((blk, D), lambda i: (i, 0)),
            pl.BlockSpec((1, D), lambda i: (0, 0)),
            pl.BlockSpec((1, D), lambda i: (0, 0)),
            pl.BlockSpec((D, D), lambda i: (0, 0)),
            pl.BlockSpec((D, D), lambda i: (0, 0)),
        ],
        out_specs=[
            pl.BlockSpec((blk, D), lambda i: (i, 0)),
            pl.BlockSpec((blk, D), lambda i: (i, 0)),
        ],
        out_shape=[
            jax.ShapeDtypeStruct((S, D), jnp.float32),
            jax.ShapeDtypeStruct((S, D), jnp.float32),
        ],
    )(x2, g.reshape(1, D), b.reshape(1, D), Wqk, Wv)


def _bucket_body(qk_ref, rot_ref, bid_ref):
    S = qk_ref.shape[1]
    r = jnp.dot(qk_ref[0], rot_ref[...], preferred_element_type=jnp.float32)
    cols = []
    for h in range(NHASH):
        seg = r[:, h * 2 * HB:(h + 1) * 2 * HB]
        b = jnp.argmax(seg, axis=-1, keepdims=True).astype(jnp.int32)
        cols.append(b + h * NBKT)
    bid_ref[0] = jnp.concatenate(cols, axis=-1)


def _bucket_ids(qk_heads, rotf, S):
    return pl.pallas_call(
        _bucket_body,
        grid=(H,),
        in_specs=[
            pl.BlockSpec((1, S, DH), lambda h: (h, 0, 0)),
            pl.BlockSpec((DH, NHASH * 2 * HB), lambda h: (0, 0)),
        ],
        out_specs=pl.BlockSpec((1, S, NHASH), lambda h: (h, 0, 0)),
        out_shape=jax.ShapeDtypeStruct((H, S, NHASH), jnp.int32),
    )(qk_heads, rotf)


def _attn_body(sqkv_ref, stc_ref, out_ref, *, nc, cb):
    ncb = nc // cb

    def prep(blk):
        qk = blk[..., :DH]
        v = blk[..., DH:]
        nrm = jnp.sqrt(jnp.sum(qk * qk, -1, keepdims=True)) + 1e-9
        return qk / nrm, v

    def body(i, _):
        c0 = i * cb
        blk = sqkv_ref[0, pl.ds(c0, cb)]
        q = blk[..., :DH]
        prev_c = jnp.where(c0 == 0, nc - 1, c0 - 1)
        pblk = sqkv_ref[0, pl.ds(prev_c, 1)]
        k_c, v_c = prep(blk)
        k_p1, v_p1 = prep(pblk)
        k_prev = jnp.concatenate([k_p1, k_c[:-1]], 0)
        v_prev = jnp.concatenate([v_p1, v_c[:-1]], 0)
        t_c = stc_ref[0, pl.ds(c0, cb)]
        t_p1 = stc_ref[0, pl.ds(prev_c, 1)]
        t_prev = jnp.concatenate([t_p1, t_c[:-1]], 0)
        bk = jnp.concatenate([k_c, k_prev], 1)
        bv = jnp.concatenate([v_c, v_prev], 1)
        bt = jnp.concatenate([t_c, t_prev], 1)
        dots = jax.lax.dot_general(
            q, bk, (((2,), (2,)), ((0,), (0,))),
            preferred_element_type=jnp.float32) * (DH ** -0.5)
        mask = t_c[:, :, None] == bt[:, None, :]
        dots = jnp.where(mask, -1e5, dots)
        m = jnp.max(dots, -1, keepdims=True)
        lse = m + jnp.log(jnp.sum(jnp.exp(dots - m), -1, keepdims=True))
        p = jnp.exp(dots - lse)
        o = jax.lax.dot_general(
            p, bv, (((2,), (1,)), ((0,), (0,))),
            preferred_element_type=jnp.float32)
        out_ref[0, pl.ds(c0, cb), :, :DH] = o
        out_ref[0, pl.ds(c0, cb), :, DH:DH + 1] = lse
        return 0

    jax.lax.fori_loop(0, ncb, body, 0)


def _attention(sqkv, stc, nc, cb=16):
    nh = sqkv.shape[0]
    body = functools.partial(_attn_body, nc=nc, cb=cb)
    return pl.pallas_call(
        body,
        grid=(nh,),
        in_specs=[
            pl.BlockSpec((1, nc, BS, 2 * DH), lambda h: (h, 0, 0, 0)),
            pl.BlockSpec((1, nc, BS), lambda h: (h, 0, 0)),
        ],
        out_specs=pl.BlockSpec((1, nc, BS, _OW), lambda h: (h, 0, 0, 0)),
        out_shape=jax.ShapeDtypeStruct((nh, nc, BS, _OW), jnp.float32),
    )(sqkv, stc)


def _comb_body(u_ref, wo_ref, base_ref, out_ref):
    h = pl.program_id(0)
    u = u_ref[0]
    so = u[..., :DH]
    sl = u[..., DH:DH + 1]
    m = jnp.max(sl, 0, keepdims=True)
    lse = m + jnp.log(jnp.sum(jnp.exp(sl - m), 0, keepdims=True))
    p = jnp.exp(sl - lse)
    o = jnp.sum(so * p, 0)
    acc = jnp.dot(o, wo_ref[0], preferred_element_type=jnp.float32)

    @pl.when(h == 0)
    def _():
        out_ref[...] = base_ref[...] + acc

    @pl.when(h != 0)
    def _():
        out_ref[...] += acc


def _combine_wo(u, wo3, base, S):
    nh = u.shape[0]
    return pl.pallas_call(
        _comb_body,
        grid=(nh,),
        in_specs=[
            pl.BlockSpec((1, NHASH, S, _OW), lambda h: (h, 0, 0, 0)),
            pl.BlockSpec((1, DH, D), lambda h: (h, 0, 0)),
            pl.BlockSpec((S, D), lambda h: (0, 0)),
        ],
        out_specs=pl.BlockSpec((S, D), lambda h: (0, 0)),
        out_shape=jax.ShapeDtypeStruct((S, D), jnp.float32),
        compiler_params=pltpu.CompilerParams(
            dimension_semantics=("arbitrary",)),
    )(u, wo3, base)


def _ffn_body(y1_ref, x2_ref, g_ref, b_ref, w1_ref, b1_ref, w2_ref, b2_ref,
              out_ref, *, add_y1):
    kb = pl.program_id(1)
    x = y1_ref[...]
    mu = jnp.mean(x, -1, keepdims=True)
    var = jnp.mean((x - mu) ** 2, -1, keepdims=True)
    hh = (x - mu) / jnp.sqrt(var + EPS) * g_ref[...] + b_ref[...]
    a = jnp.dot(hh, w1_ref[...], preferred_element_type=jnp.float32) + b1_ref[...]
    ge = 0.5 * a * (1.0 + jax.lax.erf(a * (2.0 ** -0.5)))
    part = jnp.dot(ge, w2_ref[...], preferred_element_type=jnp.float32)

    @pl.when(kb == 0)
    def _():
        base = x2_ref[...] + b2_ref[...]
        if add_y1:
            base = base + x
        out_ref[...] = base + part

    @pl.when(kb != 0)
    def _():
        out_ref[...] += part


def _ffn(y1, x2, g, b, W1, b1, W2, b2, S, add_y1, blk=256, kb=1024):
    DF = W1.shape[-1]
    body = functools.partial(_ffn_body, add_y1=add_y1)
    return pl.pallas_call(
        body,
        grid=(S // blk, DF // kb),
        in_specs=[
            pl.BlockSpec((blk, D), lambda i, j: (i, 0)),
            pl.BlockSpec((blk, D), lambda i, j: (i, 0)),
            pl.BlockSpec((1, D), lambda i, j: (0, 0)),
            pl.BlockSpec((1, D), lambda i, j: (0, 0)),
            pl.BlockSpec((D, kb), lambda i, j: (0, j)),
            pl.BlockSpec((1, kb), lambda i, j: (0, j)),
            pl.BlockSpec((kb, D), lambda i, j: (j, 0)),
            pl.BlockSpec((1, D), lambda i, j: (0, 0)),
        ],
        out_specs=pl.BlockSpec((blk, D), lambda i, j: (i, 0)),
        out_shape=jax.ShapeDtypeStruct((S, D), jnp.float32),
        compiler_params=pltpu.CompilerParams(
            dimension_semantics=("arbitrary", "arbitrary")),
    )(y1, x2, g.reshape(1, D), b.reshape(1, D), W1, b1.reshape(1, DF), W2,
      b2.reshape(1, D))


_NW = 32
_CHUNK = 512


def _sc_gather(table, idx, W, dtype=jnp.float32):
    N = idx.shape[0]
    n_per = N // _NW
    nch = n_per // _CHUNK
    mesh = plsc.VectorSubcoreMesh(core_axis_name="c", subcore_axis_name="s")

    @functools.partial(
        pl.kernel, mesh=mesh,
        out_type=jax.ShapeDtypeStruct((N, W), dtype),
        scratch_types=[
            pltpu.VMEM((_CHUNK,), jnp.int32),
            pltpu.VMEM((_CHUNK, W), dtype),
            pltpu.SemaphoreType.DMA,
        ],
    )
    def k(table_hbm, idx_hbm, out_hbm, idx_v, rows_v, sem):
        wid = lax.axis_index("s") * 2 + lax.axis_index("c")
        base = wid * n_per
        for c in range(nch):
            off = base + c * _CHUNK
            pltpu.sync_copy(idx_hbm.at[pl.ds(off, _CHUNK)], idx_v)
            pltpu.async_copy(table_hbm.at[idx_v], rows_v, sem).wait()
            pltpu.sync_copy(rows_v, out_hbm.at[pl.ds(off, _CHUNK)])

    return k(table, idx)


def _sc_scatter(rows, idx, W, dtype=jnp.float32):
    N = idx.shape[0]
    n_per = N // _NW
    nch = n_per // _CHUNK
    mesh = plsc.VectorSubcoreMesh(core_axis_name="c", subcore_axis_name="s")

    @functools.partial(
        pl.kernel, mesh=mesh,
        out_type=jax.ShapeDtypeStruct((N, W), dtype),
        scratch_types=[
            pltpu.VMEM((_CHUNK,), jnp.int32),
            pltpu.VMEM((_CHUNK, W), dtype),
            pltpu.SemaphoreType.DMA,
        ],
    )
    def k(rows_hbm, idx_hbm, out_hbm, idx_v, rows_v, sem):
        wid = lax.axis_index("s") * 2 + lax.axis_index("c")
        base = wid * n_per
        for c in range(nch):
            off = base + c * _CHUNK
            pltpu.sync_copy(idx_hbm.at[pl.ds(off, _CHUNK)], idx_v)
            pltpu.sync_copy(rows_hbm.at[pl.ds(off, _CHUNK)], rows_v)
            pltpu.async_copy(rows_v, out_hbm.at[idx_v], sem).wait()

    return k(rows, idx)


def _gather_rows(qkv, st, S):
    nh = qkv.shape[0]
    gidx = (st + (jnp.arange(nh, dtype=jnp.int32) * S)[:, None]).reshape(-1)
    out = _sc_gather(qkv.reshape(nh * S, 2 * DH), gidx, 2 * DH)
    return out.reshape(nh, st.shape[1], 2 * DH)


def _attn_layer(x1, x2, g, b, Wqk, Wv, Wo, bo, rot, S):
    nc = NHASH * NBKT
    n = NHASH * S
    qk2d, v2d = _qkv_proj(x2, g, b, Wqk, Wv, S)
    qkh = qk2d.reshape(S, H, DH).transpose(1, 0, 2)
    vh = v2d.reshape(S, H, DH).transpose(1, 0, 2)
    rotf = jnp.concatenate([rot, -rot], axis=-1).reshape(DH, NHASH * 2 * HB)
    bid = _bucket_ids(qkh, rotf, S)
    b_flat = bid.transpose(0, 2, 1).reshape(H, n)
    pos = (jnp.arange(n, dtype=jnp.int32) % S)
    keys = b_flat * S + pos[None, :]
    sticker = jnp.argsort(keys, axis=-1).astype(jnp.int32)
    st = (sticker % S).astype(jnp.int32)
    qkv = jnp.concatenate([qkh, vh], axis=-1)
    wo3 = Wo.reshape(H, DH, D)
    ng = 2
    gh = H // ng
    us = []
    for g in range(ng):
        hs = slice(g * gh, (g + 1) * gh)
        sqkv = _gather_rows(qkv[hs], st[hs], S).reshape(gh, nc, BS, 2 * DH)
        attn = _attention(sqkv, st[hs].reshape(gh, nc, BS), nc)
        didx = (sticker[hs]
                + (jnp.arange(gh, dtype=jnp.int32) * n)[:, None]).reshape(-1)
        u = _sc_scatter(attn.reshape(gh * n, _OW), didx, _OW)
        us.append(u.reshape(gh, NHASH, S, _OW))
    base = x1 + bo[None, :]
    for g in range(ng):
        hs = slice(g * gh, (g + 1) * gh)
        base = _combine_wo(us[g], wo3[hs], base, S)
    return base


def kernel(x, gf, bf, Wqk, Wv, Wo, bo, gg, bg, W1, b1, W2, b2, rot):
    S = x.shape[1]
    x1 = x[0]
    x2 = x[0]
    depth = gf.shape[0]
    for l in range(depth):
        y1 = _attn_layer(x1, x2, gf[l], bf[l], Wqk[l], Wv[l], Wo[l], bo[l],
                         rot[l], S)
        y2 = _ffn(y1, x2, gg[l], bg[l], W1[l], b1[l], W2[l], b2[l], S,
                  add_y1=(l == depth - 1))
        x1, x2 = y1, y2
    return x2[None]

# --- scband reference (transcript-rebuilt; emitter-appended) ---
"""Pipeline reference for scband-reformer-enc-4698694222592 (READ-ONLY COPY).

The authoritative reference and input builder live on the scoring server;
editing this copy changes nothing except your own understanding.
"""

import jax, jax.numpy as jnp
import numpy as np
from jax.scipy.special import logsumexp

B = 1; S = 2048; DIM = 1024; DEPTH = 2; HEADS = 16; DH = 64
BUCKET = 64; NHASH = 4; MULT = 4
NB = S // BUCKET


def layer_norm(x, g, b, eps=1e-5):
    mu = x.mean(-1, keepdims=True)
    var = ((x - mu) ** 2).mean(-1, keepdims=True)
    return (x - mu) / jnp.sqrt(var + eps) * g + b


def lsh_attend_one(qk, v, rot):
    # qk, v: [S, d]; rot: [d, n_hashes, n_buckets//2]
    S_, d = qk.shape
    n_hashes = rot.shape[1]
    nb = 2 * rot.shape[2]
    rotated = jnp.einsum('sd,dhr->hsr', qk, rot)
    rotated = jnp.concatenate([rotated, -rotated], axis=-1)
    buckets = jnp.argmax(rotated, axis=-1)  # [n_hashes, S]
    buckets = (buckets + jnp.arange(n_hashes)[:, None] * nb).reshape(-1)
    ticker = jnp.arange(n_hashes * S_)
    buckets_and_t = S_ * buckets + (ticker % S_)
    sticker = jnp.argsort(buckets_and_t)
    undo = jnp.argsort(sticker)
    st = sticker % S_
    sqk = qk[st]
    sv = v[st]
    bs = S_ // nb
    n_chunks = n_hashes * nb
    bq = sqk.reshape(n_chunks, bs, d)
    bk = sqk / (jnp.linalg.norm(sqk, axis=-1, keepdims=True) + 1e-9)
    bk = bk.reshape(n_chunks, bs, d)
    bv = sv.reshape(n_chunks, bs, d)
    bt = st.reshape(n_chunks, bs)
    # look one chunk back
    bk = jnp.concatenate([bk, jnp.roll(bk, 1, axis=0)], axis=1)
    bv = jnp.concatenate([bv, jnp.roll(bv, 1, axis=0)], axis=1)
    bkt = jnp.concatenate([bt, jnp.roll(bt, 1, axis=0)], axis=1)
    dots = jnp.einsum('cid,cjd->cij', bq, bk) / (d ** 0.5)
    self_mask = bt[:, :, None] == bkt[:, None, :]
    dots = jnp.where(self_mask, -1e5, dots)
    lse = logsumexp(dots, axis=-1, keepdims=True)
    p = jnp.exp(dots - lse)
    bo = jnp.einsum('cij,cjd->cid', p, bv)
    so = bo.reshape(-1, d)[undo].reshape(n_hashes, S_, d)
    sl = lse.reshape(-1)[undo].reshape(n_hashes, S_, 1)
    probs = jnp.exp(sl - logsumexp(sl, axis=0, keepdims=True))
    return (so * probs).sum(0)


def attn_block(x, g, b, Wqk, Wv, Wo, bo, rot):
    h = layer_norm(x, g, b)
    B_, S_, D_ = h.shape
    qk = (h @ Wqk).reshape(B_, S_, HEADS, DH).transpose(0, 2, 1, 3).reshape(B_ * HEADS, S_, DH)
    v = (h @ Wv).reshape(B_, S_, HEADS, DH).transpose(0, 2, 1, 3).reshape(B_ * HEADS, S_, DH)
    o = jax.vmap(lambda q_, v_: lsh_attend_one(q_, v_, rot))(qk, v)
    o = o.reshape(B_, HEADS, S_, DH).transpose(0, 2, 1, 3).reshape(B_, S_, D_)
    return o @ Wo + bo


def ff_block(x, g, b, W1, b1, W2, b2):
    # Chunking along dim -2 is mathematically identity for a pointwise FFN
    h = layer_norm(x, g, b)
    h = jax.nn.gelu(h @ W1 + b1, approximate=False)
    return h @ W2 + b2


def _forward(x, gf, bf, Wqk, Wv, Wo, bo, gg, bg, W1, b1, W2, b2, rot):
    xx = jnp.concatenate([x, x], axis=-1)
    x1, x2 = jnp.split(xx, 2, axis=-1)
    for l in range(DEPTH):
        y1 = x1 + attn_block(x2, gf[l], bf[l], Wqk[l], Wv[l], Wo[l], bo[l], rot[l])
        y2 = x2 + ff_block(y1, gg[l], bg[l], W1[l], b1[l], W2[l], b2[l])
        x1, x2 = y1, y2
    return x1 + x2


def setup_inputs(seed: int = 0):
    key = jax.random.key(seed)
    ks = jax.random.split(key, 8)
    def p(k, shape):
        return jax.random.normal(k, shape, dtype=jnp.float32) * 0.02
    return {
        'x': jax.random.normal(ks[0], (B, S, DIM), dtype=jnp.float32),
        'gf': jnp.ones((DEPTH, DIM), jnp.float32),
        'bf': jnp.zeros((DEPTH, DIM), jnp.float32),
        'Wqk': p(ks[1], (DEPTH, DIM, DIM)),
        'Wv': p(ks[2], (DEPTH, DIM, DIM)),
        'Wo': p(ks[3], (DEPTH, DIM, DIM)),
        'bo': jnp.zeros((DEPTH, DIM), jnp.float32),
        'gg': jnp.ones((DEPTH, DIM), jnp.float32),
        'bg': jnp.zeros((DEPTH, DIM), jnp.float32),
        'W1': p(ks[4], (DEPTH, DIM, DIM * MULT)),
        'b1': jnp.zeros((DEPTH, DIM * MULT), jnp.float32),
        'W2': p(ks[5], (DEPTH, DIM * MULT, DIM)),
        'b2': jnp.zeros((DEPTH, DIM), jnp.float32),
        'rot': jax.random.normal(ks[6], (DEPTH, DH, NHASH, NB // 2), dtype=jnp.float32),
    }


def reference(x, gf, bf, Wqk, Wv, Wo, bo, gg, bg, W1, b1, W2, b2, rot):
    return _forward(x, gf, bf, Wqk, Wv, Wo, bo, gg, bg, W1, b1, W2, b2, rot)

if __name__ == "__main__":
    import jax
    _d = setup_inputs()
    print(jax.jit(kernel)(*tuple(_d.values())))

</pallas_src>

<mosaic_0001>
#map = affine_map<(d0, d1) -> (0, 0)>
#map1 = affine_map<(d0, d1) -> (0)>
module attributes {stable_mosaic.version = 14 : i64} {
  func.func @k(%arg0: i32, %arg1: i32, %arg2: memref<16384x128xf32, #tpu.memory_space<hbm>>, %arg3: memref<65536xi32, #tpu.memory_space<hbm>>, %arg4: memref<65536x128xf32, #tpu.memory_space<hbm>>, %arg5: memref<512xi32, #tpu.memory_space<vmem>>, %arg6: memref<512x128xf32, #tpu.memory_space<vmem>>, %arg7: memref<!tpu.dma_semaphore, #tpu.memory_space<semaphore_mem>>) attributes {dimension_semantics = [#tpu.dimension_semantics<core_parallel>, #tpu.dimension_semantics<subcore_parallel>], iteration_bounds = array<i64: 2, 16>, scalar_prefetch = 0 : i64, scratch_operands = 3 : i64, tpu.core_type = #tpu.core_type<sc_vector_subcore>, window_params = [{transform_indices = #map}, {transform_indices = #map1}, {transform_indices = #map}]} {
    %mul3A = arith.constant 2 : i32
    %mul3A_0 = arith.muli %arg1, %mul3A : i32
    %add3A = arith.addi %mul3A_0, %arg0 : i32
    %mul3A_1 = arith.constant 2048 : i32
    %mul3A_2 = arith.muli %add3A, %mul3A_1 : i32
    %add3A_3 = arith.constant 0 : i32
    %add3A_4 = arith.addi %mul3A_2, %add3A_3 : i32
    "tpu.region"() ({
      %run_scoped3A = tpu.sem_alloc : memref<!tpu.dma_semaphore, #tpu.memory_space<semaphore_mem>>
      %dma_start3A_33 = tpu.memref_slice %arg3[%add3A_4] : memref<65536xi32, #tpu.memory_space<hbm>> -> memref<512xi32, #tpu.memory_space<hbm>>
      %dma_start3A_34 = tpu.memref_slice %arg3[%add3A_4] : memref<65536xi32, #tpu.memory_space<hbm>> -> memref<512xi32, #tpu.memory_space<hbm>>
      tpu.enqueue_dma source(%dma_start3A_34 : memref<512xi32, #tpu.memory_space<hbm>>) target(%arg5 : memref<512xi32, #tpu.memory_space<vmem>>) target_semaphore(%run_scoped3A : memref<!tpu.dma_semaphore, #tpu.memory_space<semaphore_mem>>)
      %dma_wait3A_35 = tpu.memref_slice %arg3[%add3A_4] : memref<65536xi32, #tpu.memory_space<hbm>> -> memref<512xi32, #tpu.memory_space<hbm>>
      %dma_wait3A_36 = tpu.memref_slice %arg3[%add3A_4] : memref<65536xi32, #tpu.memory_space<hbm>> -> memref<512xi32, #tpu.memory_space<hbm>>
      tpu.wait_dma2 semaphore(%run_scoped3A : memref<!tpu.dma_semaphore, #tpu.memory_space<semaphore_mem>>) src(%dma_wait3A_36 : memref<512xi32, #tpu.memory_space<hbm>>) dst(%arg5 : memref<512xi32, #tpu.memory_space<vmem>>)
      tpu.yield
    }) : () -> ()
    %dma_start3A = arith.constant 0 : i32
    %dma_start3A_5 = arith.constant 0 : i32
    %dma_start3A_6 = tpu.memref_slice %arg2[%dma_start3A, %dma_start3A_5] : memref<16384x128xf32, #tpu.memory_space<hbm>> -> memref<16384x128xf32, #tpu.memory_space<hbm>>
    tpu.enqueue_indirect_dma source(%dma_start3A_6 : memref<16384x128xf32, #tpu.memory_space<hbm>>) target(%arg6 : memref<512x128xf32, #tpu.memory_space<vmem>>) offsets(%arg5 : memref<512xi32, #tpu.memory_space<vmem>>) semaphore(%arg7 : memref<!tpu.dma_semaphore, #tpu.memory_space<semaphore_mem>>)
    %dma_wait3A = arith.constant 0 : i32
    %dma_wait3A_7 = arith.constant 0 : i32
    %dma_wait3A_8 = tpu.memref_slice %arg2[%dma_wait3A, %dma_wait3A_7] : memref<16384x128xf32, #tpu.memory_space<hbm>> -> memref<16384x128xf32, #tpu.memory_space<hbm>>
    tpu.wait_indirect_dma semaphore(%arg7 : memref<!tpu.dma_semaphore, #tpu.memory_space<semaphore_mem>>) src(%dma_wait3A_8 : memref<16384x128xf32, #tpu.memory_space<hbm>>) dst(%arg6 : memref<512x128xf32, #tpu.memory_space<vmem>>)
    "tpu.region"() ({
      %run_scoped3A = tpu.sem_alloc : memref<!tpu.dma_semaphore, #tpu.memory_space<semaphore_mem>>
      %dma_start3A_33 = arith.constant 0 : i32
      %dma_start3A_34 = tpu.memref_slice %arg4[%add3A_4, %dma_start3A_33] : memref<65536x128xf32, #tpu.memory_space<hbm>> -> memref<512x128xf32, #tpu.memory_space<hbm>>
      %dma_start3A_35 = arith.constant 0 : i32
      %dma_start3A_36 = tpu.memref_slice %arg4[%add3A_4, %dma_start3A_35] : memref<65536x128xf32, #tpu.memory_space<hbm>> -> memref<512x128xf32, #tpu.memory_space<hbm>>
      tpu.enqueue_dma source(%arg6 : memref<512x128xf32, #tpu.memory_space<vmem>>) target(%dma_start3A_36 : memref<512x128xf32, #tpu.memory_space<hbm>>) target_semaphore(%run_scoped3A : memref<!tpu.dma_semaphore, #tpu.memory_space<semaphore_mem>>)
      %dma_wait3A_37 = arith.constant 0 : i32
      %dma_wait3A_38 = tpu.memref_slice %arg4[%add3A_4, %dma_wait3A_37] : memref<65536x128xf32, #tpu.memory_space<hbm>> -> memref<512x128xf32, #tpu.memory_space<hbm>>
      %dma_wait3A_39 = arith.constant 0 : i32
      %dma_wait3A_40 = tpu.memref_slice %arg4[%add3A_4, %dma_wait3A_39] : memref<65536x128xf32, #tpu.memory_space<hbm>> -> memref<512x128xf32, #tpu.memory_space<hbm>>
      tpu.wait_dma2 semaphore(%run_scoped3A : memref<!tpu.dma_semaphore, #tpu.memory_space<semaphore_mem>>) src(%arg6 : memref<512x128xf32, #tpu.memory_space<vmem>>) dst(%dma_wait3A_40 : memref<512x128xf32, #tpu.memory_space<hbm>>)
      tpu.yield
    }) : () -> ()
    %add3A_9 = arith.constant 512 : i32
    %add3A_10 = arith.addi %mul3A_2, %add3A_9 : i32
    "tpu.region"() ({
      %run_scoped3A = tpu.sem_alloc : memref<!tpu.dma_semaphore, #tpu.memory_space<semaphore_mem>>
      %dma_start3A_33 = tpu.memref_slice %arg3[%add3A_10] : memref<65536xi32, #tpu.memory_space<hbm>> -> memref<512xi32, #tpu.memory_space<hbm>>
      %dma_start3A_34 = tpu.memref_slice %arg3[%add3A_10] : memref<65536xi32, #tpu.memory_space<hbm>> -> memref<512xi32, #tpu.memory_space<hbm>>
      tpu.enqueue_dma source(%dma_start3A_34 : memref<512xi32, #tpu.memory_space<hbm>>) target(%arg5 : memref<512xi32, #tpu.memory_space<vmem>>) target_semaphore(%run_scoped3A : memref<!tpu.dma_semaphore, #tpu.memory_space<semaphore_mem>>)
      %dma_wait3A_35 = tpu.memref_slice %arg3[%add3A_10] : memref<65536xi32, #tpu.memory_space<hbm>> -> memref<512xi32, #tpu.memory_space<hbm>>
      %dma_wait3A_36 = tpu.memref_slice %arg3[%add3A_10] : memref<65536xi32, #tpu.memory_space<hbm>> -> memref<512xi32, #tpu.memory_space<hbm>>
      tpu.wait_dma2 semaphore(%run_scoped3A : memref<!tpu.dma_semaphore, #tpu.memory_space<semaphore_mem>>) src(%dma_wait3A_36 : memref<512xi32, #tpu.memory_space<hbm>>) dst(%arg5 : memref<512xi32, #tpu.memory_space<vmem>>)
      tpu.yield
    }) : () -> ()
    %dma_start3A_11 = arith.constant 0 : i32
    %dma_start3A_12 = arith.constant 0 : i32
    %dma_start3A_13 = tpu.memref_slice %arg2[%dma_start3A_11, %dma_start3A_12] : memref<16384x128xf32, #tpu.memory_space<hbm>> -> memref<16384x128xf32, #tpu.memory_space<hbm>>
    tpu.enqueue_indirect_dma source(%dma_start3A_13 : memref<16384x128xf32, #tpu.memory_space<hbm>>) target(%arg6 : memref<512x128xf32, #tpu.memory_space<vmem>>) offsets(%arg5 : memref<512xi32, #tpu.memory_space<vmem>>) semaphore(%arg7 : memref<!tpu.dma_semaphore, #tpu.memory_space<semaphore_mem>>)
    %dma_wait3A_14 = arith.constant 0 : i32
    %dma_wait3A_15 = arith.constant 0 : i32
    %dma_wait3A_16 = tpu.memref_slice %arg2[%dma_wait3A_14, %dma_wait3A_15] : memref<16384x128xf32, #tpu.memory_space<hbm>> -> memref<16384x128xf32, #tpu.memory_space<hbm>>
    tpu.wait_indirect_dma semaphore(%arg7 : memref<!tpu.dma_semaphore, #tpu.memory_space<semaphore_mem>>) src(%dma_wait3A_16 : memref<16384x128xf32, #tpu.memory_space<hbm>>) dst(%arg6 : memref<512x128xf32, #tpu.memory_space<vmem>>)
    "tpu.region"() ({
      %run_scoped3A = tpu.sem_alloc : memref<!tpu.dma_semaphore, #tpu.memory_space<semaphore_mem>>
      %dma_start3A_33 = arith.constant 0 : i32
      %dma_start3A_34 = tpu.memref_slice %arg4[%add3A_10, %dma_start3A_33] : memref<65536x128xf32, #tpu.memory_space<hbm>> -> memref<512x128xf32, #tpu.memory_space<hbm>>
      %dma_start3A_35 = arith.constant 0 : i32
      %dma_start3A_36 = tpu.memref_slice %arg4[%add3A_10, %dma_start3A_35] : memref<65536x128xf32, #tpu.memory_space<hbm>> -> memref<512x128xf32, #tpu.memory_space<hbm>>
      tpu.enqueue_dma source(%arg6 : memref<512x128xf32, #tpu.memory_space<vmem>>) target(%dma_start3A_36 : memref<512x128xf32, #tpu.memory_space<hbm>>) target_semaphore(%run_scoped3A : memref<!tpu.dma_semaphore, #tpu.memory_space<semaphore_mem>>)
      %dma_wait3A_37 = arith.constant 0 : i32
      %dma_wait3A_38 = tpu.memref_slice %arg4[%add3A_10, %dma_wait3A_37] : memref<65536x128xf32, #tpu.memory_space<hbm>> -> memref<512x128xf32, #tpu.memory_space<hbm>>
      %dma_wait3A_39 = arith.constant 0 : i32
      %dma_wait3A_40 = tpu.memref_slice %arg4[%add3A_10, %dma_wait3A_39] : memref<65536x128xf32, #tpu.memory_space<hbm>> -> memref<512x128xf32, #tpu.memory_space<hbm>>
      tpu.wait_dma2 semaphore(%run_scoped3A : memref<!tpu.dma_semaphore, #tpu.memory_space<semaphore_mem>>) src(%arg6 : memref<512x128xf32, #tpu.memory_space<vmem>>) dst(%dma_wait3A_40 : memref<512x128xf32, #tpu.memory_space<hbm>>)
      tpu.yield
    }) : () -> ()
    %add3A_17 = arith.constant 1024 : i32
    %add3A_18 = arith.addi %mul3A_2, %add3A_17 : i32
    "tpu.region"() ({
      %run_scoped3A = tpu.sem_alloc : memref<!tpu.dma_semaphore, #tpu.memory_space<semaphore_mem>>
      %dma_start3A_33 = tpu.memref_slice %arg3[%add3A_18] : memref<65536xi32, #tpu.memory_space<hbm>> -> memref<512xi32, #tpu.memory_space<hbm>>
      %dma_start3A_34 = tpu.memref_slice %arg3[%add3A_18] : memref<65536xi32, #tpu.memory_space<hbm>> -> memref<512xi32, #tpu.memory_space<hbm>>
      tpu.enqueue_dma source(%dma_start3A_34 : memref<512xi32, #tpu.memory_space<hbm>>) target(%arg5 : memref<512xi32, #tpu.memory_space<vmem>>) target_semaphore(%run_scoped3A : memref<!tpu.dma_semaphore, #tpu.memory_space<semaphore_mem>>)
      %dma_wait3A_35 = tpu.memref_slice %arg3[%add3A_18] : memref<65536xi32, #tpu.memory_space<hbm>> -> memref<512xi32, #tpu.memory_space<hbm>>
      %dma_wait3A_36 = tpu.memref_slice %arg3[%add3A_18] : memref<65536xi32, #tpu.memory_space<hbm>> -> memref<512xi32, #tpu.memory_space<hbm>>
      tpu.wait_dma2 semaphore(%run_scoped3A : memref<!tpu.dma_semaphore, #tpu.memory_space<semaphore_mem>>) src(%dma_wait3A_36 : memref<512xi32, #tpu.memory_space<hbm>>) dst(%arg5 : memref<512xi32, #tpu.memory_space<vmem>>)
      tpu.yield
    }) : () -> ()
    %dma_start3A_19 = arith.constant 0 : i32
    %dma_start3A_20 = arith.constant 0 : i32
    %dma_start3A_21 = tpu.memref_slice %arg2[%dma_start3A_19, %dma_start3A_20] : memref<16384x128xf32, #tpu.memory_space<hbm>> -> memref<16384x128xf32, #tpu.memory_space<hbm>>
    tpu.enqueue_indirect_dma source(%dma_start3A_21 : memref<16384x128xf32, #tpu.memory_space<hbm>>) target(%arg6 : memref<512x128xf32, #tpu.memory_space<vmem>>) offsets(%arg5 : memref<512xi32, #tpu.memory_space<vmem>>) semaphore(%arg7 : memref<!tpu.dma_semaphore, #tpu.memory_space<semaphore_mem>>)
    %dma_wait3A_22 = arith.constant 0 : i32
    %dma_wait3A_23 = arith.constant 0 : i32
    %dma_wait3A_24 = tpu.memref_slice %arg2[%dma_wait3A_22, %dma_wait3A_23] : memref<16384x128xf32, #tpu.memory_space<hbm>> -> memref<16384x128xf32, #tpu.memory_space<hbm>>
    tpu.wait_indirect_dma semaphore(%arg7 : memref<!tpu.dma_semaphore, #tpu.memory_space<semaphore_mem>>) src(%dma_wait3A_24 : memref<16384x128xf32, #tpu.memory_space<hbm>>) dst(%arg6 : memref<512x128xf32, #tpu.memory_space<vmem>>)
    "tpu.region"() ({
      %run_scoped3A = tpu.sem_alloc : memref<!tpu.dma_semaphore, #tpu.memory_space<semaphore_mem>>
      %dma_start3A_33 = arith.constant 0 : i32
      %dma_start3A_34 = tpu.memref_slice %arg4[%add3A_18, %dma_start3A_33] : memref<65536x128xf32, #tpu.memory_space<hbm>> -> memref<512x128xf32, #tpu.memory_space<hbm>>
      %dma_start3A_35 = arith.constant 0 : i32
      %dma_start3A_36 = tpu.memref_slice %arg4[%add3A_18, %dma_start3A_35] : memref<65536x128xf32, #tpu.memory_space<hbm>> -> memref<512x128xf32, #tpu.memory_space<hbm>>
      tpu.enqueue_dma source(%arg6 : memref<512x128xf32, #tpu.memory_space<vmem>>) target(%dma_start3A_36 : memref<512x128xf32, #tpu.memory_space<hbm>>) target_semaphore(%run_scoped3A : memref<!tpu.dma_semaphore, #tpu.memory_space<semaphore_mem>>)
      %dma_wait3A_37 = arith.constant 0 : i32
      %dma_wait3A_38 = tpu.memref_slice %arg4[%add3A_18, %dma_wait3A_37] : memref<65536x128xf32, #tpu.memory_space<hbm>> -> memref<512x128xf32, #tpu.memory_space<hbm>>
      %dma_wait3A_39 = arith.constant 0 : i32
      %dma_wait3A_40 = tpu.memref_slice %arg4[%add3A_18, %dma_wait3A_39] : memref<65536x128xf32, #tpu.memory_space<hbm>> -> memref<512x128xf32, #tpu.memory_space<hbm>>
      tpu.wait_dma2 semaphore(%run_scoped3A : memref<!tpu.dma_semaphore, #tpu.memory_space<semaphore_mem>>) src(%arg6 : memref<512x128xf32, #tpu.memory_space<vmem>>) dst(%dma_wait3A_40 : memref<512x128xf32, #tpu.memory_space<hbm>>)
      tpu.yield
    }) : () -> ()
    %add3A_25 = arith.constant 1536 : i32
    %add3A_26 = arith.addi %mul3A_2, %add3A_25 : i32
    "tpu.region"() ({
      %run_scoped3A = tpu.sem_alloc : memref<!tpu.dma_semaphore, #tpu.memory_space<semaphore_mem>>
      %dma_start3A_33 = tpu.memref_slice %arg3[%add3A_26] : memref<65536xi32, #tpu.memory_space<hbm>> -> memref<512xi32, #tpu.memory_space<hbm>>
      %dma_start3A_34 = tpu.memref_slice %arg3[%add3A_26] : memref<65536xi32, #tpu.memory_space<hbm>> -> memref<512xi32, #tpu.memory_space<hbm>>
      tpu.enqueue_dma source(%dma_start3A_34 : memref<512xi32, #tpu.memory_space<hbm>>) target(%arg5 : memref<512xi32, #tpu.memory_space<vmem>>) target_semaphore(%run_scoped3A : memref<!tpu.dma_semaphore, #tpu.memory_space<semaphore_mem>>)
      %dma_wait3A_35 = tpu.memref_slice %arg3[%add3A_26] : memref<65536xi32, #tpu.memory_space<hbm>> -> memref<512xi32, #tpu.memory_space<hbm>>
      %dma_wait3A_36 = tpu.memref_slice %arg3[%add3A_26] : memref<65536xi32, #tpu.memory_space<hbm>> -> memref<512xi32, #tpu.memory_space<hbm>>
      tpu.wait_dma2 semaphore(%run_scoped3A : memref<!tpu.dma_semaphore, #tpu.memory_space<semaphore_mem>>) src(%dma_wait3A_36 : memref<512xi32, #tpu.memory_space<hbm>>) dst(%arg5 : memref<512xi32, #tpu.memory_space<vmem>>)
      tpu.yield
    }) : () -> ()
    %dma_start3A_27 = arith.constant 0 : i32
    %dma_start3A_28 = arith.constant 0 : i32
    %dma_start3A_29 = tpu.memref_slice %arg2[%dma_start3A_27, %dma_start3A_28] : memref<16384x128xf32, #tpu.memory_space<hbm>> -> memref<16384x128xf32, #tpu.memory_space<hbm>>
    tpu.enqueue_indirect_dma source(%dma_start3A_29 : memref<16384x128xf32, #tpu.memory_space<hbm>>) target(%arg6 : memref<512x128xf32, #tpu.memory_space<vmem>>) offsets(%arg5 : memref<512xi32, #tpu.memory_space<vmem>>) semaphore(%arg7 : memref<!tpu.dma_semaphore, #tpu.memory_space<semaphore_mem>>)
    %dma_wait3A_30 = arith.constant 0 : i32
    %dma_wait3A_31 = arith.constant 0 : i32
    %dma_wait3A_32 = tpu.memref_slice %arg2[%dma_wait3A_30, %dma_wait3A_31] : memref<16384x128xf32, #tpu.memory_space<hbm>> -> memref<16384x128xf32, #tpu.memory_space<hbm>>
    tpu.wait_indirect_dma semaphore(%arg7 : memref<!tpu.dma_semaphore, #tpu.memory_space<semaphore_mem>>) src(%dma_wait3A_32 : memref<16384x128xf32, #tpu.memory_space<hbm>>) dst(%arg6 : memref<512x128xf32, #tpu.memory_space<vmem>>)
    "tpu.region"() ({
      %run_scoped3A = tpu.sem_alloc : memref<!tpu.dma_semaphore, #tpu.memory_space<semaphore_mem>>
      %dma_start3A_33 = arith.constant 0 : i32
      %dma_start3A_34 = tpu.memref_slice %arg4[%add3A_26, %dma_start3A_33] : memref<65536x128xf32, #tpu.memory_space<hbm>> -> memref<512x128xf32, #tpu.memory_space<hbm>>
      %dma_start3A_35 = arith.constant 0 : i32
      %dma_start3A_36 = tpu.memref_slice %arg4[%add3A_26, %dma_start3A_35] : memref<65536x128xf32, #tpu.memory_space<hbm>> -> memref<512x128xf32, #tpu.memory_space<hbm>>
      tpu.enqueue_dma source(%arg6 : memref<512x128xf32, #tpu.memory_space<vmem>>) target(%dma_start3A_36 : memref<512x128xf32, #tpu.memory_space<hbm>>) target_semaphore(%run_scoped3A : memref<!tpu.dma_semaphore, #tpu.memory_space<semaphore_mem>>)
      %dma_wait3A_37 = arith.constant 0 : i32
      %dma_wait3A_38 = tpu.memref_slice %arg4[%add3A_26, %dma_wait3A_37] : memref<65536x128xf32, #tpu.memory_space<hbm>> -> memref<512x128xf32, #tpu.memory_space<hbm>>
      %dma_wait3A_39 = arith.constant 0 : i32
      %dma_wait3A_40 = tpu.memref_slice %arg4[%add3A_26, %dma_wait3A_39] : memref<65536x128xf32, #tpu.memory_space<hbm>> -> memref<512x128xf32, #tpu.memory_space<hbm>>
      tpu.wait_dma2 semaphore(%run_scoped3A : memref<!tpu.dma_semaphore, #tpu.memory_space<semaphore_mem>>) src(%arg6 : memref<512x128xf32, #tpu.memory_space<vmem>>) dst(%dma_wait3A_40 : memref<512x128xf32, #tpu.memory_space<hbm>>)
      tpu.yield
    }) : () -> ()
    return
  }
}

#map = affine_map<(d0, d1) -> (0, 0)>
#map1 = affine_map<(d0, d1) -> (0)>
module attributes {stable_mosaic.version = 14 : i64} {
  func.func @k(%arg0: i32, %arg1: i32, %arg2: memref<65536x128xf32, #tpu.memory_space<hbm>>, %arg3: memref<65536xi32, #tpu.memory_space<hbm>>, %arg4: memref<65536x128xf32, #tpu.memory_space<hbm>>, %arg5: memref<512xi32, #tpu.memory_space<vmem>>, %arg6: memref<512x128xf32, #tpu.memory_space<vmem>>, %arg7: memref<!tpu.dma_semaphore, #tpu.memory_space<semaphore_mem>>) attributes {dimension_semantics = [#tpu.dimension_semantics<core_parallel>, #tpu.dimension_semantics<subcore_parallel>], iteration_bounds = array<i64: 2, 16>, scalar_prefetch = 0 : i64, scratch_operands = 3 : i64, tpu.core_type = #tpu.core_type<sc_vector_subcore>, window_params = [{transform_indices = #map}, {transform_indices = #map1}, {transform_indices = #map}]} {
    %mul3A = arith.constant 2 : i32
    %mul3A_0 = arith.muli %arg1, %mul3A : i32
    %add3A = arith.addi %mul3A_0, %arg0 : i32
    %mul3A_1 = arith.constant 2048 : i32
    %mul3A_2 = arith.muli %add3A, %mul3A_1 : i32
    %add3A_3 = arith.constant 0 : i32
    %add3A_4 = arith.addi %mul3A_2, %add3A_3 : i32
    "tpu.region"() ({
      %run_scoped3A = tpu.sem_alloc : memref<!tpu.dma_semaphore, #tpu.memory_space<semaphore_mem>>
      %dma_start3A_33 = tpu.memref_slice %arg3[%add3A_4] : memref<65536xi32, #tpu.memory_space<hbm>> -> memref<512xi32, #tpu.memory_space<hbm>>
      %dma_start3A_34 = tpu.memref_slice %arg3[%add3A_4] : memref<65536xi32, #tpu.memory_space<hbm>> -> memref<512xi32, #tpu.memory_space<hbm>>
      tpu.enqueue_dma source(%dma_start3A_34 : memref<512xi32, #tpu.memory_space<hbm>>) target(%arg5 : memref<512xi32, #tpu.memory_space<vmem>>) target_semaphore(%run_scoped3A : memref<!tpu.dma_semaphore, #tpu.memory_space<semaphore_mem>>)
      %dma_wait3A_35 = tpu.memref_slice %arg3[%add3A_4] : memref<65536xi32, #tpu.memory_space<hbm>> -> memref<512xi32, #tpu.memory_space<hbm>>
      %dma_wait3A_36 = tpu.memref_slice %arg3[%add3A_4] : memref<65536xi32, #tpu.memory_space<hbm>> -> memref<512xi32, #tpu.memory_space<hbm>>
      tpu.wait_dma2 semaphore(%run_scoped3A : memref<!tpu.dma_semaphore, #tpu.memory_space<semaphore_mem>>) src(%dma_wait3A_36 : memref<512xi32, #tpu.memory_space<hbm>>) dst(%arg5 : memref<512xi32, #tpu.memory_space<vmem>>)
      tpu.yield
    }) : () -> ()
    "tpu.region"() ({
      %run_scoped3A = tpu.sem_alloc : memref<!tpu.dma_semaphore, #tpu.memory_space<semaphore_mem>>
      %dma_start3A_33 = arith.constant 0 : i32
      %dma_start3A_34 = tpu.memref_slice %arg2[%add3A_4, %dma_start3A_33] : memref<65536x128xf32, #tpu.memory_space<hbm>> -> memref<512x128xf32, #tpu.memory_space<hbm>>
      %dma_start3A_35 = arith.constant 0 : i32
      %dma_start3A_36 = tpu.memref_slice %arg2[%add3A_4, %dma_start3A_35] : memref<65536x128xf32, #tpu.memory_space<hbm>> -> memref<512x128xf32, #tpu.memory_space<hbm>>
      tpu.enqueue_dma source(%dma_start3A_36 : memref<512x128xf32, #tpu.memory_space<hbm>>) target(%arg6 : memref<512x128xf32, #tpu.memory_space<vmem>>) target_semaphore(%run_scoped3A : memref<!tpu.dma_semaphore, #tpu.memory_space<semaphore_mem>>)
      %dma_wait3A_37 = arith.constant 0 : i32
      %dma_wait3A_38 = tpu.memref_slice %arg2[%add3A_4, %dma_wait3A_37] : memref<65536x128xf32, #tpu.memory_space<hbm>> -> memref<512x128xf32, #tpu.memory_space<hbm>>
      %dma_wait3A_39 = arith.constant 0 : i32
      %dma_wait3A_40 = tpu.memref_slice %arg2[%add3A_4, %dma_wait3A_39] : memref<65536x128xf32, #tpu.memory_space<hbm>> -> memref<512x128xf32, #tpu.memory_space<hbm>>
      tpu.wait_dma2 semaphore(%run_scoped3A : memref<!tpu.dma_semaphore, #tpu.memory_space<semaphore_mem>>) src(%dma_wait3A_40 : memref<512x128xf32, #tpu.memory_space<hbm>>) dst(%arg6 : memref<512x128xf32, #tpu.memory_space<vmem>>)
      tpu.yield
    }) : () -> ()
    %dma_start3A = arith.constant 0 : i32
    %dma_start3A_5 = arith.constant 0 : i32
    %dma_start3A_6 = tpu.memref_slice %arg4[%dma_start3A, %dma_start3A_5] : memref<65536x128xf32, #tpu.memory_space<hbm>> -> memref<65536x128xf32, #tpu.memory_space<hbm>>
    tpu.enqueue_indirect_dma source(%arg6 : memref<512x128xf32, #tpu.memory_space<vmem>>) target(%dma_start3A_6 : memref<65536x128xf32, #tpu.memory_space<hbm>>) offsets(%arg5 : memref<512xi32, #tpu.memory_space<vmem>>) semaphore(%arg7 : memref<!tpu.dma_semaphore, #tpu.memory_space<semaphore_mem>>)
    %dma_wait3A = arith.constant 0 : i32
    %dma_wait3A_7 = arith.constant 0 : i32
    %dma_wait3A_8 = tpu.memref_slice %arg4[%dma_wait3A, %dma_wait3A_7] : memref<65536x128xf32, #tpu.memory_space<hbm>> -> memref<65536x128xf32, #tpu.memory_space<hbm>>
    tpu.wait_indirect_dma semaphore(%arg7 : memref<!tpu.dma_semaphore, #tpu.memory_space<semaphore_mem>>) src(%arg6 : memref<512x128xf32, #tpu.memory_space<vmem>>) dst(%dma_wait3A_8 : memref<65536x128xf32, #tpu.memory_space<hbm>>)
    %add3A_9 = arith.constant 512 : i32
    %add3A_10 = arith.addi %mul3A_2, %add3A_9 : i32
    "tpu.region"() ({
      %run_scoped3A = tpu.sem_alloc : memref<!tpu.dma_semaphore, #tpu.memory_space<semaphore_mem>>
      %dma_start3A_33 = tpu.memref_slice %arg3[%add3A_10] : memref<65536xi32, #tpu.memory_space<hbm>> -> memref<512xi32, #tpu.memory_space<hbm>>
      %dma_start3A_34 = tpu.memref_slice %arg3[%add3A_10] : memref<65536xi32, #tpu.memory_space<hbm>> -> memref<512xi32, #tpu.memory_space<hbm>>
      tpu.enqueue_dma source(%dma_start3A_34 : memref<512xi32, #tpu.memory_space<hbm>>) target(%arg5 : memref<512xi32, #tpu.memory_space<vmem>>) target_semaphore(%run_scoped3A : memref<!tpu.dma_semaphore, #tpu.memory_space<semaphore_mem>>)
      %dma_wait3A_35 = tpu.memref_slice %arg3[%add3A_10] : memref<65536xi32, #tpu.memory_space<hbm>> -> memref<512xi32, #tpu.memory_space<hbm>>
      %dma_wait3A_36 = tpu.memref_slice %arg3[%add3A_10] : memref<65536xi32, #tpu.memory_space<hbm>> -> memref<512xi32, #tpu.memory_space<hbm>>
      tpu.wait_dma2 semaphore(%run_scoped3A : memref<!tpu.dma_semaphore, #tpu.memory_space<semaphore_mem>>) src(%dma_wait3A_36 : memref<512xi32, #tpu.memory_space<hbm>>) dst(%arg5 : memref<512xi32, #tpu.memory_space<vmem>>)
      tpu.yield
    }) : () -> ()
    "tpu.region"() ({
      %run_scoped3A = tpu.sem_alloc : memref<!tpu.dma_semaphore, #tpu.memory_space<semaphore_mem>>
      %dma_start3A_33 = arith.constant 0 : i32
      %dma_start3A_34 = tpu.memref_slice %arg2[%add3A_10, %dma_start3A_33] : memref<65536x128xf32, #tpu.memory_space<hbm>> -> memref<512x128xf32, #tpu.memory_space<hbm>>
      %dma_start3A_35 = arith.constant 0 : i32
      %dma_start3A_36 = tpu.memref_slice %arg2[%add3A_10, %dma_start3A_35] : memref<65536x128xf32, #tpu.memory_space<hbm>> -> memref<512x128xf32, #tpu.memory_space<hbm>>
      tpu.enqueue_dma source(%dma_start3A_36 : memref<512x128xf32, #tpu.memory_space<hbm>>) target(%arg6 : memref<512x128xf32, #tpu.memory_space<vmem>>) target_semaphore(%run_scoped3A : memref<!tpu.dma_semaphore, #tpu.memory_space<semaphore_mem>>)
      %dma_wait3A_37 = arith.constant 0 : i32
      %dma_wait3A_38 = tpu.memref_slice %arg2[%add3A_10, %dma_wait3A_37] : memref<65536x128xf32, #tpu.memory_space<hbm>> -> memref<512x128xf32, #tpu.memory_space<hbm>>
      %dma_wait3A_39 = arith.constant 0 : i32
      %dma_wait3A_40 = tpu.memref_slice %arg2[%add3A_10, %dma_wait3A_39] : memref<65536x128xf32, #tpu.memory_space<hbm>> -> memref<512x128xf32, #tpu.memory_space<hbm>>
      tpu.wait_dma2 semaphore(%run_scoped3A : memref<!tpu.dma_semaphore, #tpu.memory_space<semaphore_mem>>) src(%dma_wait3A_40 : memref<512x128xf32, #tpu.memory_space<hbm>>) dst(%arg6 : memref<512x128xf32, #tpu.memory_space<vmem>>)
      tpu.yield
    }) : () -> ()
    %dma_start3A_11 = arith.constant 0 : i32
    %dma_start3A_12 = arith.constant 0 : i32
    %dma_start3A_13 = tpu.memref_slice %arg4[%dma_start3A_11, %dma_start3A_12] : memref<65536x128xf32, #tpu.memory_space<hbm>> -> memref<65536x128xf32, #tpu.memory_space<hbm>>
    tpu.enqueue_indirect_dma source(%arg6 : memref<512x128xf32, #tpu.memory_space<vmem>>) target(%dma_start3A_13 : memref<65536x128xf32, #tpu.memory_space<hbm>>) offsets(%arg5 : memref<512xi32, #tpu.memory_space<vmem>>) semaphore(%arg7 : memref<!tpu.dma_semaphore, #tpu.memory_space<semaphore_mem>>)
    %dma_wait3A_14 = arith.constant 0 : i32
    %dma_wait3A_15 = arith.constant 0 : i32
    %dma_wait3A_16 = tpu.memref_slice %arg4[%dma_wait3A_14, %dma_wait3A_15] : memref<65536x128xf32, #tpu.memory_space<hbm>> -> memref<65536x128xf32, #tpu.memory_space<hbm>>
    tpu.wait_indirect_dma semaphore(%arg7 : memref<!tpu.dma_semaphore, #tpu.memory_space<semaphore_mem>>) src(%arg6 : memref<512x128xf32, #tpu.memory_space<vmem>>) dst(%dma_wait3A_16 : memref<65536x128xf32, #tpu.memory_space<hbm>>)
    %add3A_17 = arith.constant 1024 : i32
    %add3A_18 = arith.addi %mul3A_2, %add3A_17 : i32
    "tpu.region"() ({
      %run_scoped3A = tpu.sem_alloc : memref<!tpu.dma_semaphore, #tpu.memory_space<semaphore_mem>>
      %dma_start3A_33 = tpu.memref_slice %arg3[%add3A_18] : memref<65536xi32, #tpu.memory_space<hbm>> -> memref<512xi32, #tpu.memory_space<hbm>>
      %dma_start3A_34 = tpu.memref_slice %arg3[%add3A_18] : memref<65536xi32, #tpu.memory_space<hbm>> -> memref<512xi32, #tpu.memory_space<hbm>>
      tpu.enqueue_dma source(%dma_start3A_34 : memref<512xi32, #tpu.memory_space<hbm>>) target(%arg5 : memref<512xi32, #tpu.memory_space<vmem>>) target_semaphore(%run_scoped3A : memref<!tpu.dma_semaphore, #tpu.memory_space<semaphore_mem>>)
      %dma_wait3A_35 = tpu.memref_slice %arg3[%add3A_18] : memref<65536xi32, #tpu.memory_space<hbm>> -> memref<512xi32, #tpu.memory_space<hbm>>
      %dma_wait3A_36 = tpu.memref_slice %arg3[%add3A_18] : memref<65536xi32, #tpu.memory_space<hbm>> -> memref<512xi32, #tpu.memory_space<hbm>>
      tpu.wait_dma2 semaphore(%run_scoped3A : memref<!tpu.dma_semaphore, #tpu.memory_space<semaphore_mem>>) src(%dma_wait3A_36 : memref<512xi32, #tpu.memory_space<hbm>>) dst(%arg5 : memref<512xi32, #tpu.memory_space<vmem>>)
      tpu.yield
    }) : () -> ()
    "tpu.region"() ({
      %run_scoped3A = tpu.sem_alloc : memref<!tpu.dma_semaphore, #tpu.memory_space<semaphore_mem>>
      %dma_start3A_33 = arith.constant 0 : i32
      %dma_start3A_34 = tpu.memref_slice %arg2[%add3A_18, %dma_start3A_33] : memref<65536x128xf32, #tpu.memory_space<hbm>> -> memref<512x128xf32, #tpu.memory_space<hbm>>
      %dma_start3A_35 = arith.constant 0 : i32
      %dma_start3A_36 = tpu.memref_slice %arg2[%add3A_18, %dma_start3A_35] : memref<65536x128xf32, #tpu.memory_space<hbm>> -> memref<512x128xf32, #tpu.memory_space<hbm>>
      tpu.enqueue_dma source(%dma_start3A_36 : memref<512x128xf32, #tpu.memory_space<hbm>>) target(%arg6 : memref<512x128xf32, #tpu.memory_space<vmem>>) target_semaphore(%run_scoped3A : memref<!tpu.dma_semaphore, #tpu.memory_space<semaphore_mem>>)
      %dma_wait3A_37 = arith.constant 0 : i32
      %dma_wait3A_38 = tpu.memref_slice %arg2[%add3A_18, %dma_wait3A_37] : memref<65536x128xf32, #tpu.memory_space<hbm>> -> memref<512x128xf32, #tpu.memory_space<hbm>>
      %dma_wait3A_39 = arith.constant 0 : i32
      %dma_wait3A_40 = tpu.memref_slice %arg2[%add3A_18, %dma_wait3A_39] : memref<65536x128xf32, #tpu.memory_space<hbm>> -> memref<512x128xf32, #tpu.memory_space<hbm>>
      tpu.wait_dma2 semaphore(%run_scoped3A : memref<!tpu.dma_semaphore, #tpu.memory_space<semaphore_mem>>) src(%dma_wait3A_40 : memref<512x128xf32, #tpu.memory_space<hbm>>) dst(%arg6 : memref<512x128xf32, #tpu.memory_space<vmem>>)
      tpu.yield
    }) : () -> ()
    %dma_start3A_19 = arith.constant 0 : i32
    %dma_start3A_20 = arith.constant 0 : i32
    %dma_start3A_21 = tpu.memref_slice %arg4[%dma_start3A_19, %dma_start3A_20] : memref<65536x128xf32, #tpu.memory_space<hbm>> -> memref<65536x128xf32, #tpu.memory_space<hbm>>
    tpu.enqueue_indirect_dma source(%arg6 : memref<512x128xf32, #tpu.memory_space<vmem>>) target(%dma_start3A_21 : memref<65536x128xf32, #tpu.memory_space<hbm>>) offsets(%arg5 : memref<512xi32, #tpu.memory_space<vmem>>) semaphore(%arg7 : memref<!tpu.dma_semaphore, #tpu.memory_space<semaphore_mem>>)
    %dma_wait3A_22 = arith.constant 0 : i32
    %dma_wait3A_23 = arith.constant 0 : i32
    %dma_wait3A_24 = tpu.memref_slice %arg4[%dma_wait3A_22, %dma_wait3A_23] : memref<65536x128xf32, #tpu.memory_space<hbm>> -> memref<65536x128xf32, #tpu.memory_space<hbm>>
    tpu.wait_indirect_dma semaphore(%arg7 : memref<!tpu.dma_semaphore, #tpu.memory_space<semaphore_mem>>) src(%arg6 : memref<512x128xf32, #tpu.memory_space<vmem>>) dst(%dma_wait3A_24 : memref<65536x128xf32, #tpu.memory_space<hbm>>)
    %add3A_25 = arith.constant 1536 : i32
    %add3A_26 = arith.addi %mul3A_2, %add3A_25 : i32
    "tpu.region"() ({
      %run_scoped3A = tpu.sem_alloc : memref<!tpu.dma_semaphore, #tpu.memory_space<semaphore_mem>>
      %dma_start3A_33 = tpu.memref_slice %arg3[%add3A_26] : memref<65536xi32, #tpu.memory_space<hbm>> -> memref<512xi32, #tpu.memory_space<hbm>>
      %dma_start3A_34 = tpu.memref_slice %arg3[%add3A_26] : memref<65536xi32, #tpu.memory_space<hbm>> -> memref<512xi32, #tpu.memory_space<hbm>>
      tpu.enqueue_dma source(%dma_start3A_34 : memref<512xi32, #tpu.memory_space<hbm>>) target(%arg5 : memref<512xi32, #tpu.memory_space<vmem>>) target_semaphore(%run_scoped3A : memref<!tpu.dma_semaphore, #tpu.memory_space<semaphore_mem>>)
      %dma_wait3A_35 = tpu.memref_slice %arg3[%add3A_26] : memref<65536xi32, #tpu.memory_space<hbm>> -> memref<512xi32, #tpu.memory_space<hbm>>
      %dma_wait3A_36 = tpu.memref_slice %arg3[%add3A_26] : memref<65536xi32, #tpu.memory_space<hbm>> -> memref<512xi32, #tpu.memory_space<hbm>>
      tpu.wait_dma2 semaphore(%run_scoped3A : memref<!tpu.dma_semaphore, #tpu.memory_space<semaphore_mem>>) src(%dma_wait3A_36 : memref<512xi32, #tpu.memory_space<hbm>>) dst(%arg5 : memref<512xi32, #tpu.memory_space<vmem>>)
      tpu.yield
    }) : () -> ()
    "tpu.region"() ({
      %run_scoped3A = tpu.sem_alloc : memref<!tpu.dma_semaphore, #tpu.memory_space<semaphore_mem>>
      %dma_start3A_33 = arith.constant 0 : i32
      %dma_start3A_34 = tpu.memref_slice %arg2[%add3A_26, %dma_start3A_33] : memref<65536x128xf32, #tpu.memory_space<hbm>> -> memref<512x128xf32, #tpu.memory_space<hbm>>
      %dma_start3A_35 = arith.constant 0 : i32
      %dma_start3A_36 = tpu.memref_slice %arg2[%add3A_26, %dma_start3A_35] : memref<65536x128xf32, #tpu.memory_space<hbm>> -> memref<512x128xf32, #tpu.memory_space<hbm>>
      tpu.enqueue_dma source(%dma_start3A_36 : memref<512x128xf32, #tpu.memory_space<hbm>>) target(%arg6 : memref<512x128xf32, #tpu.memory_space<vmem>>) target_semaphore(%run_scoped3A : memref<!tpu.dma_semaphore, #tpu.memory_space<semaphore_mem>>)
      %dma_wait3A_37 = arith.constant 0 : i32
      %dma_wait3A_38 = tpu.memref_slice %arg2[%add3A_26, %dma_wait3A_37] : memref<65536x128xf32, #tpu.memory_space<hbm>> -> memref<512x128xf32, #tpu.memory_space<hbm>>
      %dma_wait3A_39 = arith.constant 0 : i32
      %dma_wait3A_40 = tpu.memref_slice %arg2[%add3A_26, %dma_wait3A_39] : memref<65536x128xf32, #tpu.memory_space<hbm>> -> memref<512x128xf32, #tpu.memory_space<hbm>>
      tpu.wait_dma2 semaphore(%run_scoped3A : memref<!tpu.dma_semaphore, #tpu.memory_space<semaphore_mem>>) src(%dma_wait3A_40 : memref<512x128xf32, #tpu.memory_space<hbm>>) dst(%arg6 : memref<512x128xf32, #tpu.memory_space<vmem>>)
      tpu.yield
    }) : () -> ()
    %dma_start3A_27 = arith.constant 0 : i32
    %dma_start3A_28 = arith.constant 0 : i32
    %dma_start3A_29 = tpu.memref_slice %arg4[%dma_start3A_27, %dma_start3A_28] : memref<65536x128xf32, #tpu.memory_space<hbm>> -> memref<65536x128xf32, #tpu.memory_space<hbm>>
    tpu.enqueue_indirect_dma source(%arg6 : memref<512x128xf32, #tpu.memory_space<vmem>>) target(%dma_start3A_29 : memref<65536x128xf32, #tpu.memory_space<hbm>>) offsets(%arg5 : memref<512xi32, #tpu.memory_space<vmem>>) semaphore(%arg7 : memref<!tpu.dma_semaphore, #tpu.memory_space<semaphore_mem>>)
    %dma_wait3A_30 = arith.constant 0 : i32
    %dma_wait3A_31 = arith.constant 0 : i32
    %dma_wait3A_32 = tpu.memref_slice %arg4[%dma_wait3A_30, %dma_wait3A_31] : memref<65536x128xf32, #tpu.memory_space<hbm>> -> memref<65536x128xf32, #tpu.memory_space<hbm>>
    tpu.wait_indirect_dma semaphore(%arg7 : memref<!tpu.dma_semaphore, #tpu.memory_space<semaphore_mem>>) src(%arg6 : memref<512x128xf32, #tpu.memory_space<vmem>>) dst(%dma_wait3A_32 : memref<65536x128xf32, #tpu.memory_space<hbm>>)
    return
  }
}

#map = affine_map<(d0, d1) -> (0, 0)>
#map1 = affine_map<(d0, d1) -> (0)>
module attributes {stable_mosaic.version = 14 : i64} {
  func.func @k(%arg0: i32, %arg1: i32, %arg2: memref<16384x128xf32, #tpu.memory_space<hbm>>, %arg3: memref<65536xi32, #tpu.memory_space<hbm>>, %arg4: memref<65536x128xf32, #tpu.memory_space<hbm>>, %arg5: memref<512xi32, #tpu.memory_space<vmem>>, %arg6: memref<512x128xf32, #tpu.memory_space<vmem>>, %arg7: memref<!tpu.dma_semaphore, #tpu.memory_space<semaphore_mem>>) attributes {dimension_semantics = [#tpu.dimension_semantics<core_parallel>, #tpu.dimension_semantics<subcore_parallel>], iteration_bounds = array<i64: 2, 16>, scalar_prefetch = 0 : i64, scratch_operands = 3 : i64, tpu.core_type = #tpu.core_type<sc_vector_subcore>, window_params = [{transform_indices = #map}, {transform_indices = #map1}, {transform_indices = #map}]} {
    %mul3A = arith.constant 2 : i32
    %mul3A_0 = arith.muli %arg1, %mul3A : i32
    %add3A = arith.addi %mul3A_0, %arg0 : i32
    %mul3A_1 = arith.constant 2048 : i32
    %mul3A_2 = arith.muli %add3A, %mul3A_1 : i32
    %add3A_3 = arith.constant 0 : i32
    %add3A_4 = arith.addi %mul3A_2, %add3A_3 : i32
    "tpu.region"() ({
      %run_scoped3A = tpu.sem_alloc : memref<!tpu.dma_semaphore, #tpu.memory_space<semaphore_mem>>
      %dma_start3A_33 = tpu.memref_slice %arg3[%add3A_4] : memref<65536xi32, #tpu.memory_space<hbm>> -> memref<512xi32, #tpu.memory_space<hbm>>
      %dma_start3A_34 = tpu.memref_slice %arg3[%add3A_4] : memref<65536xi32, #tpu.memory_space<hbm>> -> memref<512xi32, #tpu.memory_space<hbm>>
      tpu.enqueue_dma source(%dma_start3A_34 : memref<512xi32, #tpu.memory_space<hbm>>) target(%arg5 : memref<512xi32, #tpu.memory_space<vmem>>) target_semaphore(%run_scoped3A : memref<!tpu.dma_semaphore, #tpu.memory_space<semaphore_mem>>)
      %dma_wait3A_35 = tpu.memref_slice %arg3[%add3A_4] : memref<65536xi32, #tpu.memory_space<hbm>> -> memref<512xi32, #tpu.memory_space<hbm>>
      %dma_wait3A_36 = tpu.memref_slice %arg3[%add3A_4] : memref<65536xi32, #tpu.memory_space<hbm>> -> memref<512xi32, #tpu.memory_space<hbm>>
      tpu.wait_dma2 semaphore(%run_scoped3A : memref<!tpu.dma_semaphore, #tpu.memory_space<semaphore_mem>>) src(%dma_wait3A_36 : memref<512xi32, #tpu.memory_space<hbm>>) dst(%arg5 : memref<512xi32, #tpu.memory_space<vmem>>)
      tpu.yield
    }) : () -> ()
    %dma_start3A = arith.constant 0 : i32
    %dma_start3A_5 = arith.constant 0 : i32
    %dma_start3A_6 = tpu.memref_slice %arg2[%dma_start3A, %dma_start3A_5] : memref<16384x128xf32, #tpu.memory_space<hbm>> -> memref<16384x128xf32, #tpu.memory_space<hbm>>
    tpu.enqueue_indirect_dma source(%dma_start3A_6 : memref<16384x128xf32, #tpu.memory_space<hbm>>) target(%arg6 : memref<512x128xf32, #tpu.memory_space<vmem>>) offsets(%arg5 : memref<512xi32, #tpu.memory_space<vmem>>) semaphore(%arg7 : memref<!tpu.dma_semaphore, #tpu.memory_space<semaphore_mem>>)
    %dma_wait3A = arith.constant 0 : i32
    %dma_wait3A_7 = arith.constant 0 : i32
    %dma_wait3A_8 = tpu.memref_slice %arg2[%dma_wait3A, %dma_wait3A_7] : memref<16384x128xf32, #tpu.memory_space<hbm>> -> memref<16384x128xf32, #tpu.memory_space<hbm>>
    tpu.wait_indirect_dma semaphore(%arg7 : memref<!tpu.dma_semaphore, #tpu.memory_space<semaphore_mem>>) src(%dma_wait3A_8 : memref<16384x128xf32, #tpu.memory_space<hbm>>) dst(%arg6 : memref<512x128xf32, #tpu.memory_space<vmem>>)
    "tpu.region"() ({
      %run_scoped3A = tpu.sem_alloc : memref<!tpu.dma_semaphore, #tpu.memory_space<semaphore_mem>>
      %dma_start3A_33 = arith.constant 0 : i32
      %dma_start3A_34 = tpu.memref_slice %arg4[%add3A_4, %dma_start3A_33] : memref<65536x128xf32, #tpu.memory_space<hbm>> -> memref<512x128xf32, #tpu.memory_space<hbm>>
      %dma_start3A_35 = arith.constant 0 : i32
      %dma_start3A_36 = tpu.memref_slice %arg4[%add3A_4, %dma_start3A_35] : memref<65536x128xf32, #tpu.memory_space<hbm>> -> memref<512x128xf32, #tpu.memory_space<hbm>>
      tpu.enqueue_dma source(%arg6 : memref<512x128xf32, #tpu.memory_space<vmem>>) target(%dma_start3A_36 : memref<512x128xf32, #tpu.memory_space<hbm>>) target_semaphore(%run_scoped3A : memref<!tpu.dma_semaphore, #tpu.memory_space<semaphore_mem>>)
      %dma_wait3A_37 = arith.constant 0 : i32
      %dma_wait3A_38 = tpu.memref_slice %arg4[%add3A_4, %dma_wait3A_37] : memref<65536x128xf32, #tpu.memory_space<hbm>> -> memref<512x128xf32, #tpu.memory_space<hbm>>
      %dma_wait3A_39 = arith.constant 0 : i32
      %dma_wait3A_40 = tpu.memref_slice %arg4[%add3A_4, %dma_wait3A_39] : memref<65536x128xf32, #tpu.memory_space<hbm>> -> memref<512x128xf32, #tpu.memory_space<hbm>>
      tpu.wait_dma2 semaphore(%run_scoped3A : memref<!tpu.dma_semaphore, #tpu.memory_space<semaphore_mem>>) src(%arg6 : memref<512x128xf32, #tpu.memory_space<vmem>>) dst(%dma_wait3A_40 : memref<512x128xf32, #tpu.memory_space<hbm>>)
      tpu.yield
    }) : () -> ()
    %add3A_9 = arith.constant 512 : i32
    %add3A_10 = arith.addi %mul3A_2, %add3A_9 : i32
    "tpu.region"() ({
      %run_scoped3A = tpu.sem_alloc : memref<!tpu.dma_semaphore, #tpu.memory_space<semaphore_mem>>
      %dma_start3A_33 = tpu.memref_slice %arg3[%add3A_10] : memref<65536xi32, #tpu.memory_space<hbm>> -> memref<512xi32, #tpu.memory_space<hbm>>
      %dma_start3A_34 = tpu.memref_slice %arg3[%add3A_10] : memref<65536xi32, #tpu.memory_space<hbm>> -> memref<512xi32, #tpu.memory_space<hbm>>
      tpu.enqueue_dma source(%dma_start3A_34 : memref<512xi32, #tpu.memory_space<hbm>>) target(%arg5 : memref<512xi32, #tpu.memory_space<vmem>>) target_semaphore(%run_scoped3A : memref<!tpu.dma_semaphore, #tpu.memory_space<semaphore_mem>>)
      %dma_wait3A_35 = tpu.memref_slice %arg3[%add3A_10] : memref<65536xi32, #tpu.memory_space<hbm>> -> memref<512xi32, #tpu.memory_space<hbm>>
      %dma_wait3A_36 = tpu.memref_slice %arg3[%add3A_10] : memref<65536xi32, #tpu.memory_space<hbm>> -> memref<512xi32, #tpu.memory_space<hbm>>
      tpu.wait_dma2 semaphore(%run_scoped3A : memref<!tpu.dma_semaphore, #tpu.memory_space<semaphore_mem>>) src(%dma_wait3A_36 : memref<512xi32, #tpu.memory_space<hbm>>) dst(%arg5 : memref<512xi32, #tpu.memory_space<vmem>>)
      tpu.yield
    }) : () -> ()
    %dma_start3A_11 = arith.constant 0 : i32
    %dma_start3A_12 = arith.constant 0 : i32
    %dma_start3A_13 = tpu.memref_slice %arg2[%dma_start3A_11, %dma_start3A_12] : memref<16384x128xf32, #tpu.memory_space<hbm>> -> memref<16384x128xf32, #tpu.memory_space<hbm>>
    tpu.enqueue_indirect_dma source(%dma_start3A_13 : memref<16384x128xf32, #tpu.memory_space<hbm>>) target(%arg6 : memref<512x128xf32, #tpu.memory_space<vmem>>) offsets(%arg5 : memref<512xi32, #tpu.memory_space<vmem>>) semaphore(%arg7 : memref<!tpu.dma_semaphore, #tpu.memory_space<semaphore_mem>>)
    %dma_wait3A_14 = arith.constant 0 : i32
    %dma_wait3A_15 = arith.constant 0 : i32
    %dma_wait3A_16 = tpu.memref_slice %arg2[%dma_wait3A_14, %dma_wait3A_15] : memref<16384x128xf32, #tpu.memory_space<hbm>> -> memref<16384x128xf32, #tpu.memory_space<hbm>>
    tpu.wait_indirect_dma semaphore(%arg7 : memref<!tpu.dma_semaphore, #tpu.memory_space<semaphore_mem>>) src(%dma_wait3A_16 : memref<16384x128xf32, #tpu.memory_space<hbm>>) dst(%arg6 : memref<512x128xf32, #tpu.memory_space<vmem>>)
    "tpu.region"() ({
      %run_scoped3A = tpu.sem_alloc : memref<!tpu.dma_semaphore, #tpu.memory_space<semaphore_mem>>
      %dma_start3A_33 = arith.constant 0 : i32
      %dma_start3A_34 = tpu.memref_slice %arg4[%add3A_10, %dma_start3A_33] : memref<65536x128xf32, #tpu.memory_space<hbm>> -> memref<512x128xf32, #tpu.memory_space<hbm>>
      %dma_start3A_35 = arith.constant 0 : i32
      %dma_start3A_36 = tpu.memref_slice %arg4[%add3A_10, %dma_start3A_35] : memref<65536x128xf32, #tpu.memory_space<hbm>> -> memref<512x128xf32, #tpu.memory_space<hbm>>
      tpu.enqueue_dma source(%arg6 : memref<512x128xf32, #tpu.memory_space<vmem>>) target(%dma_start3A_36 : memref<512x128xf32, #tpu.memory_space<hbm>>) target_semaphore(%run_scoped3A : memref<!tpu.dma_semaphore, #tpu.memory_space<semaphore_mem>>)
      %dma_wait3A_37 = arith.constant 0 : i32
      %dma_wait3A_38 = tpu.memref_slice %arg4[%add3A_10, %dma_wait3A_37] : memref<65536x128xf32, #tpu.memory_space<hbm>> -> memref<512x128xf32, #tpu.memory_space<hbm>>
      %dma_wait3A_39 = arith.constant 0 : i32
      %dma_wait3A_40 = tpu.memref_slice %arg4[%add3A_10, %dma_wait3A_39] : memref<65536x128xf32, #tpu.memory_space<hbm>> -> memref<512x128xf32, #tpu.memory_space<hbm>>
      tpu.wait_dma2 semaphore(%run_scoped3A : memref<!tpu.dma_semaphore, #tpu.memory_space<semaphore_mem>>) src(%arg6 : memref<512x128xf32, #tpu.memory_space<vmem>>) dst(%dma_wait3A_40 : memref<512x128xf32, #tpu.memory_space<hbm>>)
      tpu.yield
    }) : () -> ()
    %add3A_17 = arith.constant 1024 : i32
    %add3A_18 = arith.addi %mul3A_2, %add3A_17 : i32
    "tpu.region"() ({
      %run_scoped3A = tpu.sem_alloc : memref<!tpu.dma_semaphore, #tpu.memory_space<semaphore_mem>>
      %dma_start3A_33 = tpu.memref_slice %arg3[%add3A_18] : memref<65536xi32, #tpu.memory_space<hbm>> -> memref<512xi32, #tpu.memory_space<hbm>>
      %dma_start3A_34 = tpu.memref_slice %arg3[%add3A_18] : memref<65536xi32, #tpu.memory_space<hbm>> -> memref<512xi32, #tpu.memory_space<hbm>>
      tpu.enqueue_dma source(%dma_start3A_34 : memref<512xi32, #tpu.memory_space<hbm>>) target(%arg5 : memref<512xi32, #tpu.memory_space<vmem>>) target_semaphore(%run_scoped3A : memref<!tpu.dma_semaphore, #tpu.memory_space<semaphore_mem>>)
      %dma_wait3A_35 = tpu.memref_slice %arg3[%add3A_18] : memref<65536xi32, #tpu.memory_space<hbm>> -> memref<512xi32, #tpu.memory_space<hbm>>
      %dma_wait3A_36 = tpu.memref_slice %arg3[%add3A_18] : memref<65536xi32, #tpu.memory_space<hbm>> -> memref<512xi32, #tpu.memory_space<hbm>>
      tpu.wait_dma2 semaphore(%run_scoped3A : memref<!tpu.dma_semaphore, #tpu.memory_space<semaphore_mem>>) src(%dma_wait3A_36 : memref<512xi32, #tpu.memory_space<hbm>>) dst(%arg5 : memref<512xi32, #tpu.memory_space<vmem>>)
      tpu.yield
    }) : () -> ()
    %dma_start3A_19 = arith.constant 0 : i32
    %dma_start3A_20 = arith.constant 0 : i32
    %dma_start3A_21 = tpu.memref_slice %arg2[%dma_start3A_19, %dma_start3A_20] : memref<16384x128xf32, #tpu.memory_space<hbm>> -> memref<16384x128xf32, #tpu.memory_space<hbm>>
    tpu.enqueue_indirect_dma source(%dma_start3A_21 : memref<16384x128xf32, #tpu.memory_space<hbm>>) target(%arg6 : memref<512x128xf32, #tpu.memory_space<vmem>>) offsets(%arg5 : memref<512xi32, #tpu.memory_space<vmem>>) semaphore(%arg7 : memref<!tpu.dma_semaphore, #tpu.memory_space<semaphore_mem>>)
    %dma_wait3A_22 = arith.constant 0 : i32
    %dma_wait3A_23 = arith.constant 0 : i32
    %dma_wait3A_24 = tpu.memref_slice %arg2[%dma_wait3A_22, %dma_wait3A_23] : memref<16384x128xf32, #tpu.memory_space<hbm>> -> memref<16384x128xf32, #tpu.memory_space<hbm>>
    tpu.wait_indirect_dma semaphore(%arg7 : memref<!tpu.dma_semaphore, #tpu.memory_space<semaphore_mem>>) src(%dma_wait3A_24 : memref<16384x128xf32, #tpu.memory_space<hbm>>) dst(%arg6 : memref<512x128xf32, #tpu.memory_space<vmem>>)
    "tpu.region"() ({
      %run_scoped3A = tpu.sem_alloc : memref<!tpu.dma_semaphore, #tpu.memory_space<semaphore_mem>>
      %dma_start3A_33 = arith.constant 0 : i32
      %dma_start3A_34 = tpu.memref_slice %arg4[%add3A_18, %dma_start3A_33] : memref<65536x128xf32, #tpu.memory_space<hbm>> -> memref<512x128xf32, #tpu.memory_space<hbm>>
      %dma_start3A_35 = arith.constant 0 : i32
      %dma_start3A_36 = tpu.memref_slice %arg4[%add3A_18, %dma_start3A_35] : memref<65536x128xf32, #tpu.memory_space<hbm>> -> memref<512x128xf32, #tpu.memory_space<hbm>>
      tpu.enqueue_dma source(%arg6 : memref<512x128xf32, #tpu.memory_space<vmem>>) target(%dma_start3A_36 : memref<512x128xf32, #tpu.memory_space<hbm>>) target_semaphore(%run_scoped3A : memref<!tpu.dma_semaphore, #tpu.memory_space<semaphore_mem>>)
      %dma_wait3A_37 = arith.constant 0 : i32
      %dma_wait3A_38 = tpu.memref_slice %arg4[%add3A_18, %dma_wait3A_37] : memref<65536x128xf32, #tpu.memory_space<hbm>> -> memref<512x128xf32, #tpu.memory_space<hbm>>
      %dma_wait3A_39 = arith.constant 0 : i32
      %dma_wait3A_40 = tpu.memref_slice %arg4[%add3A_18, %dma_wait3A_39] : memref<65536x128xf32, #tpu.memory_space<hbm>> -> memref<512x128xf32, #tpu.memory_space<hbm>>
      tpu.wait_dma2 semaphore(%run_scoped3A : memref<!tpu.dma_semaphore, #tpu.memory_space<semaphore_mem>>) src(%arg6 : memref<512x128xf32, #tpu.memory_space<vmem>>) dst(%dma_wait3A_40 : memref<512x128xf32, #tpu.memory_space<hbm>>)
      tpu.yield
    }) : () -> ()
    %add3A_25 = arith.constant 1536 : i32
    %add3A_26 = arith.addi %mul3A_2, %add3A_25 : i32
    "tpu.region"() ({
      %run_scoped3A = tpu.sem_alloc : memref<!tpu.dma_semaphore, #tpu.memory_space<semaphore_mem>>
      %dma_start3A_33 = tpu.memref_slice %arg3[%add3A_26] : memref<65536xi32, #tpu.memory_space<hbm>> -> memref<512xi32, #tpu.memory_space<hbm>>
      %dma_start3A_34 = tpu.memref_slice %arg3[%add3A_26] : memref<65536xi32, #tpu.memory_space<hbm>> -> memref<512xi32, #tpu.memory_space<hbm>>
      tpu.enqueue_dma source(%dma_start3A_34 : memref<512xi32, #tpu.memory_space<hbm>>) target(%arg5 : memref<512xi32, #tpu.memory_space<vmem>>) target_semaphore(%run_scoped3A : memref<!tpu.dma_semaphore, #tpu.memory_space<semaphore_mem>>)
      %dma_wait3A_35 = tpu.memref_slice %arg3[%add3A_26] : memref<65536xi32, #tpu.memory_space<hbm>> -> memref<512xi32, #tpu.memory_space<hbm>>
      %dma_wait3A_36 = tpu.memref_slice %arg3[%add3A_26] : memref<65536xi32, #tpu.memory_space<hbm>> -> memref<512xi32, #tpu.memory_space<hbm>>
      tpu.wait_dma2 semaphore(%run_scoped3A : memref<!tpu.dma_semaphore, #tpu.memory_space<semaphore_mem>>) src(%dma_wait3A_36 : memref<512xi32, #tpu.memory_space<hbm>>) dst(%arg5 : memref<512xi32, #tpu.memory_space<vmem>>)
      tpu.yield
    }) : () -> ()
    %dma_start3A_27 = arith.constant 0 : i32
    %dma_start3A_28 = arith.constant 0 : i32
    %dma_start3A_29 = tpu.memref_slice %arg2[%dma_start3A_27, %dma_start3A_28] : memref<16384x128xf32, #tpu.memory_space<hbm>> -> memref<16384x128xf32, #tpu.memory_space<hbm>>
    tpu.enqueue_indirect_dma source(%dma_start3A_29 : memref<16384x128xf32, #tpu.memory_space<hbm>>) target(%arg6 : memref<512x128xf32, #tpu.memory_space<vmem>>) offsets(%arg5 : memref<512xi32, #tpu.memory_space<vmem>>) semaphore(%arg7 : memref<!tpu.dma_semaphore, #tpu.memory_space<semaphore_mem>>)
    %dma_wait3A_30 = arith.constant 0 : i32
    %dma_wait3A_31 = arith.constant 0 : i32
    %dma_wait3A_32 = tpu.memref_slice %arg2[%dma_wait3A_30, %dma_wait3A_31] : memref<16384x128xf32, #tpu.memory_space<hbm>> -> memref<16384x128xf32, #tpu.memory_space<hbm>>
    tpu.wait_indirect_dma semaphore(%arg7 : memref<!tpu.dma_semaphore, #tpu.memory_space<semaphore_mem>>) src(%dma_wait3A_32 : memref<16384x128xf32, #tpu.memory_space<hbm>>) dst(%arg6 : memref<512x128xf32, #tpu.memory_space<vmem>>)
    "tpu.region"() ({
      %run_scoped3A = tpu.sem_alloc : memref<!tpu.dma_semaphore, #tpu.memory_space<semaphore_mem>>
      %dma_start3A_33 = arith.constant 0 : i32
      %dma_start3A_34 = tpu.memref_slice %arg4[%add3A_26, %dma_start3A_33] : memref<65536x128xf32, #tpu.memory_space<hbm>> -> memref<512x128xf32, #tpu.memory_space<hbm>>
      %dma_start3A_35 = arith.constant 0 : i32
      %dma_start3A_36 = tpu.memref_slice %arg4[%add3A_26, %dma_start3A_35] : memref<65536x128xf32, #tpu.memory_space<hbm>> -> memref<512x128xf32, #tpu.memory_space<hbm>>
      tpu.enqueue_dma source(%arg6 : memref<512x128xf32, #tpu.memory_space<vmem>>) target(%dma_start3A_36 : memref<512x128xf32, #tpu.memory_space<hbm>>) target_semaphore(%run_scoped3A : memref<!tpu.dma_semaphore, #tpu.memory_space<semaphore_mem>>)
      %dma_wait3A_37 = arith.constant 0 : i32
      %dma_wait3A_38 = tpu.memref_slice %arg4[%add3A_26, %dma_wait3A_37] : memref<65536x128xf32, #tpu.memory_space<hbm>> -> memref<512x128xf32, #tpu.memory_space<hbm>>
      %dma_wait3A_39 = arith.constant 0 : i32
      %dma_wait3A_40 = tpu.memref_slice %arg4[%add3A_26, %dma_wait3A_39] : memref<65536x128xf32, #tpu.memory_space<hbm>> -> memref<512x128xf32, #tpu.memory_space<hbm>>
      tpu.wait_dma2 semaphore(%run_scoped3A : memref<!tpu.dma_semaphore, #tpu.memory_space<semaphore_mem>>) src(%arg6 : memref<512x128xf32, #tpu.memory_space<vmem>>) dst(%dma_wait3A_40 : memref<512x128xf32, #tpu.memory_space<hbm>>)
      tpu.yield
    }) : () -> ()
    return
  }
}

#map = affine_map<(d0, d1) -> (0, 0)>
#map1 = affine_map<(d0, d1) -> (0)>
module attributes {stable_mosaic.version = 14 : i64} {
  func.func @k(%arg0: i32, %arg1: i32, %arg2: memref<65536x128xf32, #tpu.memory_space<hbm>>, %arg3: memref<65536xi32, #tpu.memory_space<hbm>>, %arg4: memref<65536x128xf32, #tpu.memory_space<hbm>>, %arg5: memref<512xi32, #tpu.memory_space<vmem>>, %arg6: memref<512x128xf32, #tpu.memory_space<vmem>>, %arg7: memref<!tpu.dma_semaphore, #tpu.memory_space<semaphore_mem>>) attributes {dimension_semantics = [#tpu.dimension_semantics<core_parallel>, #tpu.dimension_semantics<subcore_parallel>], iteration_bounds = array<i64: 2, 16>, scalar_prefetch = 0 : i64, scratch_operands = 3 : i64, tpu.core_type = #tpu.core_type<sc_vector_subcore>, window_params = [{transform_indices = #map}, {transform_indices = #map1}, {transform_indices = #map}]} {
    %mul3A = arith.constant 2 : i32
    %mul3A_0 = arith.muli %arg1, %mul3A : i32
    %add3A = arith.addi %mul3A_0, %arg0 : i32
    %mul3A_1 = arith.constant 2048 : i32
    %mul3A_2 = arith.muli %add3A, %mul3A_1 : i32
    %add3A_3 = arith.constant 0 : i32
    %add3A_4 = arith.addi %mul3A_2, %add3A_3 : i32
    "tpu.region"() ({
      %run_scoped3A = tpu.sem_alloc : memref<!tpu.dma_semaphore, #tpu.memory_space<semaphore_mem>>
      %dma_start3A_33 = tpu.memref_slice %arg3[%add3A_4] : memref<65536xi32, #tpu.memory_space<hbm>> -> memref<512xi32, #tpu.memory_space<hbm>>
      %dma_start3A_34 = tpu.memref_slice %arg3[%add3A_4] : memref<65536xi32, #tpu.memory_space<hbm>> -> memref<512xi32, #tpu.memory_space<hbm>>
      tpu.enqueue_dma source(%dma_start3A_34 : memref<512xi32, #tpu.memory_space<hbm>>) target(%arg5 : memref<512xi32, #tpu.memory_space<vmem>>) target_semaphore(%run_scoped3A : memref<!tpu.dma_semaphore, #tpu.memory_space<semaphore_mem>>)
      %dma_wait3A_35 = tpu.memref_slice %arg3[%add3A_4] : memref<65536xi32, #tpu.memory_space<hbm>> -> memref<512xi32, #tpu.memory_space<hbm>>
      %dma_wait3A_36 = tpu.memref_slice %arg3[%add3A_4] : memref<65536xi32, #tpu.memory_space<hbm>> -> memref<512xi32, #tpu.memory_space<hbm>>
      tpu.wait_dma2 semaphore(%run_scoped3A : memref<!tpu.dma_semaphore, #tpu.memory_space<semaphore_mem>>) src(%dma_wait3A_36 : memref<512xi32, #tpu.memory_space<hbm>>) dst(%arg5 : memref<512xi32, #tpu.memory_space<vmem>>)
      tpu.yield
    }) : () -> ()
    "tpu.region"() ({
      %run_scoped3A = tpu.sem_alloc : memref<!tpu.dma_semaphore, #tpu.memory_space<semaphore_mem>>
      %dma_start3A_33 = arith.constant 0 : i32
      %dma_start3A_34 = tpu.memref_slice %arg2[%add3A_4, %dma_start3A_33] : memref<65536x128xf32, #tpu.memory_space<hbm>> -> memref<512x128xf32, #tpu.memory_space<hbm>>
      %dma_start3A_35 = arith.constant 0 : i32
      %dma_start3A_36 = tpu.memref_slice %arg2[%add3A_4, %dma_start3A_35] : memref<65536x128xf32, #tpu.memory_space<hbm>> -> memref<512x128xf32, #tpu.memory_space<hbm>>
      tpu.enqueue_dma source(%dma_start3A_36 : memref<512x128xf32, #tpu.memory_space<hbm>>) target(%arg6 : memref<512x128xf32, #tpu.memory_space<vmem>>) target_semaphore(%run_scoped3A : memref<!tpu.dma_semaphore, #tpu.memory_space<semaphore_mem>>)
      %dma_wait3A_37 = arith.constant 0 : i32
      %dma_wait3A_38 = tpu.memref_slice %arg2[%add3A_4, %dma_wait3A_37] : memref<65536x128xf32, #tpu.memory_space<hbm>> -> memref<512x128xf32, #tpu.memory_space<hbm>>
      %dma_wait3A_39 = arith.constant 0 : i32
      %dma_wait3A_40 = tpu.memref_slice %arg2[%add3A_4, %dma_wait3A_39] : memref<65536x128xf32, #tpu.memory_space<hbm>> -> memref<512x128xf32, #tpu.memory_space<hbm>>
      tpu.wait_dma2 semaphore(%run_scoped3A : memref<!tpu.dma_semaphore, #tpu.memory_space<semaphore_mem>>) src(%dma_wait3A_40 : memref<512x128xf32, #tpu.memory_space<hbm>>) dst(%arg6 : memref<512x128xf32, #tpu.memory_space<vmem>>)
      tpu.yield
    }) : () -> ()
    %dma_start3A = arith.constant 0 : i32
    %dma_start3A_5 = arith.constant 0 : i32
    %dma_start3A_6 = tpu.memref_slice %arg4[%dma_start3A, %dma_start3A_5] : memref<65536x128xf32, #tpu.memory_space<hbm>> -> memref<65536x128xf32, #tpu.memory_space<hbm>>
    tpu.enqueue_indirect_dma source(%arg6 : memref<512x128xf32, #tpu.memory_space<vmem>>) target(%dma_start3A_6 : memref<65536x128xf32, #tpu.memory_space<hbm>>) offsets(%arg5 : memref<512xi32, #tpu.memory_space<vmem>>) semaphore(%arg7 : memref<!tpu.dma_semaphore, #tpu.memory_space<semaphore_mem>>)
    %dma_wait3A = arith.constant 0 : i32
    %dma_wait3A_7 = arith.constant 0 : i32
    %dma_wait3A_8 = tpu.memref_slice %arg4[%dma_wait3A, %dma_wait3A_7] : memref<65536x128xf32, #tpu.memory_space<hbm>> -> memref<65536x128xf32, #tpu.memory_space<hbm>>
    tpu.wait_indirect_dma semaphore(%arg7 : memref<!tpu.dma_semaphore, #tpu.memory_space<semaphore_mem>>) src(%arg6 : memref<512x128xf32, #tpu.memory_space<vmem>>) dst(%dma_wait3A_8 : memref<65536x128xf32, #tpu.memory_space<hbm>>)
    %add3A_9 = arith.constant 512 : i32
    %add3A_10 = arith.addi %mul3A_2, %add3A_9 : i32
    "tpu.region"() ({
      %run_scoped3A = tpu.sem_alloc : memref<!tpu.dma_semaphore, #tpu.memory_space<semaphore_mem>>
      %dma_start3A_33 = tpu.memref_slice %arg3[%add3A_10] : memref<65536xi32, #tpu.memory_space<hbm>> -> memref<512xi32, #tpu.memory_space<hbm>>
      %dma_start3A_34 = tpu.memref_slice %arg3[%add3A_10] : memref<65536xi32, #tpu.memory_space<hbm>> -> memref<512xi32, #tpu.memory_space<hbm>>
      tpu.enqueue_dma source(%dma_start3A_34 : memref<512xi32, #tpu.memory_space<hbm>>) target(%arg5 : memref<512xi32, #tpu.memory_space<vmem>>) target_semaphore(%run_scoped3A : memref<!tpu.dma_semaphore, #tpu.memory_space<semaphore_mem>>)
      %dma_wait3A_35 = tpu.memref_slice %arg3[%add3A_10] : memref<65536xi32, #tpu.memory_space<hbm>> -> memref<512xi32, #tpu.memory_space<hbm>>
      %dma_wait3A_36 = tpu.memref_slice %arg3[%add3A_10] : memref<65536xi32, #tpu.memory_space<hbm>> -> memref<512xi32, #tpu.memory_space<hbm>>
      tpu.wait_dma2 semaphore(%run_scoped3A : memref<!tpu.dma_semaphore, #tpu.memory_space<semaphore_mem>>) src(%dma_wait3A_36 : memref<512xi32, #tpu.memory_space<hbm>>) dst(%arg5 : memref<512xi32, #tpu.memory_space<vmem>>)
      tpu.yield
    }) : () -> ()
    "tpu.region"() ({
      %run_scoped3A = tpu.sem_alloc : memref<!tpu.dma_semaphore, #tpu.memory_space<semaphore_mem>>
      %dma_start3A_33 = arith.constant 0 : i32
      %dma_start3A_34 = tpu.memref_slice %arg2[%add3A_10, %dma_start3A_33] : memref<65536x128xf32, #tpu.memory_space<hbm>> -> memref<512x128xf32, #tpu.memory_space<hbm>>
      %dma_start3A_35 = arith.constant 0 : i32
      %dma_start3A_36 = tpu.memref_slice %arg2[%add3A_10, %dma_start3A_35] : memref<65536x128xf32, #tpu.memory_space<hbm>> -> memref<512x128xf32, #tpu.memory_space<hbm>>
      tpu.enqueue_dma source(%dma_start3A_36 : memref<512x128xf32, #tpu.memory_space<hbm>>) target(%arg6 : memref<512x128xf32, #tpu.memory_space<vmem>>) target_semaphore(%run_scoped3A : memref<!tpu.dma_semaphore, #tpu.memory_space<semaphore_mem>>)
      %dma_wait3A_37 = arith.constant 0 : i32
      %dma_wait3A_38 = tpu.memref_slice %arg2[%add3A_10, %dma_wait3A_37] : memref<65536x128xf32, #tpu.memory_space<hbm>> -> memref<512x128xf32, #tpu.memory_space<hbm>>
      %dma_wait3A_39 = arith.constant 0 : i32
      %dma_wait3A_40 = tpu.memref_slice %arg2[%add3A_10, %dma_wait3A_39] : memref<65536x128xf32, #tpu.memory_space<hbm>> -> memref<512x128xf32, #tpu.memory_space<hbm>>
      tpu.wait_dma2 semaphore(%run_scoped3A : memref<!tpu.dma_semaphore, #tpu.memory_space<semaphore_mem>>) src(%dma_wait3A_40 : memref<512x128xf32, #tpu.memory_space<hbm>>) dst(%arg6 : memref<512x128xf32, #tpu.memory_space<vmem>>)
      tpu.yield
    }) : () -> ()
    %dma_start3A_11 = arith.constant 0 : i32
    %dma_start3A_12 = arith.constant 0 : i32
    %dma_start3A_13 = tpu.memref_slice %arg4[%dma_start3A_11, %dma_start3A_12] : memref<65536x128xf32, #tpu.memory_space<hbm>> -> memref<65536x128xf32, #tpu.memory_space<hbm>>
    tpu.enqueue_indirect_dma source(%arg6 : memref<512x128xf32, #tpu.memory_space<vmem>>) target(%dma_start3A_13 : memref<65536x128xf32, #tpu.memory_space<hbm>>) offsets(%arg5 : memref<512xi32, #tpu.memory_space<vmem>>) semaphore(%arg7 : memref<!tpu.dma_semaphore, #tpu.memory_space<semaphore_mem>>)
    %dma_wait3A_14 = arith.constant 0 : i32
    %dma_wait3A_15 = arith.constant 0 : i32
    %dma_wait3A_16 = tpu.memref_slice %arg4[%dma_wait3A_14, %dma_wait3A_15] : memref<65536x128xf32, #tpu.memory_space<hbm>> -> memref<65536x128xf32, #tpu.memory_space<hbm>>
    tpu.wait_indirect_dma semaphore(%arg7 : memref<!tpu.dma_semaphore, #tpu.memory_space<semaphore_mem>>) src(%arg6 : memref<512x128xf32, #tpu.memory_space<vmem>>) dst(%dma_wait3A_16 : memref<65536x128xf32, #tpu.memory_space<hbm>>)
    %add3A_17 = arith.constant 1024 : i32
    %add3A_18 = arith.addi %mul3A_2, %add3A_17 : i32
    "tpu.region"() ({
      %run_scoped3A = tpu.sem_alloc : memref<!tpu.dma_semaphore, #tpu.memory_space<semaphore_mem>>
      %dma_start3A_33 = tpu.memref_slice %arg3[%add3A_18] : memref<65536xi32, #tpu.memory_space<hbm>> -> memref<512xi32, #tpu.memory_space<hbm>>
      %dma_start3A_34 = tpu.memref_slice %arg3[%add3A_18] : memref<65536xi32, #tpu.memory_space<hbm>> -> memref<512xi32, #tpu.memory_space<hbm>>
      tpu.enqueue_dma source(%dma_start3A_34 : memref<512xi32, #tpu.memory_space<hbm>>) target(%arg5 : memref<512xi32, #tpu.memory_space<vmem>>) target_semaphore(%run_scoped3A : memref<!tpu.dma_semaphore, #tpu.memory_space<semaphore_mem>>)
      %dma_wait3A_35 = tpu.memref_slice %arg3[%add3A_18] : memref<65536xi32, #tpu.memory_space<hbm>> -> memref<512xi32, #tpu.memory_space<hbm>>
      %dma_wait3A_36 = tpu.memref_slice %arg3[%add3A_18] : memref<65536xi32, #tpu.memory_space<hbm>> -> memref<512xi32, #tpu.memory_space<hbm>>
      tpu.wait_dma2 semaphore(%run_scoped3A : memref<!tpu.dma_semaphore, #tpu.memory_space<semaphore_mem>>) src(%dma_wait3A_36 : memref<512xi32, #tpu.memory_space<hbm>>) dst(%arg5 : memref<512xi32, #tpu.memory_space<vmem>>)
      tpu.yield
    }) : () -> ()
    "tpu.region"() ({
      %run_scoped3A = tpu.sem_alloc : memref<!tpu.dma_semaphore, #tpu.memory_space<semaphore_mem>>
      %dma_start3A_33 = arith.constant 0 : i32
      %dma_start3A_34 = tpu.memref_slice %arg2[%add3A_18, %dma_start3A_33] : memref<65536x128xf32, #tpu.memory_space<hbm>> -> memref<512x128xf32, #tpu.memory_space<hbm>>
      %dma_start3A_35 = arith.constant 0 : i32
      %dma_start3A_36 = tpu.memref_slice %arg2[%add3A_18, %dma_start3A_35] : memref<65536x128xf32, #tpu.memory_space<hbm>> -> memref<512x128xf32, #tpu.memory_space<hbm>>
      tpu.enqueue_dma source(%dma_start3A_36 : memref<512x128xf32, #tpu.memory_space<hbm>>) target(%arg6 : memref<512x128xf32, #tpu.memory_space<vmem>>) target_semaphore(%run_scoped3A : memref<!tpu.dma_semaphore, #tpu.memory_space<semaphore_mem>>)
      %dma_wait3A_37 = arith.constant 0 : i32
      %dma_wait3A_38 = tpu.memref_slice %arg2[%add3A_18, %dma_wait3A_37] : memref<65536x128xf32, #tpu.memory_space<hbm>> -> memref<512x128xf32, #tpu.memory_space<hbm>>
      %dma_wait3A_39 = arith.constant 0 : i32
      %dma_wait3A_40 = tpu.memref_slice %arg2[%add3A_18, %dma_wait3A_39] : memref<65536x128xf32, #tpu.memory_space<hbm>> -> memref<512x128xf32, #tpu.memory_space<hbm>>
      tpu.wait_dma2 semaphore(%run_scoped3A : memref<!tpu.dma_semaphore, #tpu.memory_space<semaphore_mem>>) src(%dma_wait3A_40 : memref<512x128xf32, #tpu.memory_space<hbm>>) dst(%arg6 : memref<512x128xf32, #tpu.memory_space<vmem>>)
      tpu.yield
    }) : () -> ()
    %dma_start3A_19 = arith.constant 0 : i32
    %dma_start3A_20 = arith.constant 0 : i32
    %dma_start3A_21 = tpu.memref_slice %arg4[%dma_start3A_19, %dma_start3A_20] : memref<65536x128xf32, #tpu.memory_space<hbm>> -> memref<65536x128xf32, #tpu.memory_space<hbm>>
    tpu.enqueue_indirect_dma source(%arg6 : memref<512x128xf32, #tpu.memory_space<vmem>>) target(%dma_start3A_21 : memref<65536x128xf32, #tpu.memory_space<hbm>>) offsets(%arg5 : memref<512xi32, #tpu.memory_space<vmem>>) semaphore(%arg7 : memref<!tpu.dma_semaphore, #tpu.memory_space<semaphore_mem>>)
    %dma_wait3A_22 = arith.constant 0 : i32
    %dma_wait3A_23 = arith.constant 0 : i32
    %dma_wait3A_24 = tpu.memref_slice %arg4[%dma_wait3A_22, %dma_wait3A_23] : memref<65536x128xf32, #tpu.memory_space<hbm>> -> memref<65536x128xf32, #tpu.memory_space<hbm>>
    tpu.wait_indirect_dma semaphore(%arg7 : memref<!tpu.dma_semaphore, #tpu.memory_space<semaphore_mem>>) src(%arg6 : memref<512x128xf32, #tpu.memory_space<vmem>>) dst(%dma_wait3A_24 : memref<65536x128xf32, #tpu.memory_space<hbm>>)
    %add3A_25 = arith.constant 1536 : i32
    %add3A_26 = arith.addi %mul3A_2, %add3A_25 : i32
    "tpu.region"() ({
      %run_scoped3A = tpu.sem_alloc : memref<!tpu.dma_semaphore, #tpu.memory_space<semaphore_mem>>
      %dma_start3A_33 = tpu.memref_slice %arg3[%add3A_26] : memref<65536xi32, #tpu.memory_space<hbm>> -> memref<512xi32, #tpu.memory_space<hbm>>
      %dma_start3A_34 = tpu.memref_slice %arg3[%add3A_26] : memref<65536xi32, #tpu.memory_space<hbm>> -> memref<512xi32, #tpu.memory_space<hbm>>
      tpu.enqueue_dma source(%dma_start3A_34 : memref<512xi32, #tpu.memory_space<hbm>>) target(%arg5 : memref<512xi32, #tpu.memory_space<vmem>>) target_semaphore(%run_scoped3A : memref<!tpu.dma_semaphore, #tpu.memory_space<semaphore_mem>>)
      %dma_wait3A_35 = tpu.memref_slice %arg3[%add3A_26] : memref<65536xi32, #tpu.memory_space<hbm>> -> memref<512xi32, #tpu.memory_space<hbm>>
      %dma_wait3A_36 = tpu.memref_slice %arg3[%add3A_26] : memref<65536xi32, #tpu.memory_space<hbm>> -> memref<512xi32, #tpu.memory_space<hbm>>
      tpu.wait_dma2 semaphore(%run_scoped3A : memref<!tpu.dma_semaphore, #tpu.memory_space<semaphore_mem>>) src(%dma_wait3A_36 : memref<512xi32, #tpu.memory_space<hbm>>) dst(%arg5 : memref<512xi32, #tpu.memory_space<vmem>>)
      tpu.yield
    }) : () -> ()
    "tpu.region"() ({
      %run_scoped3A = tpu.sem_alloc : memref<!tpu.dma_semaphore, #tpu.memory_space<semaphore_mem>>
      %dma_start3A_33 = arith.constant 0 : i32
      %dma_start3A_34 = tpu.memref_slice %arg2[%add3A_26, %dma_start3A_33] : memref<65536x128xf32, #tpu.memory_space<hbm>> -> memref<512x128xf32, #tpu.memory_space<hbm>>
      %dma_start3A_35 = arith.constant 0 : i32
      %dma_start3A_36 = tpu.memref_slice %arg2[%add3A_26, %dma_start3A_35] : memref<65536x128xf32, #tpu.memory_space<hbm>> -> memref<512x128xf32, #tpu.memory_space<hbm>>
      tpu.enqueue_dma source(%dma_start3A_36 : memref<512x128xf32, #tpu.memory_space<hbm>>) target(%arg6 : memref<512x128xf32, #tpu.memory_space<vmem>>) target_semaphore(%run_scoped3A : memref<!tpu.dma_semaphore, #tpu.memory_space<semaphore_mem>>)
      %dma_wait3A_37 = arith.constant 0 : i32
      %dma_wait3A_38 = tpu.memref_slice %arg2[%add3A_26, %dma_wait3A_37] : memref<65536x128xf32, #tpu.memory_space<hbm>> -> memref<512x128xf32, #tpu.memory_space<hbm>>
      %dma_wait3A_39 = arith.constant 0 : i32
      %dma_wait3A_40 = tpu.memref_slice %arg2[%add3A_26, %dma_wait3A_39] : memref<65536x128xf32, #tpu.memory_space<hbm>> -> memref<512x128xf32, #tpu.memory_space<hbm>>
      tpu.wait_dma2 semaphore(%run_scoped3A : memref<!tpu.dma_semaphore, #tpu.memory_space<semaphore_mem>>) src(%dma_wait3A_40 : memref<512x128xf32, #tpu.memory_space<hbm>>) dst(%arg6 : memref<512x128xf32, #tpu.memory_space<vmem>>)
      tpu.yield
    }) : () -> ()
    %dma_start3A_27 = arith.constant 0 : i32
    %dma_start3A_28 = arith.constant 0 : i32
    %dma_start3A_29 = tpu.memref_slice %arg4[%dma_start3A_27, %dma_start3A_28] : memref<65536x128xf32, #tpu.memory_space<hbm>> -> memref<65536x128xf32, #tpu.memory_space<hbm>>
    tpu.enqueue_indirect_dma source(%arg6 : memref<512x128xf32, #tpu.memory_space<vmem>>) target(%dma_start3A_29 : memref<65536x128xf32, #tpu.memory_space<hbm>>) offsets(%arg5 : memref<512xi32, #tpu.memory_space<vmem>>) semaphore(%arg7 : memref<!tpu.dma_semaphore, #tpu.memory_space<semaphore_mem>>)
    %dma_wait3A_30 = arith.constant 0 : i32
    %dma_wait3A_31 = arith.constant 0 : i32
    %dma_wait3A_32 = tpu.memref_slice %arg4[%dma_wait3A_30, %dma_wait3A_31] : memref<65536x128xf32, #tpu.memory_space<hbm>> -> memref<65536x128xf32, #tpu.memory_space<hbm>>
    tpu.wait_indirect_dma semaphore(%arg7 : memref<!tpu.dma_semaphore, #tpu.memory_space<semaphore_mem>>) src(%arg6 : memref<512x128xf32, #tpu.memory_space<vmem>>) dst(%dma_wait3A_32 : memref<65536x128xf32, #tpu.memory_space<hbm>>)
    return
  }
}

#map = affine_map<(d0, d1) -> (0, 0)>
#map1 = affine_map<(d0, d1) -> (0)>
module attributes {stable_mosaic.version = 14 : i64} {
  func.func @k(%arg0: i32, %arg1: i32, %arg2: memref<16384x128xf32, #tpu.memory_space<hbm>>, %arg3: memref<65536xi32, #tpu.memory_space<hbm>>, %arg4: memref<65536x128xf32, #tpu.memory_space<hbm>>, %arg5: memref<512xi32, #tpu.memory_space<vmem>>, %arg6: memref<512x128xf32, #tpu.memory_space<vmem>>, %arg7: memref<!tpu.dma_semaphore, #tpu.memory_space<semaphore_mem>>) attributes {dimension_semantics = [#tpu.dimension_semantics<core_parallel>, #tpu.dimension_semantics<subcore_parallel>], iteration_bounds = array<i64: 2, 16>, scalar_prefetch = 0 : i64, scratch_operands = 3 : i64, tpu.core_type = #tpu.core_type<sc_vector_subcore>, window_params = [{transform_indices = #map}, {transform_indices = #map1}, {transform_indices = #map}]} {
    %mul3A = arith.constant 2 : i32
    %mul3A_0 = arith.muli %arg1, %mul3A : i32
    %add3A = arith.addi %mul3A_0, %arg0 : i32
    %mul3A_1 = arith.constant 2048 : i32
    %mul3A_2 = arith.muli %add3A, %mul3A_1 : i32
    %add3A_3 = arith.constant 0 : i32
    %add3A_4 = arith.addi %mul3A_2, %add3A_3 : i32
    "tpu.region"() ({
      %run_scoped3A = tpu.sem_alloc : memref<!tpu.dma_semaphore, #tpu.memory_space<semaphore_mem>>
      %dma_start3A_33 = tpu.memref_slice %arg3[%add3A_4] : memref<65536xi32, #tpu.memory_space<hbm>> -> memref<512xi32, #tpu.memory_space<hbm>>
      %dma_start3A_34 = tpu.memref_slice %arg3[%add3A_4] : memref<65536xi32, #tpu.memory_space<hbm>> -> memref<512xi32, #tpu.memory_space<hbm>>
      tpu.enqueue_dma source(%dma_start3A_34 : memref<512xi32, #tpu.memory_space<hbm>>) target(%arg5 : memref<512xi32, #tpu.memory_space<vmem>>) target_semaphore(%run_scoped3A : memref<!tpu.dma_semaphore, #tpu.memory_space<semaphore_mem>>)
      %dma_wait3A_35 = tpu.memref_slice %arg3[%add3A_4] : memref<65536xi32, #tpu.memory_space<hbm>> -> memref<512xi32, #tpu.memory_space<hbm>>
      %dma_wait3A_36 = tpu.memref_slice %arg3[%add3A_4] : memref<65536xi32, #tpu.memory_space<hbm>> -> memref<512xi32, #tpu.memory_space<hbm>>
      tpu.wait_dma2 semaphore(%run_scoped3A : memref<!tpu.dma_semaphore, #tpu.memory_space<semaphore_mem>>) src(%dma_wait3A_36 : memref<512xi32, #tpu.memory_space<hbm>>) dst(%arg5 : memref<512xi32, #tpu.memory_space<vmem>>)
      tpu.yield
    }) : () -> ()
    %dma_start3A = arith.constant 0 : i32
    %dma_start3A_5 = arith.constant 0 : i32
    %dma_start3A_6 = tpu.memref_slice %arg2[%dma_start3A, %dma_start3A_5] : memref<16384x128xf32, #tpu.memory_space<hbm>> -> memref<16384x128xf32, #tpu.memory_space<hbm>>
    tpu.enqueue_indirect_dma source(%dma_start3A_6 : memref<16384x128xf32, #tpu.memory_space<hbm>>) target(%arg6 : memref<512x128xf32, #tpu.memory_space<vmem>>) offsets(%arg5 : memref<512xi32, #tpu.memory_space<vmem>>) semaphore(%arg7 : memref<!tpu.dma_semaphore, #tpu.memory_space<semaphore_mem>>)
    %dma_wait3A = arith.constant 0 : i32
    %dma_wait3A_7 = arith.constant 0 : i32
    %dma_wait3A_8 = tpu.memref_slice %arg2[%dma_wait3A, %dma_wait3A_7] : memref<16384x128xf32, #tpu.memory_space<hbm>> -> memref<16384x128xf32, #tpu.memory_space<hbm>>
    tpu.wait_indirect_dma semaphore(%arg7 : memref<!tpu.dma_semaphore, #tpu.memory_space<semaphore_mem>>) src(%dma_wait3A_8 : memref<16384x128xf32, #tpu.memory_space<hbm>>) dst(%arg6 : memref<512x128xf32, #tpu.memory_space<vmem>>)
    "tpu.region"() ({
      %run_scoped3A = tpu.sem_alloc : memref<!tpu.dma_semaphore, #tpu.memory_space<semaphore_mem>>
      %dma_start3A_33 = arith.constant 0 : i32
      %dma_start3A_34 = tpu.memref_slice %arg4[%add3A_4, %dma_start3A_33] : memref<65536x128xf32, #tpu.memory_space<hbm>> -> memref<512x128xf32, #tpu.memory_space<hbm>>
      %dma_start3A_35 = arith.constant 0 : i32
      %dma_start3A_36 = tpu.memref_slice %arg4[%add3A_4, %dma_start3A_35] : memref<65536x128xf32, #tpu.memory_space<hbm>> -> memref<512x128xf32, #tpu.memory_space<hbm>>
      tpu.enqueue_dma source(%arg6 : memref<512x128xf32, #tpu.memory_space<vmem>>) target(%dma_start3A_36 : memref<512x128xf32, #tpu.memory_space<hbm>>) target_semaphore(%run_scoped3A : memref<!tpu.dma_semaphore, #tpu.memory_space<semaphore_mem>>)
      %dma_wait3A_37 = arith.constant 0 : i32
      %dma_wait3A_38 = tpu.memref_slice %arg4[%add3A_4, %dma_wait3A_37] : memref<65536x128xf32, #tpu.memory_space<hbm>> -> memref<512x128xf32, #tpu.memory_space<hbm>>
      %dma_wait3A_39 = arith.constant 0 : i32
      %dma_wait3A_40 = tpu.memref_slice %arg4[%add3A_4, %dma_wait3A_39] : memref<65536x128xf32, #tpu.memory_space<hbm>> -> memref<512x128xf32, #tpu.memory_space<hbm>>
      tpu.wait_dma2 semaphore(%run_scoped3A : memref<!tpu.dma_semaphore, #tpu.memory_space<semaphore_mem>>) src(%arg6 : memref<512x128xf32, #tpu.memory_space<vmem>>) dst(%dma_wait3A_40 : memref<512x128xf32, #tpu.memory_space<hbm>>)
      tpu.yield
    }) : () -> ()
    %add3A_9 = arith.constant 512 : i32
    %add3A_10 = arith.addi %mul3A_2, %add3A_9 : i32
    "tpu.region"() ({
      %run_scoped3A = tpu.sem_alloc : memref<!tpu.dma_semaphore, #tpu.memory_space<semaphore_mem>>
      %dma_start3A_33 = tpu.memref_slice %arg3[%add3A_10] : memref<65536xi32, #tpu.memory_space<hbm>> -> memref<512xi32, #tpu.memory_space<hbm>>
      %dma_start3A_34 = tpu.memref_slice %arg3[%add3A_10] : memref<65536xi32, #tpu.memory_space<hbm>> -> memref<512xi32, #tpu.memory_space<hbm>>
      tpu.enqueue_dma source(%dma_start3A_34 : memref<512xi32, #tpu.memory_space<hbm>>) target(%arg5 : memref<512xi32, #tpu.memory_space<vmem>>) target_semaphore(%run_scoped3A : memref<!tpu.dma_semaphore, #tpu.memory_space<semaphore_mem>>)
      %dma_wait3A_35 = tpu.memref_slice %arg3[%add3A_10] : memref<65536xi32, #tpu.memory_space<hbm>> -> memref<512xi32, #tpu.memory_space<hbm>>
      %dma_wait3A_36 = tpu.memref_slice %arg3[%add3A_10] : memref<65536xi32, #tpu.memory_space<hbm>> -> memref<512xi32, #tpu.memory_space<hbm>>
      tpu.wait_dma2 semaphore(%run_scoped3A : memref<!tpu.dma_semaphore, #tpu.memory_space<semaphore_mem>>) src(%dma_wait3A_36 : memref<512xi32, #tpu.memory_space<hbm>>) dst(%arg5 : memref<512xi32, #tpu.memory_space<vmem>>)
      tpu.yield
    }) : () -> ()
    %dma_start3A_11 = arith.constant 0 : i32
    %dma_start3A_12 = arith.constant 0 : i32
    %dma_start3A_13 = tpu.memref_slice %arg2[%dma_start3A_11, %dma_start3A_12] : memref<16384x128xf32, #tpu.memory_space<hbm>> -> memref<16384x128xf32, #tpu.memory_space<hbm>>
    tpu.enqueue_indirect_dma source(%dma_start3A_13 : memref<16384x128xf32, #tpu.memory_space<hbm>>) target(%arg6 : memref<512x128xf32, #tpu.memory_space<vmem>>) offsets(%arg5 : memref<512xi32, #tpu.memory_space<vmem>>) semaphore(%arg7 : memref<!tpu.dma_semaphore, #tpu.memory_space<semaphore_mem>>)
    %dma_wait3A_14 = arith.constant 0 : i32
    %dma_wait3A_15 = arith.constant 0 : i32
    %dma_wait3A_16 = tpu.memref_slice %arg2[%dma_wait3A_14, %dma_wait3A_15] : memref<16384x128xf32, #tpu.memory_space<hbm>> -> memref<16384x128xf32, #tpu.memory_space<hbm>>
    tpu.wait_indirect_dma semaphore(%arg7 : memref<!tpu.dma_semaphore, #tpu.memory_space<semaphore_mem>>) src(%dma_wait3A_16 : memref<16384x128xf32, #tpu.memory_space<hbm>>) dst(%arg6 : memref<512x128xf32, #tpu.memory_space<vmem>>)
    "tpu.region"() ({
      %run_scoped3A = tpu.sem_alloc : memref<!tpu.dma_semaphore, #tpu.memory_space<semaphore_mem>>
      %dma_start3A_33 = arith.constant 0 : i32
      %dma_start3A_34 = tpu.memref_slice %arg4[%add3A_10, %dma_start3A_33] : memref<65536x128xf32, #tpu.memory_space<hbm>> -> memref<512x128xf32, #tpu.memory_space<hbm>>
      %dma_start3A_35 = arith.constant 0 : i32
      %dma_start3A_36 = tpu.memref_slice %arg4[%add3A_10, %dma_start3A_35] : memref<65536x128xf32, #tpu.memory_space<hbm>> -> memref<512x128xf32, #tpu.memory_space<hbm>>
      tpu.enqueue_dma source(%arg6 : memref<512x128xf32, #tpu.memory_space<vmem>>) target(%dma_start3A_36 : memref<512x128xf32, #tpu.memory_space<hbm>>) target_semaphore(%run_scoped3A : memref<!tpu.dma_semaphore, #tpu.memory_space<semaphore_mem>>)
      %dma_wait3A_37 = arith.constant 0 : i32
      %dma_wait3A_38 = tpu.memref_slice %arg4[%add3A_10, %dma_wait3A_37] : memref<65536x128xf32, #tpu.memory_space<hbm>> -> memref<512x128xf32, #tpu.memory_space<hbm>>
      %dma_wait3A_39 = arith.constant 0 : i32
      %dma_wait3A_40 = tpu.memref_slice %arg4[%add3A_10, %dma_wait3A_39] : memref<65536x128xf32, #tpu.memory_space<hbm>> -> memref<512x128xf32, #tpu.memory_space<hbm>>
      tpu.wait_dma2 semaphore(%run_scoped3A : memref<!tpu.dma_semaphore, #tpu.memory_space<semaphore_mem>>) src(%arg6 : memref<512x128xf32, #tpu.memory_space<vmem>>) dst(%dma_wait3A_40 : memref<512x128xf32, #tpu.memory_space<hbm>>)
      tpu.yield
    }) : () -> ()
    %add3A_17 = arith.constant 1024 : i32
    %add3A_18 = arith.addi %mul3A_2, %add3A_17 : i32
    "tpu.region"() ({
      %run_scoped3A = tpu.sem_alloc : memref<!tpu.dma_semaphore, #tpu.memory_space<semaphore_mem>>
      %dma_start3A_33 = tpu.memref_slice %arg3[%add3A_18] : memref<65536xi32, #tpu.memory_space<hbm>> -> memref<512xi32, #tpu.memory_space<hbm>>
      %dma_start3A_34 = tpu.memref_slice %arg3[%add3A_18] : memref<65536xi32, #tpu.memory_space<hbm>> -> memref<512xi32, #tpu.memory_space<hbm>>
      tpu.enqueue_dma source(%dma_start3A_34 : memref<512xi32, #tpu.memory_space<hbm>>) target(%arg5 : memref<512xi32, #tpu.memory_space<vmem>>) target_semaphore(%run_scoped3A : memref<!tpu.dma_semaphore, #tpu.memory_space<semaphore_mem>>)
      %dma_wait3A_35 = tpu.memref_slice %arg3[%add3A_18] : memref<65536xi32, #tpu.memory_space<hbm>> -> memref<512xi32, #tpu.memory_space<hbm>>
      %dma_wait3A_36 = tpu.memref_slice %arg3[%add3A_18] : memref<65536xi32, #tpu.memory_space<hbm>> -> memref<512xi32, #tpu.memory_space<hbm>>
      tpu.wait_dma2 semaphore(%run_scoped3A : memref<!tpu.dma_semaphore, #tpu.memory_space<semaphore_mem>>) src(%dma_wait3A_36 : memref<512xi32, #tpu.memory_space<hbm>>) dst(%arg5 : memref<512xi32, #tpu.memory_space<vmem>>)
      tpu.yield
    }) : () -> ()
    %dma_start3A_19 = arith.constant 0 : i32
    %dma_start3A_20 = arith.constant 0 : i32
    %dma_start3A_21 = tpu.memref_slice %arg2[%dma_start3A_19, %dma_start3A_20] : memref<16384x128xf32, #tpu.memory_space<hbm>> -> memref<16384x128xf32, #tpu.memory_space<hbm>>
    tpu.enqueue_indirect_dma source(%dma_start3A_21 : memref<16384x128xf32, #tpu.memory_space<hbm>>) target(%arg6 : memref<512x128xf32, #tpu.memory_space<vmem>>) offsets(%arg5 : memref<512xi32, #tpu.memory_space<vmem>>) semaphore(%arg7 : memref<!tpu.dma_semaphore, #tpu.memory_space<semaphore_mem>>)
    %dma_wait3A_22 = arith.constant 0 : i32
    %dma_wait3A_23 = arith.constant 0 : i32
    %dma_wait3A_24 = tpu.memref_slice %arg2[%dma_wait3A_22, %dma_wait3A_23] : memref<16384x128xf32, #tpu.memory_space<hbm>> -> memref<16384x128xf32, #tpu.memory_space<hbm>>
    tpu.wait_indirect_dma semaphore(%arg7 : memref<!tpu.dma_semaphore, #tpu.memory_space<semaphore_mem>>) src(%dma_wait3A_24 : memref<16384x128xf32, #tpu.memory_space<hbm>>) dst(%arg6 : memref<512x128xf32, #tpu.memory_space<vmem>>)
    "tpu.region"() ({
      %run_scoped3A = tpu.sem_alloc : memref<!tpu.dma_semaphore, #tpu.memory_space<semaphore_mem>>
      %dma_start3A_33 = arith.constant 0 : i32
      %dma_start3A_34 = tpu.memref_slice %arg4[%add3A_18, %dma_start3A_33] : memref<65536x128xf32, #tpu.memory_space<hbm>> -> memref<512x128xf32, #tpu.memory_space<hbm>>
      %dma_start3A_35 = arith.constant 0 : i32
      %dma_start3A_36 = tpu.memref_slice %arg4[%add3A_18, %dma_start3A_35] : memref<65536x128xf32, #tpu.memory_space<hbm>> -> memref<512x128xf32, #tpu.memory_space<hbm>>
      tpu.enqueue_dma source(%arg6 : memref<512x128xf32, #tpu.memory_space<vmem>>) target(%dma_start3A_36 : memref<512x128xf32, #tpu.memory_space<hbm>>) target_semaphore(%run_scoped3A : memref<!tpu.dma_semaphore, #tpu.memory_space<semaphore_mem>>)
      %dma_wait3A_37 = arith.constant 0 : i32
      %dma_wait3A_38 = tpu.memref_slice %arg4[%add3A_18, %dma_wait3A_37] : memref<65536x128xf32, #tpu.memory_space<hbm>> -> memref<512x128xf32, #tpu.memory_space<hbm>>
      %dma_wait3A_39 = arith.constant 0 : i32
      %dma_wait3A_40 = tpu.memref_slice %arg4[%add3A_18, %dma_wait3A_39] : memref<65536x128xf32, #tpu.memory_space<hbm>> -> memref<512x128xf32, #tpu.memory_space<hbm>>
      tpu.wait_dma2 semaphore(%run_scoped3A : memref<!tpu.dma_semaphore, #tpu.memory_space<semaphore_mem>>) src(%arg6 : memref<512x128xf32, #tpu.memory_space<vmem>>) dst(%dma_wait3A_40 : memref<512x128xf32, #tpu.memory_space<hbm>>)
      tpu.yield
    }) : () -> ()
    %add3A_25 = arith.constant 1536 : i32
    %add3A_26 = arith.addi %mul3A_2, %add3A_25 : i32
    "tpu.region"() ({
      %run_scoped3A = tpu.sem_alloc : memref<!tpu.dma_semaphore, #tpu.memory_space<semaphore_mem>>
      %dma_start3A_33 = tpu.memref_slice %arg3[%add3A_26] : memref<65536xi32, #tpu.memory_space<hbm>> -> memref<512xi32, #tpu.memory_space<hbm>>
      %dma_start3A_34 = tpu.memref_slice %arg3[%add3A_26] : memref<65536xi32, #tpu.memory_space<hbm>> -> memref<512xi32, #tpu.memory_space<hbm>>
      tpu.enqueue_dma source(%dma_start3A_34 : memref<512xi32, #tpu.memory_space<hbm>>) target(%arg5 : memref<512xi32, #tpu.memory_space<vmem>>) target_semaphore(%run_scoped3A : memref<!tpu.dma_semaphore, #tpu.memory_space<semaphore_mem>>)
      %dma_wait3A_35 = tpu.memref_slice %arg3[%add3A_26] : memref<65536xi32, #tpu.memory_space<hbm>> -> memref<512xi32, #tpu.memory_space<hbm>>
      %dma_wait3A_36 = tpu.memref_slice %arg3[%add3A_26] : memref<65536xi32, #tpu.memory_space<hbm>> -> memref<512xi32, #tpu.memory_space<hbm>>
      tpu.wait_dma2 semaphore(%run_scoped3A : memref<!tpu.dma_semaphore, #tpu.memory_space<semaphore_mem>>) src(%dma_wait3A_36 : memref<512xi32, #tpu.memory_space<hbm>>) dst(%arg5 : memref<512xi32, #tpu.memory_space<vmem>>)
      tpu.yield
    }) : () -> ()
    %dma_start3A_27 = arith.constant 0 : i32
    %dma_start3A_28 = arith.constant 0 : i32
    %dma_start3A_29 = tpu.memref_slice %arg2[%dma_start3A_27, %dma_start3A_28] : memref<16384x128xf32, #tpu.memory_space<hbm>> -> memref<16384x128xf32, #tpu.memory_space<hbm>>
    tpu.enqueue_indirect_dma source(%dma_start3A_29 : memref<16384x128xf32, #tpu.memory_space<hbm>>) target(%arg6 : memref<512x128xf32, #tpu.memory_space<vmem>>) offsets(%arg5 : memref<512xi32, #tpu.memory_space<vmem>>) semaphore(%arg7 : memref<!tpu.dma_semaphore, #tpu.memory_space<semaphore_mem>>)
    %dma_wait3A_30 = arith.constant 0 : i32
    %dma_wait3A_31 = arith.constant 0 : i32
    %dma_wait3A_32 = tpu.memref_slice %arg2[%dma_wait3A_30, %dma_wait3A_31] : memref<16384x128xf32, #tpu.memory_space<hbm>> -> memref<16384x128xf32, #tpu.memory_space<hbm>>
    tpu.wait_indirect_dma semaphore(%arg7 : memref<!tpu.dma_semaphore, #tpu.memory_space<semaphore_mem>>) src(%dma_wait3A_32 : memref<16384x128xf32, #tpu.memory_space<hbm>>) dst(%arg6 : memref<512x128xf32, #tpu.memory_space<vmem>>)
    "tpu.region"() ({
      %run_scoped3A = tpu.sem_alloc : memref<!tpu.dma_semaphore, #tpu.memory_space<semaphore_mem>>
      %dma_start3A_33 = arith.constant 0 : i32
      %dma_start3A_34 = tpu.memref_slice %arg4[%add3A_26, %dma_start3A_33] : memref<65536x128xf32, #tpu.memory_space<hbm>> -> memref<512x128xf32, #tpu.memory_space<hbm>>
      %dma_start3A_35 = arith.constant 0 : i32
      %dma_start3A_36 = tpu.memref_slice %arg4[%add3A_26, %dma_start3A_35] : memref<65536x128xf32, #tpu.memory_space<hbm>> -> memref<512x128xf32, #tpu.memory_space<hbm>>
      tpu.enqueue_dma source(%arg6 : memref<512x128xf32, #tpu.memory_space<vmem>>) target(%dma_start3A_36 : memref<512x128xf32, #tpu.memory_space<hbm>>) target_semaphore(%run_scoped3A : memref<!tpu.dma_semaphore, #tpu.memory_space<semaphore_mem>>)
      %dma_wait3A_37 = arith.constant 0 : i32
      %dma_wait3A_38 = tpu.memref_slice %arg4[%add3A_26, %dma_wait3A_37] : memref<65536x128xf32, #tpu.memory_space<hbm>> -> memref<512x128xf32, #tpu.memory_space<hbm>>
      %dma_wait3A_39 = arith.constant 0 : i32
      %dma_wait3A_40 = tpu.memref_slice %arg4[%add3A_26, %dma_wait3A_39] : memref<65536x128xf32, #tpu.memory_space<hbm>> -> memref<512x128xf32, #tpu.memory_space<hbm>>
      tpu.wait_dma2 semaphore(%run_scoped3A : memref<!tpu.dma_semaphore, #tpu.memory_space<semaphore_mem>>) src(%arg6 : memref<512x128xf32, #tpu.memory_space<vmem>>) dst(%dma_wait3A_40 : memref<512x128xf32, #tpu.memory_space<hbm>>)
      tpu.yield
    }) : () -> ()
    return
  }
}

#map = affine_map<(d0, d1) -> (0, 0)>
#map1 = affine_map<(d0, d1) -> (0)>
module attributes {stable_mosaic.version = 14 : i64} {
  func.func @k(%arg0: i32, %arg1: i32, %arg2: memref<16384x128xf32, #tpu.memory_space<hbm>>, %arg3: memref<65536xi32, #tpu.memory_space<hbm>>, %arg4: memref<65536x128xf32, #tpu.memory_space<hbm>>, %arg5: memref<512xi32, #tpu.memory_space<vmem>>, %arg6: memref<512x128xf32, #tpu.memory_space<vmem>>, %arg7: memref<!tpu.dma_semaphore, #tpu.memory_space<semaphore_mem>>) attributes {dimension_semantics = [#tpu.dimension_semantics<core_parallel>, #tpu.dimension_semantics<subcore_parallel>], iteration_bounds = array<i64: 2, 16>, scalar_prefetch = 0 : i64, scratch_operands = 3 : i64, tpu.core_type = #tpu.core_type<sc_vector_subcore>, window_params = [{transform_indices = #map}, {transform_indices = #map1}, {transform_indices = #map}]} {
    %mul3A = arith.constant 2 : i32
    %mul3A_0 = arith.muli %arg1, %mul3A : i32
    %add3A = arith.addi %mul3A_0, %arg0 : i32
    %mul3A_1 = arith.constant 2048 : i32
    %mul3A_2 = arith.muli %add3A, %mul3A_1 : i32
    %add3A_3 = arith.constant 0 : i32
    %add3A_4 = arith.addi %mul3A_2, %add3A_3 : i32
    "tpu.region"() ({
      %run_scoped3A = tpu.sem_alloc : memref<!tpu.dma_semaphore, #tpu.memory_space<semaphore_mem>>
      %dma_start3A_33 = tpu.memref_slice %arg3[%add3A_4] : memref<65536xi32, #tpu.memory_space<hbm>> -> memref<512xi32, #tpu.memory_space<hbm>>
      %dma_start3A_34 = tpu.memref_slice %arg3[%add3A_4] : memref<65536xi32, #tpu.memory_space<hbm>> -> memref<512xi32, #tpu.memory_space<hbm>>
      tpu.enqueue_dma source(%dma_start3A_34 : memref<512xi32, #tpu.memory_space<hbm>>) target(%arg5 : memref<512xi32, #tpu.memory_space<vmem>>) target_semaphore(%run_scoped3A : memref<!tpu.dma_semaphore, #tpu.memory_space<semaphore_mem>>)
      %dma_wait3A_35 = tpu.memref_slice %arg3[%add3A_4] : memref<65536xi32, #tpu.memory_space<hbm>> -> memref<512xi32, #tpu.memory_space<hbm>>
      %dma_wait3A_36 = tpu.memref_slice %arg3[%add3A_4] : memref<65536xi32, #tpu.memory_space<hbm>> -> memref<512xi32, #tpu.memory_space<hbm>>
      tpu.wait_dma2 semaphore(%run_scoped3A : memref<!tpu.dma_semaphore, #tpu.memory_space<semaphore_mem>>) src(%dma_wait3A_36 : memref<512xi32, #tpu.memory_space<hbm>>) dst(%arg5 : memref<512xi32, #tpu.memory_space<vmem>>)
      tpu.yield
    }) : () -> ()
    %dma_start3A = arith.constant 0 : i32
    %dma_start3A_5 = arith.constant 0 : i32
    %dma_start3A_6 = tpu.memref_slice %arg2[%dma_start3A, %dma_start3A_5] : memref<16384x128xf32, #tpu.memory_space<hbm>> -> memref<16384x128xf32, #tpu.memory_space<hbm>>
    tpu.enqueue_indirect_dma source(%dma_start3A_6 : memref<16384x128xf32, #tpu.memory_space<hbm>>) target(%arg6 : memref<512x128xf32, #tpu.memory_space<vmem>>) offsets(%arg5 : memref<512xi32, #tpu.memory_space<vmem>>) semaphore(%arg7 : memref<!tpu.dma_semaphore, #tpu.memory_space<semaphore_mem>>)
    %dma_wait3A = arith.constant 0 : i32
    %dma_wait3A_7 = arith.constant 0 : i32
    %dma_wait3A_8 = tpu.memref_slice %arg2[%dma_wait3A, %dma_wait3A_7] : memref<16384x128xf32, #tpu.memory_space<hbm>> -> memref<16384x128xf32, #tpu.memory_space<hbm>>
    tpu.wait_indirect_dma semaphore(%arg7 : memref<!tpu.dma_semaphore, #tpu.memory_space<semaphore_mem>>) src(%dma_wait3A_8 : memref<16384x128xf32, #tpu.memory_space<hbm>>) dst(%arg6 : memref<512x128xf32, #tpu.memory_space<vmem>>)
    "tpu.region"() ({
      %run_scoped3A = tpu.sem_alloc : memref<!tpu.dma_semaphore, #tpu.memory_space<semaphore_mem>>
      %dma_start3A_33 = arith.constant 0 : i32
      %dma_start3A_34 = tpu.memref_slice %arg4[%add3A_4, %dma_start3A_33] : memref<65536x128xf32, #tpu.memory_space<hbm>> -> memref<512x128xf32, #tpu.memory_space<hbm>>
      %dma_start3A_35 = arith.constant 0 : i32
      %dma_start3A_36 = tpu.memref_slice %arg4[%add3A_4, %dma_start3A_35] : memref<65536x128xf32, #tpu.memory_space<hbm>> -> memref<512x128xf32, #tpu.memory_space<hbm>>
      tpu.enqueue_dma source(%arg6 : memref<512x128xf32, #tpu.memory_space<vmem>>) target(%dma_start3A_36 : memref<512x128xf32, #tpu.memory_space<hbm>>) target_semaphore(%run_scoped3A : memref<!tpu.dma_semaphore, #tpu.memory_space<semaphore_mem>>)
      %dma_wait3A_37 = arith.constant 0 : i32
      %dma_wait3A_38 = tpu.memref_slice %arg4[%add3A_4, %dma_wait3A_37] : memref<65536x128xf32, #tpu.memory_space<hbm>> -> memref<512x128xf32, #tpu.memory_space<hbm>>
      %dma_wait3A_39 = arith.constant 0 : i32
      %dma_wait3A_40 = tpu.memref_slice %arg4[%add3A_4, %dma_wait3A_39] : memref<65536x128xf32, #tpu.memory_space<hbm>> -> memref<512x128xf32, #tpu.memory_space<hbm>>
      tpu.wait_dma2 semaphore(%run_scoped3A : memref<!tpu.dma_semaphore, #tpu.memory_space<semaphore_mem>>) src(%arg6 : memref<512x128xf32, #tpu.memory_space<vmem>>) dst(%dma_wait3A_40 : memref<512x128xf32, #tpu.memory_space<hbm>>)
      tpu.yield
    }) : () -> ()
    %add3A_9 = arith.constant 512 : i32
    %add3A_10 = arith.addi %mul3A_2, %add3A_9 : i32
    "tpu.region"() ({
      %run_scoped3A = tpu.sem_alloc : memref<!tpu.dma_semaphore, #tpu.memory_space<semaphore_mem>>
      %dma_start3A_33 = tpu.memref_slice %arg3[%add3A_10] : memref<65536xi32, #tpu.memory_space<hbm>> -> memref<512xi32, #tpu.memory_space<hbm>>
      %dma_start3A_34 = tpu.memref_slice %arg3[%add3A_10] : memref<65536xi32, #tpu.memory_space<hbm>> -> memref<512xi32, #tpu.memory_space<hbm>>
      tpu.enqueue_dma source(%dma_start3A_34 : memref<512xi32, #tpu.memory_space<hbm>>) target(%arg5 : memref<512xi32, #tpu.memory_space<vmem>>) target_semaphore(%run_scoped3A : memref<!tpu.dma_semaphore, #tpu.memory_space<semaphore_mem>>)
      %dma_wait3A_35 = tpu.memref_slice %arg3[%add3A_10] : memref<65536xi32, #tpu.memory_space<hbm>> -> memref<512xi32, #tpu.memory_space<hbm>>
      %dma_wait3A_36 = tpu.memref_slice %arg3[%add3A_10] : memref<65536xi32, #tpu.memory_space<hbm>> -> memref<512xi32, #tpu.memory_space<hbm>>
      tpu.wait_dma2 semaphore(%run_scoped3A : memref<!tpu.dma_semaphore, #tpu.memory_space<semaphore_mem>>) src(%dma_wait3A_36 : memref<512xi32, #tpu.memory_space<hbm>>) dst(%arg5 : memref<512xi32, #tpu.memory_space<vmem>>)
      tpu.yield
    }) : () -> ()
    %dma_start3A_11 = arith.constant 0 : i32
    %dma_start3A_12 = arith.constant 0 : i32
    %dma_start3A_13 = tpu.memref_slice %arg2[%dma_start3A_11, %dma_start3A_12] : memref<16384x128xf32, #tpu.memory_space<hbm>> -> memref<16384x128xf32, #tpu.memory_space<hbm>>
    tpu.enqueue_indirect_dma source(%dma_start3A_13 : memref<16384x128xf32, #tpu.memory_space<hbm>>) target(%arg6 : memref<512x128xf32, #tpu.memory_space<vmem>>) offsets(%arg5 : memref<512xi32, #tpu.memory_space<vmem>>) semaphore(%arg7 : memref<!tpu.dma_semaphore, #tpu.memory_space<semaphore_mem>>)
    %dma_wait3A_14 = arith.constant 0 : i32
    %dma_wait3A_15 = arith.constant 0 : i32
    %dma_wait3A_16 = tpu.memref_slice %arg2[%dma_wait3A_14, %dma_wait3A_15] : memref<16384x128xf32, #tpu.memory_space<hbm>> -> memref<16384x128xf32, #tpu.memory_space<hbm>>
    tpu.wait_indirect_dma semaphore(%arg7 : memref<!tpu.dma_semaphore, #tpu.memory_space<semaphore_mem>>) src(%dma_wait3A_16 : memref<16384x128xf32, #tpu.memory_space<hbm>>) dst(%arg6 : memref<512x128xf32, #tpu.memory_space<vmem>>)
    "tpu.region"() ({
      %run_scoped3A = tpu.sem_alloc : memref<!tpu.dma_semaphore, #tpu.memory_space<semaphore_mem>>
      %dma_start3A_33 = arith.constant 0 : i32
      %dma_start3A_34 = tpu.memref_slice %arg4[%add3A_10, %dma_start3A_33] : memref<65536x128xf32, #tpu.memory_space<hbm>> -> memref<512x128xf32, #tpu.memory_space<hbm>>
      %dma_start3A_35 = arith.constant 0 : i32
      %dma_start3A_36 = tpu.memref_slice %arg4[%add3A_10, %dma_start3A_35] : memref<65536x128xf32, #tpu.memory_space<hbm>> -> memref<512x128xf32, #tpu.memory_space<hbm>>
      tpu.enqueue_dma source(%arg6 : memref<512x128xf32, #tpu.memory_space<vmem>>) target(%dma_start3A_36 : memref<512x128xf32, #tpu.memory_space<hbm>>) target_semaphore(%run_scoped3A : memref<!tpu.dma_semaphore, #tpu.memory_space<semaphore_mem>>)
      %dma_wait3A_37 = arith.constant 0 : i32
      %dma_wait3A_38 = tpu.memref_slice %arg4[%add3A_10, %dma_wait3A_37] : memref<65536x128xf32, #tpu.memory_space<hbm>> -> memref<512x128xf32, #tpu.memory_space<hbm>>
      %dma_wait3A_39 = arith.constant 0 : i32
      %dma_wait3A_40 = tpu.memref_slice %arg4[%add3A_10, %dma_wait3A_39] : memref<65536x128xf32, #tpu.memory_space<hbm>> -> memref<512x128xf32, #tpu.memory_space<hbm>>
      tpu.wait_dma2 semaphore(%run_scoped3A : memref<!tpu.dma_semaphore, #tpu.memory_space<semaphore_mem>>) src(%arg6 : memref<512x128xf32, #tpu.memory_space<vmem>>) dst(%dma_wait3A_40 : memref<512x128xf32, #tpu.memory_space<hbm>>)
      tpu.yield
    }) : () -> ()
    %add3A_17 = arith.constant 1024 : i32
    %add3A_18 = arith.addi %mul3A_2, %add3A_17 : i32
    "tpu.region"() ({
      %run_scoped3A = tpu.sem_alloc : memref<!tpu.dma_semaphore, #tpu.memory_space<semaphore_mem>>
      %dma_start3A_33 = tpu.memref_slice %arg3[%add3A_18] : memref<65536xi32, #tpu.memory_space<hbm>> -> memref<512xi32, #tpu.memory_space<hbm>>
      %dma_start3A_34 = tpu.memref_slice %arg3[%add3A_18] : memref<65536xi32, #tpu.memory_space<hbm>> -> memref<512xi32, #tpu.memory_space<hbm>>
      tpu.enqueue_dma source(%dma_start3A_34 : memref<512xi32, #tpu.memory_space<hbm>>) target(%arg5 : memref<512xi32, #tpu.memory_space<vmem>>) target_semaphore(%run_scoped3A : memref<!tpu.dma_semaphore, #tpu.memory_space<semaphore_mem>>)
      %dma_wait3A_35 = tpu.memref_slice %arg3[%add3A_18] : memref<65536xi32, #tpu.memory_space<hbm>> -> memref<512xi32, #tpu.memory_space<hbm>>
      %dma_wait3A_36 = tpu.memref_slice %arg3[%add3A_18] : memref<65536xi32, #tpu.memory_space<hbm>> -> memref<512xi32, #tpu.memory_space<hbm>>
      tpu.wait_dma2 semaphore(%run_scoped3A : memref<!tpu.dma_semaphore, #tpu.memory_space<semaphore_mem>>) src(%dma_wait3A_36 : memref<512xi32, #tpu.memory_space<hbm>>) dst(%arg5 : memref<512xi32, #tpu.memory_space<vmem>>)
      tpu.yield
    }) : () -> ()
    %dma_start3A_19 = arith.constant 0 : i32
    %dma_start3A_20 = arith.constant 0 : i32
    %dma_start3A_21 = tpu.memref_slice %arg2[%dma_start3A_19, %dma_start3A_20] : memref<16384x128xf32, #tpu.memory_space<hbm>> -> memref<16384x128xf32, #tpu.memory_space<hbm>>
    tpu.enqueue_indirect_dma source(%dma_start3A_21 : memref<16384x128xf32, #tpu.memory_space<hbm>>) target(%arg6 : memref<512x128xf32, #tpu.memory_space<vmem>>) offsets(%arg5 : memref<512xi32, #tpu.memory_space<vmem>>) semaphore(%arg7 : memref<!tpu.dma_semaphore, #tpu.memory_space<semaphore_mem>>)
    %dma_wait3A_22 = arith.constant 0 : i32
    %dma_wait3A_23 = arith.constant 0 : i32
    %dma_wait3A_24 = tpu.memref_slice %arg2[%dma_wait3A_22, %dma_wait3A_23] : memref<16384x128xf32, #tpu.memory_space<hbm>> -> memref<16384x128xf32, #tpu.memory_space<hbm>>
    tpu.wait_indirect_dma semaphore(%arg7 : memref<!tpu.dma_semaphore, #tpu.memory_space<semaphore_mem>>) src(%dma_wait3A_24 : memref<16384x128xf32, #tpu.memory_space<hbm>>) dst(%arg6 : memref<512x128xf32, #tpu.memory_space<vmem>>)
    "tpu.region"() ({
      %run_scoped3A = tpu.sem_alloc : memref<!tpu.dma_semaphore, #tpu.memory_space<semaphore_mem>>
      %dma_start3A_33 = arith.constant 0 : i32
      %dma_start3A_34 = tpu.memref_slice %arg4[%add3A_18, %dma_start3A_33] : memref<65536x128xf32, #tpu.memory_space<hbm>> -> memref<512x128xf32, #tpu.memory_space<hbm>>
      %dma_start3A_35 = arith.constant 0 : i32
      %dma_start3A_36 = tpu.memref_slice %arg4[%add3A_18, %dma_start3A_35] : memref<65536x128xf32, #tpu.memory_space<hbm>> -> memref<512x128xf32, #tpu.memory_space<hbm>>
      tpu.enqueue_dma source(%arg6 : memref<512x128xf32, #tpu.memory_space<vmem>>) target(%dma_start3A_36 : memref<512x128xf32, #tpu.memory_space<hbm>>) target_semaphore(%run_scoped3A : memref<!tpu.dma_semaphore, #tpu.memory_space<semaphore_mem>>)
      %dma_wait3A_37 = arith.constant 0 : i32
      %dma_wait3A_38 = tpu.memref_slice %arg4[%add3A_18, %dma_wait3A_37] : memref<65536x128xf32, #tpu.memory_space<hbm>> -> memref<512x128xf32, #tpu.memory_space<hbm>>
      %dma_wait3A_39 = arith.constant 0 : i32
      %dma_wait3A_40 = tpu.memref_slice %arg4[%add3A_18, %dma_wait3A_39] : memref<65536x128xf32, #tpu.memory_space<hbm>> -> memref<512x128xf32, #tpu.memory_space<hbm>>
      tpu.wait_dma2 semaphore(%run_scoped3A : memref<!tpu.dma_semaphore, #tpu.memory_space<semaphore_mem>>) src(%arg6 : memref<512x128xf32, #tpu.memory_space<vmem>>) dst(%dma_wait3A_40 : memref<512x128xf32, #tpu.memory_space<hbm>>)
      tpu.yield
    }) : () -> ()
    %add3A_25 = arith.constant 1536 : i32
    %add3A_26 = arith.addi %mul3A_2, %add3A_25 : i32
    "tpu.region"() ({
      %run_scoped3A = tpu.sem_alloc : memref<!tpu.dma_semaphore, #tpu.memory_space<semaphore_mem>>
      %dma_start3A_33 = tpu.memref_slice %arg3[%add3A_26] : memref<65536xi32, #tpu.memory_space<hbm>> -> memref<512xi32, #tpu.memory_space<hbm>>
      %dma_start3A_34 = tpu.memref_slice %arg3[%add3A_26] : memref<65536xi32, #tpu.memory_space<hbm>> -> memref<512xi32, #tpu.memory_space<hbm>>
      tpu.enqueue_dma source(%dma_start3A_34 : memref<512xi32, #tpu.memory_space<hbm>>) target(%arg5 : memref<512xi32, #tpu.memory_space<vmem>>) target_semaphore(%run_scoped3A : memref<!tpu.dma_semaphore, #tpu.memory_space<semaphore_mem>>)
      %dma_wait3A_35 = tpu.memref_slice %arg3[%add3A_26] : memref<65536xi32, #tpu.memory_space<hbm>> -> memref<512xi32, #tpu.memory_space<hbm>>
      %dma_wait3A_36 = tpu.memref_slice %arg3[%add3A_26] : memref<65536xi32, #tpu.memory_space<hbm>> -> memref<512xi32, #tpu.memory_space<hbm>>
      tpu.wait_dma2 semaphore(%run_scoped3A : memref<!tpu.dma_semaphore, #tpu.memory_space<semaphore_mem>>) src(%dma_wait3A_36 : memref<512xi32, #tpu.memory_space<hbm>>) dst(%arg5 : memref<512xi32, #tpu.memory_space<vmem>>)
      tpu.yield
    }) : () -> ()
    %dma_start3A_27 = arith.constant 0 : i32
    %dma_start3A_28 = arith.constant 0 : i32
    %dma_start3A_29 = tpu.memref_slice %arg2[%dma_start3A_27, %dma_start3A_28] : memref<16384x128xf32, #tpu.memory_space<hbm>> -> memref<16384x128xf32, #tpu.memory_space<hbm>>
    tpu.enqueue_indirect_dma source(%dma_start3A_29 : memref<16384x128xf32, #tpu.memory_space<hbm>>) target(%arg6 : memref<512x128xf32, #tpu.memory_space<vmem>>) offsets(%arg5 : memref<512xi32, #tpu.memory_space<vmem>>) semaphore(%arg7 : memref<!tpu.dma_semaphore, #tpu.memory_space<semaphore_mem>>)
    %dma_wait3A_30 = arith.constant 0 : i32
    %dma_wait3A_31 = arith.constant 0 : i32
    %dma_wait3A_32 = tpu.memref_slice %arg2[%dma_wait3A_30, %dma_wait3A_31] : memref<16384x128xf32, #tpu.memory_space<hbm>> -> memref<16384x128xf32, #tpu.memory_space<hbm>>
    tpu.wait_indirect_dma semaphore(%arg7 : memref<!tpu.dma_semaphore, #tpu.memory_space<semaphore_mem>>) src(%dma_wait3A_32 : memref<16384x128xf32, #tpu.memory_space<hbm>>) dst(%arg6 : memref<512x128xf32, #tpu.memory_space<vmem>>)
    "tpu.region"() ({
      %run_scoped3A = tpu.sem_alloc : memref<!tpu.dma_semaphore, #tpu.memory_space<semaphore_mem>>
      %dma_start3A_33 = arith.constant 0 : i32
      %dma_start3A_34 = tpu.memref_slice %arg4[%add3A_26, %dma_start3A_33] : memref<65536x128xf32, #tpu.memory_space<hbm>> -> memref<512x128xf32, #tpu.memory_space<hbm>>
      %dma_start3A_35 = arith.constant 0 : i32
      %dma_start3A_36 = tpu.memref_slice %arg4[%add3A_26, %dma_start3A_35] : memref<65536x128xf32, #tpu.memory_space<hbm>> -> memref<512x128xf32, #tpu.memory_space<hbm>>
      tpu.enqueue_dma source(%arg6 : memref<512x128xf32, #tpu.memory_space<vmem>>) target(%dma_start3A_36 : memref<512x128xf32, #tpu.memory_space<hbm>>) target_semaphore(%run_scoped3A : memref<!tpu.dma_semaphore, #tpu.memory_space<semaphore_mem>>)
      %dma_wait3A_37 = arith.constant 0 : i32
      %dma_wait3A_38 = tpu.memref_slice %arg4[%add3A_26, %dma_wait3A_37] : memref<65536x128xf32, #tpu.memory_space<hbm>> -> memref<512x128xf32, #tpu.memory_space<hbm>>
      %dma_wait3A_39 = arith.constant 0 : i32
      %dma_wait3A_40 = tpu.memref_slice %arg4[%add3A_26, %dma_wait3A_39] : memref<65536x128xf32, #tpu.memory_space<hbm>> -> memref<512x128xf32, #tpu.memory_space<hbm>>
      tpu.wait_dma2 semaphore(%run_scoped3A : memref<!tpu.dma_semaphore, #tpu.memory_space<semaphore_mem>>) src(%arg6 : memref<512x128xf32, #tpu.memory_space<vmem>>) dst(%dma_wait3A_40 : memref<512x128xf32, #tpu.memory_space<hbm>>)
      tpu.yield
    }) : () -> ()
    return
  }
}

#map = affine_map<(d0, d1) -> (0, 0)>
#map1 = affine_map<(d0, d1) -> (0)>
module attributes {stable_mosaic.version = 14 : i64} {
  func.func @k(%arg0: i32, %arg1: i32, %arg2: memref<65536x128xf32, #tpu.memory_space<hbm>>, %arg3: memref<65536xi32, #tpu.memory_space<hbm>>, %arg4: memref<65536x128xf32, #tpu.memory_space<hbm>>, %arg5: memref<512xi32, #tpu.memory_space<vmem>>, %arg6: memref<512x128xf32, #tpu.memory_space<vmem>>, %arg7: memref<!tpu.dma_semaphore, #tpu.memory_space<semaphore_mem>>) attributes {dimension_semantics = [#tpu.dimension_semantics<core_parallel>, #tpu.dimension_semantics<subcore_parallel>], iteration_bounds = array<i64: 2, 16>, scalar_prefetch = 0 : i64, scratch_operands = 3 : i64, tpu.core_type = #tpu.core_type<sc_vector_subcore>, window_params = [{transform_indices = #map}, {transform_indices = #map1}, {transform_indices = #map}]} {
    %mul3A = arith.constant 2 : i32
    %mul3A_0 = arith.muli %arg1, %mul3A : i32
    %add3A = arith.addi %mul3A_0, %arg0 : i32
    %mul3A_1 = arith.constant 2048 : i32
    %mul3A_2 = arith.muli %add3A, %mul3A_1 : i32
    %add3A_3 = arith.constant 0 : i32
    %add3A_4 = arith.addi %mul3A_2, %add3A_3 : i32
    "tpu.region"() ({
      %run_scoped3A = tpu.sem_alloc : memref<!tpu.dma_semaphore, #tpu.memory_space<semaphore_mem>>
      %dma_start3A_33 = tpu.memref_slice %arg3[%add3A_4] : memref<65536xi32, #tpu.memory_space<hbm>> -> memref<512xi32, #tpu.memory_space<hbm>>
      %dma_start3A_34 = tpu.memref_slice %arg3[%add3A_4] : memref<65536xi32, #tpu.memory_space<hbm>> -> memref<512xi32, #tpu.memory_space<hbm>>
      tpu.enqueue_dma source(%dma_start3A_34 : memref<512xi32, #tpu.memory_space<hbm>>) target(%arg5 : memref<512xi32, #tpu.memory_space<vmem>>) target_semaphore(%run_scoped3A : memref<!tpu.dma_semaphore, #tpu.memory_space<semaphore_mem>>)
      %dma_wait3A_35 = tpu.memref_slice %arg3[%add3A_4] : memref<65536xi32, #tpu.memory_space<hbm>> -> memref<512xi32, #tpu.memory_space<hbm>>
      %dma_wait3A_36 = tpu.memref_slice %arg3[%add3A_4] : memref<65536xi32, #tpu.memory_space<hbm>> -> memref<512xi32, #tpu.memory_space<hbm>>
      tpu.wait_dma2 semaphore(%run_scoped3A : memref<!tpu.dma_semaphore, #tpu.memory_space<semaphore_mem>>) src(%dma_wait3A_36 : memref<512xi32, #tpu.memory_space<hbm>>) dst(%arg5 : memref<512xi32, #tpu.memory_space<vmem>>)
      tpu.yield
    }) : () -> ()
    "tpu.region"() ({
      %run_scoped3A = tpu.sem_alloc : memref<!tpu.dma_semaphore, #tpu.memory_space<semaphore_mem>>
      %dma_start3A_33 = arith.constant 0 : i32
      %dma_start3A_34 = tpu.memref_slice %arg2[%add3A_4, %dma_start3A_33] : memref<65536x128xf32, #tpu.memory_space<hbm>> -> memref<512x128xf32, #tpu.memory_space<hbm>>
      %dma_start3A_35 = arith.constant 0 : i32
      %dma_start3A_36 = tpu.memref_slice %arg2[%add3A_4, %dma_start3A_35] : memref<65536x128xf32, #tpu.memory_space<hbm>> -> memref<512x128xf32, #tpu.memory_space<hbm>>
      tpu.enqueue_dma source(%dma_start3A_36 : memref<512x128xf32, #tpu.memory_space<hbm>>) target(%arg6 : memref<512x128xf32, #tpu.memory_space<vmem>>) target_semaphore(%run_scoped3A : memref<!tpu.dma_semaphore, #tpu.memory_space<semaphore_mem>>)
      %dma_wait3A_37 = arith.constant 0 : i32
      %dma_wait3A_38 = tpu.memref_slice %arg2[%add3A_4, %dma_wait3A_37] : memref<65536x128xf32, #tpu.memory_space<hbm>> -> memref<512x128xf32, #tpu.memory_space<hbm>>
      %dma_wait3A_39 = arith.constant 0 : i32
      %dma_wait3A_40 = tpu.memref_slice %arg2[%add3A_4, %dma_wait3A_39] : memref<65536x128xf32, #tpu.memory_space<hbm>> -> memref<512x128xf32, #tpu.memory_space<hbm>>
      tpu.wait_dma2 semaphore(%run_scoped3A : memref<!tpu.dma_semaphore, #tpu.memory_space<semaphore_mem>>) src(%dma_wait3A_40 : memref<512x128xf32, #tpu.memory_space<hbm>>) dst(%arg6 : memref<512x128xf32, #tpu.memory_space<vmem>>)
      tpu.yield
    }) : () -> ()
    %dma_start3A = arith.constant 0 : i32
    %dma_start3A_5 = arith.constant 0 : i32
    %dma_start3A_6 = tpu.memref_slice %arg4[%dma_start3A, %dma_start3A_5] : memref<65536x128xf32, #tpu.memory_space<hbm>> -> memref<65536x128xf32, #tpu.memory_space<hbm>>
    tpu.enqueue_indirect_dma source(%arg6 : memref<512x128xf32, #tpu.memory_space<vmem>>) target(%dma_start3A_6 : memref<65536x128xf32, #tpu.memory_space<hbm>>) offsets(%arg5 : memref<512xi32, #tpu.memory_space<vmem>>) semaphore(%arg7 : memref<!tpu.dma_semaphore, #tpu.memory_space<semaphore_mem>>)
    %dma_wait3A = arith.constant 0 : i32
    %dma_wait3A_7 = arith.constant 0 : i32
    %dma_wait3A_8 = tpu.memref_slice %arg4[%dma_wait3A, %dma_wait3A_7] : memref<65536x128xf32, #tpu.memory_space<hbm>> -> memref<65536x128xf32, #tpu.memory_space<hbm>>
    tpu.wait_indirect_dma semaphore(%arg7 : memref<!tpu.dma_semaphore, #tpu.memory_space<semaphore_mem>>) src(%arg6 : memref<512x128xf32, #tpu.memory_space<vmem>>) dst(%dma_wait3A_8 : memref<65536x128xf32, #tpu.memory_space<hbm>>)
    %add3A_9 = arith.constant 512 : i32
    %add3A_10 = arith.addi %mul3A_2, %add3A_9 : i32
    "tpu.region"() ({
      %run_scoped3A = tpu.sem_alloc : memref<!tpu.dma_semaphore, #tpu.memory_space<semaphore_mem>>
      %dma_start3A_33 = tpu.memref_slice %arg3[%add3A_10] : memref<65536xi32, #tpu.memory_space<hbm>> -> memref<512xi32, #tpu.memory_space<hbm>>
      %dma_start3A_34 = tpu.memref_slice %arg3[%add3A_10] : memref<65536xi32, #tpu.memory_space<hbm>> -> memref<512xi32, #tpu.memory_space<hbm>>
      tpu.enqueue_dma source(%dma_start3A_34 : memref<512xi32, #tpu.memory_space<hbm>>) target(%arg5 : memref<512xi32, #tpu.memory_space<vmem>>) target_semaphore(%run_scoped3A : memref<!tpu.dma_semaphore, #tpu.memory_space<semaphore_mem>>)
      %dma_wait3A_35 = tpu.memref_slice %arg3[%add3A_10] : memref<65536xi32, #tpu.memory_space<hbm>> -> memref<512xi32, #tpu.memory_space<hbm>>
      %dma_wait3A_36 = tpu.memref_slice %arg3[%add3A_10] : memref<65536xi32, #tpu.memory_space<hbm>> -> memref<512xi32, #tpu.memory_space<hbm>>
      tpu.wait_dma2 semaphore(%run_scoped3A : memref<!tpu.dma_semaphore, #tpu.memory_space<semaphore_mem>>) src(%dma_wait3A_36 : memref<512xi32, #tpu.memory_space<hbm>>) dst(%arg5 : memref<512xi32, #tpu.memory_space<vmem>>)
      tpu.yield
    }) : () -> ()
    "tpu.region"() ({
      %run_scoped3A = tpu.sem_alloc : memref<!tpu.dma_semaphore, #tpu.memory_space<semaphore_mem>>
      %dma_start3A_33 = arith.constant 0 : i32
      %dma_start3A_34 = tpu.memref_slice %arg2[%add3A_10, %dma_start3A_33] : memref<65536x128xf32, #tpu.memory_space<hbm>> -> memref<512x128xf32, #tpu.memory_space<hbm>>
      %dma_start3A_35 = arith.constant 0 : i32
      %dma_start3A_36 = tpu.memref_slice %arg2[%add3A_10, %dma_start3A_35] : memref<65536x128xf32, #tpu.memory_space<hbm>> -> memref<512x128xf32, #tpu.memory_space<hbm>>
      tpu.enqueue_dma source(%dma_start3A_36 : memref<512x128xf32, #tpu.memory_space<hbm>>) target(%arg6 : memref<512x128xf32, #tpu.memory_space<vmem>>) target_semaphore(%run_scoped3A : memref<!tpu.dma_semaphore, #tpu.memory_space<semaphore_mem>>)
      %dma_wait3A_37 = arith.constant 0 : i32
      %dma_wait3A_38 = tpu.memref_slice %arg2[%add3A_10, %dma_wait3A_37] : memref<65536x128xf32, #tpu.memory_space<hbm>> -> memref<512x128xf32, #tpu.memory_space<hbm>>
      %dma_wait3A_39 = arith.constant 0 : i32
      %dma_wait3A_40 = tpu.memref_slice %arg2[%add3A_10, %dma_wait3A_39] : memref<65536x128xf32, #tpu.memory_space<hbm>> -> memref<512x128xf32, #tpu.memory_space<hbm>>
      tpu.wait_dma2 semaphore(%run_scoped3A : memref<!tpu.dma_semaphore, #tpu.memory_space<semaphore_mem>>) src(%dma_wait3A_40 : memref<512x128xf32, #tpu.memory_space<hbm>>) dst(%arg6 : memref<512x128xf32, #tpu.memory_space<vmem>>)
      tpu.yield
    }) : () -> ()
    %dma_start3A_11 = arith.constant 0 : i32
    %dma_start3A_12 = arith.constant 0 : i32
    %dma_start3A_13 = tpu.memref_slice %arg4[%dma_start3A_11, %dma_start3A_12] : memref<65536x128xf32, #tpu.memory_space<hbm>> -> memref<65536x128xf32, #tpu.memory_space<hbm>>
    tpu.enqueue_indirect_dma source(%arg6 : memref<512x128xf32, #tpu.memory_space<vmem>>) target(%dma_start3A_13 : memref<65536x128xf32, #tpu.memory_space<hbm>>) offsets(%arg5 : memref<512xi32, #tpu.memory_space<vmem>>) semaphore(%arg7 : memref<!tpu.dma_semaphore, #tpu.memory_space<semaphore_mem>>)
    %dma_wait3A_14 = arith.constant 0 : i32
    %dma_wait3A_15 = arith.constant 0 : i32
    %dma_wait3A_16 = tpu.memref_slice %arg4[%dma_wait3A_14, %dma_wait3A_15] : memref<65536x128xf32, #tpu.memory_space<hbm>> -> memref<65536x128xf32, #tpu.memory_space<hbm>>
    tpu.wait_indirect_dma semaphore(%arg7 : memref<!tpu.dma_semaphore, #tpu.memory_space<semaphore_mem>>) src(%arg6 : memref<512x128xf32, #tpu.memory_space<vmem>>) dst(%dma_wait3A_16 : memref<65536x128xf32, #tpu.memory_space<hbm>>)
    %add3A_17 = arith.constant 1024 : i32
    %add3A_18 = arith.addi %mul3A_2, %add3A_17 : i32
    "tpu.region"() ({
      %run_scoped3A = tpu.sem_alloc : memref<!tpu.dma_semaphore, #tpu.memory_space<semaphore_mem>>
      %dma_start3A_33 = tpu.memref_slice %arg3[%add3A_18] : memref<65536xi32, #tpu.memory_space<hbm>> -> memref<512xi32, #tpu.memory_space<hbm>>
      %dma_start3A_34 = tpu.memref_slice %arg3[%add3A_18] : memref<65536xi32, #tpu.memory_space<hbm>> -> memref<512xi32, #tpu.memory_space<hbm>>
      tpu.enqueue_dma source(%dma_start3A_34 : memref<512xi32, #tpu.memory_space<hbm>>) target(%arg5 : memref<512xi32, #tpu.memory_space<vmem>>) target_semaphore(%run_scoped3A : memref<!tpu.dma_semaphore, #tpu.memory_space<semaphore_mem>>)
      %dma_wait3A_35 = tpu.memref_slice %arg3[%add3A_18] : memref<65536xi32, #tpu.memory_space<hbm>> -> memref<512xi32, #tpu.memory_space<hbm>>
      %dma_wait3A_36 = tpu.memref_slice %arg3[%add3A_18] : memref<65536xi32, #tpu.memory_space<hbm>> -> memref<512xi32, #tpu.memory_space<hbm>>
      tpu.wait_dma2 semaphore(%run_scoped3A : memref<!tpu.dma_semaphore, #tpu.memory_space<semaphore_mem>>) src(%dma_wait3A_36 : memref<512xi32, #tpu.memory_space<hbm>>) dst(%arg5 : memref<512xi32, #tpu.memory_space<vmem>>)
      tpu.yield
    }) : () -> ()
    "tpu.region"() ({
      %run_scoped3A = tpu.sem_alloc : memref<!tpu.dma_semaphore, #tpu.memory_space<semaphore_mem>>
      %dma_start3A_33 = arith.constant 0 : i32
      %dma_start3A_34 = tpu.memref_slice %arg2[%add3A_18, %dma_start3A_33] : memref<65536x128xf32, #tpu.memory_space<hbm>> -> memref<512x128xf32, #tpu.memory_space<hbm>>
      %dma_start3A_35 = arith.constant 0 : i32
      %dma_start3A_36 = tpu.memref_slice %arg2[%add3A_18, %dma_start3A_35] : memref<65536x128xf32, #tpu.memory_space<hbm>> -> memref<512x128xf32, #tpu.memory_space<hbm>>
      tpu.enqueue_dma source(%dma_start3A_36 : memref<512x128xf32, #tpu.memory_space<hbm>>) target(%arg6 : memref<512x128xf32, #tpu.memory_space<vmem>>) target_semaphore(%run_scoped3A : memref<!tpu.dma_semaphore, #tpu.memory_space<semaphore_mem>>)
      %dma_wait3A_37 = arith.constant 0 : i32
      %dma_wait3A_38 = tpu.memref_slice %arg2[%add3A_18, %dma_wait3A_37] : memref<65536x128xf32, #tpu.memory_space<hbm>> -> memref<512x128xf32, #tpu.memory_space<hbm>>
      %dma_wait3A_39 = arith.constant 0 : i32
      %dma_wait3A_40 = tpu.memref_slice %arg2[%add3A_18, %dma_wait3A_39] : memref<65536x128xf32, #tpu.memory_space<hbm>> -> memref<512x128xf32, #tpu.memory_space<hbm>>
      tpu.wait_dma2 semaphore(%run_scoped3A : memref<!tpu.dma_semaphore, #tpu.memory_space<semaphore_mem>>) src(%dma_wait3A_40 : memref<512x128xf32, #tpu.memory_space<hbm>>) dst(%arg6 : memref<512x128xf32, #tpu.memory_space<vmem>>)
      tpu.yield
    }) : () -> ()
    %dma_start3A_19 = arith.constant 0 : i32
    %dma_start3A_20 = arith.constant 0 : i32
    %dma_start3A_21 = tpu.memref_slice %arg4[%dma_start3A_19, %dma_start3A_20] : memref<65536x128xf32, #tpu.memory_space<hbm>> -> memref<65536x128xf32, #tpu.memory_space<hbm>>
    tpu.enqueue_indirect_dma source(%arg6 : memref<512x128xf32, #tpu.memory_space<vmem>>) target(%dma_start3A_21 : memref<65536x128xf32, #tpu.memory_space<hbm>>) offsets(%arg5 : memref<512xi32, #tpu.memory_space<vmem>>) semaphore(%arg7 : memref<!tpu.dma_semaphore, #tpu.memory_space<semaphore_mem>>)
    %dma_wait3A_22 = arith.constant 0 : i32
    %dma_wait3A_23 = arith.constant 0 : i32
    %dma_wait3A_24 = tpu.memref_slice %arg4[%dma_wait3A_22, %dma_wait3A_23] : memref<65536x128xf32, #tpu.memory_space<hbm>> -> memref<65536x128xf32, #tpu.memory_space<hbm>>
    tpu.wait_indirect_dma semaphore(%arg7 : memref<!tpu.dma_semaphore, #tpu.memory_space<semaphore_mem>>) src(%arg6 : memref<512x128xf32, #tpu.memory_space<vmem>>) dst(%dma_wait3A_24 : memref<65536x128xf32, #tpu.memory_space<hbm>>)
    %add3A_25 = arith.constant 1536 : i32
    %add3A_26 = arith.addi %mul3A_2, %add3A_25 : i32
    "tpu.region"() ({
      %run_scoped3A = tpu.sem_alloc : memref<!tpu.dma_semaphore, #tpu.memory_space<semaphore_mem>>
      %dma_start3A_33 = tpu.memref_slice %arg3[%add3A_26] : memref<65536xi32, #tpu.memory_space<hbm>> -> memref<512xi32, #tpu.memory_space<hbm>>
      %dma_start3A_34 = tpu.memref_slice %arg3[%add3A_26] : memref<65536xi32, #tpu.memory_space<hbm>> -> memref<512xi32, #tpu.memory_space<hbm>>
      tpu.enqueue_dma source(%dma_start3A_34 : memref<512xi32, #tpu.memory_space<hbm>>) target(%arg5 : memref<512xi32, #tpu.memory_space<vmem>>) target_semaphore(%run_scoped3A : memref<!tpu.dma_semaphore, #tpu.memory_space<semaphore_mem>>)
      %dma_wait3A_35 = tpu.memref_slice %arg3[%add3A_26] : memref<65536xi32, #tpu.memory_space<hbm>> -> memref<512xi32, #tpu.memory_space<hbm>>
      %dma_wait3A_36 = tpu.memref_slice %arg3[%add3A_26] : memref<65536xi32, #tpu.memory_space<hbm>> -> memref<512xi32, #tpu.memory_space<hbm>>
      tpu.wait_dma2 semaphore(%run_scoped3A : memref<!tpu.dma_semaphore, #tpu.memory_space<semaphore_mem>>) src(%dma_wait3A_36 : memref<512xi32, #tpu.memory_space<hbm>>) dst(%arg5 : memref<512xi32, #tpu.memory_space<vmem>>)
      tpu.yield
    }) : () -> ()
    "tpu.region"() ({
      %run_scoped3A = tpu.sem_alloc : memref<!tpu.dma_semaphore, #tpu.memory_space<semaphore_mem>>
      %dma_start3A_33 = arith.constant 0 : i32
      %dma_start3A_34 = tpu.memref_slice %arg2[%add3A_26, %dma_start3A_33] : memref<65536x128xf32, #tpu.memory_space<hbm>> -> memref<512x128xf32, #tpu.memory_space<hbm>>
      %dma_start3A_35 = arith.constant 0 : i32
      %dma_start3A_36 = tpu.memref_slice %arg2[%add3A_26, %dma_start3A_35] : memref<65536x128xf32, #tpu.memory_space<hbm>> -> memref<512x128xf32, #tpu.memory_space<hbm>>
      tpu.enqueue_dma source(%dma_start3A_36 : memref<512x128xf32, #tpu.memory_space<hbm>>) target(%arg6 : memref<512x128xf32, #tpu.memory_space<vmem>>) target_semaphore(%run_scoped3A : memref<!tpu.dma_semaphore, #tpu.memory_space<semaphore_mem>>)
      %dma_wait3A_37 = arith.constant 0 : i32
      %dma_wait3A_38 = tpu.memref_slice %arg2[%add3A_26, %dma_wait3A_37] : memref<65536x128xf32, #tpu.memory_space<hbm>> -> memref<512x128xf32, #tpu.memory_space<hbm>>
      %dma_wait3A_39 = arith.constant 0 : i32
      %dma_wait3A_40 = tpu.memref_slice %arg2[%add3A_26, %dma_wait3A_39] : memref<65536x128xf32, #tpu.memory_space<hbm>> -> memref<512x128xf32, #tpu.memory_space<hbm>>
      tpu.wait_dma2 semaphore(%run_scoped3A : memref<!tpu.dma_semaphore, #tpu.memory_space<semaphore_mem>>) src(%dma_wait3A_40 : memref<512x128xf32, #tpu.memory_space<hbm>>) dst(%arg6 : memref<512x128xf32, #tpu.memory_space<vmem>>)
      tpu.yield
    }) : () -> ()
    %dma_start3A_27 = arith.constant 0 : i32
    %dma_start3A_28 = arith.constant 0 : i32
    %dma_start3A_29 = tpu.memref_slice %arg4[%dma_start3A_27, %dma_start3A_28] : memref<65536x128xf32, #tpu.memory_space<hbm>> -> memref<65536x128xf32, #tpu.memory_space<hbm>>
    tpu.enqueue_indirect_dma source(%arg6 : memref<512x128xf32, #tpu.memory_space<vmem>>) target(%dma_start3A_29 : memref<65536x128xf32, #tpu.memory_space<hbm>>) offsets(%arg5 : memref<512xi32, #tpu.memory_space<vmem>>) semaphore(%arg7 : memref<!tpu.dma_semaphore, #tpu.memory_space<semaphore_mem>>)
    %dma_wait3A_30 = arith.constant 0 : i32
    %dma_wait3A_31 = arith.constant 0 : i32
    %dma_wait3A_32 = tpu.memref_slice %arg4[%dma_wait3A_30, %dma_wait3A_31] : memref<65536x128xf32, #tpu.memory_space<hbm>> -> memref<65536x128xf32, #tpu.memory_space<hbm>>
    tpu.wait_indirect_dma semaphore(%arg7 : memref<!tpu.dma_semaphore, #tpu.memory_space<semaphore_mem>>) src(%arg6 : memref<512x128xf32, #tpu.memory_space<vmem>>) dst(%dma_wait3A_32 : memref<65536x128xf32, #tpu.memory_space<hbm>>)
    return
  }
}

#map = affine_map<(d0, d1) -> (0, 0)>
#map1 = affine_map<(d0, d1) -> (0)>
module attributes {stable_mosaic.version = 14 : i64} {
  func.func @k(%arg0: i32, %arg1: i32, %arg2: memref<65536x128xf32, #tpu.memory_space<hbm>>, %arg3: memref<65536xi32, #tpu.memory_space<hbm>>, %arg4: memref<65536x128xf32, #tpu.memory_space<hbm>>, %arg5: memref<512xi32, #tpu.memory_space<vmem>>, %arg6: memref<512x128xf32, #tpu.memory_space<vmem>>, %arg7: memref<!tpu.dma_semaphore, #tpu.memory_space<semaphore_mem>>) attributes {dimension_semantics = [#tpu.dimension_semantics<core_parallel>, #tpu.dimension_semantics<subcore_parallel>], iteration_bounds = array<i64: 2, 16>, scalar_prefetch = 0 : i64, scratch_operands = 3 : i64, tpu.core_type = #tpu.core_type<sc_vector_subcore>, window_params = [{transform_indices = #map}, {transform_indices = #map1}, {transform_indices = #map}]} {
    %mul3A = arith.constant 2 : i32
    %mul3A_0 = arith.muli %arg1, %mul3A : i32
    %add3A = arith.addi %mul3A_0, %arg0 : i32
    %mul3A_1 = arith.constant 2048 : i32
    %mul3A_2 = arith.muli %add3A, %mul3A_1 : i32
    %add3A_3 = arith.constant 0 : i32
    %add3A_4 = arith.addi %mul3A_2, %add3A_3 : i32
    "tpu.region"() ({
      %run_scoped3A = tpu.sem_alloc : memref<!tpu.dma_semaphore, #tpu.memory_space<semaphore_mem>>
      %dma_start3A_33 = tpu.memref_slice %arg3[%add3A_4] : memref<65536xi32, #tpu.memory_space<hbm>> -> memref<512xi32, #tpu.memory_space<hbm>>
      %dma_start3A_34 = tpu.memref_slice %arg3[%add3A_4] : memref<65536xi32, #tpu.memory_space<hbm>> -> memref<512xi32, #tpu.memory_space<hbm>>
      tpu.enqueue_dma source(%dma_start3A_34 : memref<512xi32, #tpu.memory_space<hbm>>) target(%arg5 : memref<512xi32, #tpu.memory_space<vmem>>) target_semaphore(%run_scoped3A : memref<!tpu.dma_semaphore, #tpu.memory_space<semaphore_mem>>)
      %dma_wait3A_35 = tpu.memref_slice %arg3[%add3A_4] : memref<65536xi32, #tpu.memory_space<hbm>> -> memref<512xi32, #tpu.memory_space<hbm>>
      %dma_wait3A_36 = tpu.memref_slice %arg3[%add3A_4] : memref<65536xi32, #tpu.memory_space<hbm>> -> memref<512xi32, #tpu.memory_space<hbm>>
      tpu.wait_dma2 semaphore(%run_scoped3A : memref<!tpu.dma_semaphore, #tpu.memory_space<semaphore_mem>>) src(%dma_wait3A_36 : memref<512xi32, #tpu.memory_space<hbm>>) dst(%arg5 : memref<512xi32, #tpu.memory_space<vmem>>)
      tpu.yield
    }) : () -> ()
    "tpu.region"() ({
      %run_scoped3A = tpu.sem_alloc : memref<!tpu.dma_semaphore, #tpu.memory_space<semaphore_mem>>
      %dma_start3A_33 = arith.constant 0 : i32
      %dma_start3A_34 = tpu.memref_slice %arg2[%add3A_4, %dma_start3A_33] : memref<65536x128xf32, #tpu.memory_space<hbm>> -> memref<512x128xf32, #tpu.memory_space<hbm>>
      %dma_start3A_35 = arith.constant 0 : i32
      %dma_start3A_36 = tpu.memref_slice %arg2[%add3A_4, %dma_start3A_35] : memref<65536x128xf32, #tpu.memory_space<hbm>> -> memref<512x128xf32, #tpu.memory_space<hbm>>
      tpu.enqueue_dma source(%dma_start3A_36 : memref<512x128xf32, #tpu.memory_space<hbm>>) target(%arg6 : memref<512x128xf32, #tpu.memory_space<vmem>>) target_semaphore(%run_scoped3A : memref<!tpu.dma_semaphore, #tpu.memory_space<semaphore_mem>>)
      %dma_wait3A_37 = arith.constant 0 : i32
      %dma_wait3A_38 = tpu.memref_slice %arg2[%add3A_4, %dma_wait3A_37] : memref<65536x128xf32, #tpu.memory_space<hbm>> -> memref<512x128xf32, #tpu.memory_space<hbm>>
      %dma_wait3A_39 = arith.constant 0 : i32
      %dma_wait3A_40 = tpu.memref_slice %arg2[%add3A_4, %dma_wait3A_39] : memref<65536x128xf32, #tpu.memory_space<hbm>> -> memref<512x128xf32, #tpu.memory_space<hbm>>
      tpu.wait_dma2 semaphore(%run_scoped3A : memref<!tpu.dma_semaphore, #tpu.memory_space<semaphore_mem>>) src(%dma_wait3A_40 : memref<512x128xf32, #tpu.memory_space<hbm>>) dst(%arg6 : memref<512x128xf32, #tpu.memory_space<vmem>>)
      tpu.yield
    }) : () -> ()
    %dma_start3A = arith.constant 0 : i32
    %dma_start3A_5 = arith.constant 0 : i32
    %dma_start3A_6 = tpu.memref_slice %arg4[%dma_start3A, %dma_start3A_5] : memref<65536x128xf32, #tpu.memory_space<hbm>> -> memref<65536x128xf32, #tpu.memory_space<hbm>>
    tpu.enqueue_indirect_dma source(%arg6 : memref<512x128xf32, #tpu.memory_space<vmem>>) target(%dma_start3A_6 : memref<65536x128xf32, #tpu.memory_space<hbm>>) offsets(%arg5 : memref<512xi32, #tpu.memory_space<vmem>>) semaphore(%arg7 : memref<!tpu.dma_semaphore, #tpu.memory_space<semaphore_mem>>)
    %dma_wait3A = arith.constant 0 : i32
    %dma_wait3A_7 = arith.constant 0 : i32
    %dma_wait3A_8 = tpu.memref_slice %arg4[%dma_wait3A, %dma_wait3A_7] : memref<65536x128xf32, #tpu.memory_space<hbm>> -> memref<65536x128xf32, #tpu.memory_space<hbm>>
    tpu.wait_indirect_dma semaphore(%arg7 : memref<!tpu.dma_semaphore, #tpu.memory_space<semaphore_mem>>) src(%arg6 : memref<512x128xf32, #tpu.memory_space<vmem>>) dst(%dma_wait3A_8 : memref<65536x128xf32, #tpu.memory_space<hbm>>)
    %add3A_9 = arith.constant 512 : i32
    %add3A_10 = arith.addi %mul3A_2, %add3A_9 : i32
    "tpu.region"() ({
      %run_scoped3A = tpu.sem_alloc : memref<!tpu.dma_semaphore, #tpu.memory_space<semaphore_mem>>
      %dma_start3A_33 = tpu.memref_slice %arg3[%add3A_10] : memref<65536xi32, #tpu.memory_space<hbm>> -> memref<512xi32, #tpu.memory_space<hbm>>
      %dma_start3A_34 = tpu.memref_slice %arg3[%add3A_10] : memref<65536xi32, #tpu.memory_space<hbm>> -> memref<512xi32, #tpu.memory_space<hbm>>
      tpu.enqueue_dma source(%dma_start3A_34 : memref<512xi32, #tpu.memory_space<hbm>>) target(%arg5 : memref<512xi32, #tpu.memory_space<vmem>>) target_semaphore(%run_scoped3A : memref<!tpu.dma_semaphore, #tpu.memory_space<semaphore_mem>>)
      %dma_wait3A_35 = tpu.memref_slice %arg3[%add3A_10] : memref<65536xi32, #tpu.memory_space<hbm>> -> memref<512xi32, #tpu.memory_space<hbm>>
      %dma_wait3A_36 = tpu.memref_slice %arg3[%add3A_10] : memref<65536xi32, #tpu.memory_space<hbm>> -> memref<512xi32, #tpu.memory_space<hbm>>
      tpu.wait_dma2 semaphore(%run_scoped3A : memref<!tpu.dma_semaphore, #tpu.memory_space<semaphore_mem>>) src(%dma_wait3A_36 : memref<512xi32, #tpu.memory_space<hbm>>) dst(%arg5 : memref<512xi32, #tpu.memory_space<vmem>>)
      tpu.yield
    }) : () -> ()
    "tpu.region"() ({
      %run_scoped3A = tpu.sem_alloc : memref<!tpu.dma_semaphore, #tpu.memory_space<semaphore_mem>>
      %dma_start3A_33 = arith.constant 0 : i32
      %dma_start3A_34 = tpu.memref_slice %arg2[%add3A_10, %dma_start3A_33] : memref<65536x128xf32, #tpu.memory_space<hbm>> -> memref<512x128xf32, #tpu.memory_space<hbm>>
      %dma_start3A_35 = arith.constant 0 : i32
      %dma_start3A_36 = tpu.memref_slice %arg2[%add3A_10, %dma_start3A_35] : memref<65536x128xf32, #tpu.memory_space<hbm>> -> memref<512x128xf32, #tpu.memory_space<hbm>>
      tpu.enqueue_dma source(%dma_start3A_36 : memref<512x128xf32, #tpu.memory_space<hbm>>) target(%arg6 : memref<512x128xf32, #tpu.memory_space<vmem>>) target_semaphore(%run_scoped3A : memref<!tpu.dma_semaphore, #tpu.memory_space<semaphore_mem>>)
      %dma_wait3A_37 = arith.constant 0 : i32
      %dma_wait3A_38 = tpu.memref_slice %arg2[%add3A_10, %dma_wait3A_37] : memref<65536x128xf32, #tpu.memory_space<hbm>> -> memref<512x128xf32, #tpu.memory_space<hbm>>
      %dma_wait3A_39 = arith.constant 0 : i32
      %dma_wait3A_40 = tpu.memref_slice %arg2[%add3A_10, %dma_wait3A_39] : memref<65536x128xf32, #tpu.memory_space<hbm>> -> memref<512x128xf32, #tpu.memory_space<hbm>>
      tpu.wait_dma2 semaphore(%run_scoped3A : memref<!tpu.dma_semaphore, #tpu.memory_space<semaphore_mem>>) src(%dma_wait3A_40 : memref<512x128xf32, #tpu.memory_space<hbm>>) dst(%arg6 : memref<512x128xf32, #tpu.memory_space<vmem>>)
      tpu.yield
    }) : () -> ()
    %dma_start3A_11 = arith.constant 0 : i32
    %dma_start3A_12 = arith.constant 0 : i32
    %dma_start3A_13 = tpu.memref_slice %arg4[%dma_start3A_11, %dma_start3A_12] : memref<65536x128xf32, #tpu.memory_space<hbm>> -> memref<65536x128xf32, #tpu.memory_space<hbm>>
    tpu.enqueue_indirect_dma source(%arg6 : memref<512x128xf32, #tpu.memory_space<vmem>>) target(%dma_start3A_13 : memref<65536x128xf32, #tpu.memory_space<hbm>>) offsets(%arg5 : memref<512xi32, #tpu.memory_space<vmem>>) semaphore(%arg7 : memref<!tpu.dma_semaphore, #tpu.memory_space<semaphore_mem>>)
    %dma_wait3A_14 = arith.constant 0 : i32
    %dma_wait3A_15 = arith.constant 0 : i32
    %dma_wait3A_16 = tpu.memref_slice %arg4[%dma_wait3A_14, %dma_wait3A_15] : memref<65536x128xf32, #tpu.memory_space<hbm>> -> memref<65536x128xf32, #tpu.memory_space<hbm>>
    tpu.wait_indirect_dma semaphore(%arg7 : memref<!tpu.dma_semaphore, #tpu.memory_space<semaphore_mem>>) src(%arg6 : memref<512x128xf32, #tpu.memory_space<vmem>>) dst(%dma_wait3A_16 : memref<65536x128xf32, #tpu.memory_space<hbm>>)
    %add3A_17 = arith.constant 1024 : i32
    %add3A_18 = arith.addi %mul3A_2, %add3A_17 : i32
    "tpu.region"() ({
      %run_scoped3A = tpu.sem_alloc : memref<!tpu.dma_semaphore, #tpu.memory_space<semaphore_mem>>
      %dma_start3A_33 = tpu.memref_slice %arg3[%add3A_18] : memref<65536xi32, #tpu.memory_space<hbm>> -> memref<512xi32, #tpu.memory_space<hbm>>
      %dma_start3A_34 = tpu.memref_slice %arg3[%add3A_18] : memref<65536xi32, #tpu.memory_space<hbm>> -> memref<512xi32, #tpu.memory_space<hbm>>
      tpu.enqueue_dma source(%dma_start3A_34 : memref<512xi32, #tpu.memory_space<hbm>>) target(%arg5 : memref<512xi32, #tpu.memory_space<vmem>>) target_semaphore(%run_scoped3A : memref<!tpu.dma_semaphore, #tpu.memory_space<semaphore_mem>>)
      %dma_wait3A_35 = tpu.memref_slice %arg3[%add3A_18] : memref<65536xi32, #tpu.memory_space<hbm>> -> memref<512xi32, #tpu.memory_space<hbm>>
      %dma_wait3A_36 = tpu.memref_slice %arg3[%add3A_18] : memref<65536xi32, #tpu.memory_space<hbm>> -> memref<512xi32, #tpu.memory_space<hbm>>
      tpu.wait_dma2 semaphore(%run_scoped3A : memref<!tpu.dma_semaphore, #tpu.memory_space<semaphore_mem>>) src(%dma_wait3A_36 : memref<512xi32, #tpu.memory_space<hbm>>) dst(%arg5 : memref<512xi32, #tpu.memory_space<vmem>>)
      tpu.yield
    }) : () -> ()
    "tpu.region"() ({
      %run_scoped3A = tpu.sem_alloc : memref<!tpu.dma_semaphore, #tpu.memory_space<semaphore_mem>>
      %dma_start3A_33 = arith.constant 0 : i32
      %dma_start3A_34 = tpu.memref_slice %arg2[%add3A_18, %dma_start3A_33] : memref<65536x128xf32, #tpu.memory_space<hbm>> -> memref<512x128xf32, #tpu.memory_space<hbm>>
      %dma_start3A_35 = arith.constant 0 : i32
      %dma_start3A_36 = tpu.memref_slice %arg2[%add3A_18, %dma_start3A_35] : memref<65536x128xf32, #tpu.memory_space<hbm>> -> memref<512x128xf32, #tpu.memory_space<hbm>>
      tpu.enqueue_dma source(%dma_start3A_36 : memref<512x128xf32, #tpu.memory_space<hbm>>) target(%arg6 : memref<512x128xf32, #tpu.memory_space<vmem>>) target_semaphore(%run_scoped3A : memref<!tpu.dma_semaphore, #tpu.memory_space<semaphore_mem>>)
      %dma_wait3A_37 = arith.constant 0 : i32
      %dma_wait3A_38 = tpu.memref_slice %arg2[%add3A_18, %dma_wait3A_37] : memref<65536x128xf32, #tpu.memory_space<hbm>> -> memref<512x128xf32, #tpu.memory_space<hbm>>
      %dma_wait3A_39 = arith.constant 0 : i32
      %dma_wait3A_40 = tpu.memref_slice %arg2[%add3A_18, %dma_wait3A_39] : memref<65536x128xf32, #tpu.memory_space<hbm>> -> memref<512x128xf32, #tpu.memory_space<hbm>>
      tpu.wait_dma2 semaphore(%run_scoped3A : memref<!tpu.dma_semaphore, #tpu.memory_space<semaphore_mem>>) src(%dma_wait3A_40 : memref<512x128xf32, #tpu.memory_space<hbm>>) dst(%arg6 : memref<512x128xf32, #tpu.memory_space<vmem>>)
      tpu.yield
    }) : () -> ()
    %dma_start3A_19 = arith.constant 0 : i32
    %dma_start3A_20 = arith.constant 0 : i32
    %dma_start3A_21 = tpu.memref_slice %arg4[%dma_start3A_19, %dma_start3A_20] : memref<65536x128xf32, #tpu.memory_space<hbm>> -> memref<65536x128xf32, #tpu.memory_space<hbm>>
    tpu.enqueue_indirect_dma source(%arg6 : memref<512x128xf32, #tpu.memory_space<vmem>>) target(%dma_start3A_21 : memref<65536x128xf32, #tpu.memory_space<hbm>>) offsets(%arg5 : memref<512xi32, #tpu.memory_space<vmem>>) semaphore(%arg7 : memref<!tpu.dma_semaphore, #tpu.memory_space<semaphore_mem>>)
    %dma_wait3A_22 = arith.constant 0 : i32
    %dma_wait3A_23 = arith.constant 0 : i32
    %dma_wait3A_24 = tpu.memref_slice %arg4[%dma_wait3A_22, %dma_wait3A_23] : memref<65536x128xf32, #tpu.memory_space<hbm>> -> memref<65536x128xf32, #tpu.memory_space<hbm>>
    tpu.wait_indirect_dma semaphore(%arg7 : memref<!tpu.dma_semaphore, #tpu.memory_space<semaphore_mem>>) src(%arg6 : memref<512x128xf32, #tpu.memory_space<vmem>>) dst(%dma_wait3A_24 : memref<65536x128xf32, #tpu.memory_space<hbm>>)
    %add3A_25 = arith.constant 1536 : i32
    %add3A_26 = arith.addi %mul3A_2, %add3A_25 : i32
    "tpu.region"() ({
      %run_scoped3A = tpu.sem_alloc : memref<!tpu.dma_semaphore, #tpu.memory_space<semaphore_mem>>
      %dma_start3A_33 = tpu.memref_slice %arg3[%add3A_26] : memref<65536xi32, #tpu.memory_space<hbm>> -> memref<512xi32, #tpu.memory_space<hbm>>
      %dma_start3A_34 = tpu.memref_slice %arg3[%add3A_26] : memref<65536xi32, #tpu.memory_space<hbm>> -> memref<512xi32, #tpu.memory_space<hbm>>
      tpu.enqueue_dma source(%dma_start3A_34 : memref<512xi32, #tpu.memory_space<hbm>>) target(%arg5 : memref<512xi32, #tpu.memory_space<vmem>>) target_semaphore(%run_scoped3A : memref<!tpu.dma_semaphore, #tpu.memory_space<semaphore_mem>>)
      %dma_wait3A_35 = tpu.memref_slice %arg3[%add3A_26] : memref<65536xi32, #tpu.memory_space<hbm>> -> memref<512xi32, #tpu.memory_space<hbm>>
      %dma_wait3A_36 = tpu.memref_slice %arg3[%add3A_26] : memref<65536xi32, #tpu.memory_space<hbm>> -> memref<512xi32, #tpu.memory_space<hbm>>
      tpu.wait_dma2 semaphore(%run_scoped3A : memref<!tpu.dma_semaphore, #tpu.memory_space<semaphore_mem>>) src(%dma_wait3A_36 : memref<512xi32, #tpu.memory_space<hbm>>) dst(%arg5 : memref<512xi32, #tpu.memory_space<vmem>>)
      tpu.yield
    }) : () -> ()
    "tpu.region"() ({
      %run_scoped3A = tpu.sem_alloc : memref<!tpu.dma_semaphore, #tpu.memory_space<semaphore_mem>>
      %dma_start3A_33 = arith.constant 0 : i32
      %dma_start3A_34 = tpu.memref_slice %arg2[%add3A_26, %dma_start3A_33] : memref<65536x128xf32, #tpu.memory_space<hbm>> -> memref<512x128xf32, #tpu.memory_space<hbm>>
      %dma_start3A_35 = arith.constant 0 : i32
      %dma_start3A_36 = tpu.memref_slice %arg2[%add3A_26, %dma_start3A_35] : memref<65536x128xf32, #tpu.memory_space<hbm>> -> memref<512x128xf32, #tpu.memory_space<hbm>>
      tpu.enqueue_dma source(%dma_start3A_36 : memref<512x128xf32, #tpu.memory_space<hbm>>) target(%arg6 : memref<512x128xf32, #tpu.memory_space<vmem>>) target_semaphore(%run_scoped3A : memref<!tpu.dma_semaphore, #tpu.memory_space<semaphore_mem>>)
      %dma_wait3A_37 = arith.constant 0 : i32
      %dma_wait3A_38 = tpu.memref_slice %arg2[%add3A_26, %dma_wait3A_37] : memref<65536x128xf32, #tpu.memory_space<hbm>> -> memref<512x128xf32, #tpu.memory_space<hbm>>
      %dma_wait3A_39 = arith.constant 0 : i32
      %dma_wait3A_40 = tpu.memref_slice %arg2[%add3A_26, %dma_wait3A_39] : memref<65536x128xf32, #tpu.memory_space<hbm>> -> memref<512x128xf32, #tpu.memory_space<hbm>>
      tpu.wait_dma2 semaphore(%run_scoped3A : memref<!tpu.dma_semaphore, #tpu.memory_space<semaphore_mem>>) src(%dma_wait3A_40 : memref<512x128xf32, #tpu.memory_space<hbm>>) dst(%arg6 : memref<512x128xf32, #tpu.memory_space<vmem>>)
      tpu.yield
    }) : () -> ()
    %dma_start3A_27 = arith.constant 0 : i32
    %dma_start3A_28 = arith.constant 0 : i32
    %dma_start3A_29 = tpu.memref_slice %arg4[%dma_start3A_27, %dma_start3A_28] : memref<65536x128xf32, #tpu.memory_space<hbm>> -> memref<65536x128xf32, #tpu.memory_space<hbm>>
    tpu.enqueue_indirect_dma source(%arg6 : memref<512x128xf32, #tpu.memory_space<vmem>>) target(%dma_start3A_29 : memref<65536x128xf32, #tpu.memory_space<hbm>>) offsets(%arg5 : memref<512xi32, #tpu.memory_space<vmem>>) semaphore(%arg7 : memref<!tpu.dma_semaphore, #tpu.memory_space<semaphore_mem>>)
    %dma_wait3A_30 = arith.constant 0 : i32
    %dma_wait3A_31 = arith.constant 0 : i32
    %dma_wait3A_32 = tpu.memref_slice %arg4[%dma_wait3A_30, %dma_wait3A_31] : memref<65536x128xf32, #tpu.memory_space<hbm>> -> memref<65536x128xf32, #tpu.memory_space<hbm>>
    tpu.wait_indirect_dma semaphore(%arg7 : memref<!tpu.dma_semaphore, #tpu.memory_space<semaphore_mem>>) src(%arg6 : memref<512x128xf32, #tpu.memory_space<vmem>>) dst(%dma_wait3A_32 : memref<65536x128xf32, #tpu.memory_space<hbm>>)
    return
  }
}

module attributes {stable_mosaic.version = 14 : i64} {
  func.func @_qkv_body(%arg0: i32, %arg1: memref<256x1024xf32, #tpu.memory_space<vmem>>, %arg2: memref<1x1024xf32, #tpu.memory_space<vmem>>, %arg3: memref<1x1024xf32, #tpu.memory_space<vmem>>, %arg4: memref<1024x1024xf32, #tpu.memory_space<vmem>>, %arg5: memref<1024x1024xf32, #tpu.memory_space<vmem>>, %arg6: memref<256x1024xf32, #tpu.memory_space<vmem>>, %arg7: memref<256x1024xf32, #tpu.memory_space<vmem>>) attributes {dimension_semantics = [#tpu.dimension_semantics<arbitrary>], iteration_bounds = array<i64: 8>, scalar_prefetch = 0 : i64, scratch_operands = 0 : i64, tpu.core_type = #tpu.core_type<tc>, window_params = [{transform_indices = @transform_0, window_bounds = array<i64: 256, 1024>}, {pipeline_mode = #tpu.pipeline_mode<synchronous>, transform_indices = @transform_1, window_bounds = array<i64: 1, 1024>}, {pipeline_mode = #tpu.pipeline_mode<synchronous>, transform_indices = @transform_2, window_bounds = array<i64: 1, 1024>}, {pipeline_mode = #tpu.pipeline_mode<synchronous>, transform_indices = @transform_3, window_bounds = array<i64: 1024, 1024>}, {pipeline_mode = #tpu.pipeline_mode<synchronous>, transform_indices = @transform_4, window_bounds = array<i64: 1024, 1024>}, {transform_indices = @transform_5, window_bounds = array<i64: 256, 1024>}, {transform_indices = @transform_6, window_bounds = array<i64: 256, 1024>}]} {
    %get3A = arith.constant 0 : index
    %get3A_0 = arith.constant 0 : index
    %get3A_1 = vector.load %arg1[%get3A, %get3A_0] : memref<256x1024xf32, #tpu.memory_space<vmem>>, vector<256x1024xf32>
    %reduce_sum3A = arith.constant dense<0.000000e+00> : vector<256xf32>
    %reduce_sum3A_2 = vector.multi_reduction <add>, %get3A_1, %reduce_sum3A [1] : vector<256x1024xf32> to vector<256xf32>
    %broadcast_in_dim3A = vector.shape_cast %reduce_sum3A_2 : vector<256xf32> to vector<256x1xf32>
    %div3A = arith.constant 1.024000e+03 : f32
    %div3A_3 = vector.broadcast %div3A : f32 to vector<256x1xf32>
    %div3A_4 = arith.divf %broadcast_in_dim3A, %div3A_3 : vector<256x1xf32>
    %sub3A = vector.broadcast %div3A_4 : vector<256x1xf32> to vector<256x1024xf32>
    %sub3A_5 = arith.subf %get3A_1, %sub3A : vector<256x1024xf32>
    %integer_pow3A = arith.mulf %sub3A_5, %sub3A_5 : vector<256x1024xf32>
    %reduce_sum3A_6 = arith.constant dense<0.000000e+00> : vector<256xf32>
    %reduce_sum3A_7 = vector.multi_reduction <add>, %integer_pow3A, %reduce_sum3A_6 [1] : vector<256x1024xf32> to vector<256xf32>
    %broadcast_in_dim3A_8 = vector.shape_cast %reduce_sum3A_7 : vector<256xf32> to vector<256x1xf32>
    %div3A_9 = arith.constant 1.024000e+03 : f32
    %div3A_10 = vector.broadcast %div3A_9 : f32 to vector<256x1xf32>
    %div3A_11 = arith.divf %broadcast_in_dim3A_8, %div3A_10 : vector<256x1xf32>
    %sub3A_12 = vector.broadcast %div3A_4 : vector<256x1xf32> to vector<256x1024xf32>
    %sub3A_13 = arith.subf %get3A_1, %sub3A_12 : vector<256x1024xf32>
    %add3A = arith.constant 9.99999974E-6 : f32
    %add3A_14 = vector.broadcast %add3A : f32 to vector<256x1xf32>
    %add3A_15 = arith.addf %div3A_11, %add3A_14 : vector<256x1xf32>
    %sqrt3A = math.sqrt %add3A_15 : vector<256x1xf32>
    %div3A_16 = vector.broadcast %sqrt3A : vector<256x1xf32> to vector<256x1024xf32>
    %div3A_17 = arith.divf %sub3A_13, %div3A_16 : vector<256x1024xf32>
    %get3A_18 = arith.constant 0 : index
    %get3A_19 = arith.constant 0 : index
    %get3A_20 = vector.load %arg2[%get3A_18, %get3A_19] : memref<1x1024xf32, #tpu.memory_space<vmem>>, vector<1x1024xf32>
    %mul3A = vector.broadcast %get3A_20 : vector<1x1024xf32> to vector<256x1024xf32>
    %mul3A_21 = arith.mulf %div3A_17, %mul3A : vector<256x1024xf32>
    %get3A_22 = arith.constant 0 : index
    %get3A_23 = arith.constant 0 : index
    %get3A_24 = vector.load %arg3[%get3A_22, %get3A_23] : memref<1x1024xf32, #tpu.memory_space<vmem>>, vector<1x1024xf32>
    %add3A_25 = vector.broadcast %get3A_24 : vector<1x1024xf32> to vector<256x1024xf32>
    %add3A_26 = arith.addf %mul3A_21, %add3A_25 : vector<256x1024xf32>
    %get3A_27 = arith.constant 0 : index
    %get3A_28 = arith.constant 0 : index
    %get3A_29 = vector.load %arg4[%get3A_27, %get3A_28] : memref<1024x1024xf32, #tpu.memory_space<vmem>>, vector<1024x1024xf32>
    %dot_general3A = arith.constant dense<0.000000e+00> : vector<256x1024xf32>
    %dot_general3A_30 = tpu.matmul %add3A_26, %get3A_29, %dot_general3A {dimension_numbers = #tpu.dot_dimension_numbers<[1], [0], [0], [1], [0, 0, 1, 1], [], []>, transpose_lhs_hint = false} : vector<256x1024xf32>, vector<1024x1024xf32>, vector<256x1024xf32> -> vector<256x1024xf32>
    %swap3A = arith.constant 0 : index
    %swap3A_31 = arith.constant 0 : index
    %swap3A_32 = vector.load %arg6[%swap3A, %swap3A_31] : memref<256x1024xf32, #tpu.memory_space<vmem>>, vector<256x1024xf32>
    tpu.vector_store %arg6[%swap3A, %swap3A_31], %dot_general3A_30 {strides = array<i32>} : memref<256x1024xf32, #tpu.memory_space<vmem>>, vector<256x1024xf32>,
    %get3A_33 = arith.constant 0 : index
    %get3A_34 = arith.constant 0 : index
    %get3A_35 = vector.load %arg5[%get3A_33, %get3A_34] : memref<1024x1024xf32, #tpu.memory_space<vmem>>, vector<1024x1024xf32>
    %dot_general3A_36 = arith.constant dense<0.000000e+00> : vector<256x1024xf32>
    %dot_general3A_37 = tpu.matmul %add3A_26, %get3A_35, %dot_general3A_36 {dimension_numbers = #tpu.dot_dimension_numbers<[1], [0], [0], [1], [0, 0, 1, 1], [], []>, transpose_lhs_hint = false} : vector<256x1024xf32>, vector<1024x1024xf32>, vector<256x1024xf32> -> vector<256x1024xf32>
    %swap3A_38 = arith.constant 0 : index
    %swap3A_39 = arith.constant 0 : index
    %swap3A_40 = vector.load %arg7[%swap3A_38, %swap3A_39] : memref<256x1024xf32, #tpu.memory_space<vmem>>, vector<256x1024xf32>
    tpu.vector_store %arg7[%swap3A_38, %swap3A_39], %dot_general3A_37 {strides = array<i32>} : memref<256x1024xf32, #tpu.memory_space<vmem>>, vector<256x1024xf32>,
    return
  }
  func.func @transform_0(%arg0: i32) -> (i32, i32) {
    %c0_i32 = arith.constant 0 : i32
    %c0_i32_0 = arith.constant 0 : i32
    return %arg0, %c0_i32 : i32, i32
  }
  func.func @transform_1(%arg0: i32) -> (i32, i32) {
    %c0_i32 = arith.constant 0 : i32
    %c0_i32_0 = arith.constant 0 : i32
    %c0_i32_1 = arith.constant 0 : i32
    return %c0_i32, %c0_i32_0 : i32, i32
  }
  func.func @transform_2(%arg0: i32) -> (i32, i32) {
    %c0_i32 = arith.constant 0 : i32
    %c0_i32_0 = arith.constant 0 : i32
    %c0_i32_1 = arith.constant 0 : i32
    return %c0_i32, %c0_i32_0 : i32, i32
  }
  func.func @transform_3(%arg0: i32) -> (i32, i32) {
    %c0_i32 = arith.constant 0 : i32
    %c0_i32_0 = arith.constant 0 : i32
    %c0_i32_1 = arith.constant 0 : i32
    return %c0_i32, %c0_i32_0 : i32, i32
  }
  func.func @transform_4(%arg0: i32) -> (i32, i32) {
    %c0_i32 = arith.constant 0 : i32
    %c0_i32_0 = arith.constant 0 : i32
    %c0_i32_1 = arith.constant 0 : i32
    return %c0_i32, %c0_i32_0 : i32, i32
  }
  func.func @transform_5(%arg0: i32) -> (i32, i32) {
    %c0_i32 = arith.constant 0 : i32
    %c0_i32_0 = arith.constant 0 : i32
    return %arg0, %c0_i32 : i32, i32
  }
  func.func @transform_6(%arg0: i32) -> (i32, i32) {
    %c0_i32 = arith.constant 0 : i32
    %c0_i32_0 = arith.constant 0 : i32
    return %arg0, %c0_i32 : i32, i32
  }
}

module attributes {stable_mosaic.version = 14 : i64} {
  func.func @_bucket_body(%arg0: i32, %arg1: memref<1x2048x64xf32, #tpu.memory_space<vmem>>, %arg2: memref<64x128xf32, #tpu.memory_space<vmem>>, %arg3: memref<1x2048x4xi32, #tpu.memory_space<vmem>>) attributes {dimension_semantics = [#tpu.dimension_semantics<arbitrary>], iteration_bounds = array<i64: 16>, scalar_prefetch = 0 : i64, scratch_operands = 0 : i64, tpu.core_type = #tpu.core_type<tc>, window_params = [{transform_indices = @transform_0, window_bounds = array<i64: 1, 2048, 64>}, {pipeline_mode = #tpu.pipeline_mode<synchronous>, transform_indices = @transform_1, window_bounds = array<i64: 64, 128>}, {transform_indices = @transform_2, window_bounds = array<i64: 1, 2048, 4>}]} {
    %get3A = arith.constant 0 : index
    %get3A_0 = arith.constant 0 : index
    %get3A_1 = arith.constant 0 : index
    %get3A_2 = vector.load %arg1[%get3A, %get3A_0, %get3A_1] : memref<1x2048x64xf32, #tpu.memory_space<vmem>>, vector<1x2048x64xf32>
    %get3A_3 = vector.shape_cast %get3A_2 : vector<1x2048x64xf32> to vector<2048x64xf32>
    %get3A_4 = arith.constant 0 : index
    %get3A_5 = arith.constant 0 : index
    %get3A_6 = vector.load %arg2[%get3A_4, %get3A_5] : memref<64x128xf32, #tpu.memory_space<vmem>>, vector<64x128xf32>
    %dot_general3A = arith.constant dense<0.000000e+00> : vector<2048x128xf32>
    %dot_general3A_7 = tpu.matmul %get3A_3, %get3A_6, %dot_general3A {dimension_numbers = #tpu.dot_dimension_numbers<[1], [0], [0], [1], [0, 0, 1, 1], [], []>, transpose_lhs_hint = false} : vector<2048x64xf32>, vector<64x128xf32>, vector<2048x128xf32> -> vector<2048x128xf32>
    %slice3A = vector.extract_strided_slice %dot_general3A_7 {offsets = [0, 0], sizes = [2048, 32], strides = [1, 1]} : vector<2048x128xf32> to vector<2048x32xf32>
    %argmax3A = tpu.reduce_index %slice3A {axis = 1 : i32, kind = #tpu.reduction_kind<arg_max>} : vector<2048x32xf32> -> vector<2048xi32>
    %broadcast_in_dim3A = vector.shape_cast %argmax3A : vector<2048xi32> to vector<2048x1xi32>
    %add3A = arith.constant 0 : i32
    %add3A_8 = vector.broadcast %add3A : i32 to vector<2048x1xi32>
    %add3A_9 = arith.addi %broadcast_in_dim3A, %add3A_8 : vector<2048x1xi32>
    %slice3A_10 = vector.extract_strided_slice %dot_general3A_7 {offsets = [0, 32], sizes = [2048, 32], strides = [1, 1]} : vector<2048x128xf32> to vector<2048x32xf32>
    %argmax3A_11 = tpu.reduce_index %slice3A_10 {axis = 1 : i32, kind = #tpu.reduction_kind<arg_max>} : vector<2048x32xf32> -> vector<2048xi32>
    %broadcast_in_dim3A_12 = vector.shape_cast %argmax3A_11 : vector<2048xi32> to vector<2048x1xi32>
    %add3A_13 = arith.constant 32 : i32
    %add3A_14 = vector.broadcast %add3A_13 : i32 to vector<2048x1xi32>
    %add3A_15 = arith.addi %broadcast_in_dim3A_12, %add3A_14 : vector<2048x1xi32>
    %slice3A_16 = vector.extract_strided_slice %dot_general3A_7 {offsets = [0, 64], sizes = [2048, 32], strides = [1, 1]} : vector<2048x128xf32> to vector<2048x32xf32>
    %argmax3A_17 = tpu.reduce_index %slice3A_16 {axis = 1 : i32, kind = #tpu.reduction_kind<arg_max>} : vector<2048x32xf32> -> vector<2048xi32>
    %broadcast_in_dim3A_18 = vector.shape_cast %argmax3A_17 : vector<2048xi32> to vector<2048x1xi32>
    %add3A_19 = arith.constant 64 : i32
    %add3A_20 = vector.broadcast %add3A_19 : i32 to vector<2048x1xi32>
    %add3A_21 = arith.addi %broadcast_in_dim3A_18, %add3A_20 : vector<2048x1xi32>
    %slice3A_22 = vector.extract_strided_slice %dot_general3A_7 {offsets = [0, 96], sizes = [2048, 32], strides = [1, 1]} : vector<2048x128xf32> to vector<2048x32xf32>
    %argmax3A_23 = tpu.reduce_index %slice3A_22 {axis = 1 : i32, kind = #tpu.reduction_kind<arg_max>} : vector<2048x32xf32> -> vector<2048xi32>
    %broadcast_in_dim3A_24 = vector.shape_cast %argmax3A_23 : vector<2048xi32> to vector<2048x1xi32>
    %add3A_25 = arith.constant 96 : i32
    %add3A_26 = vector.broadcast %add3A_25 : i32 to vector<2048x1xi32>
    %add3A_27 = arith.addi %broadcast_in_dim3A_24, %add3A_26 : vector<2048x1xi32>
    %concatenate3A = tpu.concatenate %add3A_9, %add3A_15, %add3A_21, %add3A_27 in 1 : vector<2048x1xi32>, vector<2048x1xi32>, vector<2048x1xi32>, vector<2048x1xi32> -> vector<2048x4xi32>
    %swap3A = arith.constant 0 : index
    %swap3A_28 = arith.constant 0 : index
    %swap3A_29 = arith.constant 0 : index
    %swap3A_30 = vector.load %arg3[%swap3A, %swap3A_28, %swap3A_29] : memref<1x2048x4xi32, #tpu.memory_space<vmem>>, vector<1x2048x4xi32>
    %swap3A_31 = vector.shape_cast %swap3A_30 : vector<1x2048x4xi32> to vector<2048x4xi32>
    %swap3A_32 = vector.shape_cast %concatenate3A : vector<2048x4xi32> to vector<1x2048x4xi32>
    tpu.vector_store %arg3[%swap3A, %swap3A_28, %swap3A_29], %swap3A_32 {strides = array<i32>} : memref<1x2048x4xi32, #tpu.memory_space<vmem>>, vector<1x2048x4xi32>,
    return
  }
  func.func @transform_0(%arg0: i32) -> (i32, i32, i32) {
    %c0_i32 = arith.constant 0 : i32
    %c0_i32_0 = arith.constant 0 : i32
    %c0_i32_1 = arith.constant 0 : i32
    return %arg0, %c0_i32, %c0_i32_0 : i32, i32, i32
  }
  func.func @transform_1(%arg0: i32) -> (i32, i32) {
    %c0_i32 = arith.constant 0 : i32
    %c0_i32_0 = arith.constant 0 : i32
    %c0_i32_1 = arith.constant 0 : i32
    return %c0_i32, %c0_i32_0 : i32, i32
  }
  func.func @transform_2(%arg0: i32) -> (i32, i32, i32) {
    %c0_i32 = arith.constant 0 : i32
    %c0_i32_0 = arith.constant 0 : i32
    %c0_i32_1 = arith.constant 0 : i32
    return %arg0, %c0_i32, %c0_i32_0 : i32, i32, i32
  }
}

module attributes {stable_mosaic.version = 14 : i64} {
  func.func @_attn_body(%arg0: i32, %arg1: memref<1x128x64x128xf32, #tpu.memory_space<vmem>>, %arg2: memref<1x128x64xi32, #tpu.memory_space<vmem>>, %arg3: memref<1x128x64x128xf32, #tpu.memory_space<vmem>>) attributes {dimension_semantics = [#tpu.dimension_semantics<arbitrary>], iteration_bounds = array<i64: 8>, scalar_prefetch = 0 : i64, scratch_operands = 0 : i64, tpu.core_type = #tpu.core_type<tc>, window_params = [{transform_indices = @transform_0, window_bounds = array<i64: 1, 128, 64, 128>}, {transform_indices = @transform_1, window_bounds = array<i64: 1, 128, 64>}, {transform_indices = @transform_2, window_bounds = array<i64: 1, 128, 64, 128>}]} {
    %scan3A = arith.constant 0 : i32
    %scan3A_0 = arith.constant 8 : i32
    %scan3A_1 = arith.addi %scan3A, %scan3A_0 : i32
    %scan3A_2 = arith.constant 1 : i32
    scf.for %scan3A_4 = %scan3A to %scan3A_1 step %scan3A_2  : i32 {
      %mul3A = arith.constant 16 : i32
      %mul3A_5 = arith.muli %scan3A_4, %mul3A : i32
      %get3A = arith.constant 0 : index
      %get3A_6 = arith.index_cast %mul3A_5 : i32 to index
      %get3A_7 = arith.constant 0 : index
      %get3A_8 = arith.constant 0 : index
      %get3A_9 = vector.load %arg1[%get3A, %get3A_6, %get3A_7, %get3A_8] : memref<1x128x64x128xf32, #tpu.memory_space<vmem>>, vector<1x16x64x128xf32>
      %get3A_10 = vector.shape_cast %get3A_9 : vector<1x16x64x128xf32> to vector<16x64x128xf32>
      %slice3A = vector.extract_strided_slice %get3A_10 {offsets = [0, 0, 0], sizes = [16, 64, 64], strides = [1, 1, 1]} : vector<16x64x128xf32> to vector<16x64x64xf32>
      %eq3A = arith.constant 0 : i32
      %eq3A_11 = arith.cmpi eq, %mul3A_5, %eq3A : i32
      %sub3A = arith.constant 1 : i32
      %sub3A_12 = arith.subi %mul3A_5, %sub3A : i32
      %jit3A = arith.constant 127 : i32
      %select_n3A = arith.select %eq3A_11, %jit3A, %sub3A_12 : i32
      %get3A_13 = arith.constant 0 : index
      %get3A_14 = arith.index_cast %select_n3A : i32 to index
      %get3A_15 = arith.constant 0 : index
      %get3A_16 = arith.constant 0 : index
      %get3A_17 = vector.load %arg1[%get3A_13, %get3A_14, %get3A_15, %get3A_16] : memref<1x128x64x128xf32, #tpu.memory_space<vmem>>, vector<1x1x64x128xf32>
      %get3A_18 = vector.shape_cast %get3A_17 : vector<1x1x64x128xf32> to vector<1x64x128xf32>
      %slice3A_19 = vector.extract_strided_slice %get3A_10 {offsets = [0, 0, 0], sizes = [16, 64, 64], strides = [1, 1, 1]} : vector<16x64x128xf32> to vector<16x64x64xf32>
      %slice3A_20 = vector.extract_strided_slice %get3A_10 {offsets = [0, 0, 64], sizes = [16, 64, 64], strides = [1, 1, 1]} : vector<16x64x128xf32> to vector<16x64x64xf32>
      %mul3A_21 = arith.mulf %slice3A_19, %slice3A_19 : vector<16x64x64xf32>
      %reduce_sum3A = arith.constant dense<0.000000e+00> : vector<16x64xf32>
      %reduce_sum3A_22 = vector.multi_reduction <add>, %mul3A_21, %reduce_sum3A [2] : vector<16x64x64xf32> to vector<16x64xf32>
      %broadcast_in_dim3A = vector.shape_cast %reduce_sum3A_22 : vector<16x64xf32> to vector<16x64x1xf32>
      %sqrt3A = math.sqrt %broadcast_in_dim3A : vector<16x64x1xf32>
      %add3A = arith.constant 9.99999971E-10 : f32
      %add3A_23 = vector.broadcast %add3A : f32 to vector<16x64x1xf32>
      %add3A_24 = arith.addf %sqrt3A, %add3A_23 : vector<16x64x1xf32>
      %div3A = vector.broadcast %add3A_24 : vector<16x64x1xf32> to vector<16x64x64xf32>
      %div3A_25 = arith.divf %slice3A_19, %div3A : vector<16x64x64xf32>
      %slice3A_26 = vector.extract_strided_slice %get3A_18 {offsets = [0, 0, 0], sizes = [1, 64, 64], strides = [1, 1, 1]} : vector<1x64x128xf32> to vector<1x64x64xf32>
      %slice3A_27 = vector.extract_strided_slice %get3A_18 {offsets = [0, 0, 64], sizes = [1, 64, 64], strides = [1, 1, 1]} : vector<1x64x128xf32> to vector<1x64x64xf32>
      %mul3A_28 = arith.mulf %slice3A_26, %slice3A_26 : vector<1x64x64xf32>
      %reduce_sum3A_29 = arith.constant dense<0.000000e+00> : vector<1x64xf32>
      %reduce_sum3A_30 = vector.multi_reduction <add>, %mul3A_28, %reduce_sum3A_29 [2] : vector<1x64x64xf32> to vector<1x64xf32>
      %broadcast_in_dim3A_31 = vector.shape_cast %reduce_sum3A_30 : vector<1x64xf32> to vector<1x64x1xf32>
      %sqrt3A_32 = math.sqrt %broadcast_in_dim3A_31 : vector<1x64x1xf32>
      %add3A_33 = arith.constant 9.99999971E-10 : f32
      %add3A_34 = vector.broadcast %add3A_33 : f32 to vector<1x64x1xf32>
      %add3A_35 = arith.addf %sqrt3A_32, %add3A_34 : vector<1x64x1xf32>
      %div3A_36 = vector.broadcast %add3A_35 : vector<1x64x1xf32> to vector<1x64x64xf32>
      %div3A_37 = arith.divf %slice3A_26, %div3A_36 : vector<1x64x64xf32>
      %slice3A_38 = vector.extract_strided_slice %div3A_25 {offsets = [0, 0, 0], sizes = [15, 64, 64], strides = [1, 1, 1]} : vector<16x64x64xf32> to vector<15x64x64xf32>
      %concatenate3A = tpu.concatenate %div3A_37, %slice3A_38 in 0 : vector<1x64x64xf32>, vector<15x64x64xf32> -> vector<16x64x64xf32>
      %slice3A_39 = vector.extract_strided_slice %slice3A_20 {offsets = [0, 0, 0], sizes = [15, 64, 64], strides = [1, 1, 1]} : vector<16x64x64xf32> to vector<15x64x64xf32>
      %concatenate3A_40 = tpu.concatenate %slice3A_27, %slice3A_39 in 0 : vector<1x64x64xf32>, vector<15x64x64xf32> -> vector<16x64x64xf32>
      %get3A_41 = arith.constant 0 : index
      %get3A_42 = arith.index_cast %mul3A_5 : i32 to index
      %get3A_43 = arith.constant 0 : index
      %get3A_44 = vector.load %arg2[%get3A_41, %get3A_42, %get3A_43] : memref<1x128x64xi32, #tpu.memory_space<vmem>>, vector<1x16x64xi32>
      %get3A_45 = vector.shape_cast %get3A_44 : vector<1x16x64xi32> to vector<16x64xi32>
      %get3A_46 = arith.constant 0 : index
      %get3A_47 = arith.index_cast %select_n3A : i32 to index
      %get3A_48 = arith.constant 0 : index
      %get3A_49 = vector.load %arg2[%get3A_46, %get3A_47, %get3A_48] : memref<1x128x64xi32, #tpu.memory_space<vmem>>, vector<1x1x64xi32>
      %get3A_50 = vector.shape_cast %get3A_49 : vector<1x1x64xi32> to vector<1x64xi32>
      %slice3A_51 = vector.extract_strided_slice %get3A_45 {offsets = [0, 0], sizes = [15, 64], strides = [1, 1]} : vector<16x64xi32> to vector<15x64xi32>
      %concatenate3A_52 = tpu.concatenate %get3A_50, %slice3A_51 in 0 : vector<1x64xi32>, vector<15x64xi32> -> vector<16x64xi32>
      %concatenate3A_53 = tpu.concatenate %div3A_25, %concatenate3A in 1 : vector<16x64x64xf32>, vector<16x64x64xf32> -> vector<16x128x64xf32>
      %concatenate3A_54 = tpu.concatenate %slice3A_20, %concatenate3A_40 in 1 : vector<16x64x64xf32>, vector<16x64x64xf32> -> vector<16x128x64xf32>
      %concatenate3A_55 = tpu.concatenate %get3A_45, %concatenate3A_52 in 1 : vector<16x64xi32>, vector<16x64xi32> -> vector<16x128xi32>
      %dot_general3A = arith.constant dense<0.000000e+00> : vector<16x64x128xf32>
      %dot_general3A_56 = tpu.matmul %slice3A, %concatenate3A_53, %dot_general3A {dimension_numbers = #tpu.dot_dimension_numbers<[2], [2], [1], [1], [0, 0, 0, 1, 1, 1], [0], [0]>, transpose_lhs_hint = false} : vector<16x64x64xf32>, vector<16x128x64xf32>, vector<16x64x128xf32> -> vector<16x64x128xf32>
      %mul3A_57 = arith.constant 1.250000e-01 : f32
      %mul3A_58 = vector.broadcast %mul3A_57 : f32 to vector<16x64x128xf32>
      %mul3A_59 = arith.mulf %dot_general3A_56, %mul3A_58 : vector<16x64x128xf32>
      %broadcast_in_dim3A_60 = vector.shape_cast %get3A_45 : vector<16x64xi32> to vector<16x64x1xi32>
      %broadcast_in_dim3A_61 = vector.shape_cast %concatenate3A_55 : vector<16x128xi32> to vector<16x1x128xi32>
      %eq3A_62 = vector.broadcast %broadcast_in_dim3A_60 : vector<16x64x1xi32> to vector<16x64x128xi32>
      %eq3A_63 = vector.broadcast %broadcast_in_dim3A_61 : vector<16x1x128xi32> to vector<16x64x128xi32>
      %eq3A_64 = arith.cmpi eq, %eq3A_62, %eq3A_63 : vector<16x64x128xi32>
      %jit3A_65 = arith.constant -1.000000e+05 : f32
      %broadcast_in_dim3A_66 = vector.broadcast %jit3A_65 : f32 to vector<16x64x128xf32>
      %select_n3A_67 = arith.select %eq3A_64, %broadcast_in_dim3A_66, %mul3A_59 : vector<16x64x128xi1>, vector<16x64x128xf32>
      %reduce_max3A = arith.constant dense<0xFF800000> : vector<16x64xf32>
      %reduce_max3A_68 = vector.multi_reduction <maximumf>, %select_n3A_67, %reduce_max3A [2] : vector<16x64x128xf32> to vector<16x64xf32>
      %broadcast_in_dim3A_69 = vector.shape_cast %reduce_max3A_68 : vector<16x64xf32> to vector<16x64x1xf32>
      %sub3A_70 = vector.broadcast %broadcast_in_dim3A_69 : vector<16x64x1xf32> to vector<16x64x128xf32>
      %sub3A_71 = arith.subf %select_n3A_67, %sub3A_70 : vector<16x64x128xf32>
      %exp3A = math.exp %sub3A_71 : vector<16x64x128xf32>
      %reduce_sum3A_72 = arith.constant dense<0.000000e+00> : vector<16x64xf32>
      %reduce_sum3A_73 = vector.multi_reduction <add>, %exp3A, %reduce_sum3A_72 [2] : vector<16x64x128xf32> to vector<16x64xf32>
      %broadcast_in_dim3A_74 = vector.shape_cast %reduce_sum3A_73 : vector<16x64xf32> to vector<16x64x1xf32>
      %log3A = math.log %broadcast_in_dim3A_74 : vector<16x64x1xf32>
      %add3A_75 = arith.addf %broadcast_in_dim3A_69, %log3A : vector<16x64x1xf32>
      %sub3A_76 = vector.broadcast %add3A_75 : vector<16x64x1xf32> to vector<16x64x128xf32>
      %sub3A_77 = arith.subf %select_n3A_67, %sub3A_76 : vector<16x64x128xf32>
      %exp3A_78 = math.exp %sub3A_77 : vector<16x64x128xf32>
      %dot_general3A_79 = arith.constant dense<0.000000e+00> : vector<16x64x64xf32>
      %dot_general3A_80 = tpu.matmul %exp3A_78, %concatenate3A_54, %dot_general3A_79 {dimension_numbers = #tpu.dot_dimension_numbers<[2], [1], [1], [2], [0, 0, 0, 1, 1, 2], [0], [0]>, transpose_lhs_hint = false} : vector<16x64x128xf32>, vector<16x128x64xf32>, vector<16x64x64xf32> -> vector<16x64x64xf32>
      %swap3A = arith.constant 0 : index
      %swap3A_81 = arith.index_cast %mul3A_5 : i32 to index
      %swap3A_82 = arith.constant 0 : index
      %swap3A_83 = arith.constant 0 : index
      %swap3A_84 = vector.load %arg3[%swap3A, %swap3A_81, %swap3A_82, %swap3A_83] : memref<1x128x64x128xf32, #tpu.memory_space<vmem>>, vector<1x16x64x64xf32>
      %swap3A_85 = vector.shape_cast %swap3A_84 : vector<1x16x64x64xf32> to vector<16x64x64xf32>
      %swap3A_86 = vector.shape_cast %dot_general3A_80 : vector<16x64x64xf32> to vector<1x16x64x64xf32>
      tpu.vector_store %arg3[%swap3A, %swap3A_81, %swap3A_82, %swap3A_83], %swap3A_86 {strides = array<i32>} : memref<1x128x64x128xf32, #tpu.memory_space<vmem>>, vector<1x16x64x64xf32>,
      %swap3A_87 = arith.constant 0 : index
      %swap3A_88 = arith.index_cast %mul3A_5 : i32 to index
      %swap3A_89 = arith.constant 0 : index
      %swap3A_90 = arith.constant 64 : index
      %swap3A_91 = vector.load %arg3[%swap3A_87, %swap3A_88, %swap3A_89, %swap3A_90] : memref<1x128x64x128xf32, #tpu.memory_space<vmem>>, vector<1x16x64x1xf32>
      %swap3A_92 = vector.shape_cast %swap3A_91 : vector<1x16x64x1xf32> to vector<16x64x1xf32>
      %swap3A_93 = vector.shape_cast %add3A_75 : vector<16x64x1xf32> to vector<1x16x64x1xf32>
      tpu.vector_store %arg3[%swap3A_87, %swap3A_88, %swap3A_89, %swap3A_90], %swap3A_93 {strides = array<i32>} : memref<1x128x64x128xf32, #tpu.memory_space<vmem>>, vector<1x16x64x1xf32>,
    }
    %scan3A_3 = arith.constant 8 : i32
    return
  }
  func.func @transform_0(%arg0: i32) -> (i32, i32, i32, i32) {
    %c0_i32 = arith.constant 0 : i32
    %c0_i32_0 = arith.constant 0 : i32
    %c0_i32_1 = arith.constant 0 : i32
    %c0_i32_2 = arith.constant 0 : i32
    return %arg0, %c0_i32, %c0_i32_0, %c0_i32_1 : i32, i32, i32, i32
  }
  func.func @transform_1(%arg0: i32) -> (i32, i32, i32) {
    %c0_i32 = arith.constant 0 : i32
    %c0_i32_0 = arith.constant 0 : i32
    %c0_i32_1 = arith.constant 0 : i32
    return %arg0, %c0_i32, %c0_i32_0 : i32, i32, i32
  }
  func.func @transform_2(%arg0: i32) -> (i32, i32, i32, i32) {
    %c0_i32 = arith.constant 0 : i32
    %c0_i32_0 = arith.constant 0 : i32
    %c0_i32_1 = arith.constant 0 : i32
    %c0_i32_2 = arith.constant 0 : i32
    return %arg0, %c0_i32, %c0_i32_0, %c0_i32_1 : i32, i32, i32, i32
  }
}

module attributes {stable_mosaic.version = 14 : i64} {
  func.func @_comb_body(%arg0: i32, %arg1: memref<1x4x2048x128xf32, #tpu.memory_space<vmem>>, %arg2: memref<1x64x1024xf32, #tpu.memory_space<vmem>>, %arg3: memref<2048x1024xf32, #tpu.memory_space<vmem>>, %arg4: memref<2048x1024xf32, #tpu.memory_space<vmem>>) attributes {dimension_semantics = [#tpu.dimension_semantics<arbitrary>], iteration_bounds = array<i64: 8>, scalar_prefetch = 0 : i64, scratch_operands = 0 : i64, tpu.core_type = #tpu.core_type<tc>, window_params = [{transform_indices = @transform_0, window_bounds = array<i64: 1, 4, 2048, 128>}, {transform_indices = @transform_1, window_bounds = array<i64: 1, 64, 1024>}, {pipeline_mode = #tpu.pipeline_mode<synchronous>, transform_indices = @transform_2, window_bounds = array<i64: 2048, 1024>}, {pipeline_mode = #tpu.pipeline_mode<synchronous>, transform_indices = @transform_3, window_bounds = array<i64: 2048, 1024>}]} {
    %get3A = arith.constant 0 : index
    %get3A_0 = arith.constant 0 : index
    %get3A_1 = arith.constant 0 : index
    %get3A_2 = arith.constant 0 : index
    %get3A_3 = vector.load %arg1[%get3A, %get3A_0, %get3A_1, %get3A_2] : memref<1x4x2048x128xf32, #tpu.memory_space<vmem>>, vector<1x4x2048x128xf32>
    %get3A_4 = vector.shape_cast %get3A_3 : vector<1x4x2048x128xf32> to vector<4x2048x128xf32>
    %slice3A = vector.extract_strided_slice %get3A_4 {offsets = [0, 0, 0], sizes = [4, 2048, 64], strides = [1, 1, 1]} : vector<4x2048x128xf32> to vector<4x2048x64xf32>
    %slice3A_5 = vector.extract_strided_slice %get3A_4 {offsets = [0, 0, 64], sizes = [4, 2048, 1], strides = [1, 1, 1]} : vector<4x2048x128xf32> to vector<4x2048x1xf32>
    %reduce_max3A = arith.constant dense<0xFF800000> : vector<2048x1xf32>
    %reduce_max3A_6 = vector.multi_reduction <maximumf>, %slice3A_5, %reduce_max3A [0] : vector<4x2048x1xf32> to vector<2048x1xf32>
    %broadcast_in_dim3A = vector.shape_cast %reduce_max3A_6 : vector<2048x1xf32> to vector<1x2048x1xf32>
    %sub3A = vector.broadcast %broadcast_in_dim3A : vector<1x2048x1xf32> to vector<4x2048x1xf32>
    %sub3A_7 = arith.subf %slice3A_5, %sub3A : vector<4x2048x1xf32>
    %exp3A = math.exp %sub3A_7 : vector<4x2048x1xf32>
    %reduce_sum3A = arith.constant dense<0.000000e+00> : vector<2048x1xf32>
    %reduce_sum3A_8 = vector.multi_reduction <add>, %exp3A, %reduce_sum3A [0] : vector<4x2048x1xf32> to vector<2048x1xf32>
    %broadcast_in_dim3A_9 = vector.shape_cast %reduce_sum3A_8 : vector<2048x1xf32> to vector<1x2048x1xf32>
    %log3A = math.log %broadcast_in_dim3A_9 : vector<1x2048x1xf32>
    %add3A = arith.addf %broadcast_in_dim3A, %log3A : vector<1x2048x1xf32>
    %sub3A_10 = vector.broadcast %add3A : vector<1x2048x1xf32> to vector<4x2048x1xf32>
    %sub3A_11 = arith.subf %slice3A_5, %sub3A_10 : vector<4x2048x1xf32>
    %exp3A_12 = math.exp %sub3A_11 : vector<4x2048x1xf32>
    %mul3A = vector.broadcast %exp3A_12 : vector<4x2048x1xf32> to vector<4x2048x64xf32>
    %mul3A_13 = arith.mulf %slice3A, %mul3A : vector<4x2048x64xf32>
    %reduce_sum3A_14 = arith.constant dense<0.000000e+00> : vector<2048x64xf32>
    %reduce_sum3A_15 = vector.multi_reduction <add>, %mul3A_13, %reduce_sum3A_14 [0] : vector<4x2048x64xf32> to vector<2048x64xf32>
    %get3A_16 = arith.constant 0 : index
    %get3A_17 = arith.constant 0 : index
    %get3A_18 = arith.constant 0 : index
    %get3A_19 = vector.load %arg2[%get3A_16, %get3A_17, %get3A_18] : memref<1x64x1024xf32, #tpu.memory_space<vmem>>, vector<1x64x1024xf32>
    %get3A_20 = vector.shape_cast %get3A_19 : vector<1x64x1024xf32> to vector<64x1024xf32>
    %dot_general3A = arith.constant dense<0.000000e+00> : vector<2048x1024xf32>
    %dot_general3A_21 = tpu.matmul %reduce_sum3A_15, %get3A_20, %dot_general3A {dimension_numbers = #tpu.dot_dimension_numbers<[1], [0], [0], [1], [0, 0, 1, 1], [], []>, transpose_lhs_hint = false} : vector<2048x64xf32>, vector<64x1024xf32>, vector<2048x1024xf32> -> vector<2048x1024xf32>
    %eq3A = arith.constant 0 : i32
    %eq3A_22 = arith.cmpi eq, %arg0, %eq3A : i32
    %convert_element_type3A = arith.extui %eq3A_22 : i1 to i32
    %cond3A = arith.constant 0 : i32
    %cond3A_23 = arith.cmpi ne, %convert_element_type3A, %cond3A : i32
    scf.if %cond3A_23 {
      %get3A_28 = arith.constant 0 : index
      %get3A_29 = arith.constant 0 : index
      %get3A_30 = vector.load %arg3[%get3A_28, %get3A_29] : memref<2048x1024xf32, #tpu.memory_space<vmem>>, vector<2048x1024xf32>
      %add3A_31 = arith.addf %get3A_30, %dot_general3A_21 : vector<2048x1024xf32>
      %swap3A = arith.constant 0 : index
      %swap3A_32 = arith.constant 0 : index
      %swap3A_33 = vector.load %arg4[%swap3A, %swap3A_32] : memref<2048x1024xf32, #tpu.memory_space<vmem>>, vector<2048x1024xf32>
      tpu.vector_store %arg4[%swap3A, %swap3A_32], %add3A_31 {strides = array<i32>} : memref<2048x1024xf32, #tpu.memory_space<vmem>>, vector<2048x1024xf32>,
    } else {
    }
    %ne3A = arith.constant 0 : i32
    %ne3A_24 = arith.cmpi ne, %arg0, %ne3A : i32
    %convert_element_type3A_25 = arith.extui %ne3A_24 : i1 to i32
    %cond3A_26 = arith.constant 0 : i32
    %cond3A_27 = arith.cmpi ne, %convert_element_type3A_25, %cond3A_26 : i32
    scf.if %cond3A_27 {
      %get3A_28 = arith.constant 0 : index
      %get3A_29 = arith.constant 0 : index
      %get3A_30 = vector.load %arg4[%get3A_28, %get3A_29] : memref<2048x1024xf32, #tpu.memory_space<vmem>>, vector<2048x1024xf32>
      %add3A_31 = arith.addf %get3A_30, %dot_general3A_21 : vector<2048x1024xf32>
      %swap3A = arith.constant 0 : index
      %swap3A_32 = arith.constant 0 : index
      %swap3A_33 = vector.load %arg4[%swap3A, %swap3A_32] : memref<2048x1024xf32, #tpu.memory_space<vmem>>, vector<2048x1024xf32>
      tpu.vector_store %arg4[%swap3A, %swap3A_32], %add3A_31 {strides = array<i32>} : memref<2048x1024xf32, #tpu.memory_space<vmem>>, vector<2048x1024xf32>,
    } else {
    }
    return
  }
  func.func @transform_0(%arg0: i32) -> (i32, i32, i32, i32) {
    %c0_i32 = arith.constant 0 : i32
    %c0_i32_0 = arith.constant 0 : i32
    %c0_i32_1 = arith.constant 0 : i32
    %c0_i32_2 = arith.constant 0 : i32
    return %arg0, %c0_i32, %c0_i32_0, %c0_i32_1 : i32, i32, i32, i32
  }
  func.func @transform_1(%arg0: i32) -> (i32, i32, i32) {
    %c0_i32 = arith.constant 0 : i32
    %c0_i32_0 = arith.constant 0 : i32
    %c0_i32_1 = arith.constant 0 : i32
    return %arg0, %c0_i32, %c0_i32_0 : i32, i32, i32
  }
  func.func @transform_2(%arg0: i32) -> (i32, i32) {
    %c0_i32 = arith.constant 0 : i32
    %c0_i32_0 = arith.constant 0 : i32
    %c0_i32_1 = arith.constant 0 : i32
    return %c0_i32, %c0_i32_0 : i32, i32
  }
  func.func @transform_3(%arg0: i32) -> (i32, i32) {
    %c0_i32 = arith.constant 0 : i32
    %c0_i32_0 = arith.constant 0 : i32
    %c0_i32_1 = arith.constant 0 : i32
    return %c0_i32, %c0_i32_0 : i32, i32
  }
}

module attributes {stable_mosaic.version = 14 : i64} {
  func.func @_ffn_body(%arg0: i32, %arg1: i32, %arg2: memref<256x1024xf32, #tpu.memory_space<vmem>>, %arg3: memref<256x1024xf32, #tpu.memory_space<vmem>>, %arg4: memref<1x1024xf32, #tpu.memory_space<vmem>>, %arg5: memref<1x1024xf32, #tpu.memory_space<vmem>>, %arg6: memref<1024x1024xf32, #tpu.memory_space<vmem>>, %arg7: memref<1x1024xf32, #tpu.memory_space<vmem>>, %arg8: memref<1024x1024xf32, #tpu.memory_space<vmem>>, %arg9: memref<1x1024xf32, #tpu.memory_space<vmem>>, %arg10: memref<256x1024xf32, #tpu.memory_space<vmem>>) attributes {dimension_semantics = [#tpu.dimension_semantics<arbitrary>, #tpu.dimension_semantics<arbitrary>], iteration_bounds = array<i64: 8, 4>, scalar_prefetch = 0 : i64, scratch_operands = 0 : i64, tpu.core_type = #tpu.core_type<tc>, window_params = [{transform_indices = @transform_0, window_bounds = array<i64: 256, 1024>}, {transform_indices = @transform_1, window_bounds = array<i64: 256, 1024>}, {pipeline_mode = #tpu.pipeline_mode<synchronous>, transform_indices = @transform_2, window_bounds = array<i64: 1, 1024>}, {pipeline_mode = #tpu.pipeline_mode<synchronous>, transform_indices = @transform_3, window_bounds = array<i64: 1, 1024>}, {transform_indices = @transform_4, window_bounds = array<i64: 1024, 1024>}, {transform_indices = @transform_5, window_bounds = array<i64: 1, 1024>}, {transform_indices = @transform_6, window_bounds = array<i64: 1024, 1024>}, {pipeline_mode = #tpu.pipeline_mode<synchronous>, transform_indices = @transform_7, window_bounds = array<i64: 1, 1024>}, {transform_indices = @transform_8, window_bounds = array<i64: 256, 1024>}]} {
    %get3A = arith.constant 0 : index
    %get3A_0 = arith.constant 0 : index
    %get3A_1 = vector.load %arg2[%get3A, %get3A_0] : memref<256x1024xf32, #tpu.memory_space<vmem>>, vector<256x1024xf32>
    %reduce_sum3A = arith.constant dense<0.000000e+00> : vector<256xf32>
    %reduce_sum3A_2 = vector.multi_reduction <add>, %get3A_1, %reduce_sum3A [1] : vector<256x1024xf32> to vector<256xf32>
    %broadcast_in_dim3A = vector.shape_cast %reduce_sum3A_2 : vector<256xf32> to vector<256x1xf32>
    %div3A = arith.constant 1.024000e+03 : f32
    %div3A_3 = vector.broadcast %div3A : f32 to vector<256x1xf32>
    %div3A_4 = arith.divf %broadcast_in_dim3A, %div3A_3 : vector<256x1xf32>
    %sub3A = vector.broadcast %div3A_4 : vector<256x1xf32> to vector<256x1024xf32>
    %sub3A_5 = arith.subf %get3A_1, %sub3A : vector<256x1024xf32>
    %integer_pow3A = arith.mulf %sub3A_5, %sub3A_5 : vector<256x1024xf32>
    %reduce_sum3A_6 = arith.constant dense<0.000000e+00> : vector<256xf32>
    %reduce_sum3A_7 = vector.multi_reduction <add>, %integer_pow3A, %reduce_sum3A_6 [1] : vector<256x1024xf32> to vector<256xf32>
    %broadcast_in_dim3A_8 = vector.shape_cast %reduce_sum3A_7 : vector<256xf32> to vector<256x1xf32>
    %div3A_9 = arith.constant 1.024000e+03 : f32
    %div3A_10 = vector.broadcast %div3A_9 : f32 to vector<256x1xf32>
    %div3A_11 = arith.divf %broadcast_in_dim3A_8, %div3A_10 : vector<256x1xf32>
    %sub3A_12 = vector.broadcast %div3A_4 : vector<256x1xf32> to vector<256x1024xf32>
    %sub3A_13 = arith.subf %get3A_1, %sub3A_12 : vector<256x1024xf32>
    %add3A = arith.constant 9.99999974E-6 : f32
    %add3A_14 = vector.broadcast %add3A : f32 to vector<256x1xf32>
    %add3A_15 = arith.addf %div3A_11, %add3A_14 : vector<256x1xf32>
    %sqrt3A = math.sqrt %add3A_15 : vector<256x1xf32>
    %div3A_16 = vector.broadcast %sqrt3A : vector<256x1xf32> to vector<256x1024xf32>
    %div3A_17 = arith.divf %sub3A_13, %div3A_16 : vector<256x1024xf32>
    %get3A_18 = arith.constant 0 : index
    %get3A_19 = arith.constant 0 : index
    %get3A_20 = vector.load %arg4[%get3A_18, %get3A_19] : memref<1x1024xf32, #tpu.memory_space<vmem>>, vector<1x1024xf32>
    %mul3A = vector.broadcast %get3A_20 : vector<1x1024xf32> to vector<256x1024xf32>
    %mul3A_21 = arith.mulf %div3A_17, %mul3A : vector<256x1024xf32>
    %get3A_22 = arith.constant 0 : index
    %get3A_23 = arith.constant 0 : index
    %get3A_24 = vector.load %arg5[%get3A_22, %get3A_23] : memref<1x1024xf32, #tpu.memory_space<vmem>>, vector<1x1024xf32>
    %add3A_25 = vector.broadcast %get3A_24 : vector<1x1024xf32> to vector<256x1024xf32>
    %add3A_26 = arith.addf %mul3A_21, %add3A_25 : vector<256x1024xf32>
    %get3A_27 = arith.constant 0 : index
    %get3A_28 = arith.constant 0 : index
    %get3A_29 = vector.load %arg6[%get3A_27, %get3A_28] : memref<1024x1024xf32, #tpu.memory_space<vmem>>, vector<1024x1024xf32>
    %dot_general3A = arith.constant dense<0.000000e+00> : vector<256x1024xf32>
    %dot_general3A_30 = tpu.matmul %add3A_26, %get3A_29, %dot_general3A {dimension_numbers = #tpu.dot_dimension_numbers<[1], [0], [0], [1], [0, 0, 1, 1], [], []>, transpose_lhs_hint = false} : vector<256x1024xf32>, vector<1024x1024xf32>, vector<256x1024xf32> -> vector<256x1024xf32>
    %get3A_31 = arith.constant 0 : index
    %get3A_32 = arith.constant 0 : index
    %get3A_33 = vector.load %arg7[%get3A_31, %get3A_32] : memref<1x1024xf32, #tpu.memory_space<vmem>>, vector<1x1024xf32>
    %add3A_34 = vector.broadcast %get3A_33 : vector<1x1024xf32> to vector<256x1024xf32>
    %add3A_35 = arith.addf %dot_general3A_30, %add3A_34 : vector<256x1024xf32>
    %mul3A_36 = arith.constant 5.000000e-01 : f32
    %mul3A_37 = vector.broadcast %mul3A_36 : f32 to vector<256x1024xf32>
    %mul3A_38 = arith.mulf %mul3A_37, %add3A_35 : vector<256x1024xf32>
    %mul3A_39 = arith.constant 0.707106769 : f32
    %mul3A_40 = vector.broadcast %mul3A_39 : f32 to vector<256x1024xf32>
    %mul3A_41 = arith.mulf %add3A_35, %mul3A_40 : vector<256x1024xf32>
    %erf3A = math.erf %mul3A_41 : vector<256x1024xf32>
    %add3A_42 = arith.constant 1.000000e+00 : f32
    %add3A_43 = vector.broadcast %add3A_42 : f32 to vector<256x1024xf32>
    %add3A_44 = arith.addf %add3A_43, %erf3A : vector<256x1024xf32>
    %mul3A_45 = arith.mulf %mul3A_38, %add3A_44 : vector<256x1024xf32>
    %get3A_46 = arith.constant 0 : index
    %get3A_47 = arith.constant 0 : index
    %get3A_48 = vector.load %arg8[%get3A_46, %get3A_47] : memref<1024x1024xf32, #tpu.memory_space<vmem>>, vector<1024x1024xf32>
    %dot_general3A_49 = arith.constant dense<0.000000e+00> : vector<256x1024xf32>
    %dot_general3A_50 = tpu.matmul %mul3A_45, %get3A_48, %dot_general3A_49 {dimension_numbers = #tpu.dot_dimension_numbers<[1], [0], [0], [1], [0, 0, 1, 1], [], []>, transpose_lhs_hint = false} : vector<256x1024xf32>, vector<1024x1024xf32>, vector<256x1024xf32> -> vector<256x1024xf32>
    %eq3A = arith.constant 0 : i32
    %eq3A_51 = arith.cmpi eq, %arg1, %eq3A : i32
    %convert_element_type3A = arith.extui %eq3A_51 : i1 to i32
    %cond3A = arith.constant 0 : i32
    %cond3A_52 = arith.cmpi ne, %convert_element_type3A, %cond3A : i32
    scf.if %cond3A_52 {
      %get3A_57 = arith.constant 0 : index
      %get3A_58 = arith.constant 0 : index
      %get3A_59 = vector.load %arg3[%get3A_57, %get3A_58] : memref<256x1024xf32, #tpu.memory_space<vmem>>, vector<256x1024xf32>
      %get3A_60 = arith.constant 0 : index
      %get3A_61 = arith.constant 0 : index
      %get3A_62 = vector.load %arg9[%get3A_60, %get3A_61] : memref<1x1024xf32, #tpu.memory_space<vmem>>, vector<1x1024xf32>
      %add3A_63 = vector.broadcast %get3A_62 : vector<1x1024xf32> to vector<256x1024xf32>
      %add3A_64 = arith.addf %get3A_59, %add3A_63 : vector<256x1024xf32>
      %add3A_65 = arith.addf %add3A_64, %dot_general3A_50 : vector<256x1024xf32>
      %swap3A = arith.constant 0 : index
      %swap3A_66 = arith.constant 0 : index
      %swap3A_67 = vector.load %arg10[%swap3A, %swap3A_66] : memref<256x1024xf32, #tpu.memory_space<vmem>>, vector<256x1024xf32>
      tpu.vector_store %arg10[%swap3A, %swap3A_66], %add3A_65 {strides = array<i32>} : memref<256x1024xf32, #tpu.memory_space<vmem>>, vector<256x1024xf32>,
    } else {
    }
    %ne3A = arith.constant 0 : i32
    %ne3A_53 = arith.cmpi ne, %arg1, %ne3A : i32
    %convert_element_type3A_54 = arith.extui %ne3A_53 : i1 to i32
    %cond3A_55 = arith.constant 0 : i32
    %cond3A_56 = arith.cmpi ne, %convert_element_type3A_54, %cond3A_55 : i32
    scf.if %cond3A_56 {
      %get3A_57 = arith.constant 0 : index
      %get3A_58 = arith.constant 0 : index
      %get3A_59 = vector.load %arg10[%get3A_57, %get3A_58] : memref<256x1024xf32, #tpu.memory_space<vmem>>, vector<256x1024xf32>
      %add3A_60 = arith.addf %get3A_59, %dot_general3A_50 : vector<256x1024xf32>
      %swap3A = arith.constant 0 : index
      %swap3A_61 = arith.constant 0 : index
      %swap3A_62 = vector.load %arg10[%swap3A, %swap3A_61] : memref<256x1024xf32, #tpu.memory_space<vmem>>, vector<256x1024xf32>
      tpu.vector_store %arg10[%swap3A, %swap3A_61], %add3A_60 {strides = array<i32>} : memref<256x1024xf32, #tpu.memory_space<vmem>>, vector<256x1024xf32>,
    } else {
    }
    return
  }
  func.func @transform_0(%arg0: i32, %arg1: i32) -> (i32, i32) {
    %c0_i32 = arith.constant 0 : i32
    %c0_i32_0 = arith.constant 0 : i32
    return %arg0, %c0_i32 : i32, i32
  }
  func.func @transform_1(%arg0: i32, %arg1: i32) -> (i32, i32) {
    %c0_i32 = arith.constant 0 : i32
    %c0_i32_0 = arith.constant 0 : i32
    return %arg0, %c0_i32 : i32, i32
  }
  func.func @transform_2(%arg0: i32, %arg1: i32) -> (i32, i32) {
    %c0_i32 = arith.constant 0 : i32
    %c0_i32_0 = arith.constant 0 : i32
    %c0_i32_1 = arith.constant 0 : i32
    return %c0_i32, %c0_i32_0 : i32, i32
  }
  func.func @transform_3(%arg0: i32, %arg1: i32) -> (i32, i32) {
    %c0_i32 = arith.constant 0 : i32
    %c0_i32_0 = arith.constant 0 : i32
    %c0_i32_1 = arith.constant 0 : i32
    return %c0_i32, %c0_i32_0 : i32, i32
  }
  func.func @transform_4(%arg0: i32, %arg1: i32) -> (i32, i32) {
    %c0_i32 = arith.constant 0 : i32
    %c0_i32_0 = arith.constant 0 : i32
    return %c0_i32, %arg1 : i32, i32
  }
  func.func @transform_5(%arg0: i32, %arg1: i32) -> (i32, i32) {
    %c0_i32 = arith.constant 0 : i32
    %c0_i32_0 = arith.constant 0 : i32
    return %c0_i32, %arg1 : i32, i32
  }
  func.func @transform_6(%arg0: i32, %arg1: i32) -> (i32, i32) {
    %c0_i32 = arith.constant 0 : i32
    %c0_i32_0 = arith.constant 0 : i32
    return %arg1, %c0_i32 : i32, i32
  }
  func.func @transform_7(%arg0: i32, %arg1: i32) -> (i32, i32) {
    %c0_i32 = arith.constant 0 : i32
    %c0_i32_0 = arith.constant 0 : i32
    %c0_i32_1 = arith.constant 0 : i32
    return %c0_i32, %c0_i32_0 : i32, i32
  }
  func.func @transform_8(%arg0: i32, %arg1: i32) -> (i32, i32) {
    %c0_i32 = arith.constant 0 : i32
    %c0_i32_0 = arith.constant 0 : i32
    return %arg0, %c0_i32 : i32, i32
  }
}

module attributes {stable_mosaic.version = 14 : i64} {
  func.func @_ffn_body(%arg0: i32, %arg1: i32, %arg2: memref<256x1024xf32, #tpu.memory_space<vmem>>, %arg3: memref<256x1024xf32, #tpu.memory_space<vmem>>, %arg4: memref<1x1024xf32, #tpu.memory_space<vmem>>, %arg5: memref<1x1024xf32, #tpu.memory_space<vmem>>, %arg6: memref<1024x1024xf32, #tpu.memory_space<vmem>>, %arg7: memref<1x1024xf32, #tpu.memory_space<vmem>>, %arg8: memref<1024x1024xf32, #tpu.memory_space<vmem>>, %arg9: memref<1x1024xf32, #tpu.memory_space<vmem>>, %arg10: memref<256x1024xf32, #tpu.memory_space<vmem>>) attributes {dimension_semantics = [#tpu.dimension_semantics<arbitrary>, #tpu.dimension_semantics<arbitrary>], iteration_bounds = array<i64: 8, 4>, scalar_prefetch = 0 : i64, scratch_operands = 0 : i64, tpu.core_type = #tpu.core_type<tc>, window_params = [{transform_indices = @transform_0, window_bounds = array<i64: 256, 1024>}, {transform_indices = @transform_1, window_bounds = array<i64: 256, 1024>}, {pipeline_mode = #tpu.pipeline_mode<synchronous>, transform_indices = @transform_2, window_bounds = array<i64: 1, 1024>}, {pipeline_mode = #tpu.pipeline_mode<synchronous>, transform_indices = @transform_3, window_bounds = array<i64: 1, 1024>}, {transform_indices = @transform_4, window_bounds = array<i64: 1024, 1024>}, {transform_indices = @transform_5, window_bounds = array<i64: 1, 1024>}, {transform_indices = @transform_6, window_bounds = array<i64: 1024, 1024>}, {pipeline_mode = #tpu.pipeline_mode<synchronous>, transform_indices = @transform_7, window_bounds = array<i64: 1, 1024>}, {transform_indices = @transform_8, window_bounds = array<i64: 256, 1024>}]} {
    %get3A = arith.constant 0 : index
    %get3A_0 = arith.constant 0 : index
    %get3A_1 = vector.load %arg2[%get3A, %get3A_0] : memref<256x1024xf32, #tpu.memory_space<vmem>>, vector<256x1024xf32>
    %reduce_sum3A = arith.constant dense<0.000000e+00> : vector<256xf32>
    %reduce_sum3A_2 = vector.multi_reduction <add>, %get3A_1, %reduce_sum3A [1] : vector<256x1024xf32> to vector<256xf32>
    %broadcast_in_dim3A = vector.shape_cast %reduce_sum3A_2 : vector<256xf32> to vector<256x1xf32>
    %div3A = arith.constant 1.024000e+03 : f32
    %div3A_3 = vector.broadcast %div3A : f32 to vector<256x1xf32>
    %div3A_4 = arith.divf %broadcast_in_dim3A, %div3A_3 : vector<256x1xf32>
    %sub3A = vector.broadcast %div3A_4 : vector<256x1xf32> to vector<256x1024xf32>
    %sub3A_5 = arith.subf %get3A_1, %sub3A : vector<256x1024xf32>
    %integer_pow3A = arith.mulf %sub3A_5, %sub3A_5 : vector<256x1024xf32>
    %reduce_sum3A_6 = arith.constant dense<0.000000e+00> : vector<256xf32>
    %reduce_sum3A_7 = vector.multi_reduction <add>, %integer_pow3A, %reduce_sum3A_6 [1] : vector<256x1024xf32> to vector<256xf32>
    %broadcast_in_dim3A_8 = vector.shape_cast %reduce_sum3A_7 : vector<256xf32> to vector<256x1xf32>
    %div3A_9 = arith.constant 1.024000e+03 : f32
    %div3A_10 = vector.broadcast %div3A_9 : f32 to vector<256x1xf32>
    %div3A_11 = arith.divf %broadcast_in_dim3A_8, %div3A_10 : vector<256x1xf32>
    %sub3A_12 = vector.broadcast %div3A_4 : vector<256x1xf32> to vector<256x1024xf32>
    %sub3A_13 = arith.subf %get3A_1, %sub3A_12 : vector<256x1024xf32>
    %add3A = arith.constant 9.99999974E-6 : f32
    %add3A_14 = vector.broadcast %add3A : f32 to vector<256x1xf32>
    %add3A_15 = arith.addf %div3A_11, %add3A_14 : vector<256x1xf32>
    %sqrt3A = math.sqrt %add3A_15 : vector<256x1xf32>
    %div3A_16 = vector.broadcast %sqrt3A : vector<256x1xf32> to vector<256x1024xf32>
    %div3A_17 = arith.divf %sub3A_13, %div3A_16 : vector<256x1024xf32>
    %get3A_18 = arith.constant 0 : index
    %get3A_19 = arith.constant 0 : index
    %get3A_20 = vector.load %arg4[%get3A_18, %get3A_19] : memref<1x1024xf32, #tpu.memory_space<vmem>>, vector<1x1024xf32>
    %mul3A = vector.broadcast %get3A_20 : vector<1x1024xf32> to vector<256x1024xf32>
    %mul3A_21 = arith.mulf %div3A_17, %mul3A : vector<256x1024xf32>
    %get3A_22 = arith.constant 0 : index
    %get3A_23 = arith.constant 0 : index
    %get3A_24 = vector.load %arg5[%get3A_22, %get3A_23] : memref<1x1024xf32, #tpu.memory_space<vmem>>, vector<1x1024xf32>
    %add3A_25 = vector.broadcast %get3A_24 : vector<1x1024xf32> to vector<256x1024xf32>
    %add3A_26 = arith.addf %mul3A_21, %add3A_25 : vector<256x1024xf32>
    %get3A_27 = arith.constant 0 : index
    %get3A_28 = arith.constant 0 : index
    %get3A_29 = vector.load %arg6[%get3A_27, %get3A_28] : memref<1024x1024xf32, #tpu.memory_space<vmem>>, vector<1024x1024xf32>
    %dot_general3A = arith.constant dense<0.000000e+00> : vector<256x1024xf32>
    %dot_general3A_30 = tpu.matmul %add3A_26, %get3A_29, %dot_general3A {dimension_numbers = #tpu.dot_dimension_numbers<[1], [0], [0], [1], [0, 0, 1, 1], [], []>, transpose_lhs_hint = false} : vector<256x1024xf32>, vector<1024x1024xf32>, vector<256x1024xf32> -> vector<256x1024xf32>
    %get3A_31 = arith.constant 0 : index
    %get3A_32 = arith.constant 0 : index
    %get3A_33 = vector.load %arg7[%get3A_31, %get3A_32] : memref<1x1024xf32, #tpu.memory_space<vmem>>, vector<1x1024xf32>
    %add3A_34 = vector.broadcast %get3A_33 : vector<1x1024xf32> to vector<256x1024xf32>
    %add3A_35 = arith.addf %dot_general3A_30, %add3A_34 : vector<256x1024xf32>
    %mul3A_36 = arith.constant 5.000000e-01 : f32
    %mul3A_37 = vector.broadcast %mul3A_36 : f32 to vector<256x1024xf32>
    %mul3A_38 = arith.mulf %mul3A_37, %add3A_35 : vector<256x1024xf32>
    %mul3A_39 = arith.constant 0.707106769 : f32
    %mul3A_40 = vector.broadcast %mul3A_39 : f32 to vector<256x1024xf32>
    %mul3A_41 = arith.mulf %add3A_35, %mul3A_40 : vector<256x1024xf32>
    %erf3A = math.erf %mul3A_41 : vector<256x1024xf32>
    %add3A_42 = arith.constant 1.000000e+00 : f32
    %add3A_43 = vector.broadcast %add3A_42 : f32 to vector<256x1024xf32>
    %add3A_44 = arith.addf %add3A_43, %erf3A : vector<256x1024xf32>
    %mul3A_45 = arith.mulf %mul3A_38, %add3A_44 : vector<256x1024xf32>
    %get3A_46 = arith.constant 0 : index
    %get3A_47 = arith.constant 0 : index
    %get3A_48 = vector.load %arg8[%get3A_46, %get3A_47] : memref<1024x1024xf32, #tpu.memory_space<vmem>>, vector<1024x1024xf32>
    %dot_general3A_49 = arith.constant dense<0.000000e+00> : vector<256x1024xf32>
    %dot_general3A_50 = tpu.matmul %mul3A_45, %get3A_48, %dot_general3A_49 {dimension_numbers = #tpu.dot_dimension_numbers<[1], [0], [0], [1], [0, 0, 1, 1], [], []>, transpose_lhs_hint = false} : vector<256x1024xf32>, vector<1024x1024xf32>, vector<256x1024xf32> -> vector<256x1024xf32>
    %eq3A = arith.constant 0 : i32
    %eq3A_51 = arith.cmpi eq, %arg1, %eq3A : i32
    %convert_element_type3A = arith.extui %eq3A_51 : i1 to i32
    %cond3A = arith.constant 0 : i32
    %cond3A_52 = arith.cmpi ne, %convert_element_type3A, %cond3A : i32
    scf.if %cond3A_52 {
      %get3A_57 = arith.constant 0 : index
      %get3A_58 = arith.constant 0 : index
      %get3A_59 = vector.load %arg3[%get3A_57, %get3A_58] : memref<256x1024xf32, #tpu.memory_space<vmem>>, vector<256x1024xf32>
      %get3A_60 = arith.constant 0 : index
      %get3A_61 = arith.constant 0 : index
      %get3A_62 = vector.load %arg9[%get3A_60, %get3A_61] : memref<1x1024xf32, #tpu.memory_space<vmem>>, vector<1x1024xf32>
      %add3A_63 = vector.broadcast %get3A_62 : vector<1x1024xf32> to vector<256x1024xf32>
      %add3A_64 = arith.addf %get3A_59, %add3A_63 : vector<256x1024xf32>
      %add3A_65 = arith.addf %add3A_64, %get3A_1 : vector<256x1024xf32>
      %add3A_66 = arith.addf %add3A_65, %dot_general3A_50 : vector<256x1024xf32>
      %swap3A = arith.constant 0 : index
      %swap3A_67 = arith.constant 0 : index
      %swap3A_68 = vector.load %arg10[%swap3A, %swap3A_67] : memref<256x1024xf32, #tpu.memory_space<vmem>>, vector<256x1024xf32>
      tpu.vector_store %arg10[%swap3A, %swap3A_67], %add3A_66 {strides = array<i32>} : memref<256x1024xf32, #tpu.memory_space<vmem>>, vector<256x1024xf32>,
    } else {
    }
    %ne3A = arith.constant 0 : i32
    %ne3A_53 = arith.cmpi ne, %arg1, %ne3A : i32
    %convert_element_type3A_54 = arith.extui %ne3A_53 : i1 to i32
    %cond3A_55 = arith.constant 0 : i32
    %cond3A_56 = arith.cmpi ne, %convert_element_type3A_54, %cond3A_55 : i32
    scf.if %cond3A_56 {
      %get3A_57 = arith.constant 0 : index
      %get3A_58 = arith.constant 0 : index
      %get3A_59 = vector.load %arg10[%get3A_57, %get3A_58] : memref<256x1024xf32, #tpu.memory_space<vmem>>, vector<256x1024xf32>
      %add3A_60 = arith.addf %get3A_59, %dot_general3A_50 : vector<256x1024xf32>
      %swap3A = arith.constant 0 : index
      %swap3A_61 = arith.constant 0 : index
      %swap3A_62 = vector.load %arg10[%swap3A, %swap3A_61] : memref<256x1024xf32, #tpu.memory_space<vmem>>, vector<256x1024xf32>
      tpu.vector_store %arg10[%swap3A, %swap3A_61], %add3A_60 {strides = array<i32>} : memref<256x1024xf32, #tpu.memory_space<vmem>>, vector<256x1024xf32>,
    } else {
    }
    return
  }
  func.func @transform_0(%arg0: i32, %arg1: i32) -> (i32, i32) {
    %c0_i32 = arith.constant 0 : i32
    %c0_i32_0 = arith.constant 0 : i32
    return %arg0, %c0_i32 : i32, i32
  }
  func.func @transform_1(%arg0: i32, %arg1: i32) -> (i32, i32) {
    %c0_i32 = arith.constant 0 : i32
    %c0_i32_0 = arith.constant 0 : i32
    return %arg0, %c0_i32 : i32, i32
  }
  func.func @transform_2(%arg0: i32, %arg1: i32) -> (i32, i32) {
    %c0_i32 = arith.constant 0 : i32
    %c0_i32_0 = arith.constant 0 : i32
    %c0_i32_1 = arith.constant 0 : i32
    return %c0_i32, %c0_i32_0 : i32, i32
  }
  func.func @transform_3(%arg0: i32, %arg1: i32) -> (i32, i32) {
    %c0_i32 = arith.constant 0 : i32
    %c0_i32_0 = arith.constant 0 : i32
    %c0_i32_1 = arith.constant 0 : i32
    return %c0_i32, %c0_i32_0 : i32, i32
  }
  func.func @transform_4(%arg0: i32, %arg1: i32) -> (i32, i32) {
    %c0_i32 = arith.constant 0 : i32
    %c0_i32_0 = arith.constant 0 : i32
    return %c0_i32, %arg1 : i32, i32
  }
  func.func @transform_5(%arg0: i32, %arg1: i32) -> (i32, i32) {
    %c0_i32 = arith.constant 0 : i32
    %c0_i32_0 = arith.constant 0 : i32
    return %c0_i32, %arg1 : i32, i32
  }
  func.func @transform_6(%arg0: i32, %arg1: i32) -> (i32, i32) {
    %c0_i32 = arith.constant 0 : i32
    %c0_i32_0 = arith.constant 0 : i32
    return %arg1, %c0_i32 : i32, i32
  }
  func.func @transform_7(%arg0: i32, %arg1: i32) -> (i32, i32) {
    %c0_i32 = arith.constant 0 : i32
    %c0_i32_0 = arith.constant 0 : i32
    %c0_i32_1 = arith.constant 0 : i32
    return %c0_i32, %c0_i32_0 : i32, i32
  }
  func.func @transform_8(%arg0: i32, %arg1: i32) -> (i32, i32) {
    %c0_i32 = arith.constant 0 : i32
    %c0_i32_0 = arith.constant 0 : i32
    return %arg0, %c0_i32 : i32, i32
  }
}

</mosaic_0001>

<sc_bundles>
// kernel: kernel.24.cloned.1.call-start
scs
__scs_entry_jumppad:
0x0: {  	(pc) =	sbr.rel $0x88, $3  }
0x1: {  	(tag) =	ssettag $0x0;
	lr =	simm.s32 $0x1  }
0x2: {  	[smem:$0x3F93] =	sst lr;
	_ =	strace $0xD0000000  }
0x3: {  	_ = 	snop  }
0x4: {  	_ = 	snop  }
0x5: {  	_ = 	snop  }
0x6: {  	_ = 	snop  }
0x7: {  	_ = 	snop  }
__scs_overlays_trampoline_lowered:
0x8: {  	[smem:$0x3FA2] =	sst s0  }
0x9: {  	[smem:$0x3FA3] =	sst s1  }
0xa: {  	[smem:$0x3FA4] =	sst s2  }
0xb: {  	[smem:$0x3FA5] =	sst s3  }
0xc: {  	[smem:$0x3FA6] =	sst s4  }
0xd: {  	[smem:$0x3FA7] =	sst s5  }
0xe: {  	[smem:$0x3FA8] =	sst s6  }
0xf: {  	[smem:$0x3FA9] =	sst s7  }
0x10: {  	[smem:$0x3FAA] =	sst s8  }
0x11: {  	[smem:$0x3FAB] =	sst s9;
	s0 =	simm.s32 @!p0 $0x0  }
0x12: {  	s1 =	sld [smem:$0x3F91];
	s0 =	simm.s32 @p0 $0x1  }
0x13: {  	[smem:$0x3FAC] =	sst s0;
	s0 =	simm.s32 @!p1 $0x0  }
0x14: {  	s2 =	sld [smem:$0x3F90];
	s0 =	simm.s32 @p1 $0x1  }
0x15: {  	[smem:$0x3FAD] =	sst s0;
	s0 =	simm.s32 @!p2 $0x0  }
0x16: {  	s3 =	sld [smem:$0x3FDB];
	s0 =	simm.s32 @p2 $0x1  }
0x17: {  	s4 =	simm.s32 $0x1BF5;
	[smem:$0x3FAF] =	sst s0  }
0x18: {  	s0 =	sld [smem:$0x3F92];
	_ =	swait.ge [sflag:s4], $0x0  }
0x19: {  	s7 =	sld [smem:$0x3F93]  }
0x1a: {  	s8 =	sadd.s32 $0xFFFFE003, lr  }
0x1b: {  	s9 =	sadd.s32 $0xFFFFFEF7, lr;
	s5 =	simm.s32 $0xFFFFFFFF;
	p2 =	slt.u32 s8, $0xFFFFF086  }
0x1c: {  	p1 =	slt.u32 s9, $0xF7A;
	s5 =	simm.s32 @!p2 $0x0  }
0x1d: {  	s5 =	simm.s32 @p1 $0x1;
	p0 =	seq.s32 s7, s2  }
0x1e: {  	s7 =	smul.u32 @!p0 $0xF7A, s2;
	p2 =	seq.s32 @!p0 s5, $0x0  }
0x1f: {  	s9 =	smul.u32 $0xF7A, s1;
	s8 =	simm.s32 @!p0 $0x1BF5;
	p2 =	por !p2, p0  }
0x20: {  	[sflag:s8] =	ssyncset.s32 @!p0 $0xFFFFF086;
	s6 =	sadd.s32 @!p0 s3, s7;
	s7 =	simm.s32 @!p0 $0x108  }
0x21: {  	s3 =	sadd.s32 s3, s9;
	s6 =	sadd.s32 @!p0 $0x88, s6;
	s7 =	simm.s32 @p2 $0x1082  }
0x22: {  	[simem:s7], [sflag:s8] =	dma.local @!p0 [hbm:s6], $0xF7A  }
0x23: {  	s9 =	sor.u32 $0xD0000000, s2;
	s6 =	simm.s32 $0x108;
	_ =	swait.ge @!p0 [sflag:s8], $0x0  }
0x24: {  	s3 =	sadd.s32 $0x88, s3;
	s6 =	simm.s32 @!p1 $0x1082;
	[sflag:s4] =	ssyncset.s32 $0xFFFFF086  }
0x25: {  	[simem:s6], [sflag:s4] =	dma.local [hbm:s3], $0xF7A  }
0x26: {  	[smem:$0x3F93] =	sst s1;
	(tag) =	ssettag s2;
	_ =	strace s9  }
0x27: {  	s1 =	sld [smem:$0x3FA3]  }
0x28: {  	s2 =	sld [smem:$0x3FA4]  }
0x29: {  	s4 =	sld [smem:$0x3FA6]  }
0x2a: {  	p0 =	seq.s32 s5, $0x0;
	s5 =	sld [smem:$0x3FA7]  }
0x2b: {  	s6 =	sld [smem:$0x3FA8]  }
0x2c: {  	s7 =	sld [smem:$0x3FA9]  }
0x2d: {  	s3 =	simm.s32 $0x108;
	s8 =	sld [smem:$0x3FAA]  }
0x2e: {  	s3 =	simm.s32 @!p0 $0x1082;
	s9 =	sld [smem:$0x3FAB]  }
0x2f: {  	lr =	sadd.s32 s0, s3;
	s0 =	sld [smem:$0x3FA2]  }
0x30: {  	s3 =	sld [smem:$0x3FA5]  }
0x31: {  	[smem:$0x3FAE] =	sst s10  }
0x32: {  	s10 =	sld [smem:$0x3FAC];
	_ =	sdelay $0x3  }
0x33: {  	p0 =	seq.s32 s10, $0x1;
	s10 =	sld [smem:$0x3FAE];
	_ =	sdelay $0x3  }
0x34: {  	[smem:$0x3FAE] =	sst s10  }
0x35: {  	s10 =	sld [smem:$0x3FAD];
	_ =	sdelay $0x3  }
0x36: {  	p1 =	seq.s32 s10, $0x1;
	s10 =	sld [smem:$0x3FAE];
	_ =	sdelay $0x3  }
0x37: {  	[smem:$0x3FAE] =	sst s10  }
0x38: {  	s10 =	sld [smem:$0x3FAF]  }
0x39: {  	_ = 	snop;
	(pc) =	sbr.ind lr, $3  }
0x3a: {  	_ = 	snop  }
0x3b: {  	_ = 	snop  }
0x3c: {  	p2 =	seq.s32 s10, $0x1;
	s10 =	sld [smem:$0x3FAE]  }
0x3d: {  	_ =	shalt  }
0x3e: {  	_ =	shalt  }
0x3f: {  	_ =	shalt  }
0x40: {  	_ =	shalt  }
0x41: {  	_ =	shalt  }
0x42: {  	_ =	shalt  }
0x43: {  	_ =	shalt  }
0x44: {  	_ =	shalt  }
0x45: {  	_ =	shalt  }
0x46: {  	_ =	shalt  }
0x47: {  	_ =	shalt  }
0x48: {  	_ =	shalt  }
0x49: {  	_ =	shalt  }
0x4a: {  	_ =	shalt  }
0x4b: {  	_ =	shalt  }
0x4c: {  	_ =	shalt  }
0x4d: {  	_ =	shalt  }
0x4e: {  	_ =	shalt  }
0x4f: {  	_ =	shalt  }
0x50: {  	_ =	shalt  }
0x51: {  	_ =	shalt  }
0x52: {  	_ =	shalt  }
0x53: {  	_ =	shalt  }
0x54: {  	_ =	shalt  }
0x55: {  	_ =	shalt  }
0x56: {  	_ =	shalt  }
0x57: {  	_ =	shalt  }
0x58: {  	_ =	shalt  }
0x59: {  	_ =	shalt  }
0x5a: {  	_ =	shalt  }
0x5b: {  	_ =	shalt  }
0x5c: {  	_ =	shalt  }
0x5d: {  	_ =	shalt  }
0x5e: {  	_ =	shalt  }
0x5f: {  	_ =	shalt  }
0x60: {  	_ =	shalt  }
0x61: {  	_ =	shalt  }
0x62: {  	_ =	shalt  }
0x63: {  	_ =	shalt  }
0x64: {  	_ =	shalt  }
0x65: {  	_ =	shalt  }
0x66: {  	_ =	shalt  }
0x67: {  	_ =	shalt  }
0x68: {  	_ =	shalt  }
0x69: {  	_ =	shalt  }
0x6a: {  	_ =	shalt  }
0x6b: {  	_ =	shalt  }
0x6c: {  	_ =	shalt  }
0x6d: {  	_ =	shalt  }
0x6e: {  	_ =	shalt  }
0x6f: {  	_ =	shalt  }
0x70: {  	_ =	shalt  }
0x71: {  	_ =	shalt  }
0x72: {  	_ =	shalt  }
0x73: {  	_ =	shalt  }
0x74: {  	_ =	shalt  }
0x75: {  	_ =	shalt  }
0x76: {  	_ =	shalt  }
0x77: {  	_ =	shalt  }
0x78: {  	_ =	shalt  }
0x79: {  	_ =	shalt  }
0x7a: {  	_ =	shalt  }
0x7b: {  	_ =	shalt  }
0x7c: {  	_ =	shalt  }
0x7d: {  	_ =	shalt  }
0x7e: {  	_ =	shalt  }
0x7f: {  	_ =	shalt  }
0x80: {  	_ =	shalt  }
0x81: {  	_ =	shalt  }
0x82: {  	_ =	shalt  }
0x83: {  	_ =	shalt  }
0x84: {  	_ =	shalt  }
0x85: {  	_ =	shalt  }
0x86: {  	_ =	shalt  }
0x87: {  	_ =	shalt  }
.Lfunc_end0:
.L_simem_size_0:
called_computation_lowered:
.L_overlay_start_0:
0x88: {  	s2 =	sld [smem:$0x3FD9]  }
0x89: {  	s3 =	sld [smem:$0x3FFE];
	_ =	sdelay $0x1  }
0x8a: {  	s1 =	srdreg.scid  }
0x8b: {  	s0 =	sand.u32 $0x1, s1  }
0x8c: {  	s17 =	sshll.u32 s0, $0xA;
	s2 =	sadd.s32 s3, s2  }
0x8d: {  	s2 =	sadd.s32 s2, s17  }
0x8e: {  	[smem:$0x3FBA] =	sst s2  }
0x8f: {  	_ = 	snop  }
0x90: {  	s2 =	sld [smem:$0x3FD0];
	(tm) =	ssettm $0x1  }
0x91: {  	s18 =	sld [smem:$0x3FFB];
	_ =	sdelay $0x3  }
0x92: {  	_ =	strace s18  }
0x93: {  	s3 =	sld [smem:$0x3FFC];
	_ =	sdelay $0x3  }
0x94: {  	_ =	strace s3  }
0x95: {  	s3 =	sld [smem:$0x3FFD];
	_ =	sdelay $0x3  }
0x96: {  	_ =	strace s3  }
0x97: {  	_ =	strace $0x8FFFFFFF  }
0x98: {  	s19 =	sld [smem:$0x3FDB];
	_ =	sdelay $0x1  }
0x99: {  	s4 =	simm.s32 $_scs_section_size  }
0x9a: {  	s5 =	simm.s32 $_size__tile_overlayer_lowered;
	s6 =	simm.s32 $_tile_overlayer_lowered  }
0x9b: {  	s22 =	simm.s32 $0x1BFF;
	s21 =	sshll.u32 s6, $0x1;
	s3 =	sadd.s32 s4, s19  }
0x9c: {  	s7 =	simm.s32 $0x0;
	s20 =	sshll.u32 s5, $0x1;
	s5 =	sadd.s32 s21, s3  }
0x9d: {  	[timem:s7], [sflag:s22] =	dma.local [hbm:s5], s20  }
0x9e: {  	_ =	swait.ge [sflag:s22], s20  }
0x9f: {  	s4 =	ssub.s32 $0x0, s20;
	[sflag:s22] =	ssyncset.done $0x0  }
0xa0: {  	[sflag:s22] =	ssyncadd.s32 s4;
	_ =	sdelay $0x1  }
0xa1: {  	s23 =	simm.s32 $0x1B8B  }
0xa2: {  	_ =	swait.ge [sflag:s23], $0x1  }
0xa3: {  	[sflag:s23] =	ssyncset.done $0x0  }
0xa4: {  	s25 =	simm.s32 $0x1B8E;
	s24 =	sld [smem:$0x3FFE];
	[sflag:s23] =	ssyncadd.s32 $0xFFFFFFFF  }
0xa5: {  	s26 =	simm.s32 $execute0_lowered;
	[smem:$0x3FD2] =	sst s25  }
0xa6: {  	s5 =	sshll.u32 s26, $0x1;
	_ =	strace $0x80000046;
	[dreg:$0x1] =	wrdreg $0xFFFFFFFF  }
0xa7: {  	s28 =	simm.s32 $_size_execute0_lowered;
	s3 =	sadd.s32 s3, s5;
	[dreg:$0x0] =	wrdreg $0x0  }
0xa8: {  	s5 =	sshll.u32 s28, $0x1;
	[dreg:$0x2] =	wrdreg s3  }
0xa9: {  	[dreg:$0x3] =	wrdreg s5  }
0xaa: {  	[dreg:$0x4] =	wrdreg $0xC0  }
0xab: {  	_ =	task [dreg:s7], $0x5FFFF  }
0xac: {  	[dreg:$0x1] =	wrdreg $0xFFFFFFFF  }
0xad: {  	[dreg:$0x0] =	wrdreg $0x60  }
0xae: {  	[dreg:$0x2] =	wrdreg s2  }
0xaf: {  	[dreg:$0x3] =	wrdreg s24  }
0xb0: {  	[dreg:$0x4] =	wrdreg $0x9  }
0xb1: {  	_ =	task.clear_ibuf [dreg:s7], $0x5FFFF;
	_ =	strace $0x90000046  }
0xb2: {  	s29 =	simm.s32 $0x9;
	_ =	strace $0x80000048  }
0xb3: {  	_ =	swait.ge [sflag:s29], $0x1  }
0xb4: {  	[sflag:s29] =	ssyncadd.s32 $0xFFFFFFFF  }
0xb5: {  	_ =	strace $0x90000048  }
0xb6: {  	_ =	sfence  }
0xb7: {  	s30 =	sld [smem:$0x0];
	_ =	sdelay $0x2  }
0xb8: {  	s31 =	sshll.u32 s1, $0xD;
	s1 =	sshrl.u32 s1, $0x2  }
0xb9: {  	s3 =	sand.u32 $0x4000, s31;
	s1 =	sadd.s32 s1, s30  }
0xba: {  	s0 =	sor.u32 s3, s0;
	s1 =	sshll.u32 s1, $0x11  }
0xbb: {  	s0 =	sor.u32 s1, s0  }
0xbc: {  	s0 =	sadd.s32 $0x8F2B, s0  }
0xbd: {  	[sflag:s0] =	ssyncadd.remote.s32 $0x1  }
0xbe: {  	_ =	sfence.sel $0xFFFF  }
0xbf: {  	[dreg:$0x0] =	wrdreg $0xFFFFFFFF;
	(pc) =	sbr.abs _section_cstart, $3  }
0xc0: {  	[dreg:$0x1] =	wrdreg $0xFFFFFFFF  }
0xc1: {  	_ =	task.clear_ibuf [dreg:s7], $0x2FFFF;
	_ =	strace $0x9FFFFFFF  }
0xc2: {  	(tm) =	ssettm $0x7FFFFFFF  }
0xc3: {  	_ =	shalt  }
tec
execute0_lowered:
.L_overlay_start_1:
0x0: {  	(tag) =	ssettag $0x1  }
0x1: {  	s1 =	srdreg.scid  }
0x2: {  	s2 =	rddreg [dreg:$0x0];
	s0 =	stileid.u32;
	s14 =	sand.u32 $0x1, s1  }
0x3: {  	s8 =	rddreg [dreg:$0x1];
	s4 =	sshll.u32 s0, $0xC;
	s5 =	sshll.u32 s14, $0xB  }
0x4: {  	s3 =	simm.s32 $0x0;
	s1 =	rddreg [dreg:$0x2];
	s13 =	sor.u32 s5, s4  }
0x5: {  	[smem:$0x7FF] =	sst s3;
	s15 =	sadd.s32 $0x50600, s8;
	s4 =	sshrl.u32 s13, $0x3  }
0x6: {  	_ =	strace $0x80000047;
	s5 =	sadd.s32 s15, s4;
	s4 =	simm.s32 $0x2  }
0x7: {  	[tilespmem:s3], [sflag:$0x2] =	stream.linear.gather [hbm4b:s5+s3], $0x200, $0x38;
	[tilespmem:$0x10200] =	vst v63  }
0x8: {  	_ =	swait.ge [sflag:s4], $0x200  }
0x9: {  	[sflag:s4] =	ssyncset.done $0x0  }
0xa: {  	s6 =	simm.s32 $0x200;
	s7 =	simm.s32 $0x1;
	[sflag:s4] =	ssyncadd.s32 $0xFFFFFE00  }
0xb: {  	[tilespmem:s6], [sflag:$0x1] =	stream.indirect.gather [hbm4b:s2+s6], $0x80, s3, s6, $0xb8;
	[tilespmem:$0x10200] =	vst v63  }
0xc: {  	_ =	swait.ge [sflag:s7], $0x10000  }
0xd: {  	s16 =	sadd.s32 $0x18AE00, s8;
	s29 =	sshll.u32 s13, $0x4;
	[sflag:s7] =	ssyncset.done $0x0  }
0xe: {  	s8 =	sadd.s32 s16, s29;
	[sflag:s7] =	ssyncadd.s32 $0xFFFF0000  }
0xf: {  	[hbm4b:s8+s3] =	stream.linear.scatter [tilespmem:s6], [sflag:$0x2], $0x10000, $0x38;
	[tilespmem:$0x10200] =	vst v63  }
0x10: {  	s10 =	sor.u32 $0x200, s13;
	_ =	swait.ge [sflag:s4], $0x10000  }
0x11: {  	s9 =	sshrl.u32 s10, $0x3;
	[sflag:s4] =	ssyncset.done $0x0  }
0x12: {  	s9 =	sadd.s32 s15, s9;
	[sflag:s4] =	ssyncadd.s32 $0xFFFF0000  }
0x13: {  	[tilespmem:s3], [sflag:$0x2] =	stream.linear.gather [hbm4b:s9+s3], $0x200, $0x38;
	[tilespmem:$0x10200] =	vst v63  }
0x14: {  	_ =	swait.ge [sflag:s4], $0x200  }
0x15: {  	[sflag:s4] =	ssyncset.done $0x0  }
0x16: {  	[sflag:s4] =	ssyncadd.s32 $0xFFFFFE00  }
0x17: {  	[tilespmem:s6], [sflag:$0x1] =	stream.indirect.gather [hbm4b:s2+s6], $0x80, s3, s6, $0xb8;
	[tilespmem:$0x10200] =	vst v63  }
0x18: {  	_ =	swait.ge [sflag:s7], $0x10000  }
0x19: {  	s10 =	sshll.u32 s10, $0x4;
	[sflag:s7] =	ssyncset.done $0x0  }
0x1a: {  	s10 =	sadd.s32 s16, s10;
	[sflag:s7] =	ssyncadd.s32 $0xFFFF0000  }
0x1b: {  	[hbm4b:s10+s3] =	stream.linear.scatter [tilespmem:s6], [sflag:$0x2], $0x10000, $0x38;
	[tilespmem:$0x10200] =	vst v63  }
0x1c: {  	s12 =	sor.u32 $0x400, s13;
	_ =	swait.ge [sflag:s4], $0x10000  }
0x1d: {  	s11 =	sshrl.u32 s12, $0x3;
	[sflag:s4] =	ssyncset.done $0x0  }
0x1e: {  	s11 =	sadd.s32 s15, s11;
	[sflag:s4] =	ssyncadd.s32 $0xFFFF0000  }
0x1f: {  	[tilespmem:s3], [sflag:$0x2] =	stream.linear.gather [hbm4b:s11+s3], $0x200, $0x38;
	[tilespmem:$0x10200] =	vst v63  }
0x20: {  	_ =	swait.ge [sflag:s4], $0x200  }
0x21: {  	[sflag:s4] =	ssyncset.done $0x0  }
0x22: {  	[sflag:s4] =	ssyncadd.s32 $0xFFFFFE00  }
0x23: {  	[tilespmem:s6], [sflag:$0x1] =	stream.indirect.gather [hbm4b:s2+s6], $0x80, s3, s6, $0xb8;
	[tilespmem:$0x10200] =	vst v63  }
0x24: {  	_ =	swait.ge [sflag:s7], $0x10000  }
0x25: {  	s12 =	sshll.u32 s12, $0x4;
	[sflag:s7] =	ssyncset.done $0x0  }
0x26: {  	s12 =	sadd.s32 s16, s12;
	[sflag:s7] =	ssyncadd.s32 $0xFFFF0000  }
0x27: {  	[hbm4b:s12+s3] =	stream.linear.scatter [tilespmem:s6], [sflag:$0x2], $0x10000, $0x38;
	[tilespmem:$0x10200] =	vst v63  }
0x28: {  	s17 =	sor.u32 $0x600, s13;
	_ =	swait.ge [sflag:s4], $0x10000  }
0x29: {  	s13 =	sshrl.u32 s17, $0x3;
	[sflag:s4] =	ssyncset.done $0x0  }
0x2a: {  	s14 =	ssub.s32 $0x2, s14;
	s13 =	sadd.s32 s15, s13;
	[sflag:s4] =	ssyncadd.s32 $0xFFFF0000  }
0x2b: {  	[tilespmem:s3], [sflag:$0x2] =	stream.linear.gather [hbm4b:s13+s3], $0x200, $0x38;
	[tilespmem:$0x10200] =	vst v63  }
0x2c: {  	s30 =	sshrl.u32 s14, $0x1;
	_ =	swait.ge [sflag:s4], $0x200  }
0x2d: {  	s15 =	ssub.s32 s14, s30;
	[sflag:s4] =	ssyncset.done $0x0  }
0x2e: {  	s15 =	smax.u32 s15, $0x1;
	[sflag:s4] =	ssyncadd.s32 $0xFFFFFE00  }
0x2f: {  	[tilespmem:s6], [sflag:$0x1] =	stream.indirect.gather [hbm4b:s2+s6], $0x80, s3, s6, $0xb8;
	[tilespmem:$0x10200] =	vst v63  }
0x30: {  	p0 =	sne.s32 s15, $0x1;
	_ =	swait.ge [sflag:s7], $0x10000  }
.Ltmp0:
0x31: {  	s31 =	sshll.u32 s17, $0x4;
	[sflag:s7] =	ssyncset.done $0x0;
	(pc) =	sbr.rel @!p0 .LBB2_2-.Ltmp0, $4  }
0x32: {  	s14 =	sadd.s32 s16, s31;
	[sflag:s7] =	ssyncadd.s32 $0xFFFF0000  }
0x33: {  	[hbm4b:s14+s3] =	stream.linear.scatter [tilespmem:s6], [sflag:$0x2], $0x10000, $0x38;
	[tilespmem:$0x10200] =	vst v63  }
0x34: {  	_ =	swait.ge [sflag:s4], $0x10000  }
0x35: {  	s15 =	sadd.s32 $0xFFFFFFFF, s15;
	[sflag:s4] =	ssyncset.done $0x0  }
.LBB2_1:
0x36: {  	p0 =	sne.s32 s15, $0x1;
	s15 =	sadd.s32 $0xFFFFFFFF, s15;
	[sflag:s4] =	ssyncadd.s32 $0xFFFF0000  }
0x37: {  	[tilespmem:s3], [sflag:$0x2] =	stream.linear.gather [hbm4b:s5+s3], $0x200, $0x38;
	[tilespmem:$0x10200] =	vst v63  }
0x38: {  	_ =	swait.ge [sflag:s4], $0x200  }
0x39: {  	[sflag:s4] =	ssyncset.done $0x0  }
0x3a: {  	[sflag:s4] =	ssyncadd.s32 $0xFFFFFE00  }
0x3b: {  	[tilespmem:s6], [sflag:$0x1] =	stream.indirect.gather [hbm4b:s2+s6], $0x80, s3, s6, $0xb8;
	[tilespmem:$0x10200] =	vst v63  }
0x3c: {  	_ =	swait.ge [sflag:s7], $0x10000  }
0x3d: {  	[sflag:s7] =	ssyncset.done $0x0  }
0x3e: {  	[sflag:s7] =	ssyncadd.s32 $0xFFFF0000  }
0x3f: {  	[hbm4b:s8+s3] =	stream.linear.scatter [tilespmem:s6], [sflag:$0x2], $0x10000, $0x38;
	[tilespmem:$0x10200] =	vst v63  }
0x40: {  	_ =	swait.ge [sflag:s4], $0x10000  }
0x41: {  	[sflag:s4] =	ssyncset.done $0x0  }
0x42: {  	[sflag:s4] =	ssyncadd.s32 $0xFFFF0000  }
0x43: {  	[tilespmem:s3], [sflag:$0x2] =	stream.linear.gather [hbm4b:s9+s3], $0x200, $0x38;
	[tilespmem:$0x10200] =	vst v63  }
0x44: {  	_ =	swait.ge [sflag:s4], $0x200  }
0x45: {  	[sflag:s4] =	ssyncset.done $0x0  }
0x46: {  	[sflag:s4] =	ssyncadd.s32 $0xFFFFFE00  }
0x47: {  	[tilespmem:s6], [sflag:$0x1] =	stream.indirect.gather [hbm4b:s2+s6], $0x80, s3, s6, $0xb8;
	[tilespmem:$0x10200] =	vst v63  }
0x48: {  	_ =	swait.ge [sflag:s7], $0x10000  }
0x49: {  	[sflag:s7] =	ssyncset.done $0x0  }
0x4a: {  	[sflag:s7] =	ssyncadd.s32 $0xFFFF0000  }
0x4b: {  	[hbm4b:s10+s3] =	stream.linear.scatter [tilespmem:s6], [sflag:$0x2], $0x10000, $0x38;
	[tilespmem:$0x10200] =	vst v63  }
0x4c: {  	_ =	swait.ge [sflag:s4], $0x10000  }
0x4d: {  	[sflag:s4] =	ssyncset.done $0x0  }
0x4e: {  	[sflag:s4] =	ssyncadd.s32 $0xFFFF0000  }
0x4f: {  	[tilespmem:s3], [sflag:$0x2] =	stream.linear.gather [hbm4b:s11+s3], $0x200, $0x38;
	[tilespmem:$0x10200] =	vst v63  }
0x50: {  	_ =	swait.ge [sflag:s4], $0x200  }
0x51: {  	[sflag:s4] =	ssyncset.done $0x0  }
0x52: {  	[sflag:s4] =	ssyncadd.s32 $0xFFFFFE00  }
0x53: {  	[tilespmem:s6], [sflag:$0x1] =	stream.indirect.gather [hbm4b:s2+s6], $0x80, s3, s6, $0xb8;
	[tilespmem:$0x10200] =	vst v63  }
0x54: {  	_ =	swait.ge [sflag:s7], $0x10000  }
0x55: {  	[sflag:s7] =	ssyncset.done $0x0  }
0x56: {  	[sflag:s7] =	ssyncadd.s32 $0xFFFF0000  }
0x57: {  	[hbm4b:s12+s3] =	stream.linear.scatter [tilespmem:s6], [sflag:$0x2], $0x10000, $0x38;
	[tilespmem:$0x10200] =	vst v63  }
0x58: {  	_ =	swait.ge [sflag:s4], $0x10000  }
0x59: {  	[sflag:s4] =	ssyncset.done $0x0  }
0x5a: {  	[sflag:s4] =	ssyncadd.s32 $0xFFFF0000  }
0x5b: {  	[tilespmem:s3], [sflag:$0x2] =	stream.linear.gather [hbm4b:s13+s3], $0x200, $0x38;
	[tilespmem:$0x10200] =	vst v63  }
0x5c: {  	_ =	swait.ge [sflag:s4], $0x200  }
0x5d: {  	[sflag:s4] =	ssyncset.done $0x0  }
0x5e: {  	[sflag:s4] =	ssyncadd.s32 $0xFFFFFE00  }
0x5f: {  	[tilespmem:s6], [sflag:$0x1] =	stream.indirect.gather [hbm4b:s2+s6], $0x80, s3, s6, $0xb8;
	[tilespmem:$0x10200] =	vst v63  }
0x60: {  	_ =	swait.ge [sflag:s7], $0x10000  }
.Ltmp1:
0x61: {  	[sflag:s7] =	ssyncset.done $0x0;
	(pc) =	sbr.rel @p0 .LBB2_1-.Ltmp1, $4  }
0x62: {  	[sflag:s7] =	ssyncadd.s32 $0xFFFF0000  }
0x63: {  	[hbm4b:s14+s3] =	stream.linear.scatter [tilespmem:s6], [sflag:$0x2], $0x10000, $0x38;
	[tilespmem:$0x10200] =	vst v63  }
0x64: {  	_ =	swait.ge [sflag:s4], $0x10000  }
0x65: {  	[sflag:s4] =	ssyncset.done $0x0  }
.LBB2_2:
0x66: {  	[sflag:s4] =	ssyncadd.s32 $0xFFFF0000  }
0x67: {  	_ =	sfence.sel $0x180000  }
0x68: {  	[bflag:$0x0] =	sbarrier.arrive $0xFFFF  }
0x69: {  	p0 =	sne.s32 s0, $0x0;
	_ =	strace $0x90000047  }
0x6a: {  	s0 =	sadd.s32 @!p0 $0x100000, s1;
	[bflag:$0x2] =	sbarrier.arrive $0xFFFF  }
0x6b: {  	[sflag:s0] =	ssyncadd.tile.s32 @!p0 $0x1;
	_ =	shalt  }
.Lfunc_end2:
_tile_overlayer_lowered:
.L_overlay_start_2:
0x6c: {  	(tag) =	ssettag $0x2  }
0x6d: {  	s0 =	rddreg [dreg:$0x0];
	s2 =	stileid.u32  }
0x6e: {  	s1 =	rddreg [dreg:$0x1];
	p0 =	sne.s32 s2, $0x0  }
0x6f: {  	s3 =	rddreg [dreg:$0x2];
	[bflag:$0x3] =	sbarrier.arrive $0xFFFF;
	s2 =	simm.s32 @!p0 $0x1C02  }
0x70: {  	[timem:s3], [sflag:s2] =	dma.local @!p0 [hbm:s0], s1  }
0x71: {  	s0 =	simm.s32 @!p0 $0x2  }
0x72: {  	_ =	swait.ge @!p0 [sflag:s0], s1  }
0x73: {  	s1 =	ssub.s32 @!p0 $0x0, s1;
	[sflag:s0] =	ssyncset.done @!p0 $0x0  }
0x74: {  	[sflag:s0] =	ssyncadd.s32 @!p0 s1  }
0x75: {  	[bflag:$0x3] =	sbarrier.arrive $0xFFFF  }
0x76: {  	_ =	shalt  }

// kernel: kernel.27.cloned.1.call-start
scs
__scs_entry_jumppad:
0x0: {  	(pc) =	sbr.rel $0x88, $3  }
0x1: {  	(tag) =	ssettag $0x0;
	lr =	simm.s32 $0x1  }
0x2: {  	[smem:$0x3F93] =	sst lr;
	_ =	strace $0xD0000000  }
0x3: {  	_ = 	snop  }
0x4: {  	_ = 	snop  }
0x5: {  	_ = 	snop  }
0x6: {  	_ = 	snop  }
0x7: {  	_ = 	snop  }
__scs_overlays_trampoline_lowered:
0x8: {  	[smem:$0x3FA2] =	sst s0  }
0x9: {  	[smem:$0x3FA3] =	sst s1  }
0xa: {  	[smem:$0x3FA4] =	sst s2  }
0xb: {  	[smem:$0x3FA5] =	sst s3  }
0xc: {  	[smem:$0x3FA6] =	sst s4  }
0xd: {  	[smem:$0x3FA7] =	sst s5  }
0xe: {  	[smem:$0x3FA8] =	sst s6  }
0xf: {  	[smem:$0x3FA9] =	sst s7  }
0x10: {  	[smem:$0x3FAA] =	sst s8  }
0x11: {  	[smem:$0x3FAB] =	sst s9;
	s0 =	simm.s32 @!p0 $0x0  }
0x12: {  	s1 =	sld [smem:$0x3F91];
	s0 =	simm.s32 @p0 $0x1  }
0x13: {  	[smem:$0x3FAC] =	sst s0;
	s0 =	simm.s32 @!p1 $0x0  }
0x14: {  	s2 =	sld [smem:$0x3F90];
	s0 =	simm.s32 @p1 $0x1  }
0x15: {  	[smem:$0x3FAD] =	sst s0;
	s0 =	simm.s32 @!p2 $0x0  }
0x16: {  	s3 =	sld [smem:$0x3FDB];
	s0 =	simm.s32 @p2 $0x1  }
0x17: {  	s4 =	simm.s32 $0x1BF5;
	[smem:$0x3FAF] =	sst s0  }
0x18: {  	s0 =	sld [smem:$0x3F92];
	_ =	swait.ge [sflag:s4], $0x0  }
0x19: {  	s7 =	sld [smem:$0x3F93]  }
0x1a: {  	s8 =	sadd.s32 $0xFFFFE003, lr  }
0x1b: {  	s9 =	sadd.s32 $0xFFFFFEF7, lr;
	s5 =	simm.s32 $0xFFFFFFFF;
	p2 =	slt.u32 s8, $0xFFFFF086  }
0x1c: {  	p1 =	slt.u32 s9, $0xF7A;
	s5 =	simm.s32 @!p2 $0x0  }
0x1d: {  	s5 =	simm.s32 @p1 $0x1;
	p0 =	seq.s32 s7, s2  }
0x1e: {  	s7 =	smul.u32 @!p0 $0xF7A, s2;
	p2 =	seq.s32 @!p0 s5, $0x0  }
0x1f: {  	s9 =	smul.u32 $0xF7A, s1;
	s8 =	simm.s32 @!p0 $0x1BF5;
	p2 =	por !p2, p0  }
0x20: {  	[sflag:s8] =	ssyncset.s32 @!p0 $0xFFFFF086;
	s6 =	sadd.s32 @!p0 s3, s7;
	s7 =	simm.s32 @!p0 $0x108  }
0x21: {  	s3 =	sadd.s32 s3, s9;
	s6 =	sadd.s32 @!p0 $0x88, s6;
	s7 =	simm.s32 @p2 $0x1082  }
0x22: {  	[simem:s7], [sflag:s8] =	dma.local @!p0 [hbm:s6], $0xF7A  }
0x23: {  	s9 =	sor.u32 $0xD0000000, s2;
	s6 =	simm.s32 $0x108;
	_ =	swait.ge @!p0 [sflag:s8], $0x0  }
0x24: {  	s3 =	sadd.s32 $0x88, s3;
	s6 =	simm.s32 @!p1 $0x1082;
	[sflag:s4] =	ssyncset.s32 $0xFFFFF086  }
0x25: {  	[simem:s6], [sflag:s4] =	dma.local [hbm:s3], $0xF7A  }
0x26: {  	[smem:$0x3F93] =	sst s1;
	(tag) =	ssettag s2;
	_ =	strace s9  }
0x27: {  	s1 =	sld [smem:$0x3FA3]  }
0x28: {  	s2 =	sld [smem:$0x3FA4]  }
0x29: {  	s4 =	sld [smem:$0x3FA6]  }
0x2a: {  	p0 =	seq.s32 s5, $0x0;
	s5 =	sld [smem:$0x3FA7]  }
0x2b: {  	s6 =	sld [smem:$0x3FA8]  }
0x2c: {  	s7 =	sld [smem:$0x3FA9]  }
0x2d: {  	s3 =	simm.s32 $0x108;
	s8 =	sld [smem:$0x3FAA]  }
0x2e: {  	s3 =	simm.s32 @!p0 $0x1082;
	s9 =	sld [smem:$0x3FAB]  }
0x2f: {  	lr =	sadd.s32 s0, s3;
	s0 =	sld [smem:$0x3FA2]  }
0x30: {  	s3 =	sld [smem:$0x3FA5]  }
0x31: {  	[smem:$0x3FAE] =	sst s10  }
0x32: {  	s10 =	sld [smem:$0x3FAC];
	_ =	sdelay $0x3  }
0x33: {  	p0 =	seq.s32 s10, $0x1;
	s10 =	sld [smem:$0x3FAE];
	_ =	sdelay $0x3  }
0x34: {  	[smem:$0x3FAE] =	sst s10  }
0x35: {  	s10 =	sld [smem:$0x3FAD];
	_ =	sdelay $0x3  }
0x36: {  	p1 =	seq.s32 s10, $0x1;
	s10 =	sld [smem:$0x3FAE];
	_ =	sdelay $0x3  }
0x37: {  	[smem:$0x3FAE] =	sst s10  }
0x38: {  	s10 =	sld [smem:$0x3FAF]  }
0x39: {  	_ = 	snop;
	(pc) =	sbr.ind lr, $3  }
0x3a: {  	_ = 	snop  }
0x3b: {  	_ = 	snop  }
0x3c: {  	p2 =	seq.s32 s10, $0x1;
	s10 =	sld [smem:$0x3FAE]  }
0x3d: {  	_ =	shalt  }
0x3e: {  	_ =	shalt  }
0x3f: {  	_ =	shalt  }
0x40: {  	_ =	shalt  }
0x41: {  	_ =	shalt  }
0x42: {  	_ =	shalt  }
0x43: {  	_ =	shalt  }
0x44: {  	_ =	shalt  }
0x45: {  	_ =	shalt  }
0x46: {  	_ =	shalt  }
0x47: {  	_ =	shalt  }
0x48: {  	_ =	shalt  }
0x49: {  	_ =	shalt  }
0x4a: {  	_ =	shalt  }
0x4b: {  	_ =	shalt  }
0x4c: {  	_ =	shalt  }
0x4d: {  	_ =	shalt  }
0x4e: {  	_ =	shalt  }
0x4f: {  	_ =	shalt  }
0x50: {  	_ =	shalt  }
0x51: {  	_ =	shalt  }
0x52: {  	_ =	shalt  }
0x53: {  	_ =	shalt  }
0x54: {  	_ =	shalt  }
0x55: {  	_ =	shalt  }
0x56: {  	_ =	shalt  }
0x57: {  	_ =	shalt  }
0x58: {  	_ =	shalt  }
0x59: {  	_ =	shalt  }
0x5a: {  	_ =	shalt  }
0x5b: {  	_ =	shalt  }
0x5c: {  	_ =	shalt  }
0x5d: {  	_ =	shalt  }
0x5e: {  	_ =	shalt  }
0x5f: {  	_ =	shalt  }
0x60: {  	_ =	shalt  }
0x61: {  	_ =	shalt  }
0x62: {  	_ =	shalt  }
0x63: {  	_ =	shalt  }
0x64: {  	_ =	shalt  }
0x65: {  	_ =	shalt  }
0x66: {  	_ =	shalt  }
0x67: {  	_ =	shalt  }
0x68: {  	_ =	shalt  }
0x69: {  	_ =	shalt  }
0x6a: {  	_ =	shalt  }
0x6b: {  	_ =	shalt  }
0x6c: {  	_ =	shalt  }
0x6d: {  	_ =	shalt  }
0x6e: {  	_ =	shalt  }
0x6f: {  	_ =	shalt  }
0x70: {  	_ =	shalt  }
0x71: {  	_ =	shalt  }
0x72: {  	_ =	shalt  }
0x73: {  	_ =	shalt  }
0x74: {  	_ =	shalt  }
0x75: {  	_ =	shalt  }
0x76: {  	_ =	shalt  }
0x77: {  	_ =	shalt  }
0x78: {  	_ =	shalt  }
0x79: {  	_ =	shalt  }
0x7a: {  	_ =	shalt  }
0x7b: {  	_ =	shalt  }
0x7c: {  	_ =	shalt  }
0x7d: {  	_ =	shalt  }
0x7e: {  	_ =	shalt  }
0x7f: {  	_ =	shalt  }
0x80: {  	_ =	shalt  }
0x81: {  	_ =	shalt  }
0x82: {  	_ =	shalt  }
0x83: {  	_ =	shalt  }
0x84: {  	_ =	shalt  }
0x85: {  	_ =	shalt  }
0x86: {  	_ =	shalt  }
0x87: {  	_ =	shalt  }
.Lfunc_end0:
.L_simem_size_0:
called_computation.1_lowered:
.L_overlay_start_0:
0x88: {  	s2 =	sld [smem:$0x3FD9]  }
0x89: {  	s3 =	sld [smem:$0x3FFE];
	_ =	sdelay $0x1  }
0x8a: {  	s1 =	srdreg.scid  }
0x8b: {  	s0 =	sand.u32 $0x1, s1  }
0x8c: {  	s17 =	sshll.u32 s0, $0xA;
	s2 =	sadd.s32 s3, s2  }
0x8d: {  	s2 =	sadd.s32 s2, s17  }
0x8e: {  	[smem:$0x3FBA] =	sst s2  }
0x8f: {  	_ = 	snop  }
0x90: {  	(tm) =	ssettm $0x1  }
0x91: {  	s18 =	sld [smem:$0x3FFB];
	_ =	sdelay $0x3  }
0x92: {  	_ =	strace s18  }
0x93: {  	s2 =	sld [smem:$0x3FFC];
	_ =	sdelay $0x3  }
0x94: {  	_ =	strace s2  }
0x95: {  	s2 =	sld [smem:$0x3FFD];
	_ =	sdelay $0x3  }
0x96: {  	_ =	strace s2  }
0x97: {  	_ =	strace $0x8FFFFFFF  }
0x98: {  	s19 =	sld [smem:$0x3FDB];
	_ =	sdelay $0x1  }
0x99: {  	s20 =	simm.s32 $_scs_section_size  }
0x9a: {  	s4 =	simm.s32 $_size__tile_overlayer_lowered;
	s5 =	simm.s32 $_tile_overlayer_lowered  }
0x9b: {  	s6 =	simm.s32 $0x1BFF;
	s21 =	sshll.u32 s5, $0x1;
	s3 =	sadd.s32 s20, s19  }
0x9c: {  	s22 =	simm.s32 $0x0;
	s4 =	sshll.u32 s4, $0x1;
	s5 =	sadd.s32 s21, s3  }
0x9d: {  	[timem:s22], [sflag:s6] =	dma.local [hbm:s5], s4  }
0x9e: {  	_ =	swait.ge [sflag:s6], s4  }
0x9f: {  	s4 =	ssub.s32 $0x0, s4;
	[sflag:s6] =	ssyncset.done $0x0  }
0xa0: {  	[sflag:s6] =	ssyncadd.s32 s4;
	_ =	sdelay $0x1  }
0xa1: {  	s23 =	simm.s32 $0x1B8B  }
0xa2: {  	_ =	swait.ge [sflag:s23], $0x1  }
0xa3: {  	[sflag:s23] =	ssyncset.done $0x0  }
0xa4: {  	[sflag:s23] =	ssyncadd.s32 $0xFFFFFFFF  }
0xa5: {  	s4 =	sld [smem:$0x0]  }
0xa6: {  	s5 =	sand.u32 $0xFFFFFFFE, s1  }
0xa7: {  	p0 =	sne.s32 s1, s5  }
0xa8: {  	s5 =	sshll.u32 @p0 s5, $0xE  }
0xa9: {  	s5 =	sadd.s32 @p0 $0x11B8D, s5;
	s6 =	sshll.u32 @p0 s4, $0x11  }
0xaa: {  	s5 =	sor.u32 @p0 s6, s5  }
0xab: {  	[sflag:s5] =	ssyncadd.remote.s32 @p0 $0x1;
	_ =	sdelay $0x1  }
0xac: {  	s5 =	simm.s32 @p0 $0x1B8D  }
0xad: {  	_ =	swait.eq @p0 [sflag:s5], $0x1  }
0xae: {  	[sflag:s5] =	ssyncadd.s32 @p0 $0xFFFFFFFF  }
0xaf: {  	s6 =	sshll.u32 @!p0 s1, $0xE  }
0xb0: {  	s6 =	sor.u32 @!p0 $0x4000, s6;
	s5 =	simm.s32 @!p0 $0x1B8D  }
0xb1: {  	s4 =	sshll.u32 @!p0 s4, $0x11;
	s6 =	sadd.s32 @!p0 $0x11B8D, s6;
	_ =	swait.eq @!p0 [sflag:s5], $0x1  }
0xb2: {  	s4 =	sor.u32 @!p0 s4, s6;
	[sflag:s5] =	ssyncadd.s32 @!p0 $0xFFFFFFFF  }
0xb3: {  	s25 =	simm.s32 $0x1B8E;
	s24 =	sld [smem:$0x3FFE];
	[sflag:s4] =	ssyncadd.remote.s32 @!p0 $0x1  }
0xb4: {  	s26 =	simm.s32 $execute0_lowered;
	[smem:$0x3FD2] =	sst s25  }
0xb5: {  	s5 =	sshll.u32 s26, $0x1;
	_ =	strace $0x8000004C;
	[dreg:$0x1] =	wrdreg $0xFFFFFFFF  }
0xb6: {  	s28 =	simm.s32 $_size_execute0_lowered;
	s3 =	sadd.s32 s3, s5;
	[dreg:$0x0] =	wrdreg $0x0  }
0xb7: {  	s5 =	sshll.u32 s28, $0x1;
	[dreg:$0x2] =	wrdreg s3  }
0xb8: {  	[dreg:$0x3] =	wrdreg s5  }
0xb9: {  	[dreg:$0x4] =	wrdreg $0xC0  }
0xba: {  	_ =	task [dreg:s22], $0x5FFFF  }
0xbb: {  	[dreg:$0x1] =	wrdreg $0xFFFFFFFF  }
0xbc: {  	[dreg:$0x0] =	wrdreg $0x60  }
0xbd: {  	[dreg:$0x2] =	wrdreg s24  }
0xbe: {  	[dreg:$0x3] =	wrdreg $0x9  }
0xbf: {  	_ =	task.clear_ibuf [dreg:s22], $0x4FFFF;
	_ =	strace $0x9000004C  }
0xc0: {  	s29 =	simm.s32 $0x9;
	_ =	strace $0x8000004E  }
0xc1: {  	_ =	swait.ge [sflag:s29], $0x1  }
0xc2: {  	[sflag:s29] =	ssyncadd.s32 $0xFFFFFFFF  }
0xc3: {  	_ =	strace $0x9000004E  }
0xc4: {  	_ =	sfence  }
0xc5: {  	s30 =	sld [smem:$0x0];
	_ =	sdelay $0x2  }
0xc6: {  	s31 =	sshll.u32 s1, $0xD;
	s1 =	sshrl.u32 s1, $0x2  }
0xc7: {  	s4 =	sand.u32 $0x4000, s31;
	s1 =	sadd.s32 s1, s30  }
0xc8: {  	s0 =	sor.u32 s4, s0;
	s1 =	sshll.u32 s1, $0x11  }
0xc9: {  	s0 =	sor.u32 s1, s0  }
0xca: {  	s0 =	sadd.s32 $0x8F2B, s0  }
0xcb: {  	[sflag:s0] =	ssyncadd.remote.s32 $0x1  }
0xcc: {  	_ =	sfence.sel $0xFFFF  }
0xcd: {  	[dreg:$0x0] =	wrdreg $0xFFFFFFFF;
	(pc) =	sbr.abs _section_cstart, $3  }
0xce: {  	[dreg:$0x1] =	wrdreg $0xFFFFFFFF  }
0xcf: {  	_ =	task.clear_ibuf [dreg:s22], $0x2FFFF;
	_ =	strace $0x9FFFFFFF  }
0xd0: {  	(tm) =	ssettm $0x7FFFFFFF  }
0xd1: {  	_ =	shalt  }
tec
execute0_lowered:
.L_overlay_start_1:
0x0: {  	(tag) =	ssettag $0x1  }
0x1: {  	s1 =	srdreg.scid  }
0x2: {  	s0 =	stileid.u32;
	s14 =	sand.u32 $0x1, s1  }
0x3: {  	s7 =	rddreg [dreg:$0x0];
	s3 =	sshll.u32 s0, $0xC;
	s4 =	sshll.u32 s14, $0xB  }
0x4: {  	s2 =	simm.s32 $0x0;
	s1 =	rddreg [dreg:$0x1];
	s13 =	sor.u32 s4, s3  }
0x5: {  	[smem:$0x7FF] =	sst s2;
	s15 =	sadd.s32 $0x54800, s7;
	s3 =	sshrl.u32 s13, $0x3  }
0x6: {  	_ =	strace $0x8000004D;
	s4 =	simm.s32 $0x2;
	s3 =	sadd.s32 s15, s3  }
0x7: {  	[tilespmem:s2], [sflag:$0x2] =	stream.linear.gather [hbm4b:s3+s2], $0x200, $0x38;
	[tilespmem:$0x10200] =	vst v63  }
0x8: {  	_ =	swait.ge [sflag:s4], $0x200  }
0x9: {  	s16 =	sadd.s32 $0x38AE00, s7;
	s5 =	sshll.u32 s13, $0x4;
	[sflag:s4] =	ssyncset.done $0x0  }
0xa: {  	s6 =	simm.s32 $0x200;
	s5 =	sadd.s32 s16, s5;
	[sflag:s4] =	ssyncadd.s32 $0xFFFFFE00  }
0xb: {  	[tilespmem:s6], [sflag:$0x2] =	stream.linear.gather [hbm4b:s5+s2], $0x10000, $0x38;
	[tilespmem:$0x10200] =	vst v63  }
0xc: {  	_ =	swait.ge [sflag:s4], $0x10000  }
0xd: {  	[sflag:s4] =	ssyncset.done $0x0  }
0xe: {  	s8 =	sadd.s32 $0x18AE00, s7;
	s7 =	simm.s32 $0x1;
	[sflag:s4] =	ssyncadd.s32 $0xFFFF0000  }
0xf: {  	[hbm4b:s8+s6] =	stream.indirect.scatter [tilespmem:s6], [sflag:$0x1], $0x80, s2, s6, $0xb8;
	[tilespmem:$0x10200] =	vst v63  }
0x10: {  	s10 =	sor.u32 $0x200, s13;
	_ =	swait.ge [sflag:s7], $0x10000  }
0x11: {  	s9 =	sshrl.u32 s10, $0x3;
	[sflag:s7] =	ssyncset.done $0x0  }
0x12: {  	s9 =	sadd.s32 s15, s9;
	[sflag:s7] =	ssyncadd.s32 $0xFFFF0000  }
0x13: {  	[tilespmem:s2], [sflag:$0x2] =	stream.linear.gather [hbm4b:s9+s2], $0x200, $0x38;
	[tilespmem:$0x10200] =	vst v63  }
0x14: {  	_ =	swait.ge [sflag:s4], $0x200  }
0x15: {  	s10 =	sshll.u32 s10, $0x4;
	[sflag:s4] =	ssyncset.done $0x0  }
0x16: {  	s10 =	sadd.s32 s16, s10;
	[sflag:s4] =	ssyncadd.s32 $0xFFFFFE00  }
0x17: {  	[tilespmem:s6], [sflag:$0x2] =	stream.linear.gather [hbm4b:s10+s2], $0x10000, $0x38;
	[tilespmem:$0x10200] =	vst v63  }
0x18: {  	_ =	swait.ge [sflag:s4], $0x10000  }
0x19: {  	[sflag:s4] =	ssyncset.done $0x0  }
0x1a: {  	[sflag:s4] =	ssyncadd.s32 $0xFFFF0000  }
0x1b: {  	[hbm4b:s8+s6] =	stream.indirect.scatter [tilespmem:s6], [sflag:$0x1], $0x80, s2, s6, $0xb8;
	[tilespmem:$0x10200] =	vst v63  }
0x1c: {  	s12 =	sor.u32 $0x400, s13;
	_ =	swait.ge [sflag:s7], $0x10000  }
0x1d: {  	s11 =	sshrl.u32 s12, $0x3;
	[sflag:s7] =	ssyncset.done $0x0  }
0x1e: {  	s11 =	sadd.s32 s15, s11;
	[sflag:s7] =	ssyncadd.s32 $0xFFFF0000  }
0x1f: {  	[tilespmem:s2], [sflag:$0x2] =	stream.linear.gather [hbm4b:s11+s2], $0x200, $0x38;
	[tilespmem:$0x10200] =	vst v63  }
0x20: {  	_ =	swait.ge [sflag:s4], $0x200  }
0x21: {  	s12 =	sshll.u32 s12, $0x4;
	[sflag:s4] =	ssyncset.done $0x0  }
0x22: {  	s12 =	sadd.s32 s16, s12;
	[sflag:s4] =	ssyncadd.s32 $0xFFFFFE00  }
0x23: {  	[tilespmem:s6], [sflag:$0x2] =	stream.linear.gather [hbm4b:s12+s2], $0x10000, $0x38;
	[tilespmem:$0x10200] =	vst v63  }
0x24: {  	_ =	swait.ge [sflag:s4], $0x10000  }
0x25: {  	[sflag:s4] =	ssyncset.done $0x0  }
0x26: {  	[sflag:s4] =	ssyncadd.s32 $0xFFFF0000  }
0x27: {  	[hbm4b:s8+s6] =	stream.indirect.scatter [tilespmem:s6], [sflag:$0x1], $0x80, s2, s6, $0xb8;
	[tilespmem:$0x10200] =	vst v63  }
0x28: {  	s17 =	sor.u32 $0x600, s13;
	_ =	swait.ge [sflag:s7], $0x10000  }
0x29: {  	s13 =	sshrl.u32 s17, $0x3;
	[sflag:s7] =	ssyncset.done $0x0  }
0x2a: {  	s30 =	ssub.s32 $0x2, s14;
	s13 =	sadd.s32 s15, s13;
	[sflag:s7] =	ssyncadd.s32 $0xFFFF0000  }
0x2b: {  	[tilespmem:s2], [sflag:$0x2] =	stream.linear.gather [hbm4b:s13+s2], $0x200, $0x38;
	[tilespmem:$0x10200] =	vst v63  }
0x2c: {  	s31 =	sshrl.u32 s30, $0x1;
	_ =	swait.ge [sflag:s4], $0x200  }
0x2d: {  	s29 =	sshll.u32 s17, $0x4;
	s15 =	ssub.s32 s30, s31;
	[sflag:s4] =	ssyncset.done $0x0  }
0x2e: {  	s14 =	sadd.s32 s16, s29;
	s15 =	smax.u32 s15, $0x1;
	[sflag:s4] =	ssyncadd.s32 $0xFFFFFE00  }
0x2f: {  	[tilespmem:s6], [sflag:$0x2] =	stream.linear.gather [hbm4b:s14+s2], $0x10000, $0x38;
	[tilespmem:$0x10200] =	vst v63  }
0x30: {  	p0 =	sne.s32 s15, $0x1;
	_ =	swait.ge [sflag:s4], $0x10000  }
.Ltmp0:
0x31: {  	[sflag:s4] =	ssyncset.done $0x0;
	(pc) =	sbr.rel @!p0 .LBB2_2-.Ltmp0, $4  }
0x32: {  	[sflag:s4] =	ssyncadd.s32 $0xFFFF0000  }
0x33: {  	[hbm4b:s8+s6] =	stream.indirect.scatter [tilespmem:s6], [sflag:$0x1], $0x80, s2, s6, $0xb8;
	[tilespmem:$0x10200] =	vst v63  }
0x34: {  	_ =	swait.ge [sflag:s7], $0x10000  }
0x35: {  	s15 =	sadd.s32 $0xFFFFFFFF, s15;
	[sflag:s7] =	ssyncset.done $0x0  }
.LBB2_1:
0x36: {  	p0 =	sne.s32 s15, $0x1;
	s15 =	sadd.s32 $0xFFFFFFFF, s15;
	[sflag:s7] =	ssyncadd.s32 $0xFFFF0000  }
0x37: {  	[tilespmem:s2], [sflag:$0x2] =	stream.linear.gather [hbm4b:s3+s2], $0x200, $0x38;
	[tilespmem:$0x10200] =	vst v63  }
0x38: {  	_ =	swait.ge [sflag:s4], $0x200  }
0x39: {  	[sflag:s4] =	ssyncset.done $0x0  }
0x3a: {  	[sflag:s4] =	ssyncadd.s32 $0xFFFFFE00  }
0x3b: {  	[tilespmem:s6], [sflag:$0x2] =	stream.linear.gather [hbm4b:s5+s2], $0x10000, $0x38;
	[tilespmem:$0x10200] =	vst v63  }
0x3c: {  	_ =	swait.ge [sflag:s4], $0x10000  }
0x3d: {  	[sflag:s4] =	ssyncset.done $0x0  }
0x3e: {  	[sflag:s4] =	ssyncadd.s32 $0xFFFF0000  }
0x3f: {  	[hbm4b:s8+s6] =	stream.indirect.scatter [tilespmem:s6], [sflag:$0x1], $0x80, s2, s6, $0xb8;
	[tilespmem:$0x10200] =	vst v63  }
0x40: {  	_ =	swait.ge [sflag:s7], $0x10000  }
0x41: {  	[sflag:s7] =	ssyncset.done $0x0  }
0x42: {  	[sflag:s7] =	ssyncadd.s32 $0xFFFF0000  }
0x43: {  	[tilespmem:s2], [sflag:$0x2] =	stream.linear.gather [hbm4b:s9+s2], $0x200, $0x38;
	[tilespmem:$0x10200] =	vst v63  }
0x44: {  	_ =	swait.ge [sflag:s4], $0x200  }
0x45: {  	[sflag:s4] =	ssyncset.done $0x0  }
0x46: {  	[sflag:s4] =	ssyncadd.s32 $0xFFFFFE00  }
0x47: {  	[tilespmem:s6], [sflag:$0x2] =	stream.linear.gather [hbm4b:s10+s2], $0x10000, $0x38;
	[tilespmem:$0x10200] =	vst v63  }
0x48: {  	_ =	swait.ge [sflag:s4], $0x10000  }
0x49: {  	[sflag:s4] =	ssyncset.done $0x0  }
0x4a: {  	[sflag:s4] =	ssyncadd.s32 $0xFFFF0000  }
0x4b: {  	[hbm4b:s8+s6] =	stream.indirect.scatter [tilespmem:s6], [sflag:$0x1], $0x80, s2, s6, $0xb8;
	[tilespmem:$0x10200] =	vst v63  }
0x4c: {  	_ =	swait.ge [sflag:s7], $0x10000  }
0x4d: {  	[sflag:s7] =	ssyncset.done $0x0  }
0x4e: {  	[sflag:s7] =	ssyncadd.s32 $0xFFFF0000  }
0x4f: {  	[tilespmem:s2], [sflag:$0x2] =	stream.linear.gather [hbm4b:s11+s2], $0x200, $0x38;
	[tilespmem:$0x10200] =	vst v63  }
0x50: {  	_ =	swait.ge [sflag:s4], $0x200  }
0x51: {  	[sflag:s4] =	ssyncset.done $0x0  }
0x52: {  	[sflag:s4] =	ssyncadd.s32 $0xFFFFFE00  }
0x53: {  	[tilespmem:s6], [sflag:$0x2] =	stream.linear.gather [hbm4b:s12+s2], $0x10000, $0x38;
	[tilespmem:$0x10200] =	vst v63  }
0x54: {  	_ =	swait.ge [sflag:s4], $0x10000  }
0x55: {  	[sflag:s4] =	ssyncset.done $0x0  }
0x56: {  	[sflag:s4] =	ssyncadd.s32 $0xFFFF0000  }
0x57: {  	[hbm4b:s8+s6] =	stream.indirect.scatter [tilespmem:s6], [sflag:$0x1], $0x80, s2, s6, $0xb8;
	[tilespmem:$0x10200] =	vst v63  }
0x58: {  	_ =	swait.ge [sflag:s7], $0x10000  }
0x59: {  	[sflag:s7] =	ssyncset.done $0x0  }
0x5a: {  	[sflag:s7] =	ssyncadd.s32 $0xFFFF0000  }
0x5b: {  	[tilespmem:s2], [sflag:$0x2] =	stream.linear.gather [hbm4b:s13+s2], $0x200, $0x38;
	[tilespmem:$0x10200] =	vst v63  }
0x5c: {  	_ =	swait.ge [sflag:s4], $0x200  }
0x5d: {  	[sflag:s4] =	ssyncset.done $0x0  }
0x5e: {  	[sflag:s4] =	ssyncadd.s32 $0xFFFFFE00  }
0x5f: {  	[tilespmem:s6], [sflag:$0x2] =	stream.linear.gather [hbm4b:s14+s2], $0x10000, $0x38;
	[tilespmem:$0x10200] =	vst v63  }
0x60: {  	_ =	swait.ge [sflag:s4], $0x10000  }
.Ltmp1:
0x61: {  	[sflag:s4] =	ssyncset.done $0x0;
	(pc) =	sbr.rel @p0 .LBB2_1-.Ltmp1, $4  }
0x62: {  	[sflag:s4] =	ssyncadd.s32 $0xFFFF0000  }
0x63: {  	[hbm4b:s8+s6] =	stream.indirect.scatter [tilespmem:s6], [sflag:$0x1], $0x80, s2, s6, $0xb8;
	[tilespmem:$0x10200] =	vst v63  }
0x64: {  	_ =	swait.ge [sflag:s7], $0x10000  }
0x65: {  	[sflag:s7] =	ssyncset.done $0x0  }
.LBB2_2:
0x66: {  	[sflag:s7] =	ssyncadd.s32 $0xFFFF0000  }
0x67: {  	_ =	sfence.sel $0x180000  }
0x68: {  	[bflag:$0x0] =	sbarrier.arrive $0xFFFF  }
0x69: {  	p0 =	sne.s32 s0, $0x0;
	_ =	strace $0x9000004D  }
0x6a: {  	s0 =	sadd.s32 @!p0 $0x100000, s1;
	[bflag:$0x2] =	sbarrier.arrive $0xFFFF  }
0x6b: {  	[sflag:s0] =	ssyncadd.tile.s32 @!p0 $0x1;
	_ =	shalt  }
.Lfunc_end2:
_tile_overlayer_lowered:
.L_overlay_start_2:
0x6c: {  	(tag) =	ssettag $0x2  }
0x6d: {  	s0 =	rddreg [dreg:$0x0];
	s2 =	stileid.u32  }
0x6e: {  	s1 =	rddreg [dreg:$0x1];
	p0 =	sne.s32 s2, $0x0  }
0x6f: {  	s3 =	rddreg [dreg:$0x2];
	[bflag:$0x3] =	sbarrier.arrive $0xFFFF;
	s2 =	simm.s32 @!p0 $0x1C02  }
0x70: {  	[timem:s3], [sflag:s2] =	dma.local @!p0 [hbm:s0], s1  }
0x71: {  	s0 =	simm.s32 @!p0 $0x2  }
0x72: {  	_ =	swait.ge @!p0 [sflag:s0], s1  }
0x73: {  	s1 =	ssub.s32 @!p0 $0x0, s1;
	[sflag:s0] =	ssyncset.done @!p0 $0x0  }
0x74: {  	[sflag:s0] =	ssyncadd.s32 @!p0 s1  }
0x75: {  	[bflag:$0x3] =	sbarrier.arrive $0xFFFF  }
0x76: {  	_ =	shalt  }

// kernel: kernel.30.cloned.1.call-start
scs
__scs_entry_jumppad:
0x0: {  	(pc) =	sbr.rel $0x88, $3  }
0x1: {  	(tag) =	ssettag $0x0;
	lr =	simm.s32 $0x1  }
0x2: {  	[smem:$0x3F93] =	sst lr;
	_ =	strace $0xD0000000  }
0x3: {  	_ = 	snop  }
0x4: {  	_ = 	snop  }
0x5: {  	_ = 	snop  }
0x6: {  	_ = 	snop  }
0x7: {  	_ = 	snop  }
__scs_overlays_trampoline_lowered:
0x8: {  	[smem:$0x3FA2] =	sst s0  }
0x9: {  	[smem:$0x3FA3] =	sst s1  }
0xa: {  	[smem:$0x3FA4] =	sst s2  }
0xb: {  	[smem:$0x3FA5] =	sst s3  }
0xc: {  	[smem:$0x3FA6] =	sst s4  }
0xd: {  	[smem:$0x3FA7] =	sst s5  }
0xe: {  	[smem:$0x3FA8] =	sst s6  }
0xf: {  	[smem:$0x3FA9] =	sst s7  }
0x10: {  	[smem:$0x3FAA] =	sst s8  }
0x11: {  	[smem:$0x3FAB] =	sst s9;
	s0 =	simm.s32 @!p0 $0x0  }
0x12: {  	s1 =	sld [smem:$0x3F91];
	s0 =	simm.s32 @p0 $0x1  }
0x13: {  	[smem:$0x3FAC] =	sst s0;
	s0 =	simm.s32 @!p1 $0x0  }
0x14: {  	s2 =	sld [smem:$0x3F90];
	s0 =	simm.s32 @p1 $0x1  }
0x15: {  	[smem:$0x3FAD] =	sst s0;
	s0 =	simm.s32 @!p2 $0x0  }
0x16: {  	s3 =	sld [smem:$0x3FDB];
	s0 =	simm.s32 @p2 $0x1  }
0x17: {  	s4 =	simm.s32 $0x1BF5;
	[smem:$0x3FAF] =	sst s0  }
0x18: {  	s0 =	sld [smem:$0x3F92];
	_ =	swait.ge [sflag:s4], $0x0  }
0x19: {  	s7 =	sld [smem:$0x3F93]  }
0x1a: {  	s8 =	sadd.s32 $0xFFFFE003, lr  }
0x1b: {  	s9 =	sadd.s32 $0xFFFFFEF7, lr;
	s5 =	simm.s32 $0xFFFFFFFF;
	p2 =	slt.u32 s8, $0xFFFFF086  }
0x1c: {  	p1 =	slt.u32 s9, $0xF7A;
	s5 =	simm.s32 @!p2 $0x0  }
0x1d: {  	s5 =	simm.s32 @p1 $0x1;
	p0 =	seq.s32 s7, s2  }
0x1e: {  	s7 =	smul.u32 @!p0 $0xF7A, s2;
	p2 =	seq.s32 @!p0 s5, $0x0  }
0x1f: {  	s9 =	smul.u32 $0xF7A, s1;
	s8 =	simm.s32 @!p0 $0x1BF5;
	p2 =	por !p2, p0  }
0x20: {  	[sflag:s8] =	ssyncset.s32 @!p0 $0xFFFFF086;
	s6 =	sadd.s32 @!p0 s3, s7;
	s7 =	simm.s32 @!p0 $0x108  }
0x21: {  	s3 =	sadd.s32 s3, s9;
	s6 =	sadd.s32 @!p0 $0x88, s6;
	s7 =	simm.s32 @p2 $0x1082  }
0x22: {  	[simem:s7], [sflag:s8] =	dma.local @!p0 [hbm:s6], $0xF7A  }
0x23: {  	s9 =	sor.u32 $0xD0000000, s2;
	s6 =	simm.s32 $0x108;
	_ =	swait.ge @!p0 [sflag:s8], $0x0  }
0x24: {  	s3 =	sadd.s32 $0x88, s3;
	s6 =	simm.s32 @!p1 $0x1082;
	[sflag:s4] =	ssyncset.s32 $0xFFFFF086  }
0x25: {  	[simem:s6], [sflag:s4] =	dma.local [hbm:s3], $0xF7A  }
0x26: {  	[smem:$0x3F93] =	sst s1;
	(tag) =	ssettag s2;
	_ =	strace s9  }
0x27: {  	s1 =	sld [smem:$0x3FA3]  }
0x28: {  	s2 =	sld [smem:$0x3FA4]  }
0x29: {  	s4 =	sld [smem:$0x3FA6]  }
0x2a: {  	p0 =	seq.s32 s5, $0x0;
	s5 =	sld [smem:$0x3FA7]  }
0x2b: {  	s6 =	sld [smem:$0x3FA8]  }
0x2c: {  	s7 =	sld [smem:$0x3FA9]  }
0x2d: {  	s3 =	simm.s32 $0x108;
	s8 =	sld [smem:$0x3FAA]  }
0x2e: {  	s3 =	simm.s32 @!p0 $0x1082;
	s9 =	sld [smem:$0x3FAB]  }
0x2f: {  	lr =	sadd.s32 s0, s3;
	s0 =	sld [smem:$0x3FA2]  }
0x30: {  	s3 =	sld [smem:$0x3FA5]  }
0x31: {  	[smem:$0x3FAE] =	sst s10  }
0x32: {  	s10 =	sld [smem:$0x3FAC];
	_ =	sdelay $0x3  }
0x33: {  	p0 =	seq.s32 s10, $0x1;
	s10 =	sld [smem:$0x3FAE];
	_ =	sdelay $0x3  }
0x34: {  	[smem:$0x3FAE] =	sst s10  }
0x35: {  	s10 =	sld [smem:$0x3FAD];
	_ =	sdelay $0x3  }
0x36: {  	p1 =	seq.s32 s10, $0x1;
	s10 =	sld [smem:$0x3FAE];
	_ =	sdelay $0x3  }
0x37: {  	[smem:$0x3FAE] =	sst s10  }
0x38: {  	s10 =	sld [smem:$0x3FAF]  }
0x39: {  	_ = 	snop;
	(pc) =	sbr.ind lr, $3  }
0x3a: {  	_ = 	snop  }
0x3b: {  	_ = 	snop  }
0x3c: {  	p2 =	seq.s32 s10, $0x1;
	s10 =	sld [smem:$0x3FAE]  }
0x3d: {  	_ =	shalt  }
0x3e: {  	_ =	shalt  }
0x3f: {  	_ =	shalt  }
0x40: {  	_ =	shalt  }
0x41: {  	_ =	shalt  }
0x42: {  	_ =	shalt  }
0x43: {  	_ =	shalt  }
0x44: {  	_ =	shalt  }
0x45: {  	_ =	shalt  }
0x46: {  	_ =	shalt  }
0x47: {  	_ =	shalt  }
0x48: {  	_ =	shalt  }
0x49: {  	_ =	shalt  }
0x4a: {  	_ =	shalt  }
0x4b: {  	_ =	shalt  }
0x4c: {  	_ =	shalt  }
0x4d: {  	_ =	shalt  }
0x4e: {  	_ =	shalt  }
0x4f: {  	_ =	shalt  }
0x50: {  	_ =	shalt  }
0x51: {  	_ =	shalt  }
0x52: {  	_ =	shalt  }
0x53: {  	_ =	shalt  }
0x54: {  	_ =	shalt  }
0x55: {  	_ =	shalt  }
0x56: {  	_ =	shalt  }
0x57: {  	_ =	shalt  }
0x58: {  	_ =	shalt  }
0x59: {  	_ =	shalt  }
0x5a: {  	_ =	shalt  }
0x5b: {  	_ =	shalt  }
0x5c: {  	_ =	shalt  }
0x5d: {  	_ =	shalt  }
0x5e: {  	_ =	shalt  }
0x5f: {  	_ =	shalt  }
0x60: {  	_ =	shalt  }
0x61: {  	_ =	shalt  }
0x62: {  	_ =	shalt  }
0x63: {  	_ =	shalt  }
0x64: {  	_ =	shalt  }
0x65: {  	_ =	shalt  }
0x66: {  	_ =	shalt  }
0x67: {  	_ =	shalt  }
0x68: {  	_ =	shalt  }
0x69: {  	_ =	shalt  }
0x6a: {  	_ =	shalt  }
0x6b: {  	_ =	shalt  }
0x6c: {  	_ =	shalt  }
0x6d: {  	_ =	shalt  }
0x6e: {  	_ =	shalt  }
0x6f: {  	_ =	shalt  }
0x70: {  	_ =	shalt  }
0x71: {  	_ =	shalt  }
0x72: {  	_ =	shalt  }
0x73: {  	_ =	shalt  }
0x74: {  	_ =	shalt  }
0x75: {  	_ =	shalt  }
0x76: {  	_ =	shalt  }
0x77: {  	_ =	shalt  }
0x78: {  	_ =	shalt  }
0x79: {  	_ =	shalt  }
0x7a: {  	_ =	shalt  }
0x7b: {  	_ =	shalt  }
0x7c: {  	_ =	shalt  }
0x7d: {  	_ =	shalt  }
0x7e: {  	_ =	shalt  }
0x7f: {  	_ =	shalt  }
0x80: {  	_ =	shalt  }
0x81: {  	_ =	shalt  }
0x82: {  	_ =	shalt  }
0x83: {  	_ =	shalt  }
0x84: {  	_ =	shalt  }
0x85: {  	_ =	shalt  }
0x86: {  	_ =	shalt  }
0x87: {  	_ =	shalt  }
.Lfunc_end0:
.L_simem_size_0:
called_computation.2_lowered:
.L_overlay_start_0:
0x88: {  	s2 =	sld [smem:$0x3FD9]  }
0x89: {  	s3 =	sld [smem:$0x3FFE];
	_ =	sdelay $0x1  }
0x8a: {  	s1 =	srdreg.scid  }
0x8b: {  	s0 =	sand.u32 $0x1, s1  }
0x8c: {  	s17 =	sshll.u32 s0, $0xA;
	s2 =	sadd.s32 s3, s2  }
0x8d: {  	s2 =	sadd.s32 s2, s17  }
0x8e: {  	[smem:$0x3FBA] =	sst s2  }
0x8f: {  	_ = 	snop  }
0x90: {  	(tm) =	ssettm $0x1  }
0x91: {  	s18 =	sld [smem:$0x3FFB];
	_ =	sdelay $0x3  }
0x92: {  	_ =	strace s18  }
0x93: {  	s2 =	sld [smem:$0x3FFC];
	_ =	sdelay $0x3  }
0x94: {  	_ =	strace s2  }
0x95: {  	s2 =	sld [smem:$0x3FFD];
	_ =	sdelay $0x3  }
0x96: {  	_ =	strace s2  }
0x97: {  	_ =	strace $0x8FFFFFFF  }
0x98: {  	s19 =	sld [smem:$0x3FDB];
	_ =	sdelay $0x1  }
0x99: {  	s20 =	simm.s32 $_scs_section_size  }
0x9a: {  	s4 =	simm.s32 $_size__tile_overlayer_lowered;
	s5 =	simm.s32 $_tile_overlayer_lowered  }
0x9b: {  	s6 =	simm.s32 $0x1BFF;
	s21 =	sshll.u32 s5, $0x1;
	s3 =	sadd.s32 s20, s19  }
0x9c: {  	s22 =	simm.s32 $0x0;
	s4 =	sshll.u32 s4, $0x1;
	s5 =	sadd.s32 s21, s3  }
0x9d: {  	[timem:s22], [sflag:s6] =	dma.local [hbm:s5], s4  }
0x9e: {  	_ =	swait.ge [sflag:s6], s4  }
0x9f: {  	s4 =	ssub.s32 $0x0, s4;
	[sflag:s6] =	ssyncset.done $0x0  }
0xa0: {  	[sflag:s6] =	ssyncadd.s32 s4;
	_ =	sdelay $0x1  }
0xa1: {  	s23 =	simm.s32 $0x1B8B  }
0xa2: {  	_ =	swait.ge [sflag:s23], $0x1  }
0xa3: {  	[sflag:s23] =	ssyncset.done $0x0  }
0xa4: {  	[sflag:s23] =	ssyncadd.s32 $0xFFFFFFFF  }
0xa5: {  	s4 =	sld [smem:$0x0]  }
0xa6: {  	s5 =	sand.u32 $0xFFFFFFFE, s1  }
0xa7: {  	p0 =	sne.s32 s1, s5  }
0xa8: {  	s5 =	sshll.u32 @p0 s5, $0xE  }
0xa9: {  	s5 =	sadd.s32 @p0 $0x11B8D, s5;
	s6 =	sshll.u32 @p0 s4, $0x11  }
0xaa: {  	s5 =	sor.u32 @p0 s6, s5  }
0xab: {  	[sflag:s5] =	ssyncadd.remote.s32 @p0 $0x1;
	_ =	sdelay $0x1  }
0xac: {  	s5 =	simm.s32 @p0 $0x1B8D  }
0xad: {  	_ =	swait.eq @p0 [sflag:s5], $0x1  }
0xae: {  	[sflag:s5] =	ssyncadd.s32 @p0 $0xFFFFFFFF  }
0xaf: {  	s6 =	sshll.u32 @!p0 s1, $0xE  }
0xb0: {  	s6 =	sor.u32 @!p0 $0x4000, s6;
	s5 =	simm.s32 @!p0 $0x1B8D  }
0xb1: {  	s4 =	sshll.u32 @!p0 s4, $0x11;
	s6 =	sadd.s32 @!p0 $0x11B8D, s6;
	_ =	swait.eq @!p0 [sflag:s5], $0x1  }
0xb2: {  	s4 =	sor.u32 @!p0 s4, s6;
	[sflag:s5] =	ssyncadd.s32 @!p0 $0xFFFFFFFF  }
0xb3: {  	s25 =	simm.s32 $0x1B8E;
	s24 =	sld [smem:$0x3FFE];
	[sflag:s4] =	ssyncadd.remote.s32 @!p0 $0x1  }
0xb4: {  	s26 =	simm.s32 $execute0_lowered;
	[smem:$0x3FD2] =	sst s25  }
0xb5: {  	s5 =	sshll.u32 s26, $0x1;
	_ =	strace $0x80000049;
	[dreg:$0x1] =	wrdreg $0xFFFFFFFF  }
0xb6: {  	s28 =	simm.s32 $_size_execute0_lowered;
	s3 =	sadd.s32 s3, s5;
	[dreg:$0x0] =	wrdreg $0x0  }
0xb7: {  	s5 =	sshll.u32 s28, $0x1;
	[dreg:$0x2] =	wrdreg s3  }
0xb8: {  	[dreg:$0x3] =	wrdreg s5  }
0xb9: {  	[dreg:$0x4] =	wrdreg $0xC0  }
0xba: {  	_ =	task [dreg:s22], $0x5FFFF  }
0xbb: {  	[dreg:$0x1] =	wrdreg $0xFFFFFFFF  }
0xbc: {  	[dreg:$0x0] =	wrdreg $0x60  }
0xbd: {  	[dreg:$0x2] =	wrdreg s24  }
0xbe: {  	[dreg:$0x3] =	wrdreg $0xA  }
0xbf: {  	_ =	task.clear_ibuf [dreg:s22], $0x4FFFF;
	_ =	strace $0x90000049  }
0xc0: {  	s29 =	simm.s32 $0xA;
	_ =	strace $0x8000004B  }
0xc1: {  	_ =	swait.ge [sflag:s29], $0x1  }
0xc2: {  	[sflag:s29] =	ssyncadd.s32 $0xFFFFFFFF  }
0xc3: {  	_ =	strace $0x9000004B  }
0xc4: {  	_ =	sfence  }
0xc5: {  	s30 =	sld [smem:$0x0];
	_ =	sdelay $0x2  }
0xc6: {  	s31 =	sshll.u32 s1, $0xD;
	s1 =	sshrl.u32 s1, $0x2  }
0xc7: {  	s4 =	sand.u32 $0x4000, s31;
	s1 =	sadd.s32 s1, s30  }
0xc8: {  	s0 =	sor.u32 s4, s0;
	s1 =	sshll.u32 s1, $0x11  }
0xc9: {  	s0 =	sor.u32 s1, s0  }
0xca: {  	s0 =	sadd.s32 $0x8F2B, s0  }
0xcb: {  	[sflag:s0] =	ssyncadd.remote.s32 $0x1  }
0xcc: {  	_ =	sfence.sel $0xFFFF  }
0xcd: {  	[dreg:$0x0] =	wrdreg $0xFFFFFFFF;
	(pc) =	sbr.abs _section_cstart, $3  }
0xce: {  	[dreg:$0x1] =	wrdreg $0xFFFFFFFF  }
0xcf: {  	_ =	task.clear_ibuf [dreg:s22], $0x2FFFF;
	_ =	strace $0x9FFFFFFF  }
0xd0: {  	(tm) =	ssettm $0x7FFFFFFF  }
0xd1: {  	_ =	shalt  }
tec
execute0_lowered:
.L_overlay_start_1:
0x0: {  	(tag) =	ssettag $0x1  }
0x1: {  	s1 =	srdreg.scid  }
0x2: {  	s0 =	stileid.u32;
	s14 =	sand.u32 $0x1, s1  }
0x3: {  	s8 =	rddreg [dreg:$0x0];
	s3 =	sshll.u32 s0, $0xC;
	s4 =	sshll.u32 s14, $0xB  }
0x4: {  	s2 =	simm.s32 $0x0;
	s1 =	rddreg [dreg:$0x1];
	s13 =	sor.u32 s4, s3  }
0x5: {  	[smem:$0x7FF] =	sst s2;
	s15 =	sadd.s32 $0x52600, s8;
	s3 =	sshrl.u32 s13, $0x3  }
0x6: {  	_ =	strace $0x8000004A;
	s4 =	sadd.s32 s15, s3;
	s3 =	simm.s32 $0x2  }
0x7: {  	[tilespmem:s2], [sflag:$0x2] =	stream.linear.gather [hbm4b:s4+s2], $0x200, $0x38;
	[tilespmem:$0x10200] =	vst v63  }
0x8: {  	_ =	swait.ge [sflag:s3], $0x200  }
0x9: {  	s6 =	simm.s32 $0x200;
	[sflag:s3] =	ssyncset.done $0x0  }
0xa: {  	s7 =	simm.s32 $0x1;
	s5 =	sadd.s32 $0x14AE00, s8;
	[sflag:s3] =	ssyncadd.s32 $0xFFFFFE00  }
0xb: {  	[tilespmem:s6], [sflag:$0x1] =	stream.indirect.gather [hbm4b:s5+s6], $0x80, s2, s6, $0xb8;
	[tilespmem:$0x10200] =	vst v63  }
0xc: {  	_ =	swait.ge [sflag:s7], $0x10000  }
0xd: {  	s16 =	sadd.s32 $0x28AE00, s8;
	s29 =	sshll.u32 s13, $0x4;
	[sflag:s7] =	ssyncset.done $0x0  }
0xe: {  	s8 =	sadd.s32 s16, s29;
	[sflag:s7] =	ssyncadd.s32 $0xFFFF0000  }
0xf: {  	[hbm4b:s8+s2] =	stream.linear.scatter [tilespmem:s6], [sflag:$0x2], $0x10000, $0x38;
	[tilespmem:$0x10200] =	vst v63  }
0x10: {  	s10 =	sor.u32 $0x200, s13;
	_ =	swait.ge [sflag:s3], $0x10000  }
0x11: {  	s9 =	sshrl.u32 s10, $0x3;
	[sflag:s3] =	ssyncset.done $0x0  }
0x12: {  	s9 =	sadd.s32 s15, s9;
	[sflag:s3] =	ssyncadd.s32 $0xFFFF0000  }
0x13: {  	[tilespmem:s2], [sflag:$0x2] =	stream.linear.gather [hbm4b:s9+s2], $0x200, $0x38;
	[tilespmem:$0x10200] =	vst v63  }
0x14: {  	_ =	swait.ge [sflag:s3], $0x200  }
0x15: {  	[sflag:s3] =	ssyncset.done $0x0  }
0x16: {  	[sflag:s3] =	ssyncadd.s32 $0xFFFFFE00  }
0x17: {  	[tilespmem:s6], [sflag:$0x1] =	stream.indirect.gather [hbm4b:s5+s6], $0x80, s2, s6, $0xb8;
	[tilespmem:$0x10200] =	vst v63  }
0x18: {  	_ =	swait.ge [sflag:s7], $0x10000  }
0x19: {  	s10 =	sshll.u32 s10, $0x4;
	[sflag:s7] =	ssyncset.done $0x0  }
0x1a: {  	s10 =	sadd.s32 s16, s10;
	[sflag:s7] =	ssyncadd.s32 $0xFFFF0000  }
0x1b: {  	[hbm4b:s10+s2] =	stream.linear.scatter [tilespmem:s6], [sflag:$0x2], $0x10000, $0x38;
	[tilespmem:$0x10200] =	vst v63  }
0x1c: {  	s12 =	sor.u32 $0x400, s13;
	_ =	swait.ge [sflag:s3], $0x10000  }
0x1d: {  	s11 =	sshrl.u32 s12, $0x3;
	[sflag:s3] =	ssyncset.done $0x0  }
0x1e: {  	s11 =	sadd.s32 s15, s11;
	[sflag:s3] =	ssyncadd.s32 $0xFFFF0000  }
0x1f: {  	[tilespmem:s2], [sflag:$0x2] =	stream.linear.gather [hbm4b:s11+s2], $0x200, $0x38;
	[tilespmem:$0x10200] =	vst v63  }
0x20: {  	_ =	swait.ge [sflag:s3], $0x200  }
0x21: {  	[sflag:s3] =	ssyncset.done $0x0  }
0x22: {  	[sflag:s3] =	ssyncadd.s32 $0xFFFFFE00  }
0x23: {  	[tilespmem:s6], [sflag:$0x1] =	stream.indirect.gather [hbm4b:s5+s6], $0x80, s2, s6, $0xb8;
	[tilespmem:$0x10200] =	vst v63  }
0x24: {  	_ =	swait.ge [sflag:s7], $0x10000  }
0x25: {  	s12 =	sshll.u32 s12, $0x4;
	[sflag:s7] =	ssyncset.done $0x0  }
0x26: {  	s12 =	sadd.s32 s16, s12;
	[sflag:s7] =	ssyncadd.s32 $0xFFFF0000  }
0x27: {  	[hbm4b:s12+s2] =	stream.linear.scatter [tilespmem:s6], [sflag:$0x2], $0x10000, $0x38;
	[tilespmem:$0x10200] =	vst v63  }
0x28: {  	s17 =	sor.u32 $0x600, s13;
	_ =	swait.ge [sflag:s3], $0x10000  }
0x29: {  	s13 =	sshrl.u32 s17, $0x3;
	[sflag:s3] =	ssyncset.done $0x0  }
0x2a: {  	s14 =	ssub.s32 $0x2, s14;
	s13 =	sadd.s32 s15, s13;
	[sflag:s3] =	ssyncadd.s32 $0xFFFF0000  }
0x2b: {  	[tilespmem:s2], [sflag:$0x2] =	stream.linear.gather [hbm4b:s13+s2], $0x200, $0x38;
	[tilespmem:$0x10200] =	vst v63  }
0x2c: {  	s30 =	sshrl.u32 s14, $0x1;
	_ =	swait.ge [sflag:s3], $0x200  }
0x2d: {  	s15 =	ssub.s32 s14, s30;
	[sflag:s3] =	ssyncset.done $0x0  }
0x2e: {  	s15 =	smax.u32 s15, $0x1;
	[sflag:s3] =	ssyncadd.s32 $0xFFFFFE00  }
0x2f: {  	[tilespmem:s6], [sflag:$0x1] =	stream.indirect.gather [hbm4b:s5+s6], $0x80, s2, s6, $0xb8;
	[tilespmem:$0x10200] =	vst v63  }
0x30: {  	p0 =	sne.s32 s15, $0x1;
	_ =	swait.ge [sflag:s7], $0x10000  }
.Ltmp0:
0x31: {  	s31 =	sshll.u32 s17, $0x4;
	[sflag:s7] =	ssyncset.done $0x0;
	(pc) =	sbr.rel @!p0 .LBB2_2-.Ltmp0, $4  }
0x32: {  	s14 =	sadd.s32 s16, s31;
	[sflag:s7] =	ssyncadd.s32 $0xFFFF0000  }
0x33: {  	[hbm4b:s14+s2] =	stream.linear.scatter [tilespmem:s6], [sflag:$0x2], $0x10000, $0x38;
	[tilespmem:$0x10200] =	vst v63  }
0x34: {  	_ =	swait.ge [sflag:s3], $0x10000  }
0x35: {  	s15 =	sadd.s32 $0xFFFFFFFF, s15;
	[sflag:s3] =	ssyncset.done $0x0  }
.LBB2_1:
0x36: {  	p0 =	sne.s32 s15, $0x1;
	s15 =	sadd.s32 $0xFFFFFFFF, s15;
	[sflag:s3] =	ssyncadd.s32 $0xFFFF0000  }
0x37: {  	[tilespmem:s2], [sflag:$0x2] =	stream.linear.gather [hbm4b:s4+s2], $0x200, $0x38;
	[tilespmem:$0x10200] =	vst v63  }
0x38: {  	_ =	swait.ge [sflag:s3], $0x200  }
0x39: {  	[sflag:s3] =	ssyncset.done $0x0  }
0x3a: {  	[sflag:s3] =	ssyncadd.s32 $0xFFFFFE00  }
0x3b: {  	[tilespmem:s6], [sflag:$0x1] =	stream.indirect.gather [hbm4b:s5+s6], $0x80, s2, s6, $0xb8;
	[tilespmem:$0x10200] =	vst v63  }
0x3c: {  	_ =	swait.ge [sflag:s7], $0x10000  }
0x3d: {  	[sflag:s7] =	ssyncset.done $0x0  }
0x3e: {  	[sflag:s7] =	ssyncadd.s32 $0xFFFF0000  }
0x3f: {  	[hbm4b:s8+s2] =	stream.linear.scatter [tilespmem:s6], [sflag:$0x2], $0x10000, $0x38;
	[tilespmem:$0x10200] =	vst v63  }
0x40: {  	_ =	swait.ge [sflag:s3], $0x10000  }
0x41: {  	[sflag:s3] =	ssyncset.done $0x0  }
0x42: {  	[sflag:s3] =	ssyncadd.s32 $0xFFFF0000  }
0x43: {  	[tilespmem:s2], [sflag:$0x2] =	stream.linear.gather [hbm4b:s9+s2], $0x200, $0x38;
	[tilespmem:$0x10200] =	vst v63  }
0x44: {  	_ =	swait.ge [sflag:s3], $0x200  }
0x45: {  	[sflag:s3] =	ssyncset.done $0x0  }
0x46: {  	[sflag:s3] =	ssyncadd.s32 $0xFFFFFE00  }
0x47: {  	[tilespmem:s6], [sflag:$0x1] =	stream.indirect.gather [hbm4b:s5+s6], $0x80, s2, s6, $0xb8;
	[tilespmem:$0x10200] =	vst v63  }
0x48: {  	_ =	swait.ge [sflag:s7], $0x10000  }
0x49: {  	[sflag:s7] =	ssyncset.done $0x0  }
0x4a: {  	[sflag:s7] =	ssyncadd.s32 $0xFFFF0000  }
0x4b: {  	[hbm4b:s10+s2] =	stream.linear.scatter [tilespmem:s6], [sflag:$0x2], $0x10000, $0x38;
	[tilespmem:$0x10200] =	vst v63  }
0x4c: {  	_ =	swait.ge [sflag:s3], $0x10000  }
0x4d: {  	[sflag:s3] =	ssyncset.done $0x0  }
0x4e: {  	[sflag:s3] =	ssyncadd.s32 $0xFFFF0000  }
0x4f: {  	[tilespmem:s2], [sflag:$0x2] =	stream.linear.gather [hbm4b:s11+s2], $0x200, $0x38;
	[tilespmem:$0x10200] =	vst v63  }
0x50: {  	_ =	swait.ge [sflag:s3], $0x200  }
0x51: {  	[sflag:s3] =	ssyncset.done $0x0  }
0x52: {  	[sflag:s3] =	ssyncadd.s32 $0xFFFFFE00  }
0x53: {  	[tilespmem:s6], [sflag:$0x1] =	stream.indirect.gather [hbm4b:s5+s6], $0x80, s2, s6, $0xb8;
	[tilespmem:$0x10200] =	vst v63  }
0x54: {  	_ =	swait.ge [sflag:s7], $0x10000  }
0x55: {  	[sflag:s7] =	ssyncset.done $0x0  }
0x56: {  	[sflag:s7] =	ssyncadd.s32 $0xFFFF0000  }
0x57: {  	[hbm4b:s12+s2] =	stream.linear.scatter [tilespmem:s6], [sflag:$0x2], $0x10000, $0x38;
	[tilespmem:$0x10200] =	vst v63  }
0x58: {  	_ =	swait.ge [sflag:s3], $0x10000  }
0x59: {  	[sflag:s3] =	ssyncset.done $0x0  }
0x5a: {  	[sflag:s3] =	ssyncadd.s32 $0xFFFF0000  }
0x5b: {  	[tilespmem:s2], [sflag:$0x2] =	stream.linear.gather [hbm4b:s13+s2], $0x200, $0x38;
	[tilespmem:$0x10200] =	vst v63  }
0x5c: {  	_ =	swait.ge [sflag:s3], $0x200  }
0x5d: {  	[sflag:s3] =	ssyncset.done $0x0  }
0x5e: {  	[sflag:s3] =	ssyncadd.s32 $0xFFFFFE00  }
0x5f: {  	[tilespmem:s6], [sflag:$0x1] =	stream.indirect.gather [hbm4b:s5+s6], $0x80, s2, s6, $0xb8;
	[tilespmem:$0x10200] =	vst v63  }
0x60: {  	_ =	swait.ge [sflag:s7], $0x10000  }
.Ltmp1:
0x61: {  	[sflag:s7] =	ssyncset.done $0x0;
	(pc) =	sbr.rel @p0 .LBB2_1-.Ltmp1, $4  }
0x62: {  	[sflag:s7] =	ssyncadd.s32 $0xFFFF0000  }
0x63: {  	[hbm4b:s14+s2] =	stream.linear.scatter [tilespmem:s6], [sflag:$0x2], $0x10000, $0x38;
	[tilespmem:$0x10200] =	vst v63  }
0x64: {  	_ =	swait.ge [sflag:s3], $0x10000  }
0x65: {  	[sflag:s3] =	ssyncset.done $0x0  }
.LBB2_2:
0x66: {  	[sflag:s3] =	ssyncadd.s32 $0xFFFF0000  }
0x67: {  	_ =	sfence.sel $0x180000  }
0x68: {  	[bflag:$0x0] =	sbarrier.arrive $0xFFFF  }
0x69: {  	p0 =	sne.s32 s0, $0x0;
	_ =	strace $0x9000004A  }
0x6a: {  	s0 =	sadd.s32 @!p0 $0x100000, s1;
	[bflag:$0x2] =	sbarrier.arrive $0xFFFF  }
0x6b: {  	[sflag:s0] =	ssyncadd.tile.s32 @!p0 $0x1;
	_ =	shalt  }
.Lfunc_end2:
_tile_overlayer_lowered:
.L_overlay_start_2:
0x6c: {  	(tag) =	ssettag $0x2  }
0x6d: {  	s0 =	rddreg [dreg:$0x0];
	s2 =	stileid.u32  }
0x6e: {  	s1 =	rddreg [dreg:$0x1];
	p0 =	sne.s32 s2, $0x0  }
0x6f: {  	s3 =	rddreg [dreg:$0x2];
	[bflag:$0x3] =	sbarrier.arrive $0xFFFF;
	s2 =	simm.s32 @!p0 $0x1C02  }
0x70: {  	[timem:s3], [sflag:s2] =	dma.local @!p0 [hbm:s0], s1  }
0x71: {  	s0 =	simm.s32 @!p0 $0x2  }
0x72: {  	_ =	swait.ge @!p0 [sflag:s0], s1  }
0x73: {  	s1 =	ssub.s32 @!p0 $0x0, s1;
	[sflag:s0] =	ssyncset.done @!p0 $0x0  }
0x74: {  	[sflag:s0] =	ssyncadd.s32 @!p0 s1  }
0x75: {  	[bflag:$0x3] =	sbarrier.arrive $0xFFFF  }
0x76: {  	_ =	shalt  }

// kernel: kernel.33.cloned.1.call-start
scs
__scs_entry_jumppad:
0x0: {  	(pc) =	sbr.rel $0x88, $3  }
0x1: {  	(tag) =	ssettag $0x0;
	lr =	simm.s32 $0x1  }
0x2: {  	[smem:$0x3F93] =	sst lr;
	_ =	strace $0xD0000000  }
0x3: {  	_ = 	snop  }
0x4: {  	_ = 	snop  }
0x5: {  	_ = 	snop  }
0x6: {  	_ = 	snop  }
0x7: {  	_ = 	snop  }
__scs_overlays_trampoline_lowered:
0x8: {  	[smem:$0x3FA2] =	sst s0  }
0x9: {  	[smem:$0x3FA3] =	sst s1  }
0xa: {  	[smem:$0x3FA4] =	sst s2  }
0xb: {  	[smem:$0x3FA5] =	sst s3  }
0xc: {  	[smem:$0x3FA6] =	sst s4  }
0xd: {  	[smem:$0x3FA7] =	sst s5  }
0xe: {  	[smem:$0x3FA8] =	sst s6  }
0xf: {  	[smem:$0x3FA9] =	sst s7  }
0x10: {  	[smem:$0x3FAA] =	sst s8  }
0x11: {  	[smem:$0x3FAB] =	sst s9;
	s0 =	simm.s32 @!p0 $0x0  }
0x12: {  	s1 =	sld [smem:$0x3F91];
	s0 =	simm.s32 @p0 $0x1  }
0x13: {  	[smem:$0x3FAC] =	sst s0;
	s0 =	simm.s32 @!p1 $0x0  }
0x14: {  	s2 =	sld [smem:$0x3F90];
	s0 =	simm.s32 @p1 $0x1  }
0x15: {  	[smem:$0x3FAD] =	sst s0;
	s0 =	simm.s32 @!p2 $0x0  }
0x16: {  	s3 =	sld [smem:$0x3FDB];
	s0 =	simm.s32 @p2 $0x1  }
0x17: {  	s4 =	simm.s32 $0x1BF5;
	[smem:$0x3FAF] =	sst s0  }
0x18: {  	s0 =	sld [smem:$0x3F92];
	_ =	swait.ge [sflag:s4], $0x0  }
0x19: {  	s7 =	sld [smem:$0x3F93]  }
0x1a: {  	s8 =	sadd.s32 $0xFFFFE003, lr  }
0x1b: {  	s9 =	sadd.s32 $0xFFFFFEF7, lr;
	s5 =	simm.s32 $0xFFFFFFFF;
	p2 =	slt.u32 s8, $0xFFFFF086  }
0x1c: {  	p1 =	slt.u32 s9, $0xF7A;
	s5 =	simm.s32 @!p2 $0x0  }
0x1d: {  	s5 =	simm.s32 @p1 $0x1;
	p0 =	seq.s32 s7, s2  }
0x1e: {  	s7 =	smul.u32 @!p0 $0xF7A, s2;
	p2 =	seq.s32 @!p0 s5, $0x0  }
0x1f: {  	s9 =	smul.u32 $0xF7A, s1;
	s8 =	simm.s32 @!p0 $0x1BF5;
	p2 =	por !p2, p0  }
0x20: {  	[sflag:s8] =	ssyncset.s32 @!p0 $0xFFFFF086;
	s6 =	sadd.s32 @!p0 s3, s7;
	s7 =	simm.s32 @!p0 $0x108  }
0x21: {  	s3 =	sadd.s32 s3, s9;
	s6 =	sadd.s32 @!p0 $0x88, s6;
	s7 =	simm.s32 @p2 $0x1082  }
0x22: {  	[simem:s7], [sflag:s8] =	dma.local @!p0 [hbm:s6], $0xF7A  }
0x23: {  	s9 =	sor.u32 $0xD0000000, s2;
	s6 =	simm.s32 $0x108;
	_ =	swait.ge @!p0 [sflag:s8], $0x0  }
0x24: {  	s3 =	sadd.s32 $0x88, s3;
	s6 =	simm.s32 @!p1 $0x1082;
	[sflag:s4] =	ssyncset.s32 $0xFFFFF086  }
0x25: {  	[simem:s6], [sflag:s4] =	dma.local [hbm:s3], $0xF7A  }
0x26: {  	[smem:$0x3F93] =	sst s1;
	(tag) =	ssettag s2;
	_ =	strace s9  }
0x27: {  	s1 =	sld [smem:$0x3FA3]  }
0x28: {  	s2 =	sld [smem:$0x3FA4]  }
0x29: {  	s4 =	sld [smem:$0x3FA6]  }
0x2a: {  	p0 =	seq.s32 s5, $0x0;
	s5 =	sld [smem:$0x3FA7]  }
0x2b: {  	s6 =	sld [smem:$0x3FA8]  }
0x2c: {  	s7 =	sld [smem:$0x3FA9]  }
0x2d: {  	s3 =	simm.s32 $0x108;
	s8 =	sld [smem:$0x3FAA]  }
0x2e: {  	s3 =	simm.s32 @!p0 $0x1082;
	s9 =	sld [smem:$0x3FAB]  }
0x2f: {  	lr =	sadd.s32 s0, s3;
	s0 =	sld [smem:$0x3FA2]  }
0x30: {  	s3 =	sld [smem:$0x3FA5]  }
0x31: {  	[smem:$0x3FAE] =	sst s10  }
0x32: {  	s10 =	sld [smem:$0x3FAC];
	_ =	sdelay $0x3  }
0x33: {  	p0 =	seq.s32 s10, $0x1;
	s10 =	sld [smem:$0x3FAE];
	_ =	sdelay $0x3  }
0x34: {  	[smem:$0x3FAE] =	sst s10  }
0x35: {  	s10 =	sld [smem:$0x3FAD];
	_ =	sdelay $0x3  }
0x36: {  	p1 =	seq.s32 s10, $0x1;
	s10 =	sld [smem:$0x3FAE];
	_ =	sdelay $0x3  }
0x37: {  	[smem:$0x3FAE] =	sst s10  }
0x38: {  	s10 =	sld [smem:$0x3FAF]  }
0x39: {  	_ = 	snop;
	(pc) =	sbr.ind lr, $3  }
0x3a: {  	_ = 	snop  }
0x3b: {  	_ = 	snop  }
0x3c: {  	p2 =	seq.s32 s10, $0x1;
	s10 =	sld [smem:$0x3FAE]  }
0x3d: {  	_ =	shalt  }
0x3e: {  	_ =	shalt  }
0x3f: {  	_ =	shalt  }
0x40: {  	_ =	shalt  }
0x41: {  	_ =	shalt  }
0x42: {  	_ =	shalt  }
0x43: {  	_ =	shalt  }
0x44: {  	_ =	shalt  }
0x45: {  	_ =	shalt  }
0x46: {  	_ =	shalt  }
0x47: {  	_ =	shalt  }
0x48: {  	_ =	shalt  }
0x49: {  	_ =	shalt  }
0x4a: {  	_ =	shalt  }
0x4b: {  	_ =	shalt  }
0x4c: {  	_ =	shalt  }
0x4d: {  	_ =	shalt  }
0x4e: {  	_ =	shalt  }
0x4f: {  	_ =	shalt  }
0x50: {  	_ =	shalt  }
0x51: {  	_ =	shalt  }
0x52: {  	_ =	shalt  }
0x53: {  	_ =	shalt  }
0x54: {  	_ =	shalt  }
0x55: {  	_ =	shalt  }
0x56: {  	_ =	shalt  }
0x57: {  	_ =	shalt  }
0x58: {  	_ =	shalt  }
0x59: {  	_ =	shalt  }
0x5a: {  	_ =	shalt  }
0x5b: {  	_ =	shalt  }
0x5c: {  	_ =	shalt  }
0x5d: {  	_ =	shalt  }
0x5e: {  	_ =	shalt  }
0x5f: {  	_ =	shalt  }
0x60: {  	_ =	shalt  }
0x61: {  	_ =	shalt  }
0x62: {  	_ =	shalt  }
0x63: {  	_ =	shalt  }
0x64: {  	_ =	shalt  }
0x65: {  	_ =	shalt  }
0x66: {  	_ =	shalt  }
0x67: {  	_ =	shalt  }
0x68: {  	_ =	shalt  }
0x69: {  	_ =	shalt  }
0x6a: {  	_ =	shalt  }
0x6b: {  	_ =	shalt  }
0x6c: {  	_ =	shalt  }
0x6d: {  	_ =	shalt  }
0x6e: {  	_ =	shalt  }
0x6f: {  	_ =	shalt  }
0x70: {  	_ =	shalt  }
0x71: {  	_ =	shalt  }
0x72: {  	_ =	shalt  }
0x73: {  	_ =	shalt  }
0x74: {  	_ =	shalt  }
0x75: {  	_ =	shalt  }
0x76: {  	_ =	shalt  }
0x77: {  	_ =	shalt  }
0x78: {  	_ =	shalt  }
0x79: {  	_ =	shalt  }
0x7a: {  	_ =	shalt  }
0x7b: {  	_ =	shalt  }
0x7c: {  	_ =	shalt  }
0x7d: {  	_ =	shalt  }
0x7e: {  	_ =	shalt  }
0x7f: {  	_ =	shalt  }
0x80: {  	_ =	shalt  }
0x81: {  	_ =	shalt  }
0x82: {  	_ =	shalt  }
0x83: {  	_ =	shalt  }
0x84: {  	_ =	shalt  }
0x85: {  	_ =	shalt  }
0x86: {  	_ =	shalt  }
0x87: {  	_ =	shalt  }
.Lfunc_end0:
.L_simem_size_0:
called_computation.3_lowered:
.L_overlay_start_0:
0x88: {  	s2 =	sld [smem:$0x3FD9]  }
0x89: {  	s3 =	sld [smem:$0x3FFE];
	_ =	sdelay $0x1  }
0x8a: {  	s1 =	srdreg.scid  }
0x8b: {  	s0 =	sand.u32 $0x1, s1  }
0x8c: {  	s17 =	sshll.u32 s0, $0xA;
	s2 =	sadd.s32 s3, s2  }
0x8d: {  	s2 =	sadd.s32 s2, s17  }
0x8e: {  	[smem:$0x3FBA] =	sst s2  }
0x8f: {  	_ = 	snop  }
0x90: {  	(tm) =	ssettm $0x1  }
0x91: {  	s18 =	sld [smem:$0x3FFB];
	_ =	sdelay $0x3  }
0x92: {  	_ =	strace s18  }
0x93: {  	s2 =	sld [smem:$0x3FFC];
	_ =	sdelay $0x3  }
0x94: {  	_ =	strace s2  }
0x95: {  	s2 =	sld [smem:$0x3FFD];
	_ =	sdelay $0x3  }
0x96: {  	_ =	strace s2  }
0x97: {  	_ =	strace $0x8FFFFFFF  }
0x98: {  	s19 =	sld [smem:$0x3FDB];
	_ =	sdelay $0x1  }
0x99: {  	s20 =	simm.s32 $_scs_section_size  }
0x9a: {  	s4 =	simm.s32 $_size__tile_overlayer_lowered;
	s5 =	simm.s32 $_tile_overlayer_lowered  }
0x9b: {  	s6 =	simm.s32 $0x1BFF;
	s21 =	sshll.u32 s5, $0x1;
	s3 =	sadd.s32 s20, s19  }
0x9c: {  	s22 =	simm.s32 $0x0;
	s4 =	sshll.u32 s4, $0x1;
	s5 =	sadd.s32 s21, s3  }
0x9d: {  	[timem:s22], [sflag:s6] =	dma.local [hbm:s5], s4  }
0x9e: {  	_ =	swait.ge [sflag:s6], s4  }
0x9f: {  	s4 =	ssub.s32 $0x0, s4;
	[sflag:s6] =	ssyncset.done $0x0  }
0xa0: {  	[sflag:s6] =	ssyncadd.s32 s4;
	_ =	sdelay $0x1  }
0xa1: {  	s23 =	simm.s32 $0x1B8B  }
0xa2: {  	_ =	swait.ge [sflag:s23], $0x1  }
0xa3: {  	[sflag:s23] =	ssyncset.done $0x0  }
0xa4: {  	[sflag:s23] =	ssyncadd.s32 $0xFFFFFFFF  }
0xa5: {  	s4 =	sld [smem:$0x0]  }
0xa6: {  	s5 =	sand.u32 $0xFFFFFFFE, s1  }
0xa7: {  	p0 =	sne.s32 s1, s5  }
0xa8: {  	s5 =	sshll.u32 @p0 s5, $0xE  }
0xa9: {  	s5 =	sadd.s32 @p0 $0x11B8D, s5;
	s6 =	sshll.u32 @p0 s4, $0x11  }
0xaa: {  	s5 =	sor.u32 @p0 s6, s5  }
0xab: {  	[sflag:s5] =	ssyncadd.remote.s32 @p0 $0x1;
	_ =	sdelay $0x1  }
0xac: {  	s5 =	simm.s32 @p0 $0x1B8D  }
0xad: {  	_ =	swait.eq @p0 [sflag:s5], $0x1  }
0xae: {  	[sflag:s5] =	ssyncadd.s32 @p0 $0xFFFFFFFF  }
0xaf: {  	s6 =	sshll.u32 @!p0 s1, $0xE  }
0xb0: {  	s6 =	sor.u32 @!p0 $0x4000, s6;
	s5 =	simm.s32 @!p0 $0x1B8D  }
0xb1: {  	s4 =	sshll.u32 @!p0 s4, $0x11;
	s6 =	sadd.s32 @!p0 $0x11B8D, s6;
	_ =	swait.eq @!p0 [sflag:s5], $0x1  }
0xb2: {  	s4 =	sor.u32 @!p0 s4, s6;
	[sflag:s5] =	ssyncadd.s32 @!p0 $0xFFFFFFFF  }
0xb3: {  	s25 =	simm.s32 $0x1B8E;
	s24 =	sld [smem:$0x3FFE];
	[sflag:s4] =	ssyncadd.remote.s32 @!p0 $0x1  }
0xb4: {  	s26 =	simm.s32 $execute0_lowered;
	[smem:$0x3FD2] =	sst s25  }
0xb5: {  	s5 =	sshll.u32 s26, $0x1;
	_ =	strace $0x8000004F;
	[dreg:$0x1] =	wrdreg $0xFFFFFFFF  }
0xb6: {  	s28 =	simm.s32 $_size_execute0_lowered;
	s3 =	sadd.s32 s3, s5;
	[dreg:$0x0] =	wrdreg $0x0  }
0xb7: {  	s5 =	sshll.u32 s28, $0x1;
	[dreg:$0x2] =	wrdreg s3  }
0xb8: {  	[dreg:$0x3] =	wrdreg s5  }
0xb9: {  	[dreg:$0x4] =	wrdreg $0xC0  }
0xba: {  	_ =	task [dreg:s22], $0x5FFFF  }
0xbb: {  	[dreg:$0x1] =	wrdreg $0xFFFFFFFF  }
0xbc: {  	[dreg:$0x0] =	wrdreg $0x60  }
0xbd: {  	[dreg:$0x2] =	wrdreg s24  }
0xbe: {  	[dreg:$0x3] =	wrdreg $0xA  }
0xbf: {  	_ =	task.clear_ibuf [dreg:s22], $0x4FFFF;
	_ =	strace $0x9000004F  }
0xc0: {  	s29 =	simm.s32 $0xA;
	_ =	strace $0x80000051  }
0xc1: {  	_ =	swait.ge [sflag:s29], $0x1  }
0xc2: {  	[sflag:s29] =	ssyncadd.s32 $0xFFFFFFFF  }
0xc3: {  	_ =	strace $0x90000051  }
0xc4: {  	_ =	sfence  }
0xc5: {  	s30 =	sld [smem:$0x0];
	_ =	sdelay $0x2  }
0xc6: {  	s31 =	sshll.u32 s1, $0xD;
	s1 =	sshrl.u32 s1, $0x2  }
0xc7: {  	s4 =	sand.u32 $0x4000, s31;
	s1 =	sadd.s32 s1, s30  }
0xc8: {  	s0 =	sor.u32 s4, s0;
	s1 =	sshll.u32 s1, $0x11  }
0xc9: {  	s0 =	sor.u32 s1, s0  }
0xca: {  	s0 =	sadd.s32 $0x8F2B, s0  }
0xcb: {  	[sflag:s0] =	ssyncadd.remote.s32 $0x1  }
0xcc: {  	_ =	sfence.sel $0xFFFF  }
0xcd: {  	[dreg:$0x0] =	wrdreg $0xFFFFFFFF;
	(pc) =	sbr.abs _section_cstart, $3  }
0xce: {  	[dreg:$0x1] =	wrdreg $0xFFFFFFFF  }
0xcf: {  	_ =	task.clear_ibuf [dreg:s22], $0x2FFFF;
	_ =	strace $0x9FFFFFFF  }
0xd0: {  	(tm) =	ssettm $0x7FFFFFFF  }
0xd1: {  	_ =	shalt  }
tec
execute0_lowered:
.L_overlay_start_1:
0x0: {  	(tag) =	ssettag $0x1  }
0x1: {  	s1 =	srdreg.scid  }
0x2: {  	s0 =	stileid.u32;
	s14 =	sand.u32 $0x1, s1  }
0x3: {  	s7 =	rddreg [dreg:$0x0];
	s3 =	sshll.u32 s0, $0xC;
	s4 =	sshll.u32 s14, $0xB  }
0x4: {  	s2 =	simm.s32 $0x0;
	s1 =	rddreg [dreg:$0x1];
	s13 =	sor.u32 s4, s3  }
0x5: {  	[smem:$0x7FF] =	sst s2;
	s15 =	sadd.s32 $0x4E600, s7;
	s3 =	sshrl.u32 s13, $0x3  }
0x6: {  	_ =	strace $0x80000050;
	s4 =	simm.s32 $0x2;
	s3 =	sadd.s32 s15, s3  }
0x7: {  	[tilespmem:s2], [sflag:$0x2] =	stream.linear.gather [hbm4b:s3+s2], $0x200, $0x38;
	[tilespmem:$0x10200] =	vst v63  }
0x8: {  	_ =	swait.ge [sflag:s4], $0x200  }
0x9: {  	s16 =	sadd.s32 $0x48AE00, s7;
	s5 =	sshll.u32 s13, $0x4;
	[sflag:s4] =	ssyncset.done $0x0  }
0xa: {  	s6 =	simm.s32 $0x200;
	s5 =	sadd.s32 s16, s5;
	[sflag:s4] =	ssyncadd.s32 $0xFFFFFE00  }
0xb: {  	[tilespmem:s6], [sflag:$0x2] =	stream.linear.gather [hbm4b:s5+s2], $0x10000, $0x38;
	[tilespmem:$0x10200] =	vst v63  }
0xc: {  	_ =	swait.ge [sflag:s4], $0x10000  }
0xd: {  	[sflag:s4] =	ssyncset.done $0x0  }
0xe: {  	s8 =	sadd.s32 $0x28AE00, s7;
	s7 =	simm.s32 $0x1;
	[sflag:s4] =	ssyncadd.s32 $0xFFFF0000  }
0xf: {  	[hbm4b:s8+s6] =	stream.indirect.scatter [tilespmem:s6], [sflag:$0x1], $0x80, s2, s6, $0xb8;
	[tilespmem:$0x10200] =	vst v63  }
0x10: {  	s10 =	sor.u32 $0x200, s13;
	_ =	swait.ge [sflag:s7], $0x10000  }
0x11: {  	s9 =	sshrl.u32 s10, $0x3;
	[sflag:s7] =	ssyncset.done $0x0  }
0x12: {  	s9 =	sadd.s32 s15, s9;
	[sflag:s7] =	ssyncadd.s32 $0xFFFF0000  }
0x13: {  	[tilespmem:s2], [sflag:$0x2] =	stream.linear.gather [hbm4b:s9+s2], $0x200, $0x38;
	[tilespmem:$0x10200] =	vst v63  }
0x14: {  	_ =	swait.ge [sflag:s4], $0x200  }
0x15: {  	s10 =	sshll.u32 s10, $0x4;
	[sflag:s4] =	ssyncset.done $0x0  }
0x16: {  	s10 =	sadd.s32 s16, s10;
	[sflag:s4] =	ssyncadd.s32 $0xFFFFFE00  }
0x17: {  	[tilespmem:s6], [sflag:$0x2] =	stream.linear.gather [hbm4b:s10+s2], $0x10000, $0x38;
	[tilespmem:$0x10200] =	vst v63  }
0x18: {  	_ =	swait.ge [sflag:s4], $0x10000  }
0x19: {  	[sflag:s4] =	ssyncset.done $0x0  }
0x1a: {  	[sflag:s4] =	ssyncadd.s32 $0xFFFF0000  }
0x1b: {  	[hbm4b:s8+s6] =	stream.indirect.scatter [tilespmem:s6], [sflag:$0x1], $0x80, s2, s6, $0xb8;
	[tilespmem:$0x10200] =	vst v63  }
0x1c: {  	s12 =	sor.u32 $0x400, s13;
	_ =	swait.ge [sflag:s7], $0x10000  }
0x1d: {  	s11 =	sshrl.u32 s12, $0x3;
	[sflag:s7] =	ssyncset.done $0x0  }
0x1e: {  	s11 =	sadd.s32 s15, s11;
	[sflag:s7] =	ssyncadd.s32 $0xFFFF0000  }
0x1f: {  	[tilespmem:s2], [sflag:$0x2] =	stream.linear.gather [hbm4b:s11+s2], $0x200, $0x38;
	[tilespmem:$0x10200] =	vst v63  }
0x20: {  	_ =	swait.ge [sflag:s4], $0x200  }
0x21: {  	s12 =	sshll.u32 s12, $0x4;
	[sflag:s4] =	ssyncset.done $0x0  }
0x22: {  	s12 =	sadd.s32 s16, s12;
	[sflag:s4] =	ssyncadd.s32 $0xFFFFFE00  }
0x23: {  	[tilespmem:s6], [sflag:$0x2] =	stream.linear.gather [hbm4b:s12+s2], $0x10000, $0x38;
	[tilespmem:$0x10200] =	vst v63  }
0x24: {  	_ =	swait.ge [sflag:s4], $0x10000  }
0x25: {  	[sflag:s4] =	ssyncset.done $0x0  }
0x26: {  	[sflag:s4] =	ssyncadd.s32 $0xFFFF0000  }
0x27: {  	[hbm4b:s8+s6] =	stream.indirect.scatter [tilespmem:s6], [sflag:$0x1], $0x80, s2, s6, $0xb8;
	[tilespmem:$0x10200] =	vst v63  }
0x28: {  	s17 =	sor.u32 $0x600, s13;
	_ =	swait.ge [sflag:s7], $0x10000  }
0x29: {  	s13 =	sshrl.u32 s17, $0x3;
	[sflag:s7] =	ssyncset.done $0x0  }
0x2a: {  	s30 =	ssub.s32 $0x2, s14;
	s13 =	sadd.s32 s15, s13;
	[sflag:s7] =	ssyncadd.s32 $0xFFFF0000  }
0x2b: {  	[tilespmem:s2], [sflag:$0x2] =	stream.linear.gather [hbm4b:s13+s2], $0x200, $0x38;
	[tilespmem:$0x10200] =	vst v63  }
0x2c: {  	s31 =	sshrl.u32 s30, $0x1;
	_ =	swait.ge [sflag:s4], $0x200  }
0x2d: {  	s29 =	sshll.u32 s17, $0x4;
	s15 =	ssub.s32 s30, s31;
	[sflag:s4] =	ssyncset.done $0x0  }
0x2e: {  	s14 =	sadd.s32 s16, s29;
	s15 =	smax.u32 s15, $0x1;
	[sflag:s4] =	ssyncadd.s32 $0xFFFFFE00  }
0x2f: {  	[tilespmem:s6], [sflag:$0x2] =	stream.linear.gather [hbm4b:s14+s2], $0x10000, $0x38;
	[tilespmem:$0x10200] =	vst v63  }
0x30: {  	p0 =	sne.s32 s15, $0x1;
	_ =	swait.ge [sflag:s4], $0x10000  }
.Ltmp0:
0x31: {  	[sflag:s4] =	ssyncset.done $0x0;
	(pc) =	sbr.rel @!p0 .LBB2_2-.Ltmp0, $4  }
0x32: {  	[sflag:s4] =	ssyncadd.s32 $0xFFFF0000  }
0x33: {  	[hbm4b:s8+s6] =	stream.indirect.scatter [tilespmem:s6], [sflag:$0x1], $0x80, s2, s6, $0xb8;
	[tilespmem:$0x10200] =	vst v63  }
0x34: {  	_ =	swait.ge [sflag:s7], $0x10000  }
0x35: {  	s15 =	sadd.s32 $0xFFFFFFFF, s15;
	[sflag:s7] =	ssyncset.done $0x0  }
.LBB2_1:
0x36: {  	p0 =	sne.s32 s15, $0x1;
	s15 =	sadd.s32 $0xFFFFFFFF, s15;
	[sflag:s7] =	ssyncadd.s32 $0xFFFF0000  }
0x37: {  	[tilespmem:s2], [sflag:$0x2] =	stream.linear.gather [hbm4b:s3+s2], $0x200, $0x38;
	[tilespmem:$0x10200] =	vst v63  }
0x38: {  	_ =	swait.ge [sflag:s4], $0x200  }
0x39: {  	[sflag:s4] =	ssyncset.done $0x0  }
0x3a: {  	[sflag:s4] =	ssyncadd.s32 $0xFFFFFE00  }
0x3b: {  	[tilespmem:s6], [sflag:$0x2] =	stream.linear.gather [hbm4b:s5+s2], $0x10000, $0x38;
	[tilespmem:$0x10200] =	vst v63  }
0x3c: {  	_ =	swait.ge [sflag:s4], $0x10000  }
0x3d: {  	[sflag:s4] =	ssyncset.done $0x0  }
0x3e: {  	[sflag:s4] =	ssyncadd.s32 $0xFFFF0000  }
0x3f: {  	[hbm4b:s8+s6] =	stream.indirect.scatter [tilespmem:s6], [sflag:$0x1], $0x80, s2, s6, $0xb8;
	[tilespmem:$0x10200] =	vst v63  }
0x40: {  	_ =	swait.ge [sflag:s7], $0x10000  }
0x41: {  	[sflag:s7] =	ssyncset.done $0x0  }
0x42: {  	[sflag:s7] =	ssyncadd.s32 $0xFFFF0000  }
0x43: {  	[tilespmem:s2], [sflag:$0x2] =	stream.linear.gather [hbm4b:s9+s2], $0x200, $0x38;
	[tilespmem:$0x10200] =	vst v63  }
0x44: {  	_ =	swait.ge [sflag:s4], $0x200  }
0x45: {  	[sflag:s4] =	ssyncset.done $0x0  }
0x46: {  	[sflag:s4] =	ssyncadd.s32 $0xFFFFFE00  }
0x47: {  	[tilespmem:s6], [sflag:$0x2] =	stream.linear.gather [hbm4b:s10+s2], $0x10000, $0x38;
	[tilespmem:$0x10200] =	vst v63  }
0x48: {  	_ =	swait.ge [sflag:s4], $0x10000  }
0x49: {  	[sflag:s4] =	ssyncset.done $0x0  }
0x4a: {  	[sflag:s4] =	ssyncadd.s32 $0xFFFF0000  }
0x4b: {  	[hbm4b:s8+s6] =	stream.indirect.scatter [tilespmem:s6], [sflag:$0x1], $0x80, s2, s6, $0xb8;
	[tilespmem:$0x10200] =	vst v63  }
0x4c: {  	_ =	swait.ge [sflag:s7], $0x10000  }
0x4d: {  	[sflag:s7] =	ssyncset.done $0x0  }
0x4e: {  	[sflag:s7] =	ssyncadd.s32 $0xFFFF0000  }
0x4f: {  	[tilespmem:s2], [sflag:$0x2] =	stream.linear.gather [hbm4b:s11+s2], $0x200, $0x38;
	[tilespmem:$0x10200] =	vst v63  }
0x50: {  	_ =	swait.ge [sflag:s4], $0x200  }
0x51: {  	[sflag:s4] =	ssyncset.done $0x0  }
0x52: {  	[sflag:s4] =	ssyncadd.s32 $0xFFFFFE00  }
0x53: {  	[tilespmem:s6], [sflag:$0x2] =	stream.linear.gather [hbm4b:s12+s2], $0x10000, $0x38;
	[tilespmem:$0x10200] =	vst v63  }
0x54: {  	_ =	swait.ge [sflag:s4], $0x10000  }
0x55: {  	[sflag:s4] =	ssyncset.done $0x0  }
0x56: {  	[sflag:s4] =	ssyncadd.s32 $0xFFFF0000  }
0x57: {  	[hbm4b:s8+s6] =	stream.indirect.scatter [tilespmem:s6], [sflag:$0x1], $0x80, s2, s6, $0xb8;
	[tilespmem:$0x10200] =	vst v63  }
0x58: {  	_ =	swait.ge [sflag:s7], $0x10000  }
0x59: {  	[sflag:s7] =	ssyncset.done $0x0  }
0x5a: {  	[sflag:s7] =	ssyncadd.s32 $0xFFFF0000  }
0x5b: {  	[tilespmem:s2], [sflag:$0x2] =	stream.linear.gather [hbm4b:s13+s2], $0x200, $0x38;
	[tilespmem:$0x10200] =	vst v63  }
0x5c: {  	_ =	swait.ge [sflag:s4], $0x200  }
0x5d: {  	[sflag:s4] =	ssyncset.done $0x0  }
0x5e: {  	[sflag:s4] =	ssyncadd.s32 $0xFFFFFE00  }
0x5f: {  	[tilespmem:s6], [sflag:$0x2] =	stream.linear.gather [hbm4b:s14+s2], $0x10000, $0x38;
	[tilespmem:$0x10200] =	vst v63  }
0x60: {  	_ =	swait.ge [sflag:s4], $0x10000  }
.Ltmp1:
0x61: {  	[sflag:s4] =	ssyncset.done $0x0;
	(pc) =	sbr.rel @p0 .LBB2_1-.Ltmp1, $4  }
0x62: {  	[sflag:s4] =	ssyncadd.s32 $0xFFFF0000  }
0x63: {  	[hbm4b:s8+s6] =	stream.indirect.scatter [tilespmem:s6], [sflag:$0x1], $0x80, s2, s6, $0xb8;
	[tilespmem:$0x10200] =	vst v63  }
0x64: {  	_ =	swait.ge [sflag:s7], $0x10000  }
0x65: {  	[sflag:s7] =	ssyncset.done $0x0  }
.LBB2_2:
0x66: {  	[sflag:s7] =	ssyncadd.s32 $0xFFFF0000  }
0x67: {  	_ =	sfence.sel $0x180000  }
0x68: {  	[bflag:$0x0] =	sbarrier.arrive $0xFFFF  }
0x69: {  	p0 =	sne.s32 s0, $0x0;
	_ =	strace $0x90000050  }
0x6a: {  	s0 =	sadd.s32 @!p0 $0x100000, s1;
	[bflag:$0x2] =	sbarrier.arrive $0xFFFF  }
0x6b: {  	[sflag:s0] =	ssyncadd.tile.s32 @!p0 $0x1;
	_ =	shalt  }
.Lfunc_end2:
_tile_overlayer_lowered:
.L_overlay_start_2:
0x6c: {  	(tag) =	ssettag $0x2  }
0x6d: {  	s0 =	rddreg [dreg:$0x0];
	s2 =	stileid.u32  }
0x6e: {  	s1 =	rddreg [dreg:$0x1];
	p0 =	sne.s32 s2, $0x0  }
0x6f: {  	s3 =	rddreg [dreg:$0x2];
	[bflag:$0x3] =	sbarrier.arrive $0xFFFF;
	s2 =	simm.s32 @!p0 $0x1C02  }
0x70: {  	[timem:s3], [sflag:s2] =	dma.local @!p0 [hbm:s0], s1  }
0x71: {  	s0 =	simm.s32 @!p0 $0x2  }
0x72: {  	_ =	swait.ge @!p0 [sflag:s0], s1  }
0x73: {  	s1 =	ssub.s32 @!p0 $0x0, s1;
	[sflag:s0] =	ssyncset.done @!p0 $0x0  }
0x74: {  	[sflag:s0] =	ssyncadd.s32 @!p0 s1  }
0x75: {  	[bflag:$0x3] =	sbarrier.arrive $0xFFFF  }
0x76: {  	_ =	shalt  }

// kernel: kernel.36.cloned.1.call-start
scs
__scs_entry_jumppad:
0x0: {  	(pc) =	sbr.rel $0x88, $3  }
0x1: {  	(tag) =	ssettag $0x0;
	lr =	simm.s32 $0x1  }
0x2: {  	[smem:$0x3F93] =	sst lr;
	_ =	strace $0xD0000000  }
0x3: {  	_ = 	snop  }
0x4: {  	_ = 	snop  }
0x5: {  	_ = 	snop  }
0x6: {  	_ = 	snop  }
0x7: {  	_ = 	snop  }
__scs_overlays_trampoline_lowered:
0x8: {  	[smem:$0x3FA2] =	sst s0  }
0x9: {  	[smem:$0x3FA3] =	sst s1  }
0xa: {  	[smem:$0x3FA4] =	sst s2  }
0xb: {  	[smem:$0x3FA5] =	sst s3  }
0xc: {  	[smem:$0x3FA6] =	sst s4  }
0xd: {  	[smem:$0x3FA7] =	sst s5  }
0xe: {  	[smem:$0x3FA8] =	sst s6  }
0xf: {  	[smem:$0x3FA9] =	sst s7  }
0x10: {  	[smem:$0x3FAA] =	sst s8  }
0x11: {  	[smem:$0x3FAB] =	sst s9;
	s0 =	simm.s32 @!p0 $0x0  }
0x12: {  	s1 =	sld [smem:$0x3F91];
	s0 =	simm.s32 @p0 $0x1  }
0x13: {  	[smem:$0x3FAC] =	sst s0;
	s0 =	simm.s32 @!p1 $0x0  }
0x14: {  	s2 =	sld [smem:$0x3F90];
	s0 =	simm.s32 @p1 $0x1  }
0x15: {  	[smem:$0x3FAD] =	sst s0;
	s0 =	simm.s32 @!p2 $0x0  }
0x16: {  	s3 =	sld [smem:$0x3FDB];
	s0 =	simm.s32 @p2 $0x1  }
0x17: {  	s4 =	simm.s32 $0x1BF5;
	[smem:$0x3FAF] =	sst s0  }
0x18: {  	s0 =	sld [smem:$0x3F92];
	_ =	swait.ge [sflag:s4], $0x0  }
0x19: {  	s7 =	sld [smem:$0x3F93]  }
0x1a: {  	s8 =	sadd.s32 $0xFFFFE003, lr  }
0x1b: {  	s9 =	sadd.s32 $0xFFFFFEF7, lr;
	s5 =	simm.s32 $0xFFFFFFFF;
	p2 =	slt.u32 s8, $0xFFFFF086  }
0x1c: {  	p1 =	slt.u32 s9, $0xF7A;
	s5 =	simm.s32 @!p2 $0x0  }
0x1d: {  	s5 =	simm.s32 @p1 $0x1;
	p0 =	seq.s32 s7, s2  }
0x1e: {  	s7 =	smul.u32 @!p0 $0xF7A, s2;
	p2 =	seq.s32 @!p0 s5, $0x0  }
0x1f: {  	s9 =	smul.u32 $0xF7A, s1;
	s8 =	simm.s32 @!p0 $0x1BF5;
	p2 =	por !p2, p0  }
0x20: {  	[sflag:s8] =	ssyncset.s32 @!p0 $0xFFFFF086;
	s6 =	sadd.s32 @!p0 s3, s7;
	s7 =	simm.s32 @!p0 $0x108  }
0x21: {  	s3 =	sadd.s32 s3, s9;
	s6 =	sadd.s32 @!p0 $0x88, s6;
	s7 =	simm.s32 @p2 $0x1082  }
0x22: {  	[simem:s7], [sflag:s8] =	dma.local @!p0 [hbm:s6], $0xF7A  }
0x23: {  	s9 =	sor.u32 $0xD0000000, s2;
	s6 =	simm.s32 $0x108;
	_ =	swait.ge @!p0 [sflag:s8], $0x0  }
0x24: {  	s3 =	sadd.s32 $0x88, s3;
	s6 =	simm.s32 @!p1 $0x1082;
	[sflag:s4] =	ssyncset.s32 $0xFFFFF086  }
0x25: {  	[simem:s6], [sflag:s4] =	dma.local [hbm:s3], $0xF7A  }
0x26: {  	[smem:$0x3F93] =	sst s1;
	(tag) =	ssettag s2;
	_ =	strace s9  }
0x27: {  	s1 =	sld [smem:$0x3FA3]  }
0x28: {  	s2 =	sld [smem:$0x3FA4]  }
0x29: {  	s4 =	sld [smem:$0x3FA6]  }
0x2a: {  	p0 =	seq.s32 s5, $0x0;
	s5 =	sld [smem:$0x3FA7]  }
0x2b: {  	s6 =	sld [smem:$0x3FA8]  }
0x2c: {  	s7 =	sld [smem:$0x3FA9]  }
0x2d: {  	s3 =	simm.s32 $0x108;
	s8 =	sld [smem:$0x3FAA]  }
0x2e: {  	s3 =	simm.s32 @!p0 $0x1082;
	s9 =	sld [smem:$0x3FAB]  }
0x2f: {  	lr =	sadd.s32 s0, s3;
	s0 =	sld [smem:$0x3FA2]  }
0x30: {  	s3 =	sld [smem:$0x3FA5]  }
0x31: {  	[smem:$0x3FAE] =	sst s10  }
0x32: {  	s10 =	sld [smem:$0x3FAC];
	_ =	sdelay $0x3  }
0x33: {  	p0 =	seq.s32 s10, $0x1;
	s10 =	sld [smem:$0x3FAE];
	_ =	sdelay $0x3  }
0x34: {  	[smem:$0x3FAE] =	sst s10  }
0x35: {  	s10 =	sld [smem:$0x3FAD];
	_ =	sdelay $0x3  }
0x36: {  	p1 =	seq.s32 s10, $0x1;
	s10 =	sld [smem:$0x3FAE];
	_ =	sdelay $0x3  }
0x37: {  	[smem:$0x3FAE] =	sst s10  }
0x38: {  	s10 =	sld [smem:$0x3FAF]  }
0x39: {  	_ = 	snop;
	(pc) =	sbr.ind lr, $3  }
0x3a: {  	_ = 	snop  }
0x3b: {  	_ = 	snop  }
0x3c: {  	p2 =	seq.s32 s10, $0x1;
	s10 =	sld [smem:$0x3FAE]  }
0x3d: {  	_ =	shalt  }
0x3e: {  	_ =	shalt  }
0x3f: {  	_ =	shalt  }
0x40: {  	_ =	shalt  }
0x41: {  	_ =	shalt  }
0x42: {  	_ =	shalt  }
0x43: {  	_ =	shalt  }
0x44: {  	_ =	shalt  }
0x45: {  	_ =	shalt  }
0x46: {  	_ =	shalt  }
0x47: {  	_ =	shalt  }
0x48: {  	_ =	shalt  }
0x49: {  	_ =	shalt  }
0x4a: {  	_ =	shalt  }
0x4b: {  	_ =	shalt  }
0x4c: {  	_ =	shalt  }
0x4d: {  	_ =	shalt  }
0x4e: {  	_ =	shalt  }
0x4f: {  	_ =	shalt  }
0x50: {  	_ =	shalt  }
0x51: {  	_ =	shalt  }
0x52: {  	_ =	shalt  }
0x53: {  	_ =	shalt  }
0x54: {  	_ =	shalt  }
0x55: {  	_ =	shalt  }
0x56: {  	_ =	shalt  }
0x57: {  	_ =	shalt  }
0x58: {  	_ =	shalt  }
0x59: {  	_ =	shalt  }
0x5a: {  	_ =	shalt  }
0x5b: {  	_ =	shalt  }
0x5c: {  	_ =	shalt  }
0x5d: {  	_ =	shalt  }
0x5e: {  	_ =	shalt  }
0x5f: {  	_ =	shalt  }
0x60: {  	_ =	shalt  }
0x61: {  	_ =	shalt  }
0x62: {  	_ =	shalt  }
0x63: {  	_ =	shalt  }
0x64: {  	_ =	shalt  }
0x65: {  	_ =	shalt  }
0x66: {  	_ =	shalt  }
0x67: {  	_ =	shalt  }
0x68: {  	_ =	shalt  }
0x69: {  	_ =	shalt  }
0x6a: {  	_ =	shalt  }
0x6b: {  	_ =	shalt  }
0x6c: {  	_ =	shalt  }
0x6d: {  	_ =	shalt  }
0x6e: {  	_ =	shalt  }
0x6f: {  	_ =	shalt  }
0x70: {  	_ =	shalt  }
0x71: {  	_ =	shalt  }
0x72: {  	_ =	shalt  }
0x73: {  	_ =	shalt  }
0x74: {  	_ =	shalt  }
0x75: {  	_ =	shalt  }
0x76: {  	_ =	shalt  }
0x77: {  	_ =	shalt  }
0x78: {  	_ =	shalt  }
0x79: {  	_ =	shalt  }
0x7a: {  	_ =	shalt  }
0x7b: {  	_ =	shalt  }
0x7c: {  	_ =	shalt  }
0x7d: {  	_ =	shalt  }
0x7e: {  	_ =	shalt  }
0x7f: {  	_ =	shalt  }
0x80: {  	_ =	shalt  }
0x81: {  	_ =	shalt  }
0x82: {  	_ =	shalt  }
0x83: {  	_ =	shalt  }
0x84: {  	_ =	shalt  }
0x85: {  	_ =	shalt  }
0x86: {  	_ =	shalt  }
0x87: {  	_ =	shalt  }
.Lfunc_end0:
.L_simem_size_0:
called_computation.4_lowered:
.L_overlay_start_0:
0x88: {  	s2 =	sld [smem:$0x3FD9]  }
0x89: {  	s3 =	sld [smem:$0x3FFE];
	_ =	sdelay $0x1  }
0x8a: {  	s1 =	srdreg.scid  }
0x8b: {  	s0 =	sand.u32 $0x1, s1  }
0x8c: {  	s16 =	sshll.u32 s0, $0xA;
	s2 =	sadd.s32 s3, s2  }
0x8d: {  	s2 =	sadd.s32 s2, s16  }
0x8e: {  	[smem:$0x3FBA] =	sst s2  }
0x8f: {  	_ = 	snop  }
0x90: {  	(tm) =	ssettm $0x1  }
0x91: {  	s17 =	sld [smem:$0x3FFB];
	_ =	sdelay $0x3  }
0x92: {  	_ =	strace s17  }
0x93: {  	s2 =	sld [smem:$0x3FFC];
	_ =	sdelay $0x3  }
0x94: {  	_ =	strace s2  }
0x95: {  	s2 =	sld [smem:$0x3FFD];
	_ =	sdelay $0x3  }
0x96: {  	_ =	strace s2  }
0x97: {  	_ =	strace $0x8FFFFFFF  }
0x98: {  	s18 =	sld [smem:$0x3FDB];
	_ =	sdelay $0x1  }
0x99: {  	s19 =	simm.s32 $_scs_section_size  }
0x9a: {  	s4 =	simm.s32 $_size__tile_overlayer_lowered;
	s5 =	simm.s32 $_tile_overlayer_lowered  }
0x9b: {  	s22 =	simm.s32 $0x1BFF;
	s21 =	sshll.u32 s5, $0x1;
	s2 =	sadd.s32 s19, s18  }
0x9c: {  	s6 =	simm.s32 $0x0;
	s20 =	sshll.u32 s4, $0x1;
	s4 =	sadd.s32 s21, s2  }
0x9d: {  	[timem:s6], [sflag:s22] =	dma.local [hbm:s4], s20  }
0x9e: {  	_ =	swait.ge [sflag:s22], s20  }
0x9f: {  	s3 =	ssub.s32 $0x0, s20;
	[sflag:s22] =	ssyncset.done $0x0  }
0xa0: {  	[sflag:s22] =	ssyncadd.s32 s3;
	_ =	sdelay $0x1  }
0xa1: {  	s23 =	simm.s32 $0x1B8B  }
0xa2: {  	_ =	swait.ge [sflag:s23], $0x1  }
0xa3: {  	[sflag:s23] =	ssyncset.done $0x0  }
0xa4: {  	s25 =	simm.s32 $0x1B8E;
	s24 =	sld [smem:$0x3FFE];
	[sflag:s23] =	ssyncadd.s32 $0xFFFFFFFF  }
0xa5: {  	s26 =	simm.s32 $execute0_lowered;
	[smem:$0x3FD2] =	sst s25  }
0xa6: {  	s4 =	sshll.u32 s26, $0x1;
	_ =	strace $0x80000052;
	[dreg:$0x1] =	wrdreg $0xFFFFFFFF  }
0xa7: {  	s28 =	simm.s32 $_size_execute0_lowered;
	s2 =	sadd.s32 s2, s4;
	[dreg:$0x0] =	wrdreg $0x0  }
0xa8: {  	s4 =	sshll.u32 s28, $0x1;
	[dreg:$0x2] =	wrdreg s2  }
0xa9: {  	[dreg:$0x3] =	wrdreg s4  }
0xaa: {  	[dreg:$0x4] =	wrdreg $0xC0  }
0xab: {  	_ =	task [dreg:s6], $0x5FFFF  }
0xac: {  	[dreg:$0x1] =	wrdreg $0xFFFFFFFF  }
0xad: {  	[dreg:$0x0] =	wrdreg $0x60  }
0xae: {  	[dreg:$0x2] =	wrdreg s24  }
0xaf: {  	[dreg:$0x3] =	wrdreg $0x9  }
0xb0: {  	_ =	task.clear_ibuf [dreg:s6], $0x4FFFF;
	_ =	strace $0x90000052  }
0xb1: {  	s29 =	simm.s32 $0x9;
	_ =	strace $0x80000054  }
0xb2: {  	_ =	swait.ge [sflag:s29], $0x1  }
0xb3: {  	[sflag:s29] =	ssyncadd.s32 $0xFFFFFFFF  }
0xb4: {  	_ =	strace $0x90000054  }
0xb5: {  	_ =	sfence  }
0xb6: {  	s30 =	sld [smem:$0x0];
	_ =	sdelay $0x2  }
0xb7: {  	s31 =	sshll.u32 s1, $0xD;
	s1 =	sshrl.u32 s1, $0x2  }
0xb8: {  	s3 =	sand.u32 $0x4000, s31;
	s1 =	sadd.s32 s1, s30  }
0xb9: {  	s0 =	sor.u32 s3, s0;
	s1 =	sshll.u32 s1, $0x11  }
0xba: {  	s0 =	sor.u32 s1, s0  }
0xbb: {  	s0 =	sadd.s32 $0x8F2B, s0  }
0xbc: {  	[sflag:s0] =	ssyncadd.remote.s32 $0x1  }
0xbd: {  	_ =	sfence.sel $0xFFFF  }
0xbe: {  	[dreg:$0x0] =	wrdreg $0xFFFFFFFF;
	(pc) =	sbr.abs _section_cstart, $3  }
0xbf: {  	[dreg:$0x1] =	wrdreg $0xFFFFFFFF  }
0xc0: {  	_ =	task.clear_ibuf [dreg:s6], $0x2FFFF;
	_ =	strace $0x9FFFFFFF  }
0xc1: {  	(tm) =	ssettm $0x7FFFFFFF  }
tec
execute0_lowered:
.L_overlay_start_1:
0x0: {  	(tag) =	ssettag $0x1  }
0x1: {  	s1 =	srdreg.scid  }
0x2: {  	s0 =	stileid.u32;
	s14 =	sand.u32 $0x1, s1  }
0x3: {  	s8 =	rddreg [dreg:$0x0];
	s3 =	sshll.u32 s0, $0xC;
	s4 =	sshll.u32 s14, $0xB  }
0x4: {  	s2 =	simm.s32 $0x0;
	s1 =	rddreg [dreg:$0x1];
	s13 =	sor.u32 s4, s3  }
0x5: {  	[smem:$0x7FF] =	sst s2;
	s15 =	sadd.s32 $0x4A200, s8;
	s3 =	sshrl.u32 s13, $0x3  }
0x6: {  	_ =	strace $0x80000053;
	s4 =	sadd.s32 s15, s3;
	s3 =	simm.s32 $0x2  }
0x7: {  	[tilespmem:s2], [sflag:$0x2] =	stream.linear.gather [hbm4b:s4+s2], $0x200, $0x38;
	[tilespmem:$0x10200] =	vst v63  }
0x8: {  	_ =	swait.ge [sflag:s3], $0x200  }
0x9: {  	s6 =	simm.s32 $0x200;
	[sflag:s3] =	ssyncset.done $0x0  }
0xa: {  	s7 =	simm.s32 $0x1;
	s5 =	sadd.s32 $0xA200, s8;
	[sflag:s3] =	ssyncadd.s32 $0xFFFFFE00  }
0xb: {  	[tilespmem:s6], [sflag:$0x1] =	stream.indirect.gather [hbm4b:s5+s6], $0x80, s2, s6, $0xb8;
	[tilespmem:$0x10200] =	vst v63  }
0xc: {  	_ =	swait.ge [sflag:s7], $0x10000  }
0xd: {  	s16 =	sadd.s32 $0x1BAE00, s8;
	s29 =	sshll.u32 s13, $0x4;
	[sflag:s7] =	ssyncset.done $0x0  }
0xe: {  	s8 =	sadd.s32 s16, s29;
	[sflag:s7] =	ssyncadd.s32 $0xFFFF0000  }
0xf: {  	[hbm4b:s8+s2] =	stream.linear.scatter [tilespmem:s6], [sflag:$0x2], $0x10000, $0x38;
	[tilespmem:$0x10200] =	vst v63  }
0x10: {  	s10 =	sor.u32 $0x200, s13;
	_ =	swait.ge [sflag:s3], $0x10000  }
0x11: {  	s9 =	sshrl.u32 s10, $0x3;
	[sflag:s3] =	ssyncset.done $0x0  }
0x12: {  	s9 =	sadd.s32 s15, s9;
	[sflag:s3] =	ssyncadd.s32 $0xFFFF0000  }
0x13: {  	[tilespmem:s2], [sflag:$0x2] =	stream.linear.gather [hbm4b:s9+s2], $0x200, $0x38;
	[tilespmem:$0x10200] =	vst v63  }
0x14: {  	_ =	swait.ge [sflag:s3], $0x200  }
0x15: {  	[sflag:s3] =	ssyncset.done $0x0  }
0x16: {  	[sflag:s3] =	ssyncadd.s32 $0xFFFFFE00  }
0x17: {  	[tilespmem:s6], [sflag:$0x1] =	stream.indirect.gather [hbm4b:s5+s6], $0x80, s2, s6, $0xb8;
	[tilespmem:$0x10200] =	vst v63  }
0x18: {  	_ =	swait.ge [sflag:s7], $0x10000  }
0x19: {  	s10 =	sshll.u32 s10, $0x4;
	[sflag:s7] =	ssyncset.done $0x0  }
0x1a: {  	s10 =	sadd.s32 s16, s10;
	[sflag:s7] =	ssyncadd.s32 $0xFFFF0000  }
0x1b: {  	[hbm4b:s10+s2] =	stream.linear.scatter [tilespmem:s6], [sflag:$0x2], $0x10000, $0x38;
	[tilespmem:$0x10200] =	vst v63  }
0x1c: {  	s12 =	sor.u32 $0x400, s13;
	_ =	swait.ge [sflag:s3], $0x10000  }
0x1d: {  	s11 =	sshrl.u32 s12, $0x3;
	[sflag:s3] =	ssyncset.done $0x0  }
0x1e: {  	s11 =	sadd.s32 s15, s11;
	[sflag:s3] =	ssyncadd.s32 $0xFFFF0000  }
0x1f: {  	[tilespmem:s2], [sflag:$0x2] =	stream.linear.gather [hbm4b:s11+s2], $0x200, $0x38;
	[tilespmem:$0x10200] =	vst v63  }
0x20: {  	_ =	swait.ge [sflag:s3], $0x200  }
0x21: {  	[sflag:s3] =	ssyncset.done $0x0  }
0x22: {  	[sflag:s3] =	ssyncadd.s32 $0xFFFFFE00  }
0x23: {  	[tilespmem:s6], [sflag:$0x1] =	stream.indirect.gather [hbm4b:s5+s6], $0x80, s2, s6, $0xb8;
	[tilespmem:$0x10200] =	vst v63  }
0x24: {  	_ =	swait.ge [sflag:s7], $0x10000  }
0x25: {  	s12 =	sshll.u32 s12, $0x4;
	[sflag:s7] =	ssyncset.done $0x0  }
0x26: {  	s12 =	sadd.s32 s16, s12;
	[sflag:s7] =	ssyncadd.s32 $0xFFFF0000  }
0x27: {  	[hbm4b:s12+s2] =	stream.linear.scatter [tilespmem:s6], [sflag:$0x2], $0x10000, $0x38;
	[tilespmem:$0x10200] =	vst v63  }
0x28: {  	s17 =	sor.u32 $0x600, s13;
	_ =	swait.ge [sflag:s3], $0x10000  }
0x29: {  	s13 =	sshrl.u32 s17, $0x3;
	[sflag:s3] =	ssyncset.done $0x0  }
0x2a: {  	s14 =	ssub.s32 $0x2, s14;
	s13 =	sadd.s32 s15, s13;
	[sflag:s3] =	ssyncadd.s32 $0xFFFF0000  }
0x2b: {  	[tilespmem:s2], [sflag:$0x2] =	stream.linear.gather [hbm4b:s13+s2], $0x200, $0x38;
	[tilespmem:$0x10200] =	vst v63  }
0x2c: {  	s30 =	sshrl.u32 s14, $0x1;
	_ =	swait.ge [sflag:s3], $0x200  }
0x2d: {  	s15 =	ssub.s32 s14, s30;
	[sflag:s3] =	ssyncset.done $0x0  }
0x2e: {  	s15 =	smax.u32 s15, $0x1;
	[sflag:s3] =	ssyncadd.s32 $0xFFFFFE00  }
0x2f: {  	[tilespmem:s6], [sflag:$0x1] =	stream.indirect.gather [hbm4b:s5+s6], $0x80, s2, s6, $0xb8;
	[tilespmem:$0x10200] =	vst v63  }
0x30: {  	p0 =	sne.s32 s15, $0x1;
	_ =	swait.ge [sflag:s7], $0x10000  }
.Ltmp0:
0x31: {  	s31 =	sshll.u32 s17, $0x4;
	[sflag:s7] =	ssyncset.done $0x0;
	(pc) =	sbr.rel @!p0 .LBB2_2-.Ltmp0, $4  }
0x32: {  	s14 =	sadd.s32 s16, s31;
	[sflag:s7] =	ssyncadd.s32 $0xFFFF0000  }
0x33: {  	[hbm4b:s14+s2] =	stream.linear.scatter [tilespmem:s6], [sflag:$0x2], $0x10000, $0x38;
	[tilespmem:$0x10200] =	vst v63  }
0x34: {  	_ =	swait.ge [sflag:s3], $0x10000  }
0x35: {  	s15 =	sadd.s32 $0xFFFFFFFF, s15;
	[sflag:s3] =	ssyncset.done $0x0  }
.LBB2_1:
0x36: {  	p0 =	sne.s32 s15, $0x1;
	s15 =	sadd.s32 $0xFFFFFFFF, s15;
	[sflag:s3] =	ssyncadd.s32 $0xFFFF0000  }
0x37: {  	[tilespmem:s2], [sflag:$0x2] =	stream.linear.gather [hbm4b:s4+s2], $0x200, $0x38;
	[tilespmem:$0x10200] =	vst v63  }
0x38: {  	_ =	swait.ge [sflag:s3], $0x200  }
0x39: {  	[sflag:s3] =	ssyncset.done $0x0  }
0x3a: {  	[sflag:s3] =	ssyncadd.s32 $0xFFFFFE00  }
0x3b: {  	[tilespmem:s6], [sflag:$0x1] =	stream.indirect.gather [hbm4b:s5+s6], $0x80, s2, s6, $0xb8;
	[tilespmem:$0x10200] =	vst v63  }
0x3c: {  	_ =	swait.ge [sflag:s7], $0x10000  }
0x3d: {  	[sflag:s7] =	ssyncset.done $0x0  }
0x3e: {  	[sflag:s7] =	ssyncadd.s32 $0xFFFF0000  }
0x3f: {  	[hbm4b:s8+s2] =	stream.linear.scatter [tilespmem:s6], [sflag:$0x2], $0x10000, $0x38;
	[tilespmem:$0x10200] =	vst v63  }
0x40: {  	_ =	swait.ge [sflag:s3], $0x10000  }
0x41: {  	[sflag:s3] =	ssyncset.done $0x0  }
0x42: {  	[sflag:s3] =	ssyncadd.s32 $0xFFFF0000  }
0x43: {  	[tilespmem:s2], [sflag:$0x2] =	stream.linear.gather [hbm4b:s9+s2], $0x200, $0x38;
	[tilespmem:$0x10200] =	vst v63  }
0x44: {  	_ =	swait.ge [sflag:s3], $0x200  }
0x45: {  	[sflag:s3] =	ssyncset.done $0x0  }
0x46: {  	[sflag:s3] =	ssyncadd.s32 $0xFFFFFE00  }
0x47: {  	[tilespmem:s6], [sflag:$0x1] =	stream.indirect.gather [hbm4b:s5+s6], $0x80, s2, s6, $0xb8;
	[tilespmem:$0x10200] =	vst v63  }
0x48: {  	_ =	swait.ge [sflag:s7], $0x10000  }
0x49: {  	[sflag:s7] =	ssyncset.done $0x0  }
0x4a: {  	[sflag:s7] =	ssyncadd.s32 $0xFFFF0000  }
0x4b: {  	[hbm4b:s10+s2] =	stream.linear.scatter [tilespmem:s6], [sflag:$0x2], $0x10000, $0x38;
	[tilespmem:$0x10200] =	vst v63  }
0x4c: {  	_ =	swait.ge [sflag:s3], $0x10000  }
0x4d: {  	[sflag:s3] =	ssyncset.done $0x0  }
0x4e: {  	[sflag:s3] =	ssyncadd.s32 $0xFFFF0000  }
0x4f: {  	[tilespmem:s2], [sflag:$0x2] =	stream.linear.gather [hbm4b:s11+s2], $0x200, $0x38;
	[tilespmem:$0x10200] =	vst v63  }
0x50: {  	_ =	swait.ge [sflag:s3], $0x200  }
0x51: {  	[sflag:s3] =	ssyncset.done $0x0  }
0x52: {  	[sflag:s3] =	ssyncadd.s32 $0xFFFFFE00  }
0x53: {  	[tilespmem:s6], [sflag:$0x1] =	stream.indirect.gather [hbm4b:s5+s6], $0x80, s2, s6, $0xb8;
	[tilespmem:$0x10200] =	vst v63  }
0x54: {  	_ =	swait.ge [sflag:s7], $0x10000  }
0x55: {  	[sflag:s7] =	ssyncset.done $0x0  }
0x56: {  	[sflag:s7] =	ssyncadd.s32 $0xFFFF0000  }
0x57: {  	[hbm4b:s12+s2] =	stream.linear.scatter [tilespmem:s6], [sflag:$0x2], $0x10000, $0x38;
	[tilespmem:$0x10200] =	vst v63  }
0x58: {  	_ =	swait.ge [sflag:s3], $0x10000  }
0x59: {  	[sflag:s3] =	ssyncset.done $0x0  }
0x5a: {  	[sflag:s3] =	ssyncadd.s32 $0xFFFF0000  }
0x5b: {  	[tilespmem:s2], [sflag:$0x2] =	stream.linear.gather [hbm4b:s13+s2], $0x200, $0x38;
	[tilespmem:$0x10200] =	vst v63  }
0x5c: {  	_ =	swait.ge [sflag:s3], $0x200  }
0x5d: {  	[sflag:s3] =	ssyncset.done $0x0  }
0x5e: {  	[sflag:s3] =	ssyncadd.s32 $0xFFFFFE00  }
0x5f: {  	[tilespmem:s6], [sflag:$0x1] =	stream.indirect.gather [hbm4b:s5+s6], $0x80, s2, s6, $0xb8;
	[tilespmem:$0x10200] =	vst v63  }
0x60: {  	_ =	swait.ge [sflag:s7], $0x10000  }
.Ltmp1:
0x61: {  	[sflag:s7] =	ssyncset.done $0x0;
	(pc) =	sbr.rel @p0 .LBB2_1-.Ltmp1, $4  }
0x62: {  	[sflag:s7] =	ssyncadd.s32 $0xFFFF0000  }
0x63: {  	[hbm4b:s14+s2] =	stream.linear.scatter [tilespmem:s6], [sflag:$0x2], $0x10000, $0x38;
	[tilespmem:$0x10200] =	vst v63  }
0x64: {  	_ =	swait.ge [sflag:s3], $0x10000  }
0x65: {  	[sflag:s3] =	ssyncset.done $0x0  }
.LBB2_2:
0x66: {  	[sflag:s3] =	ssyncadd.s32 $0xFFFF0000  }
0x67: {  	_ =	sfence.sel $0x180000  }
0x68: {  	[bflag:$0x0] =	sbarrier.arrive $0xFFFF  }
0x69: {  	p0 =	sne.s32 s0, $0x0;
	_ =	strace $0x90000053  }
0x6a: {  	s0 =	sadd.s32 @!p0 $0x100000, s1;
	[bflag:$0x2] =	sbarrier.arrive $0xFFFF  }
0x6b: {  	[sflag:s0] =	ssyncadd.tile.s32 @!p0 $0x1;
	_ =	shalt  }
.Lfunc_end2:
_tile_overlayer_lowered:
.L_overlay_start_2:
0x6c: {  	(tag) =	ssettag $0x2  }
0x6d: {  	s0 =	rddreg [dreg:$0x0];
	s2 =	stileid.u32  }
0x6e: {  	s1 =	rddreg [dreg:$0x1];
	p0 =	sne.s32 s2, $0x0  }
0x6f: {  	s3 =	rddreg [dreg:$0x2];
	[bflag:$0x3] =	sbarrier.arrive $0xFFFF;
	s2 =	simm.s32 @!p0 $0x1C02  }
0x70: {  	[timem:s3], [sflag:s2] =	dma.local @!p0 [hbm:s0], s1  }
0x71: {  	s0 =	simm.s32 @!p0 $0x2  }
0x72: {  	_ =	swait.ge @!p0 [sflag:s0], s1  }
0x73: {  	s1 =	ssub.s32 @!p0 $0x0, s1;
	[sflag:s0] =	ssyncset.done @!p0 $0x0  }
0x74: {  	[sflag:s0] =	ssyncadd.s32 @!p0 s1  }
0x75: {  	[bflag:$0x3] =	sbarrier.arrive $0xFFFF  }
0x76: {  	_ =	shalt  }

// kernel: kernel.39.cloned.1.call-start
scs
__scs_entry_jumppad:
0x0: {  	(pc) =	sbr.rel $0x88, $3  }
0x1: {  	(tag) =	ssettag $0x0;
	lr =	simm.s32 $0x1  }
0x2: {  	[smem:$0x3F93] =	sst lr;
	_ =	strace $0xD0000000  }
0x3: {  	_ = 	snop  }
0x4: {  	_ = 	snop  }
0x5: {  	_ = 	snop  }
0x6: {  	_ = 	snop  }
0x7: {  	_ = 	snop  }
__scs_overlays_trampoline_lowered:
0x8: {  	[smem:$0x3FA2] =	sst s0  }
0x9: {  	[smem:$0x3FA3] =	sst s1  }
0xa: {  	[smem:$0x3FA4] =	sst s2  }
0xb: {  	[smem:$0x3FA5] =	sst s3  }
0xc: {  	[smem:$0x3FA6] =	sst s4  }
0xd: {  	[smem:$0x3FA7] =	sst s5  }
0xe: {  	[smem:$0x3FA8] =	sst s6  }
0xf: {  	[smem:$0x3FA9] =	sst s7  }
0x10: {  	[smem:$0x3FAA] =	sst s8  }
0x11: {  	[smem:$0x3FAB] =	sst s9;
	s0 =	simm.s32 @!p0 $0x0  }
0x12: {  	s1 =	sld [smem:$0x3F91];
	s0 =	simm.s32 @p0 $0x1  }
0x13: {  	[smem:$0x3FAC] =	sst s0;
	s0 =	simm.s32 @!p1 $0x0  }
0x14: {  	s2 =	sld [smem:$0x3F90];
	s0 =	simm.s32 @p1 $0x1  }
0x15: {  	[smem:$0x3FAD] =	sst s0;
	s0 =	simm.s32 @!p2 $0x0  }
0x16: {  	s3 =	sld [smem:$0x3FDB];
	s0 =	simm.s32 @p2 $0x1  }
0x17: {  	s4 =	simm.s32 $0x1BF5;
	[smem:$0x3FAF] =	sst s0  }
0x18: {  	s0 =	sld [smem:$0x3F92];
	_ =	swait.ge [sflag:s4], $0x0  }
0x19: {  	s7 =	sld [smem:$0x3F93]  }
0x1a: {  	s8 =	sadd.s32 $0xFFFFE003, lr  }
0x1b: {  	s9 =	sadd.s32 $0xFFFFFEF7, lr;
	s5 =	simm.s32 $0xFFFFFFFF;
	p2 =	slt.u32 s8, $0xFFFFF086  }
0x1c: {  	p1 =	slt.u32 s9, $0xF7A;
	s5 =	simm.s32 @!p2 $0x0  }
0x1d: {  	s5 =	simm.s32 @p1 $0x1;
	p0 =	seq.s32 s7, s2  }
0x1e: {  	s7 =	smul.u32 @!p0 $0xF7A, s2;
	p2 =	seq.s32 @!p0 s5, $0x0  }
0x1f: {  	s9 =	smul.u32 $0xF7A, s1;
	s8 =	simm.s32 @!p0 $0x1BF5;
	p2 =	por !p2, p0  }
0x20: {  	[sflag:s8] =	ssyncset.s32 @!p0 $0xFFFFF086;
	s6 =	sadd.s32 @!p0 s3, s7;
	s7 =	simm.s32 @!p0 $0x108  }
0x21: {  	s3 =	sadd.s32 s3, s9;
	s6 =	sadd.s32 @!p0 $0x88, s6;
	s7 =	simm.s32 @p2 $0x1082  }
0x22: {  	[simem:s7], [sflag:s8] =	dma.local @!p0 [hbm:s6], $0xF7A  }
0x23: {  	s9 =	sor.u32 $0xD0000000, s2;
	s6 =	simm.s32 $0x108;
	_ =	swait.ge @!p0 [sflag:s8], $0x0  }
0x24: {  	s3 =	sadd.s32 $0x88, s3;
	s6 =	simm.s32 @!p1 $0x1082;
	[sflag:s4] =	ssyncset.s32 $0xFFFFF086  }
0x25: {  	[simem:s6], [sflag:s4] =	dma.local [hbm:s3], $0xF7A  }
0x26: {  	[smem:$0x3F93] =	sst s1;
	(tag) =	ssettag s2;
	_ =	strace s9  }
0x27: {  	s1 =	sld [smem:$0x3FA3]  }
0x28: {  	s2 =	sld [smem:$0x3FA4]  }
0x29: {  	s4 =	sld [smem:$0x3FA6]  }
0x2a: {  	p0 =	seq.s32 s5, $0x0;
	s5 =	sld [smem:$0x3FA7]  }
0x2b: {  	s6 =	sld [smem:$0x3FA8]  }
0x2c: {  	s7 =	sld [smem:$0x3FA9]  }
0x2d: {  	s3 =	simm.s32 $0x108;
	s8 =	sld [smem:$0x3FAA]  }
0x2e: {  	s3 =	simm.s32 @!p0 $0x1082;
	s9 =	sld [smem:$0x3FAB]  }
0x2f: {  	lr =	sadd.s32 s0, s3;
	s0 =	sld [smem:$0x3FA2]  }
0x30: {  	s3 =	sld [smem:$0x3FA5]  }
0x31: {  	[smem:$0x3FAE] =	sst s10  }
0x32: {  	s10 =	sld [smem:$0x3FAC];
	_ =	sdelay $0x3  }
0x33: {  	p0 =	seq.s32 s10, $0x1;
	s10 =	sld [smem:$0x3FAE];
	_ =	sdelay $0x3  }
0x34: {  	[smem:$0x3FAE] =	sst s10  }
0x35: {  	s10 =	sld [smem:$0x3FAD];
	_ =	sdelay $0x3  }
0x36: {  	p1 =	seq.s32 s10, $0x1;
	s10 =	sld [smem:$0x3FAE];
	_ =	sdelay $0x3  }
0x37: {  	[smem:$0x3FAE] =	sst s10  }
0x38: {  	s10 =	sld [smem:$0x3FAF]  }
0x39: {  	_ = 	snop;
	(pc) =	sbr.ind lr, $3  }
0x3a: {  	_ = 	snop  }
0x3b: {  	_ = 	snop  }
0x3c: {  	p2 =	seq.s32 s10, $0x1;
	s10 =	sld [smem:$0x3FAE]  }
0x3d: {  	_ =	shalt  }
0x3e: {  	_ =	shalt  }
0x3f: {  	_ =	shalt  }
0x40: {  	_ =	shalt  }
0x41: {  	_ =	shalt  }
0x42: {  	_ =	shalt  }
0x43: {  	_ =	shalt  }
0x44: {  	_ =	shalt  }
0x45: {  	_ =	shalt  }
0x46: {  	_ =	shalt  }
0x47: {  	_ =	shalt  }
0x48: {  	_ =	shalt  }
0x49: {  	_ =	shalt  }
0x4a: {  	_ =	shalt  }
0x4b: {  	_ =	shalt  }
0x4c: {  	_ =	shalt  }
0x4d: {  	_ =	shalt  }
0x4e: {  	_ =	shalt  }
0x4f: {  	_ =	shalt  }
0x50: {  	_ =	shalt  }
0x51: {  	_ =	shalt  }
0x52: {  	_ =	shalt  }
0x53: {  	_ =	shalt  }
0x54: {  	_ =	shalt  }
0x55: {  	_ =	shalt  }
0x56: {  	_ =	shalt  }
0x57: {  	_ =	shalt  }
0x58: {  	_ =	shalt  }
0x59: {  	_ =	shalt  }
0x5a: {  	_ =	shalt  }
0x5b: {  	_ =	shalt  }
0x5c: {  	_ =	shalt  }
0x5d: {  	_ =	shalt  }
0x5e: {  	_ =	shalt  }
0x5f: {  	_ =	shalt  }
0x60: {  	_ =	shalt  }
0x61: {  	_ =	shalt  }
0x62: {  	_ =	shalt  }
0x63: {  	_ =	shalt  }
0x64: {  	_ =	shalt  }
0x65: {  	_ =	shalt  }
0x66: {  	_ =	shalt  }
0x67: {  	_ =	shalt  }
0x68: {  	_ =	shalt  }
0x69: {  	_ =	shalt  }
0x6a: {  	_ =	shalt  }
0x6b: {  	_ =	shalt  }
0x6c: {  	_ =	shalt  }
0x6d: {  	_ =	shalt  }
0x6e: {  	_ =	shalt  }
0x6f: {  	_ =	shalt  }
0x70: {  	_ =	shalt  }
0x71: {  	_ =	shalt  }
0x72: {  	_ =	shalt  }
0x73: {  	_ =	shalt  }
0x74: {  	_ =	shalt  }
0x75: {  	_ =	shalt  }
0x76: {  	_ =	shalt  }
0x77: {  	_ =	shalt  }
0x78: {  	_ =	shalt  }
0x79: {  	_ =	shalt  }
0x7a: {  	_ =	shalt  }
0x7b: {  	_ =	shalt  }
0x7c: {  	_ =	shalt  }
0x7d: {  	_ =	shalt  }
0x7e: {  	_ =	shalt  }
0x7f: {  	_ =	shalt  }
0x80: {  	_ =	shalt  }
0x81: {  	_ =	shalt  }
0x82: {  	_ =	shalt  }
0x83: {  	_ =	shalt  }
0x84: {  	_ =	shalt  }
0x85: {  	_ =	shalt  }
0x86: {  	_ =	shalt  }
0x87: {  	_ =	shalt  }
.Lfunc_end0:
.L_simem_size_0:
called_computation.5_lowered:
.L_overlay_start_0:
0x88: {  	s2 =	sld [smem:$0x3FD9]  }
0x89: {  	s3 =	sld [smem:$0x3FFE];
	_ =	sdelay $0x1  }
0x8a: {  	s1 =	srdreg.scid  }
0x8b: {  	s0 =	sand.u32 $0x1, s1  }
0x8c: {  	s17 =	sshll.u32 s0, $0xA;
	s2 =	sadd.s32 s3, s2  }
0x8d: {  	s2 =	sadd.s32 s2, s17  }
0x8e: {  	[smem:$0x3FBA] =	sst s2  }
0x8f: {  	_ = 	snop  }
0x90: {  	(tm) =	ssettm $0x1  }
0x91: {  	s18 =	sld [smem:$0x3FFB];
	_ =	sdelay $0x3  }
0x92: {  	_ =	strace s18  }
0x93: {  	s2 =	sld [smem:$0x3FFC];
	_ =	sdelay $0x3  }
0x94: {  	_ =	strace s2  }
0x95: {  	s2 =	sld [smem:$0x3FFD];
	_ =	sdelay $0x3  }
0x96: {  	_ =	strace s2  }
0x97: {  	_ =	strace $0x8FFFFFFF  }
0x98: {  	s19 =	sld [smem:$0x3FDB];
	_ =	sdelay $0x1  }
0x99: {  	s20 =	simm.s32 $_scs_section_size  }
0x9a: {  	s4 =	simm.s32 $_size__tile_overlayer_lowered;
	s5 =	simm.s32 $_tile_overlayer_lowered  }
0x9b: {  	s6 =	simm.s32 $0x1BFF;
	s21 =	sshll.u32 s5, $0x1;
	s3 =	sadd.s32 s20, s19  }
0x9c: {  	s22 =	simm.s32 $0x0;
	s4 =	sshll.u32 s4, $0x1;
	s5 =	sadd.s32 s21, s3  }
0x9d: {  	[timem:s22], [sflag:s6] =	dma.local [hbm:s5], s4  }
0x9e: {  	_ =	swait.ge [sflag:s6], s4  }
0x9f: {  	s4 =	ssub.s32 $0x0, s4;
	[sflag:s6] =	ssyncset.done $0x0  }
0xa0: {  	[sflag:s6] =	ssyncadd.s32 s4;
	_ =	sdelay $0x1  }
0xa1: {  	s23 =	simm.s32 $0x1B8B  }
0xa2: {  	_ =	swait.ge [sflag:s23], $0x1  }
0xa3: {  	[sflag:s23] =	ssyncset.done $0x0  }
0xa4: {  	[sflag:s23] =	ssyncadd.s32 $0xFFFFFFFF  }
0xa5: {  	s4 =	sld [smem:$0x0]  }
0xa6: {  	s5 =	sand.u32 $0xFFFFFFFE, s1  }
0xa7: {  	p0 =	sne.s32 s1, s5  }
0xa8: {  	s5 =	sshll.u32 @p0 s5, $0xE  }
0xa9: {  	s5 =	sadd.s32 @p0 $0x11B8D, s5;
	s6 =	sshll.u32 @p0 s4, $0x11  }
0xaa: {  	s5 =	sor.u32 @p0 s6, s5  }
0xab: {  	[sflag:s5] =	ssyncadd.remote.s32 @p0 $0x1;
	_ =	sdelay $0x1  }
0xac: {  	s5 =	simm.s32 @p0 $0x1B8D  }
0xad: {  	_ =	swait.eq @p0 [sflag:s5], $0x1  }
0xae: {  	[sflag:s5] =	ssyncadd.s32 @p0 $0xFFFFFFFF  }
0xaf: {  	s6 =	sshll.u32 @!p0 s1, $0xE  }
0xb0: {  	s6 =	sor.u32 @!p0 $0x4000, s6;
	s5 =	simm.s32 @!p0 $0x1B8D  }
0xb1: {  	s4 =	sshll.u32 @!p0 s4, $0x11;
	s6 =	sadd.s32 @!p0 $0x11B8D, s6;
	_ =	swait.eq @!p0 [sflag:s5], $0x1  }
0xb2: {  	s4 =	sor.u32 @!p0 s4, s6;
	[sflag:s5] =	ssyncadd.s32 @!p0 $0xFFFFFFFF  }
0xb3: {  	s25 =	simm.s32 $0x1B8E;
	s24 =	sld [smem:$0x3FFE];
	[sflag:s4] =	ssyncadd.remote.s32 @!p0 $0x1  }
0xb4: {  	s26 =	simm.s32 $execute0_lowered;
	[smem:$0x3FD2] =	sst s25  }
0xb5: {  	s5 =	sshll.u32 s26, $0x1;
	_ =	strace $0x80000058;
	[dreg:$0x1] =	wrdreg $0xFFFFFFFF  }
0xb6: {  	s28 =	simm.s32 $_size_execute0_lowered;
	s3 =	sadd.s32 s3, s5;
	[dreg:$0x0] =	wrdreg $0x0  }
0xb7: {  	s5 =	sshll.u32 s28, $0x1;
	[dreg:$0x2] =	wrdreg s3  }
0xb8: {  	[dreg:$0x3] =	wrdreg s5  }
0xb9: {  	[dreg:$0x4] =	wrdreg $0xC0  }
0xba: {  	_ =	task [dreg:s22], $0x5FFFF  }
0xbb: {  	[dreg:$0x1] =	wrdreg $0xFFFFFFFF  }
0xbc: {  	[dreg:$0x0] =	wrdreg $0x60  }
0xbd: {  	[dreg:$0x2] =	wrdreg s24  }
0xbe: {  	[dreg:$0x3] =	wrdreg $0x9  }
0xbf: {  	_ =	task.clear_ibuf [dreg:s22], $0x4FFFF;
	_ =	strace $0x90000058  }
0xc0: {  	s29 =	simm.s32 $0x9;
	_ =	strace $0x8000005A  }
0xc1: {  	_ =	swait.ge [sflag:s29], $0x1  }
0xc2: {  	[sflag:s29] =	ssyncadd.s32 $0xFFFFFFFF  }
0xc3: {  	_ =	strace $0x9000005A  }
0xc4: {  	_ =	sfence  }
0xc5: {  	s30 =	sld [smem:$0x0];
	_ =	sdelay $0x2  }
0xc6: {  	s31 =	sshll.u32 s1, $0xD;
	s1 =	sshrl.u32 s1, $0x2  }
0xc7: {  	s4 =	sand.u32 $0x4000, s31;
	s1 =	sadd.s32 s1, s30  }
0xc8: {  	s0 =	sor.u32 s4, s0;
	s1 =	sshll.u32 s1, $0x11  }
0xc9: {  	s0 =	sor.u32 s1, s0  }
0xca: {  	s0 =	sadd.s32 $0x8F2B, s0  }
0xcb: {  	[sflag:s0] =	ssyncadd.remote.s32 $0x1  }
0xcc: {  	_ =	sfence.sel $0xFFFF  }
0xcd: {  	[dreg:$0x0] =	wrdreg $0xFFFFFFFF;
	(pc) =	sbr.abs _section_cstart, $3  }
0xce: {  	[dreg:$0x1] =	wrdreg $0xFFFFFFFF  }
0xcf: {  	_ =	task.clear_ibuf [dreg:s22], $0x2FFFF;
	_ =	strace $0x9FFFFFFF  }
0xd0: {  	(tm) =	ssettm $0x7FFFFFFF  }
0xd1: {  	_ =	shalt  }
tec
execute0_lowered:
.L_overlay_start_1:
0x0: {  	(tag) =	ssettag $0x1  }
0x1: {  	s1 =	srdreg.scid  }
0x2: {  	s0 =	stileid.u32;
	s14 =	sand.u32 $0x1, s1  }
0x3: {  	s7 =	rddreg [dreg:$0x0];
	s3 =	sshll.u32 s0, $0xC;
	s4 =	sshll.u32 s14, $0xB  }
0x4: {  	s2 =	simm.s32 $0x0;
	s1 =	rddreg [dreg:$0x1];
	s13 =	sor.u32 s4, s3  }
0x5: {  	[smem:$0x7FF] =	sst s2;
	s15 =	sadd.s32 $0x4E200, s7;
	s3 =	sshrl.u32 s13, $0x3  }
0x6: {  	_ =	strace $0x80000059;
	s4 =	simm.s32 $0x2;
	s3 =	sadd.s32 s15, s3  }
0x7: {  	[tilespmem:s2], [sflag:$0x2] =	stream.linear.gather [hbm4b:s3+s2], $0x200, $0x38;
	[tilespmem:$0x10200] =	vst v63  }
0x8: {  	_ =	swait.ge [sflag:s4], $0x200  }
0x9: {  	s16 =	sadd.s32 $0x3BAE00, s7;
	s5 =	sshll.u32 s13, $0x4;
	[sflag:s4] =	ssyncset.done $0x0  }
0xa: {  	s6 =	simm.s32 $0x200;
	s5 =	sadd.s32 s16, s5;
	[sflag:s4] =	ssyncadd.s32 $0xFFFFFE00  }
0xb: {  	[tilespmem:s6], [sflag:$0x2] =	stream.linear.gather [hbm4b:s5+s2], $0x10000, $0x38;
	[tilespmem:$0x10200] =	vst v63  }
0xc: {  	_ =	swait.ge [sflag:s4], $0x10000  }
0xd: {  	[sflag:s4] =	ssyncset.done $0x0  }
0xe: {  	s8 =	sadd.s32 $0x1BAE00, s7;
	s7 =	simm.s32 $0x1;
	[sflag:s4] =	ssyncadd.s32 $0xFFFF0000  }
0xf: {  	[hbm4b:s8+s6] =	stream.indirect.scatter [tilespmem:s6], [sflag:$0x1], $0x80, s2, s6, $0xb8;
	[tilespmem:$0x10200] =	vst v63  }
0x10: {  	s10 =	sor.u32 $0x200, s13;
	_ =	swait.ge [sflag:s7], $0x10000  }
0x11: {  	s9 =	sshrl.u32 s10, $0x3;
	[sflag:s7] =	ssyncset.done $0x0  }
0x12: {  	s9 =	sadd.s32 s15, s9;
	[sflag:s7] =	ssyncadd.s32 $0xFFFF0000  }
0x13: {  	[tilespmem:s2], [sflag:$0x2] =	stream.linear.gather [hbm4b:s9+s2], $0x200, $0x38;
	[tilespmem:$0x10200] =	vst v63  }
0x14: {  	_ =	swait.ge [sflag:s4], $0x200  }
0x15: {  	s10 =	sshll.u32 s10, $0x4;
	[sflag:s4] =	ssyncset.done $0x0  }
0x16: {  	s10 =	sadd.s32 s16, s10;
	[sflag:s4] =	ssyncadd.s32 $0xFFFFFE00  }
0x17: {  	[tilespmem:s6], [sflag:$0x2] =	stream.linear.gather [hbm4b:s10+s2], $0x10000, $0x38;
	[tilespmem:$0x10200] =	vst v63  }
0x18: {  	_ =	swait.ge [sflag:s4], $0x10000  }
0x19: {  	[sflag:s4] =	ssyncset.done $0x0  }
0x1a: {  	[sflag:s4] =	ssyncadd.s32 $0xFFFF0000  }
0x1b: {  	[hbm4b:s8+s6] =	stream.indirect.scatter [tilespmem:s6], [sflag:$0x1], $0x80, s2, s6, $0xb8;
	[tilespmem:$0x10200] =	vst v63  }
0x1c: {  	s12 =	sor.u32 $0x400, s13;
	_ =	swait.ge [sflag:s7], $0x10000  }
0x1d: {  	s11 =	sshrl.u32 s12, $0x3;
	[sflag:s7] =	ssyncset.done $0x0  }
0x1e: {  	s11 =	sadd.s32 s15, s11;
	[sflag:s7] =	ssyncadd.s32 $0xFFFF0000  }
0x1f: {  	[tilespmem:s2], [sflag:$0x2] =	stream.linear.gather [hbm4b:s11+s2], $0x200, $0x38;
	[tilespmem:$0x10200] =	vst v63  }
0x20: {  	_ =	swait.ge [sflag:s4], $0x200  }
0x21: {  	s12 =	sshll.u32 s12, $0x4;
	[sflag:s4] =	ssyncset.done $0x0  }
0x22: {  	s12 =	sadd.s32 s16, s12;
	[sflag:s4] =	ssyncadd.s32 $0xFFFFFE00  }
0x23: {  	[tilespmem:s6], [sflag:$0x2] =	stream.linear.gather [hbm4b:s12+s2], $0x10000, $0x38;
	[tilespmem:$0x10200] =	vst v63  }
0x24: {  	_ =	swait.ge [sflag:s4], $0x10000  }
0x25: {  	[sflag:s4] =	ssyncset.done $0x0  }
0x26: {  	[sflag:s4] =	ssyncadd.s32 $0xFFFF0000  }
0x27: {  	[hbm4b:s8+s6] =	stream.indirect.scatter [tilespmem:s6], [sflag:$0x1], $0x80, s2, s6, $0xb8;
	[tilespmem:$0x10200] =	vst v63  }
0x28: {  	s17 =	sor.u32 $0x600, s13;
	_ =	swait.ge [sflag:s7], $0x10000  }
0x29: {  	s13 =	sshrl.u32 s17, $0x3;
	[sflag:s7] =	ssyncset.done $0x0  }
0x2a: {  	s30 =	ssub.s32 $0x2, s14;
	s13 =	sadd.s32 s15, s13;
	[sflag:s7] =	ssyncadd.s32 $0xFFFF0000  }
0x2b: {  	[tilespmem:s2], [sflag:$0x2] =	stream.linear.gather [hbm4b:s13+s2], $0x200, $0x38;
	[tilespmem:$0x10200] =	vst v63  }
0x2c: {  	s31 =	sshrl.u32 s30, $0x1;
	_ =	swait.ge [sflag:s4], $0x200  }
0x2d: {  	s29 =	sshll.u32 s17, $0x4;
	s15 =	ssub.s32 s30, s31;
	[sflag:s4] =	ssyncset.done $0x0  }
0x2e: {  	s14 =	sadd.s32 s16, s29;
	s15 =	smax.u32 s15, $0x1;
	[sflag:s4] =	ssyncadd.s32 $0xFFFFFE00  }
0x2f: {  	[tilespmem:s6], [sflag:$0x2] =	stream.linear.gather [hbm4b:s14+s2], $0x10000, $0x38;
	[tilespmem:$0x10200] =	vst v63  }
0x30: {  	p0 =	sne.s32 s15, $0x1;
	_ =	swait.ge [sflag:s4], $0x10000  }
.Ltmp0:
0x31: {  	[sflag:s4] =	ssyncset.done $0x0;
	(pc) =	sbr.rel @!p0 .LBB2_2-.Ltmp0, $4  }
0x32: {  	[sflag:s4] =	ssyncadd.s32 $0xFFFF0000  }
0x33: {  	[hbm4b:s8+s6] =	stream.indirect.scatter [tilespmem:s6], [sflag:$0x1], $0x80, s2, s6, $0xb8;
	[tilespmem:$0x10200] =	vst v63  }
0x34: {  	_ =	swait.ge [sflag:s7], $0x10000  }
0x35: {  	s15 =	sadd.s32 $0xFFFFFFFF, s15;
	[sflag:s7] =	ssyncset.done $0x0  }
.LBB2_1:
0x36: {  	p0 =	sne.s32 s15, $0x1;
	s15 =	sadd.s32 $0xFFFFFFFF, s15;
	[sflag:s7] =	ssyncadd.s32 $0xFFFF0000  }
0x37: {  	[tilespmem:s2], [sflag:$0x2] =	stream.linear.gather [hbm4b:s3+s2], $0x200, $0x38;
	[tilespmem:$0x10200] =	vst v63  }
0x38: {  	_ =	swait.ge [sflag:s4], $0x200  }
0x39: {  	[sflag:s4] =	ssyncset.done $0x0  }
0x3a: {  	[sflag:s4] =	ssyncadd.s32 $0xFFFFFE00  }
0x3b: {  	[tilespmem:s6], [sflag:$0x2] =	stream.linear.gather [hbm4b:s5+s2], $0x10000, $0x38;
	[tilespmem:$0x10200] =	vst v63  }
0x3c: {  	_ =	swait.ge [sflag:s4], $0x10000  }
0x3d: {  	[sflag:s4] =	ssyncset.done $0x0  }
0x3e: {  	[sflag:s4] =	ssyncadd.s32 $0xFFFF0000  }
0x3f: {  	[hbm4b:s8+s6] =	stream.indirect.scatter [tilespmem:s6], [sflag:$0x1], $0x80, s2, s6, $0xb8;
	[tilespmem:$0x10200] =	vst v63  }
0x40: {  	_ =	swait.ge [sflag:s7], $0x10000  }
0x41: {  	[sflag:s7] =	ssyncset.done $0x0  }
0x42: {  	[sflag:s7] =	ssyncadd.s32 $0xFFFF0000  }
0x43: {  	[tilespmem:s2], [sflag:$0x2] =	stream.linear.gather [hbm4b:s9+s2], $0x200, $0x38;
	[tilespmem:$0x10200] =	vst v63  }
0x44: {  	_ =	swait.ge [sflag:s4], $0x200  }
0x45: {  	[sflag:s4] =	ssyncset.done $0x0  }
0x46: {  	[sflag:s4] =	ssyncadd.s32 $0xFFFFFE00  }
0x47: {  	[tilespmem:s6], [sflag:$0x2] =	stream.linear.gather [hbm4b:s10+s2], $0x10000, $0x38;
	[tilespmem:$0x10200] =	vst v63  }
0x48: {  	_ =	swait.ge [sflag:s4], $0x10000  }
0x49: {  	[sflag:s4] =	ssyncset.done $0x0  }
0x4a: {  	[sflag:s4] =	ssyncadd.s32 $0xFFFF0000  }
0x4b: {  	[hbm4b:s8+s6] =	stream.indirect.scatter [tilespmem:s6], [sflag:$0x1], $0x80, s2, s6, $0xb8;
	[tilespmem:$0x10200] =	vst v63  }
0x4c: {  	_ =	swait.ge [sflag:s7], $0x10000  }
0x4d: {  	[sflag:s7] =	ssyncset.done $0x0  }
0x4e: {  	[sflag:s7] =	ssyncadd.s32 $0xFFFF0000  }
0x4f: {  	[tilespmem:s2], [sflag:$0x2] =	stream.linear.gather [hbm4b:s11+s2], $0x200, $0x38;
	[tilespmem:$0x10200] =	vst v63  }
0x50: {  	_ =	swait.ge [sflag:s4], $0x200  }
0x51: {  	[sflag:s4] =	ssyncset.done $0x0  }
0x52: {  	[sflag:s4] =	ssyncadd.s32 $0xFFFFFE00  }
0x53: {  	[tilespmem:s6], [sflag:$0x2] =	stream.linear.gather [hbm4b:s12+s2], $0x10000, $0x38;
	[tilespmem:$0x10200] =	vst v63  }
0x54: {  	_ =	swait.ge [sflag:s4], $0x10000  }
0x55: {  	[sflag:s4] =	ssyncset.done $0x0  }
0x56: {  	[sflag:s4] =	ssyncadd.s32 $0xFFFF0000  }
0x57: {  	[hbm4b:s8+s6] =	stream.indirect.scatter [tilespmem:s6], [sflag:$0x1], $0x80, s2, s6, $0xb8;
	[tilespmem:$0x10200] =	vst v63  }
0x58: {  	_ =	swait.ge [sflag:s7], $0x10000  }
0x59: {  	[sflag:s7] =	ssyncset.done $0x0  }
0x5a: {  	[sflag:s7] =	ssyncadd.s32 $0xFFFF0000  }
0x5b: {  	[tilespmem:s2], [sflag:$0x2] =	stream.linear.gather [hbm4b:s13+s2], $0x200, $0x38;
	[tilespmem:$0x10200] =	vst v63  }
0x5c: {  	_ =	swait.ge [sflag:s4], $0x200  }
0x5d: {  	[sflag:s4] =	ssyncset.done $0x0  }
0x5e: {  	[sflag:s4] =	ssyncadd.s32 $0xFFFFFE00  }
0x5f: {  	[tilespmem:s6], [sflag:$0x2] =	stream.linear.gather [hbm4b:s14+s2], $0x10000, $0x38;
	[tilespmem:$0x10200] =	vst v63  }
0x60: {  	_ =	swait.ge [sflag:s4], $0x10000  }
.Ltmp1:
0x61: {  	[sflag:s4] =	ssyncset.done $0x0;
	(pc) =	sbr.rel @p0 .LBB2_1-.Ltmp1, $4  }
0x62: {  	[sflag:s4] =	ssyncadd.s32 $0xFFFF0000  }
0x63: {  	[hbm4b:s8+s6] =	stream.indirect.scatter [tilespmem:s6], [sflag:$0x1], $0x80, s2, s6, $0xb8;
	[tilespmem:$0x10200] =	vst v63  }
0x64: {  	_ =	swait.ge [sflag:s7], $0x10000  }
0x65: {  	[sflag:s7] =	ssyncset.done $0x0  }
.LBB2_2:
0x66: {  	[sflag:s7] =	ssyncadd.s32 $0xFFFF0000  }
0x67: {  	_ =	sfence.sel $0x180000  }
0x68: {  	[bflag:$0x0] =	sbarrier.arrive $0xFFFF  }
0x69: {  	p0 =	sne.s32 s0, $0x0;
	_ =	strace $0x90000059  }
0x6a: {  	s0 =	sadd.s32 @!p0 $0x100000, s1;
	[bflag:$0x2] =	sbarrier.arrive $0xFFFF  }
0x6b: {  	[sflag:s0] =	ssyncadd.tile.s32 @!p0 $0x1;
	_ =	shalt  }
.Lfunc_end2:
_tile_overlayer_lowered:
.L_overlay_start_2:
0x6c: {  	(tag) =	ssettag $0x2  }
0x6d: {  	s0 =	rddreg [dreg:$0x0];
	s2 =	stileid.u32  }
0x6e: {  	s1 =	rddreg [dreg:$0x1];
	p0 =	sne.s32 s2, $0x0  }
0x6f: {  	s3 =	rddreg [dreg:$0x2];
	[bflag:$0x3] =	sbarrier.arrive $0xFFFF;
	s2 =	simm.s32 @!p0 $0x1C02  }
0x70: {  	[timem:s3], [sflag:s2] =	dma.local @!p0 [hbm:s0], s1  }
0x71: {  	s0 =	simm.s32 @!p0 $0x2  }
0x72: {  	_ =	swait.ge @!p0 [sflag:s0], s1  }
0x73: {  	s1 =	ssub.s32 @!p0 $0x0, s1;
	[sflag:s0] =	ssyncset.done @!p0 $0x0  }
0x74: {  	[sflag:s0] =	ssyncadd.s32 @!p0 s1  }
0x75: {  	[bflag:$0x3] =	sbarrier.arrive $0xFFFF  }
0x76: {  	_ =	shalt  }

// kernel: kernel.42.cloned.1.call-start
scs
__scs_entry_jumppad:
0x0: {  	(pc) =	sbr.rel $0x88, $3  }
0x1: {  	(tag) =	ssettag $0x0;
	lr =	simm.s32 $0x1  }
0x2: {  	[smem:$0x3F93] =	sst lr;
	_ =	strace $0xD0000000  }
0x3: {  	_ = 	snop  }
0x4: {  	_ = 	snop  }
0x5: {  	_ = 	snop  }
0x6: {  	_ = 	snop  }
0x7: {  	_ = 	snop  }
__scs_overlays_trampoline_lowered:
0x8: {  	[smem:$0x3FA2] =	sst s0  }
0x9: {  	[smem:$0x3FA3] =	sst s1  }
0xa: {  	[smem:$0x3FA4] =	sst s2  }
0xb: {  	[smem:$0x3FA5] =	sst s3  }
0xc: {  	[smem:$0x3FA6] =	sst s4  }
0xd: {  	[smem:$0x3FA7] =	sst s5  }
0xe: {  	[smem:$0x3FA8] =	sst s6  }
0xf: {  	[smem:$0x3FA9] =	sst s7  }
0x10: {  	[smem:$0x3FAA] =	sst s8  }
0x11: {  	[smem:$0x3FAB] =	sst s9;
	s0 =	simm.s32 @!p0 $0x0  }
0x12: {  	s1 =	sld [smem:$0x3F91];
	s0 =	simm.s32 @p0 $0x1  }
0x13: {  	[smem:$0x3FAC] =	sst s0;
	s0 =	simm.s32 @!p1 $0x0  }
0x14: {  	s2 =	sld [smem:$0x3F90];
	s0 =	simm.s32 @p1 $0x1  }
0x15: {  	[smem:$0x3FAD] =	sst s0;
	s0 =	simm.s32 @!p2 $0x0  }
0x16: {  	s3 =	sld [smem:$0x3FDB];
	s0 =	simm.s32 @p2 $0x1  }
0x17: {  	s4 =	simm.s32 $0x1BF5;
	[smem:$0x3FAF] =	sst s0  }
0x18: {  	s0 =	sld [smem:$0x3F92];
	_ =	swait.ge [sflag:s4], $0x0  }
0x19: {  	s7 =	sld [smem:$0x3F93]  }
0x1a: {  	s8 =	sadd.s32 $0xFFFFE003, lr  }
0x1b: {  	s9 =	sadd.s32 $0xFFFFFEF7, lr;
	s5 =	simm.s32 $0xFFFFFFFF;
	p2 =	slt.u32 s8, $0xFFFFF086  }
0x1c: {  	p1 =	slt.u32 s9, $0xF7A;
	s5 =	simm.s32 @!p2 $0x0  }
0x1d: {  	s5 =	simm.s32 @p1 $0x1;
	p0 =	seq.s32 s7, s2  }
0x1e: {  	s7 =	smul.u32 @!p0 $0xF7A, s2;
	p2 =	seq.s32 @!p0 s5, $0x0  }
0x1f: {  	s9 =	smul.u32 $0xF7A, s1;
	s8 =	simm.s32 @!p0 $0x1BF5;
	p2 =	por !p2, p0  }
0x20: {  	[sflag:s8] =	ssyncset.s32 @!p0 $0xFFFFF086;
	s6 =	sadd.s32 @!p0 s3, s7;
	s7 =	simm.s32 @!p0 $0x108  }
0x21: {  	s3 =	sadd.s32 s3, s9;
	s6 =	sadd.s32 @!p0 $0x88, s6;
	s7 =	simm.s32 @p2 $0x1082  }
0x22: {  	[simem:s7], [sflag:s8] =	dma.local @!p0 [hbm:s6], $0xF7A  }
0x23: {  	s9 =	sor.u32 $0xD0000000, s2;
	s6 =	simm.s32 $0x108;
	_ =	swait.ge @!p0 [sflag:s8], $0x0  }
0x24: {  	s3 =	sadd.s32 $0x88, s3;
	s6 =	simm.s32 @!p1 $0x1082;
	[sflag:s4] =	ssyncset.s32 $0xFFFFF086  }
0x25: {  	[simem:s6], [sflag:s4] =	dma.local [hbm:s3], $0xF7A  }
0x26: {  	[smem:$0x3F93] =	sst s1;
	(tag) =	ssettag s2;
	_ =	strace s9  }
0x27: {  	s1 =	sld [smem:$0x3FA3]  }
0x28: {  	s2 =	sld [smem:$0x3FA4]  }
0x29: {  	s4 =	sld [smem:$0x3FA6]  }
0x2a: {  	p0 =	seq.s32 s5, $0x0;
	s5 =	sld [smem:$0x3FA7]  }
0x2b: {  	s6 =	sld [smem:$0x3FA8]  }
0x2c: {  	s7 =	sld [smem:$0x3FA9]  }
0x2d: {  	s3 =	simm.s32 $0x108;
	s8 =	sld [smem:$0x3FAA]  }
0x2e: {  	s3 =	simm.s32 @!p0 $0x1082;
	s9 =	sld [smem:$0x3FAB]  }
0x2f: {  	lr =	sadd.s32 s0, s3;
	s0 =	sld [smem:$0x3FA2]  }
0x30: {  	s3 =	sld [smem:$0x3FA5]  }
0x31: {  	[smem:$0x3FAE] =	sst s10  }
0x32: {  	s10 =	sld [smem:$0x3FAC];
	_ =	sdelay $0x3  }
0x33: {  	p0 =	seq.s32 s10, $0x1;
	s10 =	sld [smem:$0x3FAE];
	_ =	sdelay $0x3  }
0x34: {  	[smem:$0x3FAE] =	sst s10  }
0x35: {  	s10 =	sld [smem:$0x3FAD];
	_ =	sdelay $0x3  }
0x36: {  	p1 =	seq.s32 s10, $0x1;
	s10 =	sld [smem:$0x3FAE];
	_ =	sdelay $0x3  }
0x37: {  	[smem:$0x3FAE] =	sst s10  }
0x38: {  	s10 =	sld [smem:$0x3FAF]  }
0x39: {  	_ = 	snop;
	(pc) =	sbr.ind lr, $3  }
0x3a: {  	_ = 	snop  }
0x3b: {  	_ = 	snop  }
0x3c: {  	p2 =	seq.s32 s10, $0x1;
	s10 =	sld [smem:$0x3FAE]  }
0x3d: {  	_ =	shalt  }
0x3e: {  	_ =	shalt  }
0x3f: {  	_ =	shalt  }
0x40: {  	_ =	shalt  }
0x41: {  	_ =	shalt  }
0x42: {  	_ =	shalt  }
0x43: {  	_ =	shalt  }
0x44: {  	_ =	shalt  }
0x45: {  	_ =	shalt  }
0x46: {  	_ =	shalt  }
0x47: {  	_ =	shalt  }
0x48: {  	_ =	shalt  }
0x49: {  	_ =	shalt  }
0x4a: {  	_ =	shalt  }
0x4b: {  	_ =	shalt  }
0x4c: {  	_ =	shalt  }
0x4d: {  	_ =	shalt  }
0x4e: {  	_ =	shalt  }
0x4f: {  	_ =	shalt  }
0x50: {  	_ =	shalt  }
0x51: {  	_ =	shalt  }
0x52: {  	_ =	shalt  }
0x53: {  	_ =	shalt  }
0x54: {  	_ =	shalt  }
0x55: {  	_ =	shalt  }
0x56: {  	_ =	shalt  }
0x57: {  	_ =	shalt  }
0x58: {  	_ =	shalt  }
0x59: {  	_ =	shalt  }
0x5a: {  	_ =	shalt  }
0x5b: {  	_ =	shalt  }
0x5c: {  	_ =	shalt  }
0x5d: {  	_ =	shalt  }
0x5e: {  	_ =	shalt  }
0x5f: {  	_ =	shalt  }
0x60: {  	_ =	shalt  }
0x61: {  	_ =	shalt  }
0x62: {  	_ =	shalt  }
0x63: {  	_ =	shalt  }
0x64: {  	_ =	shalt  }
0x65: {  	_ =	shalt  }
0x66: {  	_ =	shalt  }
0x67: {  	_ =	shalt  }
0x68: {  	_ =	shalt  }
0x69: {  	_ =	shalt  }
0x6a: {  	_ =	shalt  }
0x6b: {  	_ =	shalt  }
0x6c: {  	_ =	shalt  }
0x6d: {  	_ =	shalt  }
0x6e: {  	_ =	shalt  }
0x6f: {  	_ =	shalt  }
0x70: {  	_ =	shalt  }
0x71: {  	_ =	shalt  }
0x72: {  	_ =	shalt  }
0x73: {  	_ =	shalt  }
0x74: {  	_ =	shalt  }
0x75: {  	_ =	shalt  }
0x76: {  	_ =	shalt  }
0x77: {  	_ =	shalt  }
0x78: {  	_ =	shalt  }
0x79: {  	_ =	shalt  }
0x7a: {  	_ =	shalt  }
0x7b: {  	_ =	shalt  }
0x7c: {  	_ =	shalt  }
0x7d: {  	_ =	shalt  }
0x7e: {  	_ =	shalt  }
0x7f: {  	_ =	shalt  }
0x80: {  	_ =	shalt  }
0x81: {  	_ =	shalt  }
0x82: {  	_ =	shalt  }
0x83: {  	_ =	shalt  }
0x84: {  	_ =	shalt  }
0x85: {  	_ =	shalt  }
0x86: {  	_ =	shalt  }
0x87: {  	_ =	shalt  }
.Lfunc_end0:
.L_simem_size_0:
called_computation.6_lowered:
.L_overlay_start_0:
0x88: {  	s2 =	sld [smem:$0x3FD9]  }
0x89: {  	s3 =	sld [smem:$0x3FFE];
	_ =	sdelay $0x1  }
0x8a: {  	s1 =	srdreg.scid  }
0x8b: {  	s0 =	sand.u32 $0x1, s1  }
0x8c: {  	s17 =	sshll.u32 s0, $0xA;
	s2 =	sadd.s32 s3, s2  }
0x8d: {  	s2 =	sadd.s32 s2, s17  }
0x8e: {  	[smem:$0x3FBA] =	sst s2  }
0x8f: {  	_ = 	snop  }
0x90: {  	(tm) =	ssettm $0x1  }
0x91: {  	s18 =	sld [smem:$0x3FFB];
	_ =	sdelay $0x3  }
0x92: {  	_ =	strace s18  }
0x93: {  	s2 =	sld [smem:$0x3FFC];
	_ =	sdelay $0x3  }
0x94: {  	_ =	strace s2  }
0x95: {  	s2 =	sld [smem:$0x3FFD];
	_ =	sdelay $0x3  }
0x96: {  	_ =	strace s2  }
0x97: {  	_ =	strace $0x8FFFFFFF  }
0x98: {  	s19 =	sld [smem:$0x3FDB];
	_ =	sdelay $0x1  }
0x99: {  	s20 =	simm.s32 $_scs_section_size  }
0x9a: {  	s4 =	simm.s32 $_size__tile_overlayer_lowered;
	s5 =	simm.s32 $_tile_overlayer_lowered  }
0x9b: {  	s6 =	simm.s32 $0x1BFF;
	s21 =	sshll.u32 s5, $0x1;
	s3 =	sadd.s32 s20, s19  }
0x9c: {  	s22 =	simm.s32 $0x0;
	s4 =	sshll.u32 s4, $0x1;
	s5 =	sadd.s32 s21, s3  }
0x9d: {  	[timem:s22], [sflag:s6] =	dma.local [hbm:s5], s4  }
0x9e: {  	_ =	swait.ge [sflag:s6], s4  }
0x9f: {  	s4 =	ssub.s32 $0x0, s4;
	[sflag:s6] =	ssyncset.done $0x0  }
0xa0: {  	[sflag:s6] =	ssyncadd.s32 s4;
	_ =	sdelay $0x1  }
0xa1: {  	s23 =	simm.s32 $0x1B8B  }
0xa2: {  	_ =	swait.ge [sflag:s23], $0x1  }
0xa3: {  	[sflag:s23] =	ssyncset.done $0x0  }
0xa4: {  	[sflag:s23] =	ssyncadd.s32 $0xFFFFFFFF  }
0xa5: {  	s4 =	sld [smem:$0x0]  }
0xa6: {  	s5 =	sand.u32 $0xFFFFFFFE, s1  }
0xa7: {  	p0 =	sne.s32 s1, s5  }
0xa8: {  	s5 =	sshll.u32 @p0 s5, $0xE  }
0xa9: {  	s5 =	sadd.s32 @p0 $0x11B8D, s5;
	s6 =	sshll.u32 @p0 s4, $0x11  }
0xaa: {  	s5 =	sor.u32 @p0 s6, s5  }
0xab: {  	[sflag:s5] =	ssyncadd.remote.s32 @p0 $0x1;
	_ =	sdelay $0x1  }
0xac: {  	s5 =	simm.s32 @p0 $0x1B8D  }
0xad: {  	_ =	swait.eq @p0 [sflag:s5], $0x1  }
0xae: {  	[sflag:s5] =	ssyncadd.s32 @p0 $0xFFFFFFFF  }
0xaf: {  	s6 =	sshll.u32 @!p0 s1, $0xE  }
0xb0: {  	s6 =	sor.u32 @!p0 $0x4000, s6;
	s5 =	simm.s32 @!p0 $0x1B8D  }
0xb1: {  	s4 =	sshll.u32 @!p0 s4, $0x11;
	s6 =	sadd.s32 @!p0 $0x11B8D, s6;
	_ =	swait.eq @!p0 [sflag:s5], $0x1  }
0xb2: {  	s4 =	sor.u32 @!p0 s4, s6;
	[sflag:s5] =	ssyncadd.s32 @!p0 $0xFFFFFFFF  }
0xb3: {  	s25 =	simm.s32 $0x1B8E;
	s24 =	sld [smem:$0x3FFE];
	[sflag:s4] =	ssyncadd.remote.s32 @!p0 $0x1  }
0xb4: {  	s26 =	simm.s32 $execute0_lowered;
	[smem:$0x3FD2] =	sst s25  }
0xb5: {  	s5 =	sshll.u32 s26, $0x1;
	_ =	strace $0x80000055;
	[dreg:$0x1] =	wrdreg $0xFFFFFFFF  }
0xb6: {  	s28 =	simm.s32 $_size_execute0_lowered;
	s3 =	sadd.s32 s3, s5;
	[dreg:$0x0] =	wrdreg $0x0  }
0xb7: {  	s5 =	sshll.u32 s28, $0x1;
	[dreg:$0x2] =	wrdreg s3  }
0xb8: {  	[dreg:$0x3] =	wrdreg s5  }
0xb9: {  	[dreg:$0x4] =	wrdreg $0xC0  }
0xba: {  	_ =	task [dreg:s22], $0x5FFFF  }
0xbb: {  	[dreg:$0x1] =	wrdreg $0xFFFFFFFF  }
0xbc: {  	[dreg:$0x0] =	wrdreg $0x60  }
0xbd: {  	[dreg:$0x2] =	wrdreg s24  }
0xbe: {  	[dreg:$0x3] =	wrdreg $0xA  }
0xbf: {  	_ =	task.clear_ibuf [dreg:s22], $0x4FFFF;
	_ =	strace $0x90000055  }
0xc0: {  	s29 =	simm.s32 $0xA;
	_ =	strace $0x80000057  }
0xc1: {  	_ =	swait.ge [sflag:s29], $0x1  }
0xc2: {  	[sflag:s29] =	ssyncadd.s32 $0xFFFFFFFF  }
0xc3: {  	_ =	strace $0x90000057  }
0xc4: {  	_ =	sfence  }
0xc5: {  	s30 =	sld [smem:$0x0];
	_ =	sdelay $0x2  }
0xc6: {  	s31 =	sshll.u32 s1, $0xD;
	s1 =	sshrl.u32 s1, $0x2  }
0xc7: {  	s4 =	sand.u32 $0x4000, s31;
	s1 =	sadd.s32 s1, s30  }
0xc8: {  	s0 =	sor.u32 s4, s0;
	s1 =	sshll.u32 s1, $0x11  }
0xc9: {  	s0 =	sor.u32 s1, s0  }
0xca: {  	s0 =	sadd.s32 $0x8F2B, s0  }
0xcb: {  	[sflag:s0] =	ssyncadd.remote.s32 $0x1  }
0xcc: {  	_ =	sfence.sel $0xFFFF  }
0xcd: {  	[dreg:$0x0] =	wrdreg $0xFFFFFFFF;
	(pc) =	sbr.abs _section_cstart, $3  }
0xce: {  	[dreg:$0x1] =	wrdreg $0xFFFFFFFF  }
0xcf: {  	_ =	task.clear_ibuf [dreg:s22], $0x2FFFF;
	_ =	strace $0x9FFFFFFF  }
0xd0: {  	(tm) =	ssettm $0x7FFFFFFF  }
0xd1: {  	_ =	shalt  }
tec
execute0_lowered:
.L_overlay_start_1:
0x0: {  	(tag) =	ssettag $0x1  }
0x1: {  	s1 =	srdreg.scid  }
0x2: {  	s0 =	stileid.u32;
	s14 =	sand.u32 $0x1, s1  }
0x3: {  	s8 =	rddreg [dreg:$0x0];
	s3 =	sshll.u32 s0, $0xC;
	s4 =	sshll.u32 s14, $0xB  }
0x4: {  	s2 =	simm.s32 $0x0;
	s1 =	rddreg [dreg:$0x1];
	s13 =	sor.u32 s4, s3  }
0x5: {  	[smem:$0x7FF] =	sst s2;
	s15 =	sadd.s32 $0x4C200, s8;
	s3 =	sshrl.u32 s13, $0x3  }
0x6: {  	_ =	strace $0x80000056;
	s4 =	sadd.s32 s15, s3;
	s3 =	simm.s32 $0x2  }
0x7: {  	[tilespmem:s2], [sflag:$0x2] =	stream.linear.gather [hbm4b:s4+s2], $0x200, $0x38;
	[tilespmem:$0x10200] =	vst v63  }
0x8: {  	_ =	swait.ge [sflag:s3], $0x200  }
0x9: {  	s6 =	simm.s32 $0x200;
	[sflag:s3] =	ssyncset.done $0x0  }
0xa: {  	s7 =	simm.s32 $0x1;
	s5 =	sadd.s32 $0x17AE00, s8;
	[sflag:s3] =	ssyncadd.s32 $0xFFFFFE00  }
0xb: {  	[tilespmem:s6], [sflag:$0x1] =	stream.indirect.gather [hbm4b:s5+s6], $0x80, s2, s6, $0xb8;
	[tilespmem:$0x10200] =	vst v63  }
0xc: {  	_ =	swait.ge [sflag:s7], $0x10000  }
0xd: {  	s16 =	sadd.s32 $0x2BAE00, s8;
	s29 =	sshll.u32 s13, $0x4;
	[sflag:s7] =	ssyncset.done $0x0  }
0xe: {  	s8 =	sadd.s32 s16, s29;
	[sflag:s7] =	ssyncadd.s32 $0xFFFF0000  }
0xf: {  	[hbm4b:s8+s2] =	stream.linear.scatter [tilespmem:s6], [sflag:$0x2], $0x10000, $0x38;
	[tilespmem:$0x10200] =	vst v63  }
0x10: {  	s10 =	sor.u32 $0x200, s13;
	_ =	swait.ge [sflag:s3], $0x10000  }
0x11: {  	s9 =	sshrl.u32 s10, $0x3;
	[sflag:s3] =	ssyncset.done $0x0  }
0x12: {  	s9 =	sadd.s32 s15, s9;
	[sflag:s3] =	ssyncadd.s32 $0xFFFF0000  }
0x13: {  	[tilespmem:s2], [sflag:$0x2] =	stream.linear.gather [hbm4b:s9+s2], $0x200, $0x38;
	[tilespmem:$0x10200] =	vst v63  }
0x14: {  	_ =	swait.ge [sflag:s3], $0x200  }
0x15: {  	[sflag:s3] =	ssyncset.done $0x0  }
0x16: {  	[sflag:s3] =	ssyncadd.s32 $0xFFFFFE00  }
0x17: {  	[tilespmem:s6], [sflag:$0x1] =	stream.indirect.gather [hbm4b:s5+s6], $0x80, s2, s6, $0xb8;
	[tilespmem:$0x10200] =	vst v63  }
0x18: {  	_ =	swait.ge [sflag:s7], $0x10000  }
0x19: {  	s10 =	sshll.u32 s10, $0x4;
	[sflag:s7] =	ssyncset.done $0x0  }
0x1a: {  	s10 =	sadd.s32 s16, s10;
	[sflag:s7] =	ssyncadd.s32 $0xFFFF0000  }
0x1b: {  	[hbm4b:s10+s2] =	stream.linear.scatter [tilespmem:s6], [sflag:$0x2], $0x10000, $0x38;
	[tilespmem:$0x10200] =	vst v63  }
0x1c: {  	s12 =	sor.u32 $0x400, s13;
	_ =	swait.ge [sflag:s3], $0x10000  }
0x1d: {  	s11 =	sshrl.u32 s12, $0x3;
	[sflag:s3] =	ssyncset.done $0x0  }
0x1e: {  	s11 =	sadd.s32 s15, s11;
	[sflag:s3] =	ssyncadd.s32 $0xFFFF0000  }
0x1f: {  	[tilespmem:s2], [sflag:$0x2] =	stream.linear.gather [hbm4b:s11+s2], $0x200, $0x38;
	[tilespmem:$0x10200] =	vst v63  }
0x20: {  	_ =	swait.ge [sflag:s3], $0x200  }
0x21: {  	[sflag:s3] =	ssyncset.done $0x0  }
0x22: {  	[sflag:s3] =	ssyncadd.s32 $0xFFFFFE00  }
0x23: {  	[tilespmem:s6], [sflag:$0x1] =	stream.indirect.gather [hbm4b:s5+s6], $0x80, s2, s6, $0xb8;
	[tilespmem:$0x10200] =	vst v63  }
0x24: {  	_ =	swait.ge [sflag:s7], $0x10000  }
0x25: {  	s12 =	sshll.u32 s12, $0x4;
	[sflag:s7] =	ssyncset.done $0x0  }
0x26: {  	s12 =	sadd.s32 s16, s12;
	[sflag:s7] =	ssyncadd.s32 $0xFFFF0000  }
0x27: {  	[hbm4b:s12+s2] =	stream.linear.scatter [tilespmem:s6], [sflag:$0x2], $0x10000, $0x38;
	[tilespmem:$0x10200] =	vst v63  }
0x28: {  	s17 =	sor.u32 $0x600, s13;
	_ =	swait.ge [sflag:s3], $0x10000  }
0x29: {  	s13 =	sshrl.u32 s17, $0x3;
	[sflag:s3] =	ssyncset.done $0x0  }
0x2a: {  	s14 =	ssub.s32 $0x2, s14;
	s13 =	sadd.s32 s15, s13;
	[sflag:s3] =	ssyncadd.s32 $0xFFFF0000  }
0x2b: {  	[tilespmem:s2], [sflag:$0x2] =	stream.linear.gather [hbm4b:s13+s2], $0x200, $0x38;
	[tilespmem:$0x10200] =	vst v63  }
0x2c: {  	s30 =	sshrl.u32 s14, $0x1;
	_ =	swait.ge [sflag:s3], $0x200  }
0x2d: {  	s15 =	ssub.s32 s14, s30;
	[sflag:s3] =	ssyncset.done $0x0  }
0x2e: {  	s15 =	smax.u32 s15, $0x1;
	[sflag:s3] =	ssyncadd.s32 $0xFFFFFE00  }
0x2f: {  	[tilespmem:s6], [sflag:$0x1] =	stream.indirect.gather [hbm4b:s5+s6], $0x80, s2, s6, $0xb8;
	[tilespmem:$0x10200] =	vst v63  }
0x30: {  	p0 =	sne.s32 s15, $0x1;
	_ =	swait.ge [sflag:s7], $0x10000  }
.Ltmp0:
0x31: {  	s31 =	sshll.u32 s17, $0x4;
	[sflag:s7] =	ssyncset.done $0x0;
	(pc) =	sbr.rel @!p0 .LBB2_2-.Ltmp0, $4  }
0x32: {  	s14 =	sadd.s32 s16, s31;
	[sflag:s7] =	ssyncadd.s32 $0xFFFF0000  }
0x33: {  	[hbm4b:s14+s2] =	stream.linear.scatter [tilespmem:s6], [sflag:$0x2], $0x10000, $0x38;
	[tilespmem:$0x10200] =	vst v63  }
0x34: {  	_ =	swait.ge [sflag:s3], $0x10000  }
0x35: {  	s15 =	sadd.s32 $0xFFFFFFFF, s15;
	[sflag:s3] =	ssyncset.done $0x0  }
.LBB2_1:
0x36: {  	p0 =	sne.s32 s15, $0x1;
	s15 =	sadd.s32 $0xFFFFFFFF, s15;
	[sflag:s3] =	ssyncadd.s32 $0xFFFF0000  }
0x37: {  	[tilespmem:s2], [sflag:$0x2] =	stream.linear.gather [hbm4b:s4+s2], $0x200, $0x38;
	[tilespmem:$0x10200] =	vst v63  }
0x38: {  	_ =	swait.ge [sflag:s3], $0x200  }
0x39: {  	[sflag:s3] =	ssyncset.done $0x0  }
0x3a: {  	[sflag:s3] =	ssyncadd.s32 $0xFFFFFE00  }
0x3b: {  	[tilespmem:s6], [sflag:$0x1] =	stream.indirect.gather [hbm4b:s5+s6], $0x80, s2, s6, $0xb8;
	[tilespmem:$0x10200] =	vst v63  }
0x3c: {  	_ =	swait.ge [sflag:s7], $0x10000  }
0x3d: {  	[sflag:s7] =	ssyncset.done $0x0  }
0x3e: {  	[sflag:s7] =	ssyncadd.s32 $0xFFFF0000  }
0x3f: {  	[hbm4b:s8+s2] =	stream.linear.scatter [tilespmem:s6], [sflag:$0x2], $0x10000, $0x38;
	[tilespmem:$0x10200] =	vst v63  }
0x40: {  	_ =	swait.ge [sflag:s3], $0x10000  }
0x41: {  	[sflag:s3] =	ssyncset.done $0x0  }
0x42: {  	[sflag:s3] =	ssyncadd.s32 $0xFFFF0000  }
0x43: {  	[tilespmem:s2], [sflag:$0x2] =	stream.linear.gather [hbm4b:s9+s2], $0x200, $0x38;
	[tilespmem:$0x10200] =	vst v63  }
0x44: {  	_ =	swait.ge [sflag:s3], $0x200  }
0x45: {  	[sflag:s3] =	ssyncset.done $0x0  }
0x46: {  	[sflag:s3] =	ssyncadd.s32 $0xFFFFFE00  }
0x47: {  	[tilespmem:s6], [sflag:$0x1] =	stream.indirect.gather [hbm4b:s5+s6], $0x80, s2, s6, $0xb8;
	[tilespmem:$0x10200] =	vst v63  }
0x48: {  	_ =	swait.ge [sflag:s7], $0x10000  }
0x49: {  	[sflag:s7] =	ssyncset.done $0x0  }
0x4a: {  	[sflag:s7] =	ssyncadd.s32 $0xFFFF0000  }
0x4b: {  	[hbm4b:s10+s2] =	stream.linear.scatter [tilespmem:s6], [sflag:$0x2], $0x10000, $0x38;
	[tilespmem:$0x10200] =	vst v63  }
0x4c: {  	_ =	swait.ge [sflag:s3], $0x10000  }
0x4d: {  	[sflag:s3] =	ssyncset.done $0x0  }
0x4e: {  	[sflag:s3] =	ssyncadd.s32 $0xFFFF0000  }
0x4f: {  	[tilespmem:s2], [sflag:$0x2] =	stream.linear.gather [hbm4b:s11+s2], $0x200, $0x38;
	[tilespmem:$0x10200] =	vst v63  }
0x50: {  	_ =	swait.ge [sflag:s3], $0x200  }
0x51: {  	[sflag:s3] =	ssyncset.done $0x0  }
0x52: {  	[sflag:s3] =	ssyncadd.s32 $0xFFFFFE00  }
0x53: {  	[tilespmem:s6], [sflag:$0x1] =	stream.indirect.gather [hbm4b:s5+s6], $0x80, s2, s6, $0xb8;
	[tilespmem:$0x10200] =	vst v63  }
0x54: {  	_ =	swait.ge [sflag:s7], $0x10000  }
0x55: {  	[sflag:s7] =	ssyncset.done $0x0  }
0x56: {  	[sflag:s7] =	ssyncadd.s32 $0xFFFF0000  }
0x57: {  	[hbm4b:s12+s2] =	stream.linear.scatter [tilespmem:s6], [sflag:$0x2], $0x10000, $0x38;
	[tilespmem:$0x10200] =	vst v63  }
0x58: {  	_ =	swait.ge [sflag:s3], $0x10000  }
0x59: {  	[sflag:s3] =	ssyncset.done $0x0  }
0x5a: {  	[sflag:s3] =	ssyncadd.s32 $0xFFFF0000  }
0x5b: {  	[tilespmem:s2], [sflag:$0x2] =	stream.linear.gather [hbm4b:s13+s2], $0x200, $0x38;
	[tilespmem:$0x10200] =	vst v63  }
0x5c: {  	_ =	swait.ge [sflag:s3], $0x200  }
0x5d: {  	[sflag:s3] =	ssyncset.done $0x0  }
0x5e: {  	[sflag:s3] =	ssyncadd.s32 $0xFFFFFE00  }
0x5f: {  	[tilespmem:s6], [sflag:$0x1] =	stream.indirect.gather [hbm4b:s5+s6], $0x80, s2, s6, $0xb8;
	[tilespmem:$0x10200] =	vst v63  }
0x60: {  	_ =	swait.ge [sflag:s7], $0x10000  }
.Ltmp1:
0x61: {  	[sflag:s7] =	ssyncset.done $0x0;
	(pc) =	sbr.rel @p0 .LBB2_1-.Ltmp1, $4  }
0x62: {  	[sflag:s7] =	ssyncadd.s32 $0xFFFF0000  }
0x63: {  	[hbm4b:s14+s2] =	stream.linear.scatter [tilespmem:s6], [sflag:$0x2], $0x10000, $0x38;
	[tilespmem:$0x10200] =	vst v63  }
0x64: {  	_ =	swait.ge [sflag:s3], $0x10000  }
0x65: {  	[sflag:s3] =	ssyncset.done $0x0  }
.LBB2_2:
0x66: {  	[sflag:s3] =	ssyncadd.s32 $0xFFFF0000  }
0x67: {  	_ =	sfence.sel $0x180000  }
0x68: {  	[bflag:$0x0] =	sbarrier.arrive $0xFFFF  }
0x69: {  	p0 =	sne.s32 s0, $0x0;
	_ =	strace $0x90000056  }
0x6a: {  	s0 =	sadd.s32 @!p0 $0x100000, s1;
	[bflag:$0x2] =	sbarrier.arrive $0xFFFF  }
0x6b: {  	[sflag:s0] =	ssyncadd.tile.s32 @!p0 $0x1;
	_ =	shalt  }
.Lfunc_end2:
_tile_overlayer_lowered:
.L_overlay_start_2:
0x6c: {  	(tag) =	ssettag $0x2  }
0x6d: {  	s0 =	rddreg [dreg:$0x0];
	s2 =	stileid.u32  }
0x6e: {  	s1 =	rddreg [dreg:$0x1];
	p0 =	sne.s32 s2, $0x0  }
0x6f: {  	s3 =	rddreg [dreg:$0x2];
	[bflag:$0x3] =	sbarrier.arrive $0xFFFF;
	s2 =	simm.s32 @!p0 $0x1C02  }
0x70: {  	[timem:s3], [sflag:s2] =	dma.local @!p0 [hbm:s0], s1  }
0x71: {  	s0 =	simm.s32 @!p0 $0x2  }
0x72: {  	_ =	swait.ge @!p0 [sflag:s0], s1  }
0x73: {  	s1 =	ssub.s32 @!p0 $0x0, s1;
	[sflag:s0] =	ssyncset.done @!p0 $0x0  }
0x74: {  	[sflag:s0] =	ssyncadd.s32 @!p0 s1  }
0x75: {  	[bflag:$0x3] =	sbarrier.arrive $0xFFFF  }
0x76: {  	_ =	shalt  }

// kernel: kernel.45.cloned.1.call-start
scs
__scs_entry_jumppad:
0x0: {  	(pc) =	sbr.rel $0x88, $3  }
0x1: {  	(tag) =	ssettag $0x0;
	lr =	simm.s32 $0x1  }
0x2: {  	[smem:$0x3F93] =	sst lr;
	_ =	strace $0xD0000000  }
0x3: {  	_ = 	snop  }
0x4: {  	_ = 	snop  }
0x5: {  	_ = 	snop  }
0x6: {  	_ = 	snop  }
0x7: {  	_ = 	snop  }
__scs_overlays_trampoline_lowered:
0x8: {  	[smem:$0x3FA2] =	sst s0  }
0x9: {  	[smem:$0x3FA3] =	sst s1  }
0xa: {  	[smem:$0x3FA4] =	sst s2  }
0xb: {  	[smem:$0x3FA5] =	sst s3  }
0xc: {  	[smem:$0x3FA6] =	sst s4  }
0xd: {  	[smem:$0x3FA7] =	sst s5  }
0xe: {  	[smem:$0x3FA8] =	sst s6  }
0xf: {  	[smem:$0x3FA9] =	sst s7  }
0x10: {  	[smem:$0x3FAA] =	sst s8  }
0x11: {  	[smem:$0x3FAB] =	sst s9;
	s0 =	simm.s32 @!p0 $0x0  }
0x12: {  	s1 =	sld [smem:$0x3F91];
	s0 =	simm.s32 @p0 $0x1  }
0x13: {  	[smem:$0x3FAC] =	sst s0;
	s0 =	simm.s32 @!p1 $0x0  }
0x14: {  	s2 =	sld [smem:$0x3F90];
	s0 =	simm.s32 @p1 $0x1  }
0x15: {  	[smem:$0x3FAD] =	sst s0;
	s0 =	simm.s32 @!p2 $0x0  }
0x16: {  	s3 =	sld [smem:$0x3FDB];
	s0 =	simm.s32 @p2 $0x1  }
0x17: {  	s4 =	simm.s32 $0x1BF5;
	[smem:$0x3FAF] =	sst s0  }
0x18: {  	s0 =	sld [smem:$0x3F92];
	_ =	swait.ge [sflag:s4], $0x0  }
0x19: {  	s7 =	sld [smem:$0x3F93]  }
0x1a: {  	s8 =	sadd.s32 $0xFFFFE003, lr  }
0x1b: {  	s9 =	sadd.s32 $0xFFFFFEF7, lr;
	s5 =	simm.s32 $0xFFFFFFFF;
	p2 =	slt.u32 s8, $0xFFFFF086  }
0x1c: {  	p1 =	slt.u32 s9, $0xF7A;
	s5 =	simm.s32 @!p2 $0x0  }
0x1d: {  	s5 =	simm.s32 @p1 $0x1;
	p0 =	seq.s32 s7, s2  }
0x1e: {  	s7 =	smul.u32 @!p0 $0xF7A, s2;
	p2 =	seq.s32 @!p0 s5, $0x0  }
0x1f: {  	s9 =	smul.u32 $0xF7A, s1;
	s8 =	simm.s32 @!p0 $0x1BF5;
	p2 =	por !p2, p0  }
0x20: {  	[sflag:s8] =	ssyncset.s32 @!p0 $0xFFFFF086;
	s6 =	sadd.s32 @!p0 s3, s7;
	s7 =	simm.s32 @!p0 $0x108  }
0x21: {  	s3 =	sadd.s32 s3, s9;
	s6 =	sadd.s32 @!p0 $0x88, s6;
	s7 =	simm.s32 @p2 $0x1082  }
0x22: {  	[simem:s7], [sflag:s8] =	dma.local @!p0 [hbm:s6], $0xF7A  }
0x23: {  	s9 =	sor.u32 $0xD0000000, s2;
	s6 =	simm.s32 $0x108;
	_ =	swait.ge @!p0 [sflag:s8], $0x0  }
0x24: {  	s3 =	sadd.s32 $0x88, s3;
	s6 =	simm.s32 @!p1 $0x1082;
	[sflag:s4] =	ssyncset.s32 $0xFFFFF086  }
0x25: {  	[simem:s6], [sflag:s4] =	dma.local [hbm:s3], $0xF7A  }
0x26: {  	[smem:$0x3F93] =	sst s1;
	(tag) =	ssettag s2;
	_ =	strace s9  }
0x27: {  	s1 =	sld [smem:$0x3FA3]  }
0x28: {  	s2 =	sld [smem:$0x3FA4]  }
0x29: {  	s4 =	sld [smem:$0x3FA6]  }
0x2a: {  	p0 =	seq.s32 s5, $0x0;
	s5 =	sld [smem:$0x3FA7]  }
0x2b: {  	s6 =	sld [smem:$0x3FA8]  }
0x2c: {  	s7 =	sld [smem:$0x3FA9]  }
0x2d: {  	s3 =	simm.s32 $0x108;
	s8 =	sld [smem:$0x3FAA]  }
0x2e: {  	s3 =	simm.s32 @!p0 $0x1082;
	s9 =	sld [smem:$0x3FAB]  }
0x2f: {  	lr =	sadd.s32 s0, s3;
	s0 =	sld [smem:$0x3FA2]  }
0x30: {  	s3 =	sld [smem:$0x3FA5]  }
0x31: {  	[smem:$0x3FAE] =	sst s10  }
0x32: {  	s10 =	sld [smem:$0x3FAC];
	_ =	sdelay $0x3  }
0x33: {  	p0 =	seq.s32 s10, $0x1;
	s10 =	sld [smem:$0x3FAE];
	_ =	sdelay $0x3  }
0x34: {  	[smem:$0x3FAE] =	sst s10  }
0x35: {  	s10 =	sld [smem:$0x3FAD];
	_ =	sdelay $0x3  }
0x36: {  	p1 =	seq.s32 s10, $0x1;
	s10 =	sld [smem:$0x3FAE];
	_ =	sdelay $0x3  }
0x37: {  	[smem:$0x3FAE] =	sst s10  }
0x38: {  	s10 =	sld [smem:$0x3FAF]  }
0x39: {  	_ = 	snop;
	(pc) =	sbr.ind lr, $3  }
0x3a: {  	_ = 	snop  }
0x3b: {  	_ = 	snop  }
0x3c: {  	p2 =	seq.s32 s10, $0x1;
	s10 =	sld [smem:$0x3FAE]  }
0x3d: {  	_ =	shalt  }
0x3e: {  	_ =	shalt  }
0x3f: {  	_ =	shalt  }
0x40: {  	_ =	shalt  }
0x41: {  	_ =	shalt  }
0x42: {  	_ =	shalt  }
0x43: {  	_ =	shalt  }
0x44: {  	_ =	shalt  }
0x45: {  	_ =	shalt  }
0x46: {  	_ =	shalt  }
0x47: {  	_ =	shalt  }
0x48: {  	_ =	shalt  }
0x49: {  	_ =	shalt  }
0x4a: {  	_ =	shalt  }
0x4b: {  	_ =	shalt  }
0x4c: {  	_ =	shalt  }
0x4d: {  	_ =	shalt  }
0x4e: {  	_ =	shalt  }
0x4f: {  	_ =	shalt  }
0x50: {  	_ =	shalt  }
0x51: {  	_ =	shalt  }
0x52: {  	_ =	shalt  }
0x53: {  	_ =	shalt  }
0x54: {  	_ =	shalt  }
0x55: {  	_ =	shalt  }
0x56: {  	_ =	shalt  }
0x57: {  	_ =	shalt  }
0x58: {  	_ =	shalt  }
0x59: {  	_ =	shalt  }
0x5a: {  	_ =	shalt  }
0x5b: {  	_ =	shalt  }
0x5c: {  	_ =	shalt  }
0x5d: {  	_ =	shalt  }
0x5e: {  	_ =	shalt  }
0x5f: {  	_ =	shalt  }
0x60: {  	_ =	shalt  }
0x61: {  	_ =	shalt  }
0x62: {  	_ =	shalt  }
0x63: {  	_ =	shalt  }
0x64: {  	_ =	shalt  }
0x65: {  	_ =	shalt  }
0x66: {  	_ =	shalt  }
0x67: {  	_ =	shalt  }
0x68: {  	_ =	shalt  }
0x69: {  	_ =	shalt  }
0x6a: {  	_ =	shalt  }
0x6b: {  	_ =	shalt  }
0x6c: {  	_ =	shalt  }
0x6d: {  	_ =	shalt  }
0x6e: {  	_ =	shalt  }
0x6f: {  	_ =	shalt  }
0x70: {  	_ =	shalt  }
0x71: {  	_ =	shalt  }
0x72: {  	_ =	shalt  }
0x73: {  	_ =	shalt  }
0x74: {  	_ =	shalt  }
0x75: {  	_ =	shalt  }
0x76: {  	_ =	shalt  }
0x77: {  	_ =	shalt  }
0x78: {  	_ =	shalt  }
0x79: {  	_ =	shalt  }
0x7a: {  	_ =	shalt  }
0x7b: {  	_ =	shalt  }
0x7c: {  	_ =	shalt  }
0x7d: {  	_ =	shalt  }
0x7e: {  	_ =	shalt  }
0x7f: {  	_ =	shalt  }
0x80: {  	_ =	shalt  }
0x81: {  	_ =	shalt  }
0x82: {  	_ =	shalt  }
0x83: {  	_ =	shalt  }
0x84: {  	_ =	shalt  }
0x85: {  	_ =	shalt  }
0x86: {  	_ =	shalt  }
0x87: {  	_ =	shalt  }
.Lfunc_end0:
.L_simem_size_0:
called_computation.7_lowered:
.L_overlay_start_0:
0x88: {  	s2 =	sld [smem:$0x3FD9]  }
0x89: {  	s3 =	sld [smem:$0x3FFE];
	_ =	sdelay $0x1  }
0x8a: {  	s1 =	srdreg.scid  }
0x8b: {  	s0 =	sand.u32 $0x1, s1  }
0x8c: {  	s17 =	sshll.u32 s0, $0xA;
	s2 =	sadd.s32 s3, s2  }
0x8d: {  	s2 =	sadd.s32 s2, s17  }
0x8e: {  	[smem:$0x3FBA] =	sst s2  }
0x8f: {  	_ = 	snop  }
0x90: {  	(tm) =	ssettm $0x1  }
0x91: {  	s18 =	sld [smem:$0x3FFB];
	_ =	sdelay $0x3  }
0x92: {  	_ =	strace s18  }
0x93: {  	s2 =	sld [smem:$0x3FFC];
	_ =	sdelay $0x3  }
0x94: {  	_ =	strace s2  }
0x95: {  	s2 =	sld [smem:$0x3FFD];
	_ =	sdelay $0x3  }
0x96: {  	_ =	strace s2  }
0x97: {  	_ =	strace $0x8FFFFFFF  }
0x98: {  	s19 =	sld [smem:$0x3FDB];
	_ =	sdelay $0x1  }
0x99: {  	s20 =	simm.s32 $_scs_section_size  }
0x9a: {  	s4 =	simm.s32 $_size__tile_overlayer_lowered;
	s5 =	simm.s32 $_tile_overlayer_lowered  }
0x9b: {  	s6 =	simm.s32 $0x1BFF;
	s21 =	sshll.u32 s5, $0x1;
	s3 =	sadd.s32 s20, s19  }
0x9c: {  	s22 =	simm.s32 $0x0;
	s4 =	sshll.u32 s4, $0x1;
	s5 =	sadd.s32 s21, s3  }
0x9d: {  	[timem:s22], [sflag:s6] =	dma.local [hbm:s5], s4  }
0x9e: {  	_ =	swait.ge [sflag:s6], s4  }
0x9f: {  	s4 =	ssub.s32 $0x0, s4;
	[sflag:s6] =	ssyncset.done $0x0  }
0xa0: {  	[sflag:s6] =	ssyncadd.s32 s4;
	_ =	sdelay $0x1  }
0xa1: {  	s23 =	simm.s32 $0x1B8B  }
0xa2: {  	_ =	swait.ge [sflag:s23], $0x1  }
0xa3: {  	[sflag:s23] =	ssyncset.done $0x0  }
0xa4: {  	[sflag:s23] =	ssyncadd.s32 $0xFFFFFFFF  }
0xa5: {  	s4 =	sld [smem:$0x0]  }
0xa6: {  	s5 =	sand.u32 $0xFFFFFFFE, s1  }
0xa7: {  	p0 =	sne.s32 s1, s5  }
0xa8: {  	s5 =	sshll.u32 @p0 s5, $0xE  }
0xa9: {  	s5 =	sadd.s32 @p0 $0x11B8D, s5;
	s6 =	sshll.u32 @p0 s4, $0x11  }
0xaa: {  	s5 =	sor.u32 @p0 s6, s5  }
0xab: {  	[sflag:s5] =	ssyncadd.remote.s32 @p0 $0x1;
	_ =	sdelay $0x1  }
0xac: {  	s5 =	simm.s32 @p0 $0x1B8D  }
0xad: {  	_ =	swait.eq @p0 [sflag:s5], $0x1  }
0xae: {  	[sflag:s5] =	ssyncadd.s32 @p0 $0xFFFFFFFF  }
0xaf: {  	s6 =	sshll.u32 @!p0 s1, $0xE  }
0xb0: {  	s6 =	sor.u32 @!p0 $0x4000, s6;
	s5 =	simm.s32 @!p0 $0x1B8D  }
0xb1: {  	s4 =	sshll.u32 @!p0 s4, $0x11;
	s6 =	sadd.s32 @!p0 $0x11B8D, s6;
	_ =	swait.eq @!p0 [sflag:s5], $0x1  }
0xb2: {  	s4 =	sor.u32 @!p0 s4, s6;
	[sflag:s5] =	ssyncadd.s32 @!p0 $0xFFFFFFFF  }
0xb3: {  	s25 =	simm.s32 $0x1B8E;
	s24 =	sld [smem:$0x3FFE];
	[sflag:s4] =	ssyncadd.remote.s32 @!p0 $0x1  }
0xb4: {  	s26 =	simm.s32 $execute0_lowered;
	[smem:$0x3FD2] =	sst s25  }
0xb5: {  	s5 =	sshll.u32 s26, $0x1;
	_ =	strace $0x8000005B;
	[dreg:$0x1] =	wrdreg $0xFFFFFFFF  }
0xb6: {  	s28 =	simm.s32 $_size_execute0_lowered;
	s3 =	sadd.s32 s3, s5;
	[dreg:$0x0] =	wrdreg $0x0  }
0xb7: {  	s5 =	sshll.u32 s28, $0x1;
	[dreg:$0x2] =	wrdreg s3  }
0xb8: {  	[dreg:$0x3] =	wrdreg s5  }
0xb9: {  	[dreg:$0x4] =	wrdreg $0xC0  }
0xba: {  	_ =	task [dreg:s22], $0x5FFFF  }
0xbb: {  	[dreg:$0x1] =	wrdreg $0xFFFFFFFF  }
0xbc: {  	[dreg:$0x0] =	wrdreg $0x60  }
0xbd: {  	[dreg:$0x2] =	wrdreg s24  }
0xbe: {  	[dreg:$0x3] =	wrdreg $0xA  }
0xbf: {  	_ =	task.clear_ibuf [dreg:s22], $0x4FFFF;
	_ =	strace $0x9000005B  }
0xc0: {  	s29 =	simm.s32 $0xA;
	_ =	strace $0x8000005D  }
0xc1: {  	_ =	swait.ge [sflag:s29], $0x1  }
0xc2: {  	[sflag:s29] =	ssyncadd.s32 $0xFFFFFFFF  }
0xc3: {  	_ =	strace $0x9000005D  }
0xc4: {  	_ =	sfence  }
0xc5: {  	s30 =	sld [smem:$0x0];
	_ =	sdelay $0x2  }
0xc6: {  	s31 =	sshll.u32 s1, $0xD;
	s1 =	sshrl.u32 s1, $0x2  }
0xc7: {  	s4 =	sand.u32 $0x4000, s31;
	s1 =	sadd.s32 s1, s30  }
0xc8: {  	s0 =	sor.u32 s4, s0;
	s1 =	sshll.u32 s1, $0x11  }
0xc9: {  	s0 =	sor.u32 s1, s0  }
0xca: {  	s0 =	sadd.s32 $0x8F2B, s0  }
0xcb: {  	[sflag:s0] =	ssyncadd.remote.s32 $0x1  }
0xcc: {  	_ =	sfence.sel $0xFFFF  }
0xcd: {  	[dreg:$0x0] =	wrdreg $0xFFFFFFFF;
	(pc) =	sbr.abs _section_cstart, $3  }
0xce: {  	[dreg:$0x1] =	wrdreg $0xFFFFFFFF  }
0xcf: {  	_ =	task.clear_ibuf [dreg:s22], $0x2FFFF;
	_ =	strace $0x9FFFFFFF  }
0xd0: {  	(tm) =	ssettm $0x7FFFFFFF  }
0xd1: {  	_ =	shalt  }
tec
execute0_lowered:
.L_overlay_start_1:
0x0: {  	(tag) =	ssettag $0x1  }
0x1: {  	s1 =	srdreg.scid  }
0x2: {  	s0 =	stileid.u32;
	s14 =	sand.u32 $0x1, s1  }
0x3: {  	s7 =	rddreg [dreg:$0x0];
	s3 =	sshll.u32 s0, $0xC;
	s4 =	sshll.u32 s14, $0xB  }
0x4: {  	s2 =	simm.s32 $0x0;
	s1 =	rddreg [dreg:$0x1];
	s13 =	sor.u32 s4, s3  }
0x5: {  	[smem:$0x7FF] =	sst s2;
	s15 =	sadd.s32 $0x116800, s7;
	s3 =	sshrl.u32 s13, $0x3  }
0x6: {  	_ =	strace $0x8000005C;
	s4 =	simm.s32 $0x2;
	s3 =	sadd.s32 s15, s3  }
0x7: {  	[tilespmem:s2], [sflag:$0x2] =	stream.linear.gather [hbm4b:s3+s2], $0x200, $0x38;
	[tilespmem:$0x10200] =	vst v63  }
0x8: {  	_ =	swait.ge [sflag:s4], $0x200  }
0x9: {  	s16 =	sadd.s32 $0x70AE00, s7;
	s5 =	sshll.u32 s13, $0x4;
	[sflag:s4] =	ssyncset.done $0x0  }
0xa: {  	s6 =	simm.s32 $0x200;
	s5 =	sadd.s32 s16, s5;
	[sflag:s4] =	ssyncadd.s32 $0xFFFFFE00  }
0xb: {  	[tilespmem:s6], [sflag:$0x2] =	stream.linear.gather [hbm4b:s5+s2], $0x10000, $0x38;
	[tilespmem:$0x10200] =	vst v63  }
0xc: {  	_ =	swait.ge [sflag:s4], $0x10000  }
0xd: {  	[sflag:s4] =	ssyncset.done $0x0  }
0xe: {  	s8 =	sadd.s32 $0x2BAE00, s7;
	s7 =	simm.s32 $0x1;
	[sflag:s4] =	ssyncadd.s32 $0xFFFF0000  }
0xf: {  	[hbm4b:s8+s6] =	stream.indirect.scatter [tilespmem:s6], [sflag:$0x1], $0x80, s2, s6, $0xb8;
	[tilespmem:$0x10200] =	vst v63  }
0x10: {  	s10 =	sor.u32 $0x200, s13;
	_ =	swait.ge [sflag:s7], $0x10000  }
0x11: {  	s9 =	sshrl.u32 s10, $0x3;
	[sflag:s7] =	ssyncset.done $0x0  }
0x12: {  	s9 =	sadd.s32 s15, s9;
	[sflag:s7] =	ssyncadd.s32 $0xFFFF0000  }
0x13: {  	[tilespmem:s2], [sflag:$0x2] =	stream.linear.gather [hbm4b:s9+s2], $0x200, $0x38;
	[tilespmem:$0x10200] =	vst v63  }
0x14: {  	_ =	swait.ge [sflag:s4], $0x200  }
0x15: {  	s10 =	sshll.u32 s10, $0x4;
	[sflag:s4] =	ssyncset.done $0x0  }
0x16: {  	s10 =	sadd.s32 s16, s10;
	[sflag:s4] =	ssyncadd.s32 $0xFFFFFE00  }
0x17: {  	[tilespmem:s6], [sflag:$0x2] =	stream.linear.gather [hbm4b:s10+s2], $0x10000, $0x38;
	[tilespmem:$0x10200] =	vst v63  }
0x18: {  	_ =	swait.ge [sflag:s4], $0x10000  }
0x19: {  	[sflag:s4] =	ssyncset.done $0x0  }
0x1a: {  	[sflag:s4] =	ssyncadd.s32 $0xFFFF0000  }
0x1b: {  	[hbm4b:s8+s6] =	stream.indirect.scatter [tilespmem:s6], [sflag:$0x1], $0x80, s2, s6, $0xb8;
	[tilespmem:$0x10200] =	vst v63  }
0x1c: {  	s12 =	sor.u32 $0x400, s13;
	_ =	swait.ge [sflag:s7], $0x10000  }
0x1d: {  	s11 =	sshrl.u32 s12, $0x3;
	[sflag:s7] =	ssyncset.done $0x0  }
0x1e: {  	s11 =	sadd.s32 s15, s11;
	[sflag:s7] =	ssyncadd.s32 $0xFFFF0000  }
0x1f: {  	[tilespmem:s2], [sflag:$0x2] =	stream.linear.gather [hbm4b:s11+s2], $0x200, $0x38;
	[tilespmem:$0x10200] =	vst v63  }
0x20: {  	_ =	swait.ge [sflag:s4], $0x200  }
0x21: {  	s12 =	sshll.u32 s12, $0x4;
	[sflag:s4] =	ssyncset.done $0x0  }
0x22: {  	s12 =	sadd.s32 s16, s12;
	[sflag:s4] =	ssyncadd.s32 $0xFFFFFE00  }
0x23: {  	[tilespmem:s6], [sflag:$0x2] =	stream.linear.gather [hbm4b:s12+s2], $0x10000, $0x38;
	[tilespmem:$0x10200] =	vst v63  }
0x24: {  	_ =	swait.ge [sflag:s4], $0x10000  }
0x25: {  	[sflag:s4] =	ssyncset.done $0x0  }
0x26: {  	[sflag:s4] =	ssyncadd.s32 $0xFFFF0000  }
0x27: {  	[hbm4b:s8+s6] =	stream.indirect.scatter [tilespmem:s6], [sflag:$0x1], $0x80, s2, s6, $0xb8;
	[tilespmem:$0x10200] =	vst v63  }
0x28: {  	s17 =	sor.u32 $0x600, s13;
	_ =	swait.ge [sflag:s7], $0x10000  }
0x29: {  	s13 =	sshrl.u32 s17, $0x3;
	[sflag:s7] =	ssyncset.done $0x0  }
0x2a: {  	s30 =	ssub.s32 $0x2, s14;
	s13 =	sadd.s32 s15, s13;
	[sflag:s7] =	ssyncadd.s32 $0xFFFF0000  }
0x2b: {  	[tilespmem:s2], [sflag:$0x2] =	stream.linear.gather [hbm4b:s13+s2], $0x200, $0x38;
	[tilespmem:$0x10200] =	vst v63  }
0x2c: {  	s31 =	sshrl.u32 s30, $0x1;
	_ =	swait.ge [sflag:s4], $0x200  }
0x2d: {  	s29 =	sshll.u32 s17, $0x4;
	s15 =	ssub.s32 s30, s31;
	[sflag:s4] =	ssyncset.done $0x0  }
0x2e: {  	s14 =	sadd.s32 s16, s29;
	s15 =	smax.u32 s15, $0x1;
	[sflag:s4] =	ssyncadd.s32 $0xFFFFFE00  }
0x2f: {  	[tilespmem:s6], [sflag:$0x2] =	stream.linear.gather [hbm4b:s14+s2], $0x10000, $0x38;
	[tilespmem:$0x10200] =	vst v63  }
0x30: {  	p0 =	sne.s32 s15, $0x1;
	_ =	swait.ge [sflag:s4], $0x10000  }
.Ltmp0:
0x31: {  	[sflag:s4] =	ssyncset.done $0x0;
	(pc) =	sbr.rel @!p0 .LBB2_2-.Ltmp0, $4  }
0x32: {  	[sflag:s4] =	ssyncadd.s32 $0xFFFF0000  }
0x33: {  	[hbm4b:s8+s6] =	stream.indirect.scatter [tilespmem:s6], [sflag:$0x1], $0x80, s2, s6, $0xb8;
	[tilespmem:$0x10200] =	vst v63  }
0x34: {  	_ =	swait.ge [sflag:s7], $0x10000  }
0x35: {  	s15 =	sadd.s32 $0xFFFFFFFF, s15;
	[sflag:s7] =	ssyncset.done $0x0  }
.LBB2_1:
0x36: {  	p0 =	sne.s32 s15, $0x1;
	s15 =	sadd.s32 $0xFFFFFFFF, s15;
	[sflag:s7] =	ssyncadd.s32 $0xFFFF0000  }
0x37: {  	[tilespmem:s2], [sflag:$0x2] =	stream.linear.gather [hbm4b:s3+s2], $0x200, $0x38;
	[tilespmem:$0x10200] =	vst v63  }
0x38: {  	_ =	swait.ge [sflag:s4], $0x200  }
0x39: {  	[sflag:s4] =	ssyncset.done $0x0  }
0x3a: {  	[sflag:s4] =	ssyncadd.s32 $0xFFFFFE00  }
0x3b: {  	[tilespmem:s6], [sflag:$0x2] =	stream.linear.gather [hbm4b:s5+s2], $0x10000, $0x38;
	[tilespmem:$0x10200] =	vst v63  }
0x3c: {  	_ =	swait.ge [sflag:s4], $0x10000  }
0x3d: {  	[sflag:s4] =	ssyncset.done $0x0  }
0x3e: {  	[sflag:s4] =	ssyncadd.s32 $0xFFFF0000  }
0x3f: {  	[hbm4b:s8+s6] =	stream.indirect.scatter [tilespmem:s6], [sflag:$0x1], $0x80, s2, s6, $0xb8;
	[tilespmem:$0x10200] =	vst v63  }
0x40: {  	_ =	swait.ge [sflag:s7], $0x10000  }
0x41: {  	[sflag:s7] =	ssyncset.done $0x0  }
0x42: {  	[sflag:s7] =	ssyncadd.s32 $0xFFFF0000  }
0x43: {  	[tilespmem:s2], [sflag:$0x2] =	stream.linear.gather [hbm4b:s9+s2], $0x200, $0x38;
	[tilespmem:$0x10200] =	vst v63  }
0x44: {  	_ =	swait.ge [sflag:s4], $0x200  }
0x45: {  	[sflag:s4] =	ssyncset.done $0x0  }
0x46: {  	[sflag:s4] =	ssyncadd.s32 $0xFFFFFE00  }
0x47: {  	[tilespmem:s6], [sflag:$0x2] =	stream.linear.gather [hbm4b:s10+s2], $0x10000, $0x38;
	[tilespmem:$0x10200] =	vst v63  }
0x48: {  	_ =	swait.ge [sflag:s4], $0x10000  }
0x49: {  	[sflag:s4] =	ssyncset.done $0x0  }
0x4a: {  	[sflag:s4] =	ssyncadd.s32 $0xFFFF0000  }
0x4b: {  	[hbm4b:s8+s6] =	stream.indirect.scatter [tilespmem:s6], [sflag:$0x1], $0x80, s2, s6, $0xb8;
	[tilespmem:$0x10200] =	vst v63  }
0x4c: {  	_ =	swait.ge [sflag:s7], $0x10000  }
0x4d: {  	[sflag:s7] =	ssyncset.done $0x0  }
0x4e: {  	[sflag:s7] =	ssyncadd.s32 $0xFFFF0000  }
0x4f: {  	[tilespmem:s2], [sflag:$0x2] =	stream.linear.gather [hbm4b:s11+s2], $0x200, $0x38;
	[tilespmem:$0x10200] =	vst v63  }
0x50: {  	_ =	swait.ge [sflag:s4], $0x200  }
0x51: {  	[sflag:s4] =	ssyncset.done $0x0  }
0x52: {  	[sflag:s4] =	ssyncadd.s32 $0xFFFFFE00  }
0x53: {  	[tilespmem:s6], [sflag:$0x2] =	stream.linear.gather [hbm4b:s12+s2], $0x10000, $0x38;
	[tilespmem:$0x10200] =	vst v63  }
0x54: {  	_ =	swait.ge [sflag:s4], $0x10000  }
0x55: {  	[sflag:s4] =	ssyncset.done $0x0  }
0x56: {  	[sflag:s4] =	ssyncadd.s32 $0xFFFF0000  }
0x57: {  	[hbm4b:s8+s6] =	stream.indirect.scatter [tilespmem:s6], [sflag:$0x1], $0x80, s2, s6, $0xb8;
	[tilespmem:$0x10200] =	vst v63  }
0x58: {  	_ =	swait.ge [sflag:s7], $0x10000  }
0x59: {  	[sflag:s7] =	ssyncset.done $0x0  }
0x5a: {  	[sflag:s7] =	ssyncadd.s32 $0xFFFF0000  }
0x5b: {  	[tilespmem:s2], [sflag:$0x2] =	stream.linear.gather [hbm4b:s13+s2], $0x200, $0x38;
	[tilespmem:$0x10200] =	vst v63  }
0x5c: {  	_ =	swait.ge [sflag:s4], $0x200  }
0x5d: {  	[sflag:s4] =	ssyncset.done $0x0  }
0x5e: {  	[sflag:s4] =	ssyncadd.s32 $0xFFFFFE00  }
0x5f: {  	[tilespmem:s6], [sflag:$0x2] =	stream.linear.gather [hbm4b:s14+s2], $0x10000, $0x38;
	[tilespmem:$0x10200] =	vst v63  }
0x60: {  	_ =	swait.ge [sflag:s4], $0x10000  }
.Ltmp1:
0x61: {  	[sflag:s4] =	ssyncset.done $0x0;
	(pc) =	sbr.rel @p0 .LBB2_1-.Ltmp1, $4  }
0x62: {  	[sflag:s4] =	ssyncadd.s32 $0xFFFF0000  }
0x63: {  	[hbm4b:s8+s6] =	stream.indirect.scatter [tilespmem:s6], [sflag:$0x1], $0x80, s2, s6, $0xb8;
	[tilespmem:$0x10200] =	vst v63  }
0x64: {  	_ =	swait.ge [sflag:s7], $0x10000  }
0x65: {  	[sflag:s7] =	ssyncset.done $0x0  }
.LBB2_2:
0x66: {  	[sflag:s7] =	ssyncadd.s32 $0xFFFF0000  }
0x67: {  	_ =	sfence.sel $0x180000  }
0x68: {  	[bflag:$0x0] =	sbarrier.arrive $0xFFFF  }
0x69: {  	p0 =	sne.s32 s0, $0x0;
	_ =	strace $0x9000005C  }
0x6a: {  	s0 =	sadd.s32 @!p0 $0x100000, s1;
	[bflag:$0x2] =	sbarrier.arrive $0xFFFF  }
0x6b: {  	[sflag:s0] =	ssyncadd.tile.s32 @!p0 $0x1;
	_ =	shalt  }
.Lfunc_end2:
_tile_overlayer_lowered:
.L_overlay_start_2:
0x6c: {  	(tag) =	ssettag $0x2  }
0x6d: {  	s0 =	rddreg [dreg:$0x0];
	s2 =	stileid.u32  }
0x6e: {  	s1 =	rddreg [dreg:$0x1];
	p0 =	sne.s32 s2, $0x0  }
0x6f: {  	s3 =	rddreg [dreg:$0x2];
	[bflag:$0x3] =	sbarrier.arrive $0xFFFF;
	s2 =	simm.s32 @!p0 $0x1C02  }
0x70: {  	[timem:s3], [sflag:s2] =	dma.local @!p0 [hbm:s0], s1  }
0x71: {  	s0 =	simm.s32 @!p0 $0x2  }
0x72: {  	_ =	swait.ge @!p0 [sflag:s0], s1  }
0x73: {  	s1 =	ssub.s32 @!p0 $0x0, s1;
	[sflag:s0] =	ssyncset.done @!p0 $0x0  }
0x74: {  	[sflag:s0] =	ssyncadd.s32 @!p0 s1  }
0x75: {  	[bflag:$0x3] =	sbarrier.arrive $0xFFFF  }
0x76: {  	_ =	shalt  }

</sc_bundles>
